<compile_context>
chip_gen: v7x
topology: tpu7x:2x2x1
jax: 0.10.2.dev20260603
libtpu: 0.0.44.dev20260713+nightly
codegen_flags: <defaults>
</compile_context>

<pallas_src>
import jax
import jax.numpy as jnp
from jax import lax
from jax.experimental import pallas as pl
from jax.experimental.pallas import tpu as pltpu
from jax.experimental.pallas import tpu_sc as plsc

NC, NS, L = 2, 16, 16
NW = NC * NS
D_EMB = 124
D_OUT = 128
R = 128
NB = 5
LEAD = 3


def _body(ids_hbm, bbox_hbm, table_hbm, out_hbm,
          idx_all, rows_v, bbox_v, oidx_v, pat_v, *sems):
    gsems, wsems = sems[:NB], sems[NB:]
    w = lax.axis_index("s") * NC + lax.axis_index("c")
    n_t = ids_hbm.shape[0] // NW

    iota = lax.iota(jnp.int32, L)

    pltpu.sync_copy(ids_hbm.at[pl.ds(w * n_t, n_t)], idx_all)

    for k in range(R // L):
        pat_v[pl.ds(k * L, L)] = (iota + k * L) * n_t

    def merge(b):
        rr = rows_v.at[b]
        for c in range(4):
            col = jnp.full((L,), D_OUT - 4 + c, jnp.int32)
            for k in range(R // L):
                vb = bbox_v[b, c, pl.ds(k * L, L)]
                plsc.store_scatter(rr, [iota + k * L, col], vb)

    def launch(t, b):
        pltpu.async_copy(table_hbm.at[idx_all.at[t]], rows_v.at[b], gsems[b])
        pltpu.async_copy(bbox_hbm.at[pl.ds(t * NW * 4 + w * 4, 4)],
                         bbox_v.at[b], gsems[b])

    def wait_launch(t, b):
        pltpu.make_async_copy(
            table_hbm.at[idx_all.at[t]], rows_v.at[b], gsems[b]).wait()
        pltpu.make_async_copy(
            bbox_hbm.at[pl.ds(0, 4)], bbox_v.at[b], gsems[b]).wait()

    for p in range(LEAD):
        launch(p, p)

    def super_blk(i, carry):
        for b in range(NB):
            t = i * NB + b
            b2 = (b + LEAD) % NB
            @pl.when(t + LEAD < n_t)
            def _():
                @pl.when(t >= NB - LEAD)
                def _():
                    pltpu.make_async_copy(
                        rows_v.at[b2], out_hbm.at[oidx_v.at[b2]], wsems[b2]
                    ).wait()
                launch(t + LEAD, b2)
            base = w * (R * n_t) + t
            for k in range(R // L):
                oidx_v[b, pl.ds(k * L, L)] = pat_v[pl.ds(k * L, L)] + base
            wait_launch(t, b)
            merge(b)
            pltpu.async_copy(rows_v.at[b], out_hbm.at[oidx_v.at[b]], wsems[b])
        return carry

    lax.fori_loop(0, n_t // NB, super_blk, 0)

    for b in range(NB):
        pltpu.make_async_copy(
            rows_v.at[b], out_hbm.at[oidx_v.at[b]], wsems[b]
        ).wait()


def _pad_body(x_ref, o_ref):
    o_ref[...] = jnp.pad(x_ref[...], ((0, 0), (0, D_OUT - D_EMB)))


def _pad_table(table):
    V = table.shape[0]
    rows = 1000
    return pl.pallas_call(
        _pad_body,
        grid=(V // rows,),
        in_specs=[pl.BlockSpec((rows, D_EMB), lambda i: (i, 0))],
        out_specs=pl.BlockSpec((rows, D_OUT), lambda i: (i, 0)),
        out_shape=jax.ShapeDtypeStruct((V, D_OUT), jnp.float32),
    )(table)


def kernel(cls_ids, bboxes, cls_embed_table):
    B, T = cls_ids.shape
    V, Dm = cls_embed_table.shape
    n_tok = B * T
    ids_t = (cls_ids.astype(jnp.int32).T.reshape(T, B // R, R)
             .transpose(1, 0, 2).reshape(T * B // R, R))
    bbox2 = bboxes.reshape(B // R, R, T, 4).transpose(2, 0, 3, 1).reshape(
        n_tok * 4 // D_OUT, D_OUT)
    table_pad = _pad_table(cls_embed_table)

    mesh = plsc.VectorSubcoreMesh(
        core_axis_name="c", subcore_axis_name="s", num_cores=NC, num_subcores=NS
    )
    out = pl.kernel(
        _body,
        out_type=jax.ShapeDtypeStruct((n_tok, D_OUT), jnp.float32),
        mesh=mesh,
        compiler_params=pltpu.CompilerParams(
            use_tc_tiling_on_sc=True, needs_layout_passes=False),
        scratch_types=[
            pltpu.VMEM((T, R), jnp.int32),
            pltpu.VMEM((NB, R, D_OUT), jnp.float32),
            pltpu.VMEM((NB, 4, D_OUT), jnp.float32),
            pltpu.VMEM((NB, R), jnp.int32),
            pltpu.VMEM((R,), jnp.int32),
        ] + [pltpu.SemaphoreType.DMA] * (2 * NB),
    )(ids_t, bbox2, table_pad)
    return out.reshape(B, T, D_OUT)

# --- scband reference (transcript-rebuilt; emitter-appended) ---
"""Pipeline reference for scband-poem-layout-embedding-83760452207420 (READ-ONLY COPY).

The authoritative reference and input builder live on the scoring server;
editing this copy changes nothing except your own understanding.
"""

import jax, jax.numpy as jnp
import numpy as np

NUM_CLASSES = 100000
BB_SIZE = 128
B, T = 4096, 200

def setup_inputs(seed: int = 0) -> dict:
    key = jax.random.key(seed)
    k1, k2, k3 = jax.random.split(key, 3)
    cls_ids = jax.random.randint(k1, (B, T), 0, NUM_CLASSES, dtype=jnp.int64 if jax.config.jax_enable_x64 else jnp.int32)
    bboxes = jax.random.uniform(k2, (B, T, 4), dtype=jnp.float32)
    # learned parameter: embedding table [num_classes, bb_size - 4]
    cls_embed_table = jax.random.normal(k3, (NUM_CLASSES, BB_SIZE - 4), dtype=jnp.float32)
    return {"cls_ids": cls_ids, "bboxes": bboxes, "cls_embed_table": cls_embed_table}

def reference(cls_ids, bboxes, cls_embed_table):
    # nn.Embedding lookup -> gather rows from table
    cls_emb = jnp.take(cls_embed_table, cls_ids, axis=0)  # [B, T, bb_size-4]
    embeddings = jnp.concatenate([cls_emb, bboxes], axis=-1)  # [B, T, bb_size]
    # dropout is identity at inference
    return embeddings

if __name__ == "__main__":
    import jax
    _d = setup_inputs()
    print(jax.jit(kernel)(*tuple(_d.values())))

</pallas_src>

<mosaic_0001>
#map = affine_map<(d0, d1) -> (0, 0)>
module attributes {stable_mosaic.version = 14 : i64} {
  func.func @_body(%arg0: i32, %arg1: i32, %arg2: memref<6400x128xi32, #tpu.memory_space<hbm>>, %arg3: memref<25600x128xf32, #tpu.memory_space<hbm>>, %arg4: memref<100000x128xf32, #tpu.memory_space<hbm>>, %arg5: memref<819200x128xf32, #tpu.memory_space<hbm>>, %arg6: memref<200x128xi32, #tpu.memory_space<vmem>>, %arg7: memref<5x128x128xf32, #tpu.memory_space<vmem>>, %arg8: memref<5x4x128xf32, #tpu.memory_space<vmem>>, %arg9: memref<5x128xi32, #tpu.memory_space<vmem>>, %arg10: memref<128xi32, #tpu.memory_space<vmem>>, %arg11: memref<!tpu.dma_semaphore, #tpu.memory_space<semaphore_mem>>, %arg12: memref<!tpu.dma_semaphore, #tpu.memory_space<semaphore_mem>>, %arg13: memref<!tpu.dma_semaphore, #tpu.memory_space<semaphore_mem>>, %arg14: memref<!tpu.dma_semaphore, #tpu.memory_space<semaphore_mem>>, %arg15: memref<!tpu.dma_semaphore, #tpu.memory_space<semaphore_mem>>, %arg16: memref<!tpu.dma_semaphore, #tpu.memory_space<semaphore_mem>>, %arg17: memref<!tpu.dma_semaphore, #tpu.memory_space<semaphore_mem>>, %arg18: memref<!tpu.dma_semaphore, #tpu.memory_space<semaphore_mem>>, %arg19: memref<!tpu.dma_semaphore, #tpu.memory_space<semaphore_mem>>, %arg20: memref<!tpu.dma_semaphore, #tpu.memory_space<semaphore_mem>>) attributes {dimension_semantics = [#tpu.dimension_semantics<core_parallel>, #tpu.dimension_semantics<subcore_parallel>], iteration_bounds = array<i64: 2, 16>, scalar_prefetch = 0 : i64, scratch_operands = 15 : i64, tpu.core_type = #tpu.core_type<sc_vector_subcore>, window_params = [{transform_indices = #map}, {transform_indices = #map}, {transform_indices = #map}, {transform_indices = #map}]} {
    %mul3A = arith.constant 2 : i32
    %mul3A_0 = arith.muli %arg1, %mul3A : i32
    %add3A = arith.addi %mul3A_0, %arg0 : i32
    %iota3A = tpu.iota {dimensions = array<i32: 0>} : vector<16xi32>
    %mul3A_1 = arith.constant 200 : i32
    %mul3A_2 = arith.muli %add3A, %mul3A_1 : i32
    "tpu.region"() ({
      %run_scoped3A = tpu.sem_alloc : memref<!tpu.dma_semaphore, #tpu.memory_space<semaphore_mem>>
      %dma_start3A_216 = arith.constant 0 : i32
      %dma_start3A_217 = tpu.memref_slice %arg2[%mul3A_2, %dma_start3A_216] : memref<6400x128xi32, #tpu.memory_space<hbm>> -> memref<200x128xi32, #tpu.memory_space<hbm>>
      %dma_start3A_218 = arith.constant 0 : i32
      %dma_start3A_219 = tpu.memref_slice %arg2[%mul3A_2, %dma_start3A_218] : memref<6400x128xi32, #tpu.memory_space<hbm>> -> memref<200x128xi32, #tpu.memory_space<hbm>>
      tpu.enqueue_dma source(%dma_start3A_219 : memref<200x128xi32, #tpu.memory_space<hbm>>) target(%arg6 : memref<200x128xi32, #tpu.memory_space<vmem>>) target_semaphore(%run_scoped3A : memref<!tpu.dma_semaphore, #tpu.memory_space<semaphore_mem>>)
      %dma_wait3A_220 = arith.constant 0 : i32
      %dma_wait3A_221 = tpu.memref_slice %arg2[%mul3A_2, %dma_wait3A_220] : memref<6400x128xi32, #tpu.memory_space<hbm>> -> memref<200x128xi32, #tpu.memory_space<hbm>>
      %dma_wait3A_222 = arith.constant 0 : i32
      %dma_wait3A_223 = tpu.memref_slice %arg2[%mul3A_2, %dma_wait3A_222] : memref<6400x128xi32, #tpu.memory_space<hbm>> -> memref<200x128xi32, #tpu.memory_space<hbm>>
      tpu.wait_dma2 semaphore(%run_scoped3A : memref<!tpu.dma_semaphore, #tpu.memory_space<semaphore_mem>>) src(%dma_wait3A_223 : memref<200x128xi32, #tpu.memory_space<hbm>>) dst(%arg6 : memref<200x128xi32, #tpu.memory_space<vmem>>)
      tpu.yield
    }) : () -> ()
    %add3A_3 = arith.constant 0 : i32
    %add3A_4 = vector.broadcast %add3A_3 : i32 to vector<16xi32>
    %add3A_5 = arith.addi %iota3A, %add3A_4 : vector<16xi32>
    %mul3A_6 = arith.constant 200 : i32
    %mul3A_7 = vector.broadcast %mul3A_6 : i32 to vector<16xi32>
    %mul3A_8 = arith.muli %add3A_5, %mul3A_7 : vector<16xi32>
    %swap3A = arith.constant 0 : index
    %swap3A_9 = tpu.vector_load %arg10[%swap3A] {strides = array<i32>} : memref<128xi32, #tpu.memory_space<vmem>>, vector<16xi32>,
    tpu.vector_store %arg10[%swap3A], %mul3A_8 {strides = array<i32>} : memref<128xi32, #tpu.memory_space<vmem>>, vector<16xi32>,
    %add3A_10 = arith.constant 16 : i32
    %add3A_11 = vector.broadcast %add3A_10 : i32 to vector<16xi32>
    %add3A_12 = arith.addi %iota3A, %add3A_11 : vector<16xi32>
    %mul3A_13 = arith.constant 200 : i32
    %mul3A_14 = vector.broadcast %mul3A_13 : i32 to vector<16xi32>
    %mul3A_15 = arith.muli %add3A_12, %mul3A_14 : vector<16xi32>
    %swap3A_16 = arith.constant 16 : index
    %swap3A_17 = tpu.vector_load %arg10[%swap3A_16] {strides = array<i32>} : memref<128xi32, #tpu.memory_space<vmem>>, vector<16xi32>,
    tpu.vector_store %arg10[%swap3A_16], %mul3A_15 {strides = array<i32>} : memref<128xi32, #tpu.memory_space<vmem>>, vector<16xi32>,
    %add3A_18 = arith.constant 32 : i32
    %add3A_19 = vector.broadcast %add3A_18 : i32 to vector<16xi32>
    %add3A_20 = arith.addi %iota3A, %add3A_19 : vector<16xi32>
    %mul3A_21 = arith.constant 200 : i32
    %mul3A_22 = vector.broadcast %mul3A_21 : i32 to vector<16xi32>
    %mul3A_23 = arith.muli %add3A_20, %mul3A_22 : vector<16xi32>
    %swap3A_24 = arith.constant 32 : index
    %swap3A_25 = tpu.vector_load %arg10[%swap3A_24] {strides = array<i32>} : memref<128xi32, #tpu.memory_space<vmem>>, vector<16xi32>,
    tpu.vector_store %arg10[%swap3A_24], %mul3A_23 {strides = array<i32>} : memref<128xi32, #tpu.memory_space<vmem>>, vector<16xi32>,
    %add3A_26 = arith.constant 48 : i32
    %add3A_27 = vector.broadcast %add3A_26 : i32 to vector<16xi32>
    %add3A_28 = arith.addi %iota3A, %add3A_27 : vector<16xi32>
    %mul3A_29 = arith.constant 200 : i32
    %mul3A_30 = vector.broadcast %mul3A_29 : i32 to vector<16xi32>
    %mul3A_31 = arith.muli %add3A_28, %mul3A_30 : vector<16xi32>
    %swap3A_32 = arith.constant 48 : index
    %swap3A_33 = tpu.vector_load %arg10[%swap3A_32] {strides = array<i32>} : memref<128xi32, #tpu.memory_space<vmem>>, vector<16xi32>,
    tpu.vector_store %arg10[%swap3A_32], %mul3A_31 {strides = array<i32>} : memref<128xi32, #tpu.memory_space<vmem>>, vector<16xi32>,
    %add3A_34 = arith.constant 64 : i32
    %add3A_35 = vector.broadcast %add3A_34 : i32 to vector<16xi32>
    %add3A_36 = arith.addi %iota3A, %add3A_35 : vector<16xi32>
    %mul3A_37 = arith.constant 200 : i32
    %mul3A_38 = vector.broadcast %mul3A_37 : i32 to vector<16xi32>
    %mul3A_39 = arith.muli %add3A_36, %mul3A_38 : vector<16xi32>
    %swap3A_40 = arith.constant 64 : index
    %swap3A_41 = tpu.vector_load %arg10[%swap3A_40] {strides = array<i32>} : memref<128xi32, #tpu.memory_space<vmem>>, vector<16xi32>,
    tpu.vector_store %arg10[%swap3A_40], %mul3A_39 {strides = array<i32>} : memref<128xi32, #tpu.memory_space<vmem>>, vector<16xi32>,
    %add3A_42 = arith.constant 80 : i32
    %add3A_43 = vector.broadcast %add3A_42 : i32 to vector<16xi32>
    %add3A_44 = arith.addi %iota3A, %add3A_43 : vector<16xi32>
    %mul3A_45 = arith.constant 200 : i32
    %mul3A_46 = vector.broadcast %mul3A_45 : i32 to vector<16xi32>
    %mul3A_47 = arith.muli %add3A_44, %mul3A_46 : vector<16xi32>
    %swap3A_48 = arith.constant 80 : index
    %swap3A_49 = tpu.vector_load %arg10[%swap3A_48] {strides = array<i32>} : memref<128xi32, #tpu.memory_space<vmem>>, vector<16xi32>,
    tpu.vector_store %arg10[%swap3A_48], %mul3A_47 {strides = array<i32>} : memref<128xi32, #tpu.memory_space<vmem>>, vector<16xi32>,
    %add3A_50 = arith.constant 96 : i32
    %add3A_51 = vector.broadcast %add3A_50 : i32 to vector<16xi32>
    %add3A_52 = arith.addi %iota3A, %add3A_51 : vector<16xi32>
    %mul3A_53 = arith.constant 200 : i32
    %mul3A_54 = vector.broadcast %mul3A_53 : i32 to vector<16xi32>
    %mul3A_55 = arith.muli %add3A_52, %mul3A_54 : vector<16xi32>
    %swap3A_56 = arith.constant 96 : index
    %swap3A_57 = tpu.vector_load %arg10[%swap3A_56] {strides = array<i32>} : memref<128xi32, #tpu.memory_space<vmem>>, vector<16xi32>,
    tpu.vector_store %arg10[%swap3A_56], %mul3A_55 {strides = array<i32>} : memref<128xi32, #tpu.memory_space<vmem>>, vector<16xi32>,
    %add3A_58 = arith.constant 112 : i32
    %add3A_59 = vector.broadcast %add3A_58 : i32 to vector<16xi32>
    %add3A_60 = arith.addi %iota3A, %add3A_59 : vector<16xi32>
    %mul3A_61 = arith.constant 200 : i32
    %mul3A_62 = vector.broadcast %mul3A_61 : i32 to vector<16xi32>
    %mul3A_63 = arith.muli %add3A_60, %mul3A_62 : vector<16xi32>
    %swap3A_64 = arith.constant 112 : index
    %swap3A_65 = tpu.vector_load %arg10[%swap3A_64] {strides = array<i32>} : memref<128xi32, #tpu.memory_space<vmem>>, vector<16xi32>,
    tpu.vector_store %arg10[%swap3A_64], %mul3A_63 {strides = array<i32>} : memref<128xi32, #tpu.memory_space<vmem>>, vector<16xi32>,
    %dma_start3A = arith.constant 0 : i32
    %dma_start3A_66 = arith.constant 0 : i32
    %dma_start3A_67 = arith.constant 0 : i32
    %dma_start3A_68 = arith.constant 0 : i32
    %dma_start3A_69 = tpu.memref_slice %arg7[%dma_start3A_66, %dma_start3A_67, %dma_start3A_68] : memref<5x128x128xf32, #tpu.memory_space<vmem>> -> memref<1x128x128xf32, #tpu.memory_space<vmem>>
    %dma_start3A_70 = tpu.memref_squeeze %dma_start3A_69 : memref<1x128x128xf32, #tpu.memory_space<vmem>> -> memref<128x128xf32, #tpu.memory_space<vmem>>
    %dma_start3A_71 = arith.constant 0 : i32
    %dma_start3A_72 = tpu.memref_slice %arg6[%dma_start3A, %dma_start3A_71] : memref<200x128xi32, #tpu.memory_space<vmem>> -> memref<1x128xi32, #tpu.memory_space<vmem>>
    %dma_start3A_73 = tpu.memref_squeeze %dma_start3A_72 : memref<1x128xi32, #tpu.memory_space<vmem>> -> memref<128xi32, #tpu.memory_space<vmem>>
    %dma_start3A_74 = arith.constant 0 : i32
    %dma_start3A_75 = arith.constant 0 : i32
    %dma_start3A_76 = tpu.memref_slice %arg4[%dma_start3A_74, %dma_start3A_75] : memref<100000x128xf32, #tpu.memory_space<hbm>> -> memref<100000x128xf32, #tpu.memory_space<hbm>>
    tpu.enqueue_indirect_dma source(%dma_start3A_76 : memref<100000x128xf32, #tpu.memory_space<hbm>>) target(%dma_start3A_70 : memref<128x128xf32, #tpu.memory_space<vmem>>) offsets(%dma_start3A_73 : memref<128xi32, #tpu.memory_space<vmem>>) semaphore(%arg11 : memref<!tpu.dma_semaphore, #tpu.memory_space<semaphore_mem>>)
    %mul3A_77 = arith.constant 4 : i32
    %mul3A_78 = arith.muli %add3A, %mul3A_77 : i32
    %add3A_79 = arith.constant 0 : i32
    %add3A_80 = arith.addi %add3A_79, %mul3A_78 : i32
    %dma_start3A_81 = arith.constant 0 : i32
    %dma_start3A_82 = arith.constant 0 : i32
    %dma_start3A_83 = arith.constant 0 : i32
    %dma_start3A_84 = tpu.memref_slice %arg8[%dma_start3A_81, %dma_start3A_82, %dma_start3A_83] : memref<5x4x128xf32, #tpu.memory_space<vmem>> -> memref<1x4x128xf32, #tpu.memory_space<vmem>>
    %dma_start3A_85 = tpu.memref_squeeze %dma_start3A_84 : memref<1x4x128xf32, #tpu.memory_space<vmem>> -> memref<4x128xf32, #tpu.memory_space<vmem>>
    %dma_start3A_86 = arith.constant 0 : i32
    %dma_start3A_87 = tpu.memref_slice %arg3[%add3A_80, %dma_start3A_86] : memref<25600x128xf32, #tpu.memory_space<hbm>> -> memref<4x128xf32, #tpu.memory_space<hbm>>
    %dma_start3A_88 = arith.constant 0 : i32
    %dma_start3A_89 = arith.constant 0 : i32
    %dma_start3A_90 = tpu.memref_slice %arg8[%dma_start3A_81, %dma_start3A_88, %dma_start3A_89] : memref<5x4x128xf32, #tpu.memory_space<vmem>> -> memref<1x4x128xf32, #tpu.memory_space<vmem>>
    %dma_start3A_91 = tpu.memref_squeeze %dma_start3A_90 : memref<1x4x128xf32, #tpu.memory_space<vmem>> -> memref<4x128xf32, #tpu.memory_space<vmem>>
    %dma_start3A_92 = arith.constant 0 : i32
    %dma_start3A_93 = tpu.memref_slice %arg3[%add3A_80, %dma_start3A_92] : memref<25600x128xf32, #tpu.memory_space<hbm>> -> memref<4x128xf32, #tpu.memory_space<hbm>>
    tpu.enqueue_dma source(%dma_start3A_93 : memref<4x128xf32, #tpu.memory_space<hbm>>) target(%dma_start3A_91 : memref<4x128xf32, #tpu.memory_space<vmem>>) target_semaphore(%arg11 : memref<!tpu.dma_semaphore, #tpu.memory_space<semaphore_mem>>)
    %dma_start3A_94 = arith.constant 1 : i32
    %dma_start3A_95 = arith.constant 1 : i32
    %dma_start3A_96 = arith.constant 0 : i32
    %dma_start3A_97 = arith.constant 0 : i32
    %dma_start3A_98 = tpu.memref_slice %arg7[%dma_start3A_95, %dma_start3A_96, %dma_start3A_97] : memref<5x128x128xf32, #tpu.memory_space<vmem>> -> memref<1x128x128xf32, #tpu.memory_space<vmem>>
    %dma_start3A_99 = tpu.memref_squeeze %dma_start3A_98 : memref<1x128x128xf32, #tpu.memory_space<vmem>> -> memref<128x128xf32, #tpu.memory_space<vmem>>
    %dma_start3A_100 = arith.constant 0 : i32
    %dma_start3A_101 = tpu.memref_slice %arg6[%dma_start3A_94, %dma_start3A_100] : memref<200x128xi32, #tpu.memory_space<vmem>> -> memref<1x128xi32, #tpu.memory_space<vmem>>
    %dma_start3A_102 = tpu.memref_squeeze %dma_start3A_101 : memref<1x128xi32, #tpu.memory_space<vmem>> -> memref<128xi32, #tpu.memory_space<vmem>>
    %dma_start3A_103 = arith.constant 0 : i32
    %dma_start3A_104 = arith.constant 0 : i32
    %dma_start3A_105 = tpu.memref_slice %arg4[%dma_start3A_103, %dma_start3A_104] : memref<100000x128xf32, #tpu.memory_space<hbm>> -> memref<100000x128xf32, #tpu.memory_space<hbm>>
    tpu.enqueue_indirect_dma source(%dma_start3A_105 : memref<100000x128xf32, #tpu.memory_space<hbm>>) target(%dma_start3A_99 : memref<128x128xf32, #tpu.memory_space<vmem>>) offsets(%dma_start3A_102 : memref<128xi32, #tpu.memory_space<vmem>>) semaphore(%arg12 : memref<!tpu.dma_semaphore, #tpu.memory_space<semaphore_mem>>)
    %mul3A_106 = arith.constant 4 : i32
    %mul3A_107 = arith.muli %add3A, %mul3A_106 : i32
    %add3A_108 = arith.constant 128 : i32
    %add3A_109 = arith.addi %add3A_108, %mul3A_107 : i32
    %dma_start3A_110 = arith.constant 1 : i32
    %dma_start3A_111 = arith.constant 0 : i32
    %dma_start3A_112 = arith.constant 0 : i32
    %dma_start3A_113 = tpu.memref_slice %arg8[%dma_start3A_110, %dma_start3A_111, %dma_start3A_112] : memref<5x4x128xf32, #tpu.memory_space<vmem>> -> memref<1x4x128xf32, #tpu.memory_space<vmem>>
    %dma_start3A_114 = tpu.memref_squeeze %dma_start3A_113 : memref<1x4x128xf32, #tpu.memory_space<vmem>> -> memref<4x128xf32, #tpu.memory_space<vmem>>
    %dma_start3A_115 = arith.constant 0 : i32
    %dma_start3A_116 = tpu.memref_slice %arg3[%add3A_109, %dma_start3A_115] : memref<25600x128xf32, #tpu.memory_space<hbm>> -> memref<4x128xf32, #tpu.memory_space<hbm>>
    %dma_start3A_117 = arith.constant 0 : i32
    %dma_start3A_118 = arith.constant 0 : i32
    %dma_start3A_119 = tpu.memref_slice %arg8[%dma_start3A_110, %dma_start3A_117, %dma_start3A_118] : memref<5x4x128xf32, #tpu.memory_space<vmem>> -> memref<1x4x128xf32, #tpu.memory_space<vmem>>
    %dma_start3A_120 = tpu.memref_squeeze %dma_start3A_119 : memref<1x4x128xf32, #tpu.memory_space<vmem>> -> memref<4x128xf32, #tpu.memory_space<vmem>>
    %dma_start3A_121 = arith.constant 0 : i32
    %dma_start3A_122 = tpu.memref_slice %arg3[%add3A_109, %dma_start3A_121] : memref<25600x128xf32, #tpu.memory_space<hbm>> -> memref<4x128xf32, #tpu.memory_space<hbm>>
    tpu.enqueue_dma source(%dma_start3A_122 : memref<4x128xf32, #tpu.memory_space<hbm>>) target(%dma_start3A_120 : memref<4x128xf32, #tpu.memory_space<vmem>>) target_semaphore(%arg12 : memref<!tpu.dma_semaphore, #tpu.memory_space<semaphore_mem>>)
    %dma_start3A_123 = arith.constant 2 : i32
    %dma_start3A_124 = arith.constant 2 : i32
    %dma_start3A_125 = arith.constant 0 : i32
    %dma_start3A_126 = arith.constant 0 : i32
    %dma_start3A_127 = tpu.memref_slice %arg7[%dma_start3A_124, %dma_start3A_125, %dma_start3A_126] : memref<5x128x128xf32, #tpu.memory_space<vmem>> -> memref<1x128x128xf32, #tpu.memory_space<vmem>>
    %dma_start3A_128 = tpu.memref_squeeze %dma_start3A_127 : memref<1x128x128xf32, #tpu.memory_space<vmem>> -> memref<128x128xf32, #tpu.memory_space<vmem>>
    %dma_start3A_129 = arith.constant 0 : i32
    %dma_start3A_130 = tpu.memref_slice %arg6[%dma_start3A_123, %dma_start3A_129] : memref<200x128xi32, #tpu.memory_space<vmem>> -> memref<1x128xi32, #tpu.memory_space<vmem>>
    %dma_start3A_131 = tpu.memref_squeeze %dma_start3A_130 : memref<1x128xi32, #tpu.memory_space<vmem>> -> memref<128xi32, #tpu.memory_space<vmem>>
    %dma_start3A_132 = arith.constant 0 : i32
    %dma_start3A_133 = arith.constant 0 : i32
    %dma_start3A_134 = tpu.memref_slice %arg4[%dma_start3A_132, %dma_start3A_133] : memref<100000x128xf32, #tpu.memory_space<hbm>> -> memref<100000x128xf32, #tpu.memory_space<hbm>>
    tpu.enqueue_indirect_dma source(%dma_start3A_134 : memref<100000x128xf32, #tpu.memory_space<hbm>>) target(%dma_start3A_128 : memref<128x128xf32, #tpu.memory_space<vmem>>) offsets(%dma_start3A_131 : memref<128xi32, #tpu.memory_space<vmem>>) semaphore(%arg13 : memref<!tpu.dma_semaphore, #tpu.memory_space<semaphore_mem>>)
    %mul3A_135 = arith.constant 4 : i32
    %mul3A_136 = arith.muli %add3A, %mul3A_135 : i32
    %add3A_137 = arith.constant 256 : i32
    %add3A_138 = arith.addi %add3A_137, %mul3A_136 : i32
    %dma_start3A_139 = arith.constant 2 : i32
    %dma_start3A_140 = arith.constant 0 : i32
    %dma_start3A_141 = arith.constant 0 : i32
    %dma_start3A_142 = tpu.memref_slice %arg8[%dma_start3A_139, %dma_start3A_140, %dma_start3A_141] : memref<5x4x128xf32, #tpu.memory_space<vmem>> -> memref<1x4x128xf32, #tpu.memory_space<vmem>>
    %dma_start3A_143 = tpu.memref_squeeze %dma_start3A_142 : memref<1x4x128xf32, #tpu.memory_space<vmem>> -> memref<4x128xf32, #tpu.memory_space<vmem>>
    %dma_start3A_144 = arith.constant 0 : i32
    %dma_start3A_145 = tpu.memref_slice %arg3[%add3A_138, %dma_start3A_144] : memref<25600x128xf32, #tpu.memory_space<hbm>> -> memref<4x128xf32, #tpu.memory_space<hbm>>
    %dma_start3A_146 = arith.constant 0 : i32
    %dma_start3A_147 = arith.constant 0 : i32
    %dma_start3A_148 = tpu.memref_slice %arg8[%dma_start3A_139, %dma_start3A_146, %dma_start3A_147] : memref<5x4x128xf32, #tpu.memory_space<vmem>> -> memref<1x4x128xf32, #tpu.memory_space<vmem>>
    %dma_start3A_149 = tpu.memref_squeeze %dma_start3A_148 : memref<1x4x128xf32, #tpu.memory_space<vmem>> -> memref<4x128xf32, #tpu.memory_space<vmem>>
    %dma_start3A_150 = arith.constant 0 : i32
    %dma_start3A_151 = tpu.memref_slice %arg3[%add3A_138, %dma_start3A_150] : memref<25600x128xf32, #tpu.memory_space<hbm>> -> memref<4x128xf32, #tpu.memory_space<hbm>>
    tpu.enqueue_dma source(%dma_start3A_151 : memref<4x128xf32, #tpu.memory_space<hbm>>) target(%dma_start3A_149 : memref<4x128xf32, #tpu.memory_space<vmem>>) target_semaphore(%arg13 : memref<!tpu.dma_semaphore, #tpu.memory_space<semaphore_mem>>)
    %scan3A = arith.constant 0 : i32
    %scan3A_152 = arith.constant 0 : i32
    %scan3A_153 = arith.constant 40 : i32
    %scan3A_154 = arith.addi %scan3A_152, %scan3A_153 : i32
    %scan3A_155 = arith.constant 1 : i32
    scf.for %scan3A_216 = %scan3A_152 to %scan3A_154 step %scan3A_155  : i32 {
      %mul3A_217 = arith.constant 5 : i32
      %mul3A_218 = arith.muli %scan3A_216, %mul3A_217 : i32
      %add3A_219 = arith.constant 0 : i32
      %add3A_220 = arith.addi %mul3A_218, %add3A_219 : i32
      %add3A_221 = arith.constant 3 : i32
      %add3A_222 = arith.addi %add3A_220, %add3A_221 : i32
      %lt3A = arith.constant 200 : i32
      %lt3A_223 = arith.cmpi slt, %add3A_222, %lt3A : i32
      %convert_element_type3A = arith.extui %lt3A_223 : i1 to i32
      %cond3A = arith.constant 0 : i32
      %cond3A_224 = arith.cmpi ne, %convert_element_type3A, %cond3A : i32
      scf.if %cond3A_224 {
        %ge3A = arith.constant 2 : i32
        %ge3A_3071 = arith.cmpi sge, %add3A_220, %ge3A : i32
        %convert_element_type3A_3072 = arith.extui %ge3A_3071 : i1 to i32
        %cond3A_3073 = arith.constant 0 : i32
        %cond3A_3074 = arith.cmpi ne, %convert_element_type3A_3072, %cond3A_3073 : i32
        scf.if %cond3A_3074 {
          %dma_wait3A_3108 = arith.constant 3 : i32
          %dma_wait3A_3109 = arith.constant 3 : i32
          %dma_wait3A_3110 = arith.constant 0 : i32
          %dma_wait3A_3111 = arith.constant 0 : i32
          %dma_wait3A_3112 = tpu.memref_slice %arg7[%dma_wait3A_3108, %dma_wait3A_3110, %dma_wait3A_3111] : memref<5x128x128xf32, #tpu.memory_space<vmem>> -> memref<1x128x128xf32, #tpu.memory_space<vmem>>
          %dma_wait3A_3113 = tpu.memref_squeeze %dma_wait3A_3112 : memref<1x128x128xf32, #tpu.memory_space<vmem>> -> memref<128x128xf32, #tpu.memory_space<vmem>>
          %dma_wait3A_3114 = arith.constant 0 : i32
          %dma_wait3A_3115 = tpu.memref_slice %arg9[%dma_wait3A_3109, %dma_wait3A_3114] : memref<5x128xi32, #tpu.memory_space<vmem>> -> memref<1x128xi32, #tpu.memory_space<vmem>>
          %dma_wait3A_3116 = tpu.memref_squeeze %dma_wait3A_3115 : memref<1x128xi32, #tpu.memory_space<vmem>> -> memref<128xi32, #tpu.memory_space<vmem>>
          %dma_wait3A_3117 = arith.constant 0 : i32
          %dma_wait3A_3118 = arith.constant 0 : i32
          %dma_wait3A_3119 = tpu.memref_slice %arg5[%dma_wait3A_3117, %dma_wait3A_3118] : memref<819200x128xf32, #tpu.memory_space<hbm>> -> memref<819200x128xf32, #tpu.memory_space<hbm>>
          tpu.wait_indirect_dma semaphore(%arg19 : memref<!tpu.dma_semaphore, #tpu.memory_space<semaphore_mem>>) src(%dma_wait3A_3113 : memref<128x128xf32, #tpu.memory_space<vmem>>) dst(%dma_wait3A_3119 : memref<819200x128xf32, #tpu.memory_space<hbm>>)
        } else {
        }
        %add3A_3075 = arith.constant 3 : i32
        %add3A_3076 = arith.addi %add3A_220, %add3A_3075 : i32
        %dma_start3A_3077 = arith.constant 3 : i32
        %dma_start3A_3078 = arith.constant 0 : i32
        %dma_start3A_3079 = arith.constant 0 : i32
        %dma_start3A_3080 = tpu.memref_slice %arg7[%dma_start3A_3077, %dma_start3A_3078, %dma_start3A_3079] : memref<5x128x128xf32, #tpu.memory_space<vmem>> -> memref<1x128x128xf32, #tpu.memory_space<vmem>>
        %dma_start3A_3081 = tpu.memref_squeeze %dma_start3A_3080 : memref<1x128x128xf32, #tpu.memory_space<vmem>> -> memref<128x128xf32, #tpu.memory_space<vmem>>
        %dma_start3A_3082 = arith.constant 0 : i32
        %dma_start3A_3083 = tpu.memref_slice %arg6[%add3A_3076, %dma_start3A_3082] : memref<200x128xi32, #tpu.memory_space<vmem>> -> memref<1x128xi32, #tpu.memory_space<vmem>>
        %dma_start3A_3084 = tpu.memref_squeeze %dma_start3A_3083 : memref<1x128xi32, #tpu.memory_space<vmem>> -> memref<128xi32, #tpu.memory_space<vmem>>
        %dma_start3A_3085 = arith.constant 0 : i32
        %dma_start3A_3086 = arith.constant 0 : i32
        %dma_start3A_3087 = tpu.memref_slice %arg4[%dma_start3A_3085, %dma_start3A_3086] : memref<100000x128xf32, #tpu.memory_space<hbm>> -> memref<100000x128xf32, #tpu.memory_space<hbm>>
        tpu.enqueue_indirect_dma source(%dma_start3A_3087 : memref<100000x128xf32, #tpu.memory_space<hbm>>) target(%dma_start3A_3081 : memref<128x128xf32, #tpu.memory_space<vmem>>) offsets(%dma_start3A_3084 : memref<128xi32, #tpu.memory_space<vmem>>) semaphore(%arg14 : memref<!tpu.dma_semaphore, #tpu.memory_space<semaphore_mem>>)
        %mul3A_3088 = arith.constant 32 : i32
        %mul3A_3089 = arith.muli %add3A_3076, %mul3A_3088 : i32
        %mul3A_3090 = arith.constant 4 : i32
        %mul3A_3091 = arith.muli %mul3A_3089, %mul3A_3090 : i32
        %mul3A_3092 = arith.constant 4 : i32
        %mul3A_3093 = arith.muli %add3A, %mul3A_3092 : i32
        %add3A_3094 = arith.addi %mul3A_3091, %mul3A_3093 : i32
        %dma_start3A_3095 = arith.constant 3 : i32
        %dma_start3A_3096 = arith.constant 0 : i32
        %dma_start3A_3097 = arith.constant 0 : i32
        %dma_start3A_3098 = tpu.memref_slice %arg8[%dma_start3A_3095, %dma_start3A_3096, %dma_start3A_3097] : memref<5x4x128xf32, #tpu.memory_space<vmem>> -> memref<1x4x128xf32, #tpu.memory_space<vmem>>
        %dma_start3A_3099 = tpu.memref_squeeze %dma_start3A_3098 : memref<1x4x128xf32, #tpu.memory_space<vmem>> -> memref<4x128xf32, #tpu.memory_space<vmem>>
        %dma_start3A_3100 = arith.constant 0 : i32
        %dma_start3A_3101 = tpu.memref_slice %arg3[%add3A_3094, %dma_start3A_3100] : memref<25600x128xf32, #tpu.memory_space<hbm>> -> memref<4x128xf32, #tpu.memory_space<hbm>>
        %dma_start3A_3102 = arith.constant 0 : i32
        %dma_start3A_3103 = arith.constant 0 : i32
        %dma_start3A_3104 = tpu.memref_slice %arg8[%dma_start3A_3095, %dma_start3A_3102, %dma_start3A_3103] : memref<5x4x128xf32, #tpu.memory_space<vmem>> -> memref<1x4x128xf32, #tpu.memory_space<vmem>>
        %dma_start3A_3105 = tpu.memref_squeeze %dma_start3A_3104 : memref<1x4x128xf32, #tpu.memory_space<vmem>> -> memref<4x128xf32, #tpu.memory_space<vmem>>
        %dma_start3A_3106 = arith.constant 0 : i32
        %dma_start3A_3107 = tpu.memref_slice %arg3[%add3A_3094, %dma_start3A_3106] : memref<25600x128xf32, #tpu.memory_space<hbm>> -> memref<4x128xf32, #tpu.memory_space<hbm>>
        tpu.enqueue_dma source(%dma_start3A_3107 : memref<4x128xf32, #tpu.memory_space<hbm>>) target(%dma_start3A_3105 : memref<4x128xf32, #tpu.memory_space<vmem>>) target_semaphore(%arg14 : memref<!tpu.dma_semaphore, #tpu.memory_space<semaphore_mem>>)
      } else {
      }
      %mul3A_225 = arith.constant 25600 : i32
      %mul3A_226 = arith.muli %add3A, %mul3A_225 : i32
      %add3A_227 = arith.addi %mul3A_226, %add3A_220 : i32
      %get3A = arith.constant 0 : index
      %get3A_228 = tpu.vector_load %arg10[%get3A] {strides = array<i32>} : memref<128xi32, #tpu.memory_space<vmem>>, vector<16xi32>,
      %add3A_229 = vector.broadcast %add3A_227 : i32 to vector<16xi32>
      %add3A_230 = arith.addi %get3A_228, %add3A_229 : vector<16xi32>
      %swap3A_231 = arith.constant 0 : i32
      %swap3A_232 = arith.index_cast %swap3A_231 : i32 to index
      %swap3A_233 = arith.constant 0 : index
      %swap3A_234 = tpu.vector_load %arg9[%swap3A_232, %swap3A_233] {strides = array<i32>} : memref<5x128xi32, #tpu.memory_space<vmem>>, vector<16xi32>,
      tpu.vector_store %arg9[%swap3A_232, %swap3A_233], %add3A_230 {strides = array<i32>} : memref<5x128xi32, #tpu.memory_space<vmem>>, vector<16xi32>,
      %get3A_235 = arith.constant 16 : index
      %get3A_236 = tpu.vector_load %arg10[%get3A_235] {strides = array<i32>} : memref<128xi32, #tpu.memory_space<vmem>>, vector<16xi32>,
      %add3A_237 = vector.broadcast %add3A_227 : i32 to vector<16xi32>
      %add3A_238 = arith.addi %get3A_236, %add3A_237 : vector<16xi32>
      %swap3A_239 = arith.constant 0 : i32
      %swap3A_240 = arith.index_cast %swap3A_239 : i32 to index
      %swap3A_241 = arith.constant 16 : index
      %swap3A_242 = tpu.vector_load %arg9[%swap3A_240, %swap3A_241] {strides = array<i32>} : memref<5x128xi32, #tpu.memory_space<vmem>>, vector<16xi32>,
      tpu.vector_store %arg9[%swap3A_240, %swap3A_241], %add3A_238 {strides = array<i32>} : memref<5x128xi32, #tpu.memory_space<vmem>>, vector<16xi32>,
      %get3A_243 = arith.constant 32 : index
      %get3A_244 = tpu.vector_load %arg10[%get3A_243] {strides = array<i32>} : memref<128xi32, #tpu.memory_space<vmem>>, vector<16xi32>,
      %add3A_245 = vector.broadcast %add3A_227 : i32 to vector<16xi32>
      %add3A_246 = arith.addi %get3A_244, %add3A_245 : vector<16xi32>
      %swap3A_247 = arith.constant 0 : i32
      %swap3A_248 = arith.index_cast %swap3A_247 : i32 to index
      %swap3A_249 = arith.constant 32 : index
      %swap3A_250 = tpu.vector_load %arg9[%swap3A_248, %swap3A_249] {strides = array<i32>} : memref<5x128xi32, #tpu.memory_space<vmem>>, vector<16xi32>,
      tpu.vector_store %arg9[%swap3A_248, %swap3A_249], %add3A_246 {strides = array<i32>} : memref<5x128xi32, #tpu.memory_space<vmem>>, vector<16xi32>,
      %get3A_251 = arith.constant 48 : index
      %get3A_252 = tpu.vector_load %arg10[%get3A_251] {strides = array<i32>} : memref<128xi32, #tpu.memory_space<vmem>>, vector<16xi32>,
      %add3A_253 = vector.broadcast %add3A_227 : i32 to vector<16xi32>
      %add3A_254 = arith.addi %get3A_252, %add3A_253 : vector<16xi32>
      %swap3A_255 = arith.constant 0 : i32
      %swap3A_256 = arith.index_cast %swap3A_255 : i32 to index
      %swap3A_257 = arith.constant 48 : index
      %swap3A_258 = tpu.vector_load %arg9[%swap3A_256, %swap3A_257] {strides = array<i32>} : memref<5x128xi32, #tpu.memory_space<vmem>>, vector<16xi32>,
      tpu.vector_store %arg9[%swap3A_256, %swap3A_257], %add3A_254 {strides = array<i32>} : memref<5x128xi32, #tpu.memory_space<vmem>>, vector<16xi32>,
      %get3A_259 = arith.constant 64 : index
      %get3A_260 = tpu.vector_load %arg10[%get3A_259] {strides = array<i32>} : memref<128xi32, #tpu.memory_space<vmem>>, vector<16xi32>,
      %add3A_261 = vector.broadcast %add3A_227 : i32 to vector<16xi32>
      %add3A_262 = arith.addi %get3A_260, %add3A_261 : vector<16xi32>
      %swap3A_263 = arith.constant 0 : i32
      %swap3A_264 = arith.index_cast %swap3A_263 : i32 to index
      %swap3A_265 = arith.constant 64 : index
      %swap3A_266 = tpu.vector_load %arg9[%swap3A_264, %swap3A_265] {strides = array<i32>} : memref<5x128xi32, #tpu.memory_space<vmem>>, vector<16xi32>,
      tpu.vector_store %arg9[%swap3A_264, %swap3A_265], %add3A_262 {strides = array<i32>} : memref<5x128xi32, #tpu.memory_space<vmem>>, vector<16xi32>,
      %get3A_267 = arith.constant 80 : index
      %get3A_268 = tpu.vector_load %arg10[%get3A_267] {strides = array<i32>} : memref<128xi32, #tpu.memory_space<vmem>>, vector<16xi32>,
      %add3A_269 = vector.broadcast %add3A_227 : i32 to vector<16xi32>
      %add3A_270 = arith.addi %get3A_268, %add3A_269 : vector<16xi32>
      %swap3A_271 = arith.constant 0 : i32
      %swap3A_272 = arith.index_cast %swap3A_271 : i32 to index
      %swap3A_273 = arith.constant 80 : index
      %swap3A_274 = tpu.vector_load %arg9[%swap3A_272, %swap3A_273] {strides = array<i32>} : memref<5x128xi32, #tpu.memory_space<vmem>>, vector<16xi32>,
      tpu.vector_store %arg9[%swap3A_272, %swap3A_273], %add3A_270 {strides = array<i32>} : memref<5x128xi32, #tpu.memory_space<vmem>>, vector<16xi32>,
      %get3A_275 = arith.constant 96 : index
      %get3A_276 = tpu.vector_load %arg10[%get3A_275] {strides = array<i32>} : memref<128xi32, #tpu.memory_space<vmem>>, vector<16xi32>,
      %add3A_277 = vector.broadcast %add3A_227 : i32 to vector<16xi32>
      %add3A_278 = arith.addi %get3A_276, %add3A_277 : vector<16xi32>
      %swap3A_279 = arith.constant 0 : i32
      %swap3A_280 = arith.index_cast %swap3A_279 : i32 to index
      %swap3A_281 = arith.constant 96 : index
      %swap3A_282 = tpu.vector_load %arg9[%swap3A_280, %swap3A_281] {strides = array<i32>} : memref<5x128xi32, #tpu.memory_space<vmem>>, vector<16xi32>,
      tpu.vector_store %arg9[%swap3A_280, %swap3A_281], %add3A_278 {strides = array<i32>} : memref<5x128xi32, #tpu.memory_space<vmem>>, vector<16xi32>,
      %get3A_283 = arith.constant 112 : index
      %get3A_284 = tpu.vector_load %arg10[%get3A_283] {strides = array<i32>} : memref<128xi32, #tpu.memory_space<vmem>>, vector<16xi32>,
      %add3A_285 = vector.broadcast %add3A_227 : i32 to vector<16xi32>
      %add3A_286 = arith.addi %get3A_284, %add3A_285 : vector<16xi32>
      %swap3A_287 = arith.constant 0 : i32
      %swap3A_288 = arith.index_cast %swap3A_287 : i32 to index
      %swap3A_289 = arith.constant 112 : index
      %swap3A_290 = tpu.vector_load %arg9[%swap3A_288, %swap3A_289] {strides = array<i32>} : memref<5x128xi32, #tpu.memory_space<vmem>>, vector<16xi32>,
      tpu.vector_store %arg9[%swap3A_288, %swap3A_289], %add3A_286 {strides = array<i32>} : memref<5x128xi32, #tpu.memory_space<vmem>>, vector<16xi32>,
      %dma_wait3A_291 = arith.constant 0 : i32
      %dma_wait3A_292 = arith.constant 0 : i32
      %dma_wait3A_293 = arith.constant 0 : i32
      %dma_wait3A_294 = tpu.memref_slice %arg7[%dma_wait3A_291, %dma_wait3A_292, %dma_wait3A_293] : memref<5x128x128xf32, #tpu.memory_space<vmem>> -> memref<1x128x128xf32, #tpu.memory_space<vmem>>
      %dma_wait3A_295 = tpu.memref_squeeze %dma_wait3A_294 : memref<1x128x128xf32, #tpu.memory_space<vmem>> -> memref<128x128xf32, #tpu.memory_space<vmem>>
      %dma_wait3A_296 = arith.constant 0 : i32
      %dma_wait3A_297 = tpu.memref_slice %arg6[%add3A_220, %dma_wait3A_296] : memref<200x128xi32, #tpu.memory_space<vmem>> -> memref<1x128xi32, #tpu.memory_space<vmem>>
      %dma_wait3A_298 = tpu.memref_squeeze %dma_wait3A_297 : memref<1x128xi32, #tpu.memory_space<vmem>> -> memref<128xi32, #tpu.memory_space<vmem>>
      %dma_wait3A_299 = arith.constant 0 : i32
      %dma_wait3A_300 = arith.constant 0 : i32
      %dma_wait3A_301 = tpu.memref_slice %arg4[%dma_wait3A_299, %dma_wait3A_300] : memref<100000x128xf32, #tpu.memory_space<hbm>> -> memref<100000x128xf32, #tpu.memory_space<hbm>>
      tpu.wait_indirect_dma semaphore(%arg11 : memref<!tpu.dma_semaphore, #tpu.memory_space<semaphore_mem>>) src(%dma_wait3A_301 : memref<100000x128xf32, #tpu.memory_space<hbm>>) dst(%dma_wait3A_295 : memref<128x128xf32, #tpu.memory_space<vmem>>)
      %dma_wait3A_302 = arith.constant 0 : i32
      %dma_wait3A_303 = arith.constant 0 : i32
      %dma_wait3A_304 = arith.constant 0 : i32
      %dma_wait3A_305 = tpu.memref_slice %arg8[%dma_wait3A_302, %dma_wait3A_303, %dma_wait3A_304] : memref<5x4x128xf32, #tpu.memory_space<vmem>> -> memref<1x4x128xf32, #tpu.memory_space<vmem>>
      %dma_wait3A_306 = tpu.memref_squeeze %dma_wait3A_305 : memref<1x4x128xf32, #tpu.memory_space<vmem>> -> memref<4x128xf32, #tpu.memory_space<vmem>>
      %dma_wait3A_307 = arith.constant 0 : i32
      %dma_wait3A_308 = arith.constant 0 : i32
      %dma_wait3A_309 = tpu.memref_slice %arg3[%dma_wait3A_307, %dma_wait3A_308] : memref<25600x128xf32, #tpu.memory_space<hbm>> -> memref<4x128xf32, #tpu.memory_space<hbm>>
      %dma_wait3A_310 = arith.constant 0 : i32
      %dma_wait3A_311 = arith.constant 0 : i32
      %dma_wait3A_312 = tpu.memref_slice %arg8[%dma_wait3A_302, %dma_wait3A_310, %dma_wait3A_311] : memref<5x4x128xf32, #tpu.memory_space<vmem>> -> memref<1x4x128xf32, #tpu.memory_space<vmem>>
      %dma_wait3A_313 = tpu.memref_squeeze %dma_wait3A_312 : memref<1x4x128xf32, #tpu.memory_space<vmem>> -> memref<4x128xf32, #tpu.memory_space<vmem>>
      %dma_wait3A_314 = arith.constant 0 : i32
      %dma_wait3A_315 = arith.constant 0 : i32
      %dma_wait3A_316 = tpu.memref_slice %arg3[%dma_wait3A_314, %dma_wait3A_315] : memref<25600x128xf32, #tpu.memory_space<hbm>> -> memref<4x128xf32, #tpu.memory_space<hbm>>
      tpu.wait_dma2 semaphore(%arg11 : memref<!tpu.dma_semaphore, #tpu.memory_space<semaphore_mem>>) src(%dma_wait3A_316 : memref<4x128xf32, #tpu.memory_space<hbm>>) dst(%dma_wait3A_313 : memref<4x128xf32, #tpu.memory_space<vmem>>)
      %broadcast_in_dim3A = arith.constant 124 : i32
      %broadcast_in_dim3A_317 = vector.broadcast %broadcast_in_dim3A : i32 to vector<16xi32>
      %get3A_318 = arith.constant 0 : i32
      %get3A_319 = arith.constant 0 : i32
      %get3A_320 = arith.index_cast %get3A_318 : i32 to index
      %get3A_321 = arith.index_cast %get3A_319 : i32 to index
      %get3A_322 = arith.constant 0 : index
      %get3A_323 = tpu.vector_load %arg8[%get3A_320, %get3A_321, %get3A_322] {strides = array<i32>} : memref<5x4x128xf32, #tpu.memory_space<vmem>>, vector<16xf32>,
      %add3A_324 = arith.constant 0 : i32
      %add3A_325 = vector.broadcast %add3A_324 : i32 to vector<16xi32>
      %add3A_326 = arith.addi %iota3A, %add3A_325 : vector<16xi32>
      %scatter3A = arith.constant 0 : i32
      %scatter3A_327 = arith.constant 0 : i32
      %scatter3A_328 = arith.constant 0 : i32
      %scatter3A_329 = tpu.memref_slice %arg7[%scatter3A, %scatter3A_327, %scatter3A_328] : memref<5x128x128xf32, #tpu.memory_space<vmem>> -> memref<1x128x128xf32, #tpu.memory_space<vmem>>
      %scatter3A_330 = tpu.memref_squeeze %scatter3A_329 : memref<1x128x128xf32, #tpu.memory_space<vmem>> -> memref<128x128xf32, #tpu.memory_space<vmem>>
      tpu.vector_store_idx %scatter3A_330[%add3A_326, %broadcast_in_dim3A_317], %get3A_323 : memref<128x128xf32, #tpu.memory_space<vmem>>[vector<16xi32>, vector<16xi32>], vector<16xf32>,
      %get3A_331 = arith.constant 0 : i32
      %get3A_332 = arith.constant 0 : i32
      %get3A_333 = arith.index_cast %get3A_331 : i32 to index
      %get3A_334 = arith.index_cast %get3A_332 : i32 to index
      %get3A_335 = arith.constant 16 : index
      %get3A_336 = tpu.vector_load %arg8[%get3A_333, %get3A_334, %get3A_335] {strides = array<i32>} : memref<5x4x128xf32, #tpu.memory_space<vmem>>, vector<16xf32>,
      %add3A_337 = arith.constant 16 : i32
      %add3A_338 = vector.broadcast %add3A_337 : i32 to vector<16xi32>
      %add3A_339 = arith.addi %iota3A, %add3A_338 : vector<16xi32>
      %scatter3A_340 = arith.constant 0 : i32
      %scatter3A_341 = arith.constant 0 : i32
      %scatter3A_342 = arith.constant 0 : i32
      %scatter3A_343 = tpu.memref_slice %arg7[%scatter3A_340, %scatter3A_341, %scatter3A_342] : memref<5x128x128xf32, #tpu.memory_space<vmem>> -> memref<1x128x128xf32, #tpu.memory_space<vmem>>
      %scatter3A_344 = tpu.memref_squeeze %scatter3A_343 : memref<1x128x128xf32, #tpu.memory_space<vmem>> -> memref<128x128xf32, #tpu.memory_space<vmem>>
      tpu.vector_store_idx %scatter3A_344[%add3A_339, %broadcast_in_dim3A_317], %get3A_336 : memref<128x128xf32, #tpu.memory_space<vmem>>[vector<16xi32>, vector<16xi32>], vector<16xf32>,
      %get3A_345 = arith.constant 0 : i32
      %get3A_346 = arith.constant 0 : i32
      %get3A_347 = arith.index_cast %get3A_345 : i32 to index
      %get3A_348 = arith.index_cast %get3A_346 : i32 to index
      %get3A_349 = arith.constant 32 : index
      %get3A_350 = tpu.vector_load %arg8[%get3A_347, %get3A_348, %get3A_349] {strides = array<i32>} : memref<5x4x128xf32, #tpu.memory_space<vmem>>, vector<16xf32>,
      %add3A_351 = arith.constant 32 : i32
      %add3A_352 = vector.broadcast %add3A_351 : i32 to vector<16xi32>
      %add3A_353 = arith.addi %iota3A, %add3A_352 : vector<16xi32>
      %scatter3A_354 = arith.constant 0 : i32
      %scatter3A_355 = arith.constant 0 : i32
      %scatter3A_356 = arith.constant 0 : i32
      %scatter3A_357 = tpu.memref_slice %arg7[%scatter3A_354, %scatter3A_355, %scatter3A_356] : memref<5x128x128xf32, #tpu.memory_space<vmem>> -> memref<1x128x128xf32, #tpu.memory_space<vmem>>
      %scatter3A_358 = tpu.memref_squeeze %scatter3A_357 : memref<1x128x128xf32, #tpu.memory_space<vmem>> -> memref<128x128xf32, #tpu.memory_space<vmem>>
      tpu.vector_store_idx %scatter3A_358[%add3A_353, %broadcast_in_dim3A_317], %get3A_350 : memref<128x128xf32, #tpu.memory_space<vmem>>[vector<16xi32>, vector<16xi32>], vector<16xf32>,
      %get3A_359 = arith.constant 0 : i32
      %get3A_360 = arith.constant 0 : i32
      %get3A_361 = arith.index_cast %get3A_359 : i32 to index
      %get3A_362 = arith.index_cast %get3A_360 : i32 to index
      %get3A_363 = arith.constant 48 : index
      %get3A_364 = tpu.vector_load %arg8[%get3A_361, %get3A_362, %get3A_363] {strides = array<i32>} : memref<5x4x128xf32, #tpu.memory_space<vmem>>, vector<16xf32>,
      %add3A_365 = arith.constant 48 : i32
      %add3A_366 = vector.broadcast %add3A_365 : i32 to vector<16xi32>
      %add3A_367 = arith.addi %iota3A, %add3A_366 : vector<16xi32>
      %scatter3A_368 = arith.constant 0 : i32
      %scatter3A_369 = arith.constant 0 : i32
      %scatter3A_370 = arith.constant 0 : i32
      %scatter3A_371 = tpu.memref_slice %arg7[%scatter3A_368, %scatter3A_369, %scatter3A_370] : memref<5x128x128xf32, #tpu.memory_space<vmem>> -> memref<1x128x128xf32, #tpu.memory_space<vmem>>
      %scatter3A_372 = tpu.memref_squeeze %scatter3A_371 : memref<1x128x128xf32, #tpu.memory_space<vmem>> -> memref<128x128xf32, #tpu.memory_space<vmem>>
      tpu.vector_store_idx %scatter3A_372[%add3A_367, %broadcast_in_dim3A_317], %get3A_364 : memref<128x128xf32, #tpu.memory_space<vmem>>[vector<16xi32>, vector<16xi32>], vector<16xf32>,
      %get3A_373 = arith.constant 0 : i32
      %get3A_374 = arith.constant 0 : i32
      %get3A_375 = arith.index_cast %get3A_373 : i32 to index
      %get3A_376 = arith.index_cast %get3A_374 : i32 to index
      %get3A_377 = arith.constant 64 : index
      %get3A_378 = tpu.vector_load %arg8[%get3A_375, %get3A_376, %get3A_377] {strides = array<i32>} : memref<5x4x128xf32, #tpu.memory_space<vmem>>, vector<16xf32>,
      %add3A_379 = arith.constant 64 : i32
      %add3A_380 = vector.broadcast %add3A_379 : i32 to vector<16xi32>
      %add3A_381 = arith.addi %iota3A, %add3A_380 : vector<16xi32>
      %scatter3A_382 = arith.constant 0 : i32
      %scatter3A_383 = arith.constant 0 : i32
      %scatter3A_384 = arith.constant 0 : i32
      %scatter3A_385 = tpu.memref_slice %arg7[%scatter3A_382, %scatter3A_383, %scatter3A_384] : memref<5x128x128xf32, #tpu.memory_space<vmem>> -> memref<1x128x128xf32, #tpu.memory_space<vmem>>
      %scatter3A_386 = tpu.memref_squeeze %scatter3A_385 : memref<1x128x128xf32, #tpu.memory_space<vmem>> -> memref<128x128xf32, #tpu.memory_space<vmem>>
      tpu.vector_store_idx %scatter3A_386[%add3A_381, %broadcast_in_dim3A_317], %get3A_378 : memref<128x128xf32, #tpu.memory_space<vmem>>[vector<16xi32>, vector<16xi32>], vector<16xf32>,
      %get3A_387 = arith.constant 0 : i32
      %get3A_388 = arith.constant 0 : i32
      %get3A_389 = arith.index_cast %get3A_387 : i32 to index
      %get3A_390 = arith.index_cast %get3A_388 : i32 to index
      %get3A_391 = arith.constant 80 : index
      %get3A_392 = tpu.vector_load %arg8[%get3A_389, %get3A_390, %get3A_391] {strides = array<i32>} : memref<5x4x128xf32, #tpu.memory_space<vmem>>, vector<16xf32>,
      %add3A_393 = arith.constant 80 : i32
      %add3A_394 = vector.broadcast %add3A_393 : i32 to vector<16xi32>
      %add3A_395 = arith.addi %iota3A, %add3A_394 : vector<16xi32>
      %scatter3A_396 = arith.constant 0 : i32
      %scatter3A_397 = arith.constant 0 : i32
      %scatter3A_398 = arith.constant 0 : i32
      %scatter3A_399 = tpu.memref_slice %arg7[%scatter3A_396, %scatter3A_397, %scatter3A_398] : memref<5x128x128xf32, #tpu.memory_space<vmem>> -> memref<1x128x128xf32, #tpu.memory_space<vmem>>
      %scatter3A_400 = tpu.memref_squeeze %scatter3A_399 : memref<1x128x128xf32, #tpu.memory_space<vmem>> -> memref<128x128xf32, #tpu.memory_space<vmem>>
      tpu.vector_store_idx %scatter3A_400[%add3A_395, %broadcast_in_dim3A_317], %get3A_392 : memref<128x128xf32, #tpu.memory_space<vmem>>[vector<16xi32>, vector<16xi32>], vector<16xf32>,
      %get3A_401 = arith.constant 0 : i32
      %get3A_402 = arith.constant 0 : i32
      %get3A_403 = arith.index_cast %get3A_401 : i32 to index
      %get3A_404 = arith.index_cast %get3A_402 : i32 to index
      %get3A_405 = arith.constant 96 : index
      %get3A_406 = tpu.vector_load %arg8[%get3A_403, %get3A_404, %get3A_405] {strides = array<i32>} : memref<5x4x128xf32, #tpu.memory_space<vmem>>, vector<16xf32>,
      %add3A_407 = arith.constant 96 : i32
      %add3A_408 = vector.broadcast %add3A_407 : i32 to vector<16xi32>
      %add3A_409 = arith.addi %iota3A, %add3A_408 : vector<16xi32>
      %scatter3A_410 = arith.constant 0 : i32
      %scatter3A_411 = arith.constant 0 : i32
      %scatter3A_412 = arith.constant 0 : i32
      %scatter3A_413 = tpu.memref_slice %arg7[%scatter3A_410, %scatter3A_411, %scatter3A_412] : memref<5x128x128xf32, #tpu.memory_space<vmem>> -> memref<1x128x128xf32, #tpu.memory_space<vmem>>
      %scatter3A_414 = tpu.memref_squeeze %scatter3A_413 : memref<1x128x128xf32, #tpu.memory_space<vmem>> -> memref<128x128xf32, #tpu.memory_space<vmem>>
      tpu.vector_store_idx %scatter3A_414[%add3A_409, %broadcast_in_dim3A_317], %get3A_406 : memref<128x128xf32, #tpu.memory_space<vmem>>[vector<16xi32>, vector<16xi32>], vector<16xf32>,
      %get3A_415 = arith.constant 0 : i32
      %get3A_416 = arith.constant 0 : i32
      %get3A_417 = arith.index_cast %get3A_415 : i32 to index
      %get3A_418 = arith.index_cast %get3A_416 : i32 to index
      %get3A_419 = arith.constant 112 : index
      %get3A_420 = tpu.vector_load %arg8[%get3A_417, %get3A_418, %get3A_419] {strides = array<i32>} : memref<5x4x128xf32, #tpu.memory_space<vmem>>, vector<16xf32>,
      %add3A_421 = arith.constant 112 : i32
      %add3A_422 = vector.broadcast %add3A_421 : i32 to vector<16xi32>
      %add3A_423 = arith.addi %iota3A, %add3A_422 : vector<16xi32>
      %scatter3A_424 = arith.constant 0 : i32
      %scatter3A_425 = arith.constant 0 : i32
      %scatter3A_426 = arith.constant 0 : i32
      %scatter3A_427 = tpu.memref_slice %arg7[%scatter3A_424, %scatter3A_425, %scatter3A_426] : memref<5x128x128xf32, #tpu.memory_space<vmem>> -> memref<1x128x128xf32, #tpu.memory_space<vmem>>
      %scatter3A_428 = tpu.memref_squeeze %scatter3A_427 : memref<1x128x128xf32, #tpu.memory_space<vmem>> -> memref<128x128xf32, #tpu.memory_space<vmem>>
      tpu.vector_store_idx %scatter3A_428[%add3A_423, %broadcast_in_dim3A_317], %get3A_420 : memref<128x128xf32, #tpu.memory_space<vmem>>[vector<16xi32>, vector<16xi32>], vector<16xf32>,
      %broadcast_in_dim3A_429 = arith.constant 125 : i32
      %broadcast_in_dim3A_430 = vector.broadcast %broadcast_in_dim3A_429 : i32 to vector<16xi32>
      %get3A_431 = arith.constant 0 : i32
      %get3A_432 = arith.constant 1 : i32
      %get3A_433 = arith.index_cast %get3A_431 : i32 to index
      %get3A_434 = arith.index_cast %get3A_432 : i32 to index
      %get3A_435 = arith.constant 0 : index
      %get3A_436 = tpu.vector_load %arg8[%get3A_433, %get3A_434, %get3A_435] {strides = array<i32>} : memref<5x4x128xf32, #tpu.memory_space<vmem>>, vector<16xf32>,
      %add3A_437 = arith.constant 0 : i32
      %add3A_438 = vector.broadcast %add3A_437 : i32 to vector<16xi32>
      %add3A_439 = arith.addi %iota3A, %add3A_438 : vector<16xi32>
      %scatter3A_440 = arith.constant 0 : i32
      %scatter3A_441 = arith.constant 0 : i32
      %scatter3A_442 = arith.constant 0 : i32
      %scatter3A_443 = tpu.memref_slice %arg7[%scatter3A_440, %scatter3A_441, %scatter3A_442] : memref<5x128x128xf32, #tpu.memory_space<vmem>> -> memref<1x128x128xf32, #tpu.memory_space<vmem>>
      %scatter3A_444 = tpu.memref_squeeze %scatter3A_443 : memref<1x128x128xf32, #tpu.memory_space<vmem>> -> memref<128x128xf32, #tpu.memory_space<vmem>>
      tpu.vector_store_idx %scatter3A_444[%add3A_439, %broadcast_in_dim3A_430], %get3A_436 : memref<128x128xf32, #tpu.memory_space<vmem>>[vector<16xi32>, vector<16xi32>], vector<16xf32>,
      %get3A_445 = arith.constant 0 : i32
      %get3A_446 = arith.constant 1 : i32
      %get3A_447 = arith.index_cast %get3A_445 : i32 to index
      %get3A_448 = arith.index_cast %get3A_446 : i32 to index
      %get3A_449 = arith.constant 16 : index
      %get3A_450 = tpu.vector_load %arg8[%get3A_447, %get3A_448, %get3A_449] {strides = array<i32>} : memref<5x4x128xf32, #tpu.memory_space<vmem>>, vector<16xf32>,
      %add3A_451 = arith.constant 16 : i32
      %add3A_452 = vector.broadcast %add3A_451 : i32 to vector<16xi32>
      %add3A_453 = arith.addi %iota3A, %add3A_452 : vector<16xi32>
      %scatter3A_454 = arith.constant 0 : i32
      %scatter3A_455 = arith.constant 0 : i32
      %scatter3A_456 = arith.constant 0 : i32
      %scatter3A_457 = tpu.memref_slice %arg7[%scatter3A_454, %scatter3A_455, %scatter3A_456] : memref<5x128x128xf32, #tpu.memory_space<vmem>> -> memref<1x128x128xf32, #tpu.memory_space<vmem>>
      %scatter3A_458 = tpu.memref_squeeze %scatter3A_457 : memref<1x128x128xf32, #tpu.memory_space<vmem>> -> memref<128x128xf32, #tpu.memory_space<vmem>>
      tpu.vector_store_idx %scatter3A_458[%add3A_453, %broadcast_in_dim3A_430], %get3A_450 : memref<128x128xf32, #tpu.memory_space<vmem>>[vector<16xi32>, vector<16xi32>], vector<16xf32>,
      %get3A_459 = arith.constant 0 : i32
      %get3A_460 = arith.constant 1 : i32
      %get3A_461 = arith.index_cast %get3A_459 : i32 to index
      %get3A_462 = arith.index_cast %get3A_460 : i32 to index
      %get3A_463 = arith.constant 32 : index
      %get3A_464 = tpu.vector_load %arg8[%get3A_461, %get3A_462, %get3A_463] {strides = array<i32>} : memref<5x4x128xf32, #tpu.memory_space<vmem>>, vector<16xf32>,
      %add3A_465 = arith.constant 32 : i32
      %add3A_466 = vector.broadcast %add3A_465 : i32 to vector<16xi32>
      %add3A_467 = arith.addi %iota3A, %add3A_466 : vector<16xi32>
      %scatter3A_468 = arith.constant 0 : i32
      %scatter3A_469 = arith.constant 0 : i32
      %scatter3A_470 = arith.constant 0 : i32
      %scatter3A_471 = tpu.memref_slice %arg7[%scatter3A_468, %scatter3A_469, %scatter3A_470] : memref<5x128x128xf32, #tpu.memory_space<vmem>> -> memref<1x128x128xf32, #tpu.memory_space<vmem>>
      %scatter3A_472 = tpu.memref_squeeze %scatter3A_471 : memref<1x128x128xf32, #tpu.memory_space<vmem>> -> memref<128x128xf32, #tpu.memory_space<vmem>>
      tpu.vector_store_idx %scatter3A_472[%add3A_467, %broadcast_in_dim3A_430], %get3A_464 : memref<128x128xf32, #tpu.memory_space<vmem>>[vector<16xi32>, vector<16xi32>], vector<16xf32>,
      %get3A_473 = arith.constant 0 : i32
      %get3A_474 = arith.constant 1 : i32
      %get3A_475 = arith.index_cast %get3A_473 : i32 to index
      %get3A_476 = arith.index_cast %get3A_474 : i32 to index
      %get3A_477 = arith.constant 48 : index
      %get3A_478 = tpu.vector_load %arg8[%get3A_475, %get3A_476, %get3A_477] {strides = array<i32>} : memref<5x4x128xf32, #tpu.memory_space<vmem>>, vector<16xf32>,
      %add3A_479 = arith.constant 48 : i32
      %add3A_480 = vector.broadcast %add3A_479 : i32 to vector<16xi32>
      %add3A_481 = arith.addi %iota3A, %add3A_480 : vector<16xi32>
      %scatter3A_482 = arith.constant 0 : i32
      %scatter3A_483 = arith.constant 0 : i32
      %scatter3A_484 = arith.constant 0 : i32
      %scatter3A_485 = tpu.memref_slice %arg7[%scatter3A_482, %scatter3A_483, %scatter3A_484] : memref<5x128x128xf32, #tpu.memory_space<vmem>> -> memref<1x128x128xf32, #tpu.memory_space<vmem>>
      %scatter3A_486 = tpu.memref_squeeze %scatter3A_485 : memref<1x128x128xf32, #tpu.memory_space<vmem>> -> memref<128x128xf32, #tpu.memory_space<vmem>>
      tpu.vector_store_idx %scatter3A_486[%add3A_481, %broadcast_in_dim3A_430], %get3A_478 : memref<128x128xf32, #tpu.memory_space<vmem>>[vector<16xi32>, vector<16xi32>], vector<16xf32>,
      %get3A_487 = arith.constant 0 : i32
      %get3A_488 = arith.constant 1 : i32
      %get3A_489 = arith.index_cast %get3A_487 : i32 to index
      %get3A_490 = arith.index_cast %get3A_488 : i32 to index
      %get3A_491 = arith.constant 64 : index
      %get3A_492 = tpu.vector_load %arg8[%get3A_489, %get3A_490, %get3A_491] {strides = array<i32>} : memref<5x4x128xf32, #tpu.memory_space<vmem>>, vector<16xf32>,
      %add3A_493 = arith.constant 64 : i32
      %add3A_494 = vector.broadcast %add3A_493 : i32 to vector<16xi32>
      %add3A_495 = arith.addi %iota3A, %add3A_494 : vector<16xi32>
      %scatter3A_496 = arith.constant 0 : i32
      %scatter3A_497 = arith.constant 0 : i32
      %scatter3A_498 = arith.constant 0 : i32
      %scatter3A_499 = tpu.memref_slice %arg7[%scatter3A_496, %scatter3A_497, %scatter3A_498] : memref<5x128x128xf32, #tpu.memory_space<vmem>> -> memref<1x128x128xf32, #tpu.memory_space<vmem>>
      %scatter3A_500 = tpu.memref_squeeze %scatter3A_499 : memref<1x128x128xf32, #tpu.memory_space<vmem>> -> memref<128x128xf32, #tpu.memory_space<vmem>>
      tpu.vector_store_idx %scatter3A_500[%add3A_495, %broadcast_in_dim3A_430], %get3A_492 : memref<128x128xf32, #tpu.memory_space<vmem>>[vector<16xi32>, vector<16xi32>], vector<16xf32>,
      %get3A_501 = arith.constant 0 : i32
      %get3A_502 = arith.constant 1 : i32
      %get3A_503 = arith.index_cast %get3A_501 : i32 to index
      %get3A_504 = arith.index_cast %get3A_502 : i32 to index
      %get3A_505 = arith.constant 80 : index
      %get3A_506 = tpu.vector_load %arg8[%get3A_503, %get3A_504, %get3A_505] {strides = array<i32>} : memref<5x4x128xf32, #tpu.memory_space<vmem>>, vector<16xf32>,
      %add3A_507 = arith.constant 80 : i32
      %add3A_508 = vector.broadcast %add3A_507 : i32 to vector<16xi32>
      %add3A_509 = arith.addi %iota3A, %add3A_508 : vector<16xi32>
      %scatter3A_510 = arith.constant 0 : i32
      %scatter3A_511 = arith.constant 0 : i32
      %scatter3A_512 = arith.constant 0 : i32
      %scatter3A_513 = tpu.memref_slice %arg7[%scatter3A_510, %scatter3A_511, %scatter3A_512] : memref<5x128x128xf32, #tpu.memory_space<vmem>> -> memref<1x128x128xf32, #tpu.memory_space<vmem>>
      %scatter3A_514 = tpu.memref_squeeze %scatter3A_513 : memref<1x128x128xf32, #tpu.memory_space<vmem>> -> memref<128x128xf32, #tpu.memory_space<vmem>>
      tpu.vector_store_idx %scatter3A_514[%add3A_509, %broadcast_in_dim3A_430], %get3A_506 : memref<128x128xf32, #tpu.memory_space<vmem>>[vector<16xi32>, vector<16xi32>], vector<16xf32>,
      %get3A_515 = arith.constant 0 : i32
      %get3A_516 = arith.constant 1 : i32
      %get3A_517 = arith.index_cast %get3A_515 : i32 to index
      %get3A_518 = arith.index_cast %get3A_516 : i32 to index
      %get3A_519 = arith.constant 96 : index
      %get3A_520 = tpu.vector_load %arg8[%get3A_517, %get3A_518, %get3A_519] {strides = array<i32>} : memref<5x4x128xf32, #tpu.memory_space<vmem>>, vector<16xf32>,
      %add3A_521 = arith.constant 96 : i32
      %add3A_522 = vector.broadcast %add3A_521 : i32 to vector<16xi32>
      %add3A_523 = arith.addi %iota3A, %add3A_522 : vector<16xi32>
      %scatter3A_524 = arith.constant 0 : i32
      %scatter3A_525 = arith.constant 0 : i32
      %scatter3A_526 = arith.constant 0 : i32
      %scatter3A_527 = tpu.memref_slice %arg7[%scatter3A_524, %scatter3A_525, %scatter3A_526] : memref<5x128x128xf32, #tpu.memory_space<vmem>> -> memref<1x128x128xf32, #tpu.memory_space<vmem>>
      %scatter3A_528 = tpu.memref_squeeze %scatter3A_527 : memref<1x128x128xf32, #tpu.memory_space<vmem>> -> memref<128x128xf32, #tpu.memory_space<vmem>>
      tpu.vector_store_idx %scatter3A_528[%add3A_523, %broadcast_in_dim3A_430], %get3A_520 : memref<128x128xf32, #tpu.memory_space<vmem>>[vector<16xi32>, vector<16xi32>], vector<16xf32>,
      %get3A_529 = arith.constant 0 : i32
      %get3A_530 = arith.constant 1 : i32
      %get3A_531 = arith.index_cast %get3A_529 : i32 to index
      %get3A_532 = arith.index_cast %get3A_530 : i32 to index
      %get3A_533 = arith.constant 112 : index
      %get3A_534 = tpu.vector_load %arg8[%get3A_531, %get3A_532, %get3A_533] {strides = array<i32>} : memref<5x4x128xf32, #tpu.memory_space<vmem>>, vector<16xf32>,
      %add3A_535 = arith.constant 112 : i32
      %add3A_536 = vector.broadcast %add3A_535 : i32 to vector<16xi32>
      %add3A_537 = arith.addi %iota3A, %add3A_536 : vector<16xi32>
      %scatter3A_538 = arith.constant 0 : i32
      %scatter3A_539 = arith.constant 0 : i32
      %scatter3A_540 = arith.constant 0 : i32
      %scatter3A_541 = tpu.memref_slice %arg7[%scatter3A_538, %scatter3A_539, %scatter3A_540] : memref<5x128x128xf32, #tpu.memory_space<vmem>> -> memref<1x128x128xf32, #tpu.memory_space<vmem>>
      %scatter3A_542 = tpu.memref_squeeze %scatter3A_541 : memref<1x128x128xf32, #tpu.memory_space<vmem>> -> memref<128x128xf32, #tpu.memory_space<vmem>>
      tpu.vector_store_idx %scatter3A_542[%add3A_537, %broadcast_in_dim3A_430], %get3A_534 : memref<128x128xf32, #tpu.memory_space<vmem>>[vector<16xi32>, vector<16xi32>], vector<16xf32>,
      %broadcast_in_dim3A_543 = arith.constant 126 : i32
      %broadcast_in_dim3A_544 = vector.broadcast %broadcast_in_dim3A_543 : i32 to vector<16xi32>
      %get3A_545 = arith.constant 0 : i32
      %get3A_546 = arith.constant 2 : i32
      %get3A_547 = arith.index_cast %get3A_545 : i32 to index
      %get3A_548 = arith.index_cast %get3A_546 : i32 to index
      %get3A_549 = arith.constant 0 : index
      %get3A_550 = tpu.vector_load %arg8[%get3A_547, %get3A_548, %get3A_549] {strides = array<i32>} : memref<5x4x128xf32, #tpu.memory_space<vmem>>, vector<16xf32>,
      %add3A_551 = arith.constant 0 : i32
      %add3A_552 = vector.broadcast %add3A_551 : i32 to vector<16xi32>
      %add3A_553 = arith.addi %iota3A, %add3A_552 : vector<16xi32>
      %scatter3A_554 = arith.constant 0 : i32
      %scatter3A_555 = arith.constant 0 : i32
      %scatter3A_556 = arith.constant 0 : i32
      %scatter3A_557 = tpu.memref_slice %arg7[%scatter3A_554, %scatter3A_555, %scatter3A_556] : memref<5x128x128xf32, #tpu.memory_space<vmem>> -> memref<1x128x128xf32, #tpu.memory_space<vmem>>
      %scatter3A_558 = tpu.memref_squeeze %scatter3A_557 : memref<1x128x128xf32, #tpu.memory_space<vmem>> -> memref<128x128xf32, #tpu.memory_space<vmem>>
      tpu.vector_store_idx %scatter3A_558[%add3A_553, %broadcast_in_dim3A_544], %get3A_550 : memref<128x128xf32, #tpu.memory_space<vmem>>[vector<16xi32>, vector<16xi32>], vector<16xf32>,
      %get3A_559 = arith.constant 0 : i32
      %get3A_560 = arith.constant 2 : i32
      %get3A_561 = arith.index_cast %get3A_559 : i32 to index
      %get3A_562 = arith.index_cast %get3A_560 : i32 to index
      %get3A_563 = arith.constant 16 : index
      %get3A_564 = tpu.vector_load %arg8[%get3A_561, %get3A_562, %get3A_563] {strides = array<i32>} : memref<5x4x128xf32, #tpu.memory_space<vmem>>, vector<16xf32>,
      %add3A_565 = arith.constant 16 : i32
      %add3A_566 = vector.broadcast %add3A_565 : i32 to vector<16xi32>
      %add3A_567 = arith.addi %iota3A, %add3A_566 : vector<16xi32>
      %scatter3A_568 = arith.constant 0 : i32
      %scatter3A_569 = arith.constant 0 : i32
      %scatter3A_570 = arith.constant 0 : i32
      %scatter3A_571 = tpu.memref_slice %arg7[%scatter3A_568, %scatter3A_569, %scatter3A_570] : memref<5x128x128xf32, #tpu.memory_space<vmem>> -> memref<1x128x128xf32, #tpu.memory_space<vmem>>
      %scatter3A_572 = tpu.memref_squeeze %scatter3A_571 : memref<1x128x128xf32, #tpu.memory_space<vmem>> -> memref<128x128xf32, #tpu.memory_space<vmem>>
      tpu.vector_store_idx %scatter3A_572[%add3A_567, %broadcast_in_dim3A_544], %get3A_564 : memref<128x128xf32, #tpu.memory_space<vmem>>[vector<16xi32>, vector<16xi32>], vector<16xf32>,
      %get3A_573 = arith.constant 0 : i32
      %get3A_574 = arith.constant 2 : i32
      %get3A_575 = arith.index_cast %get3A_573 : i32 to index
      %get3A_576 = arith.index_cast %get3A_574 : i32 to index
      %get3A_577 = arith.constant 32 : index
      %get3A_578 = tpu.vector_load %arg8[%get3A_575, %get3A_576, %get3A_577] {strides = array<i32>} : memref<5x4x128xf32, #tpu.memory_space<vmem>>, vector<16xf32>,
      %add3A_579 = arith.constant 32 : i32
      %add3A_580 = vector.broadcast %add3A_579 : i32 to vector<16xi32>
      %add3A_581 = arith.addi %iota3A, %add3A_580 : vector<16xi32>
      %scatter3A_582 = arith.constant 0 : i32
      %scatter3A_583 = arith.constant 0 : i32
      %scatter3A_584 = arith.constant 0 : i32
      %scatter3A_585 = tpu.memref_slice %arg7[%scatter3A_582, %scatter3A_583, %scatter3A_584] : memref<5x128x128xf32, #tpu.memory_space<vmem>> -> memref<1x128x128xf32, #tpu.memory_space<vmem>>
      %scatter3A_586 = tpu.memref_squeeze %scatter3A_585 : memref<1x128x128xf32, #tpu.memory_space<vmem>> -> memref<128x128xf32, #tpu.memory_space<vmem>>
      tpu.vector_store_idx %scatter3A_586[%add3A_581, %broadcast_in_dim3A_544], %get3A_578 : memref<128x128xf32, #tpu.memory_space<vmem>>[vector<16xi32>, vector<16xi32>], vector<16xf32>,
      %get3A_587 = arith.constant 0 : i32
      %get3A_588 = arith.constant 2 : i32
      %get3A_589 = arith.index_cast %get3A_587 : i32 to index
      %get3A_590 = arith.index_cast %get3A_588 : i32 to index
      %get3A_591 = arith.constant 48 : index
      %get3A_592 = tpu.vector_load %arg8[%get3A_589, %get3A_590, %get3A_591] {strides = array<i32>} : memref<5x4x128xf32, #tpu.memory_space<vmem>>, vector<16xf32>,
      %add3A_593 = arith.constant 48 : i32
      %add3A_594 = vector.broadcast %add3A_593 : i32 to vector<16xi32>
      %add3A_595 = arith.addi %iota3A, %add3A_594 : vector<16xi32>
      %scatter3A_596 = arith.constant 0 : i32
      %scatter3A_597 = arith.constant 0 : i32
      %scatter3A_598 = arith.constant 0 : i32
      %scatter3A_599 = tpu.memref_slice %arg7[%scatter3A_596, %scatter3A_597, %scatter3A_598] : memref<5x128x128xf32, #tpu.memory_space<vmem>> -> memref<1x128x128xf32, #tpu.memory_space<vmem>>
      %scatter3A_600 = tpu.memref_squeeze %scatter3A_599 : memref<1x128x128xf32, #tpu.memory_space<vmem>> -> memref<128x128xf32, #tpu.memory_space<vmem>>
      tpu.vector_store_idx %scatter3A_600[%add3A_595, %broadcast_in_dim3A_544], %get3A_592 : memref<128x128xf32, #tpu.memory_space<vmem>>[vector<16xi32>, vector<16xi32>], vector<16xf32>,
      %get3A_601 = arith.constant 0 : i32
      %get3A_602 = arith.constant 2 : i32
      %get3A_603 = arith.index_cast %get3A_601 : i32 to index
      %get3A_604 = arith.index_cast %get3A_602 : i32 to index
      %get3A_605 = arith.constant 64 : index
      %get3A_606 = tpu.vector_load %arg8[%get3A_603, %get3A_604, %get3A_605] {strides = array<i32>} : memref<5x4x128xf32, #tpu.memory_space<vmem>>, vector<16xf32>,
      %add3A_607 = arith.constant 64 : i32
      %add3A_608 = vector.broadcast %add3A_607 : i32 to vector<16xi32>
      %add3A_609 = arith.addi %iota3A, %add3A_608 : vector<16xi32>
      %scatter3A_610 = arith.constant 0 : i32
      %scatter3A_611 = arith.constant 0 : i32
      %scatter3A_612 = arith.constant 0 : i32
      %scatter3A_613 = tpu.memref_slice %arg7[%scatter3A_610, %scatter3A_611, %scatter3A_612] : memref<5x128x128xf32, #tpu.memory_space<vmem>> -> memref<1x128x128xf32, #tpu.memory_space<vmem>>
      %scatter3A_614 = tpu.memref_squeeze %scatter3A_613 : memref<1x128x128xf32, #tpu.memory_space<vmem>> -> memref<128x128xf32, #tpu.memory_space<vmem>>
      tpu.vector_store_idx %scatter3A_614[%add3A_609, %broadcast_in_dim3A_544], %get3A_606 : memref<128x128xf32, #tpu.memory_space<vmem>>[vector<16xi32>, vector<16xi32>], vector<16xf32>,
      %get3A_615 = arith.constant 0 : i32
      %get3A_616 = arith.constant 2 : i32
      %get3A_617 = arith.index_cast %get3A_615 : i32 to index
      %get3A_618 = arith.index_cast %get3A_616 : i32 to index
      %get3A_619 = arith.constant 80 : index
      %get3A_620 = tpu.vector_load %arg8[%get3A_617, %get3A_618, %get3A_619] {strides = array<i32>} : memref<5x4x128xf32, #tpu.memory_space<vmem>>, vector<16xf32>,
      %add3A_621 = arith.constant 80 : i32
      %add3A_622 = vector.broadcast %add3A_621 : i32 to vector<16xi32>
      %add3A_623 = arith.addi %iota3A, %add3A_622 : vector<16xi32>
      %scatter3A_624 = arith.constant 0 : i32
      %scatter3A_625 = arith.constant 0 : i32
      %scatter3A_626 = arith.constant 0 : i32
      %scatter3A_627 = tpu.memref_slice %arg7[%scatter3A_624, %scatter3A_625, %scatter3A_626] : memref<5x128x128xf32, #tpu.memory_space<vmem>> -> memref<1x128x128xf32, #tpu.memory_space<vmem>>
      %scatter3A_628 = tpu.memref_squeeze %scatter3A_627 : memref<1x128x128xf32, #tpu.memory_space<vmem>> -> memref<128x128xf32, #tpu.memory_space<vmem>>
      tpu.vector_store_idx %scatter3A_628[%add3A_623, %broadcast_in_dim3A_544], %get3A_620 : memref<128x128xf32, #tpu.memory_space<vmem>>[vector<16xi32>, vector<16xi32>], vector<16xf32>,
      %get3A_629 = arith.constant 0 : i32
      %get3A_630 = arith.constant 2 : i32
      %get3A_631 = arith.index_cast %get3A_629 : i32 to index
      %get3A_632 = arith.index_cast %get3A_630 : i32 to index
      %get3A_633 = arith.constant 96 : index
      %get3A_634 = tpu.vector_load %arg8[%get3A_631, %get3A_632, %get3A_633] {strides = array<i32>} : memref<5x4x128xf32, #tpu.memory_space<vmem>>, vector<16xf32>,
      %add3A_635 = arith.constant 96 : i32
      %add3A_636 = vector.broadcast %add3A_635 : i32 to vector<16xi32>
      %add3A_637 = arith.addi %iota3A, %add3A_636 : vector<16xi32>
      %scatter3A_638 = arith.constant 0 : i32
      %scatter3A_639 = arith.constant 0 : i32
      %scatter3A_640 = arith.constant 0 : i32
      %scatter3A_641 = tpu.memref_slice %arg7[%scatter3A_638, %scatter3A_639, %scatter3A_640] : memref<5x128x128xf32, #tpu.memory_space<vmem>> -> memref<1x128x128xf32, #tpu.memory_space<vmem>>
      %scatter3A_642 = tpu.memref_squeeze %scatter3A_641 : memref<1x128x128xf32, #tpu.memory_space<vmem>> -> memref<128x128xf32, #tpu.memory_space<vmem>>
      tpu.vector_store_idx %scatter3A_642[%add3A_637, %broadcast_in_dim3A_544], %get3A_634 : memref<128x128xf32, #tpu.memory_space<vmem>>[vector<16xi32>, vector<16xi32>], vector<16xf32>,
      %get3A_643 = arith.constant 0 : i32
      %get3A_644 = arith.constant 2 : i32
      %get3A_645 = arith.index_cast %get3A_643 : i32 to index
      %get3A_646 = arith.index_cast %get3A_644 : i32 to index
      %get3A_647 = arith.constant 112 : index
      %get3A_648 = tpu.vector_load %arg8[%get3A_645, %get3A_646, %get3A_647] {strides = array<i32>} : memref<5x4x128xf32, #tpu.memory_space<vmem>>, vector<16xf32>,
      %add3A_649 = arith.constant 112 : i32
      %add3A_650 = vector.broadcast %add3A_649 : i32 to vector<16xi32>
      %add3A_651 = arith.addi %iota3A, %add3A_650 : vector<16xi32>
      %scatter3A_652 = arith.constant 0 : i32
      %scatter3A_653 = arith.constant 0 : i32
      %scatter3A_654 = arith.constant 0 : i32
      %scatter3A_655 = tpu.memref_slice %arg7[%scatter3A_652, %scatter3A_653, %scatter3A_654] : memref<5x128x128xf32, #tpu.memory_space<vmem>> -> memref<1x128x128xf32, #tpu.memory_space<vmem>>
      %scatter3A_656 = tpu.memref_squeeze %scatter3A_655 : memref<1x128x128xf32, #tpu.memory_space<vmem>> -> memref<128x128xf32, #tpu.memory_space<vmem>>
      tpu.vector_store_idx %scatter3A_656[%add3A_651, %broadcast_in_dim3A_544], %get3A_648 : memref<128x128xf32, #tpu.memory_space<vmem>>[vector<16xi32>, vector<16xi32>], vector<16xf32>,
      %broadcast_in_dim3A_657 = arith.constant 127 : i32
      %broadcast_in_dim3A_658 = vector.broadcast %broadcast_in_dim3A_657 : i32 to vector<16xi32>
      %get3A_659 = arith.constant 0 : i32
      %get3A_660 = arith.constant 3 : i32
      %get3A_661 = arith.index_cast %get3A_659 : i32 to index
      %get3A_662 = arith.index_cast %get3A_660 : i32 to index
      %get3A_663 = arith.constant 0 : index
      %get3A_664 = tpu.vector_load %arg8[%get3A_661, %get3A_662, %get3A_663] {strides = array<i32>} : memref<5x4x128xf32, #tpu.memory_space<vmem>>, vector<16xf32>,
      %add3A_665 = arith.constant 0 : i32
      %add3A_666 = vector.broadcast %add3A_665 : i32 to vector<16xi32>
      %add3A_667 = arith.addi %iota3A, %add3A_666 : vector<16xi32>
      %scatter3A_668 = arith.constant 0 : i32
      %scatter3A_669 = arith.constant 0 : i32
      %scatter3A_670 = arith.constant 0 : i32
      %scatter3A_671 = tpu.memref_slice %arg7[%scatter3A_668, %scatter3A_669, %scatter3A_670] : memref<5x128x128xf32, #tpu.memory_space<vmem>> -> memref<1x128x128xf32, #tpu.memory_space<vmem>>
      %scatter3A_672 = tpu.memref_squeeze %scatter3A_671 : memref<1x128x128xf32, #tpu.memory_space<vmem>> -> memref<128x128xf32, #tpu.memory_space<vmem>>
      tpu.vector_store_idx %scatter3A_672[%add3A_667, %broadcast_in_dim3A_658], %get3A_664 : memref<128x128xf32, #tpu.memory_space<vmem>>[vector<16xi32>, vector<16xi32>], vector<16xf32>,
      %get3A_673 = arith.constant 0 : i32
      %get3A_674 = arith.constant 3 : i32
      %get3A_675 = arith.index_cast %get3A_673 : i32 to index
      %get3A_676 = arith.index_cast %get3A_674 : i32 to index
      %get3A_677 = arith.constant 16 : index
      %get3A_678 = tpu.vector_load %arg8[%get3A_675, %get3A_676, %get3A_677] {strides = array<i32>} : memref<5x4x128xf32, #tpu.memory_space<vmem>>, vector<16xf32>,
      %add3A_679 = arith.constant 16 : i32
      %add3A_680 = vector.broadcast %add3A_679 : i32 to vector<16xi32>
      %add3A_681 = arith.addi %iota3A, %add3A_680 : vector<16xi32>
      %scatter3A_682 = arith.constant 0 : i32
      %scatter3A_683 = arith.constant 0 : i32
      %scatter3A_684 = arith.constant 0 : i32
      %scatter3A_685 = tpu.memref_slice %arg7[%scatter3A_682, %scatter3A_683, %scatter3A_684] : memref<5x128x128xf32, #tpu.memory_space<vmem>> -> memref<1x128x128xf32, #tpu.memory_space<vmem>>
      %scatter3A_686 = tpu.memref_squeeze %scatter3A_685 : memref<1x128x128xf32, #tpu.memory_space<vmem>> -> memref<128x128xf32, #tpu.memory_space<vmem>>
      tpu.vector_store_idx %scatter3A_686[%add3A_681, %broadcast_in_dim3A_658], %get3A_678 : memref<128x128xf32, #tpu.memory_space<vmem>>[vector<16xi32>, vector<16xi32>], vector<16xf32>,
      %get3A_687 = arith.constant 0 : i32
      %get3A_688 = arith.constant 3 : i32
      %get3A_689 = arith.index_cast %get3A_687 : i32 to index
      %get3A_690 = arith.index_cast %get3A_688 : i32 to index
      %get3A_691 = arith.constant 32 : index
      %get3A_692 = tpu.vector_load %arg8[%get3A_689, %get3A_690, %get3A_691] {strides = array<i32>} : memref<5x4x128xf32, #tpu.memory_space<vmem>>, vector<16xf32>,
      %add3A_693 = arith.constant 32 : i32
      %add3A_694 = vector.broadcast %add3A_693 : i32 to vector<16xi32>
      %add3A_695 = arith.addi %iota3A, %add3A_694 : vector<16xi32>
      %scatter3A_696 = arith.constant 0 : i32
      %scatter3A_697 = arith.constant 0 : i32
      %scatter3A_698 = arith.constant 0 : i32
      %scatter3A_699 = tpu.memref_slice %arg7[%scatter3A_696, %scatter3A_697, %scatter3A_698] : memref<5x128x128xf32, #tpu.memory_space<vmem>> -> memref<1x128x128xf32, #tpu.memory_space<vmem>>
      %scatter3A_700 = tpu.memref_squeeze %scatter3A_699 : memref<1x128x128xf32, #tpu.memory_space<vmem>> -> memref<128x128xf32, #tpu.memory_space<vmem>>
      tpu.vector_store_idx %scatter3A_700[%add3A_695, %broadcast_in_dim3A_658], %get3A_692 : memref<128x128xf32, #tpu.memory_space<vmem>>[vector<16xi32>, vector<16xi32>], vector<16xf32>,
      %get3A_701 = arith.constant 0 : i32
      %get3A_702 = arith.constant 3 : i32
      %get3A_703 = arith.index_cast %get3A_701 : i32 to index
      %get3A_704 = arith.index_cast %get3A_702 : i32 to index
      %get3A_705 = arith.constant 48 : index
      %get3A_706 = tpu.vector_load %arg8[%get3A_703, %get3A_704, %get3A_705] {strides = array<i32>} : memref<5x4x128xf32, #tpu.memory_space<vmem>>, vector<16xf32>,
      %add3A_707 = arith.constant 48 : i32
      %add3A_708 = vector.broadcast %add3A_707 : i32 to vector<16xi32>
      %add3A_709 = arith.addi %iota3A, %add3A_708 : vector<16xi32>
      %scatter3A_710 = arith.constant 0 : i32
      %scatter3A_711 = arith.constant 0 : i32
      %scatter3A_712 = arith.constant 0 : i32
      %scatter3A_713 = tpu.memref_slice %arg7[%scatter3A_710, %scatter3A_711, %scatter3A_712] : memref<5x128x128xf32, #tpu.memory_space<vmem>> -> memref<1x128x128xf32, #tpu.memory_space<vmem>>
      %scatter3A_714 = tpu.memref_squeeze %scatter3A_713 : memref<1x128x128xf32, #tpu.memory_space<vmem>> -> memref<128x128xf32, #tpu.memory_space<vmem>>
      tpu.vector_store_idx %scatter3A_714[%add3A_709, %broadcast_in_dim3A_658], %get3A_706 : memref<128x128xf32, #tpu.memory_space<vmem>>[vector<16xi32>, vector<16xi32>], vector<16xf32>,
      %get3A_715 = arith.constant 0 : i32
      %get3A_716 = arith.constant 3 : i32
      %get3A_717 = arith.index_cast %get3A_715 : i32 to index
      %get3A_718 = arith.index_cast %get3A_716 : i32 to index
      %get3A_719 = arith.constant 64 : index
      %get3A_720 = tpu.vector_load %arg8[%get3A_717, %get3A_718, %get3A_719] {strides = array<i32>} : memref<5x4x128xf32, #tpu.memory_space<vmem>>, vector<16xf32>,
      %add3A_721 = arith.constant 64 : i32
      %add3A_722 = vector.broadcast %add3A_721 : i32 to vector<16xi32>
      %add3A_723 = arith.addi %iota3A, %add3A_722 : vector<16xi32>
      %scatter3A_724 = arith.constant 0 : i32
      %scatter3A_725 = arith.constant 0 : i32
      %scatter3A_726 = arith.constant 0 : i32
      %scatter3A_727 = tpu.memref_slice %arg7[%scatter3A_724, %scatter3A_725, %scatter3A_726] : memref<5x128x128xf32, #tpu.memory_space<vmem>> -> memref<1x128x128xf32, #tpu.memory_space<vmem>>
      %scatter3A_728 = tpu.memref_squeeze %scatter3A_727 : memref<1x128x128xf32, #tpu.memory_space<vmem>> -> memref<128x128xf32, #tpu.memory_space<vmem>>
      tpu.vector_store_idx %scatter3A_728[%add3A_723, %broadcast_in_dim3A_658], %get3A_720 : memref<128x128xf32, #tpu.memory_space<vmem>>[vector<16xi32>, vector<16xi32>], vector<16xf32>,
      %get3A_729 = arith.constant 0 : i32
      %get3A_730 = arith.constant 3 : i32
      %get3A_731 = arith.index_cast %get3A_729 : i32 to index
      %get3A_732 = arith.index_cast %get3A_730 : i32 to index
      %get3A_733 = arith.constant 80 : index
      %get3A_734 = tpu.vector_load %arg8[%get3A_731, %get3A_732, %get3A_733] {strides = array<i32>} : memref<5x4x128xf32, #tpu.memory_space<vmem>>, vector<16xf32>,
      %add3A_735 = arith.constant 80 : i32
      %add3A_736 = vector.broadcast %add3A_735 : i32 to vector<16xi32>
      %add3A_737 = arith.addi %iota3A, %add3A_736 : vector<16xi32>
      %scatter3A_738 = arith.constant 0 : i32
      %scatter3A_739 = arith.constant 0 : i32
      %scatter3A_740 = arith.constant 0 : i32
      %scatter3A_741 = tpu.memref_slice %arg7[%scatter3A_738, %scatter3A_739, %scatter3A_740] : memref<5x128x128xf32, #tpu.memory_space<vmem>> -> memref<1x128x128xf32, #tpu.memory_space<vmem>>
      %scatter3A_742 = tpu.memref_squeeze %scatter3A_741 : memref<1x128x128xf32, #tpu.memory_space<vmem>> -> memref<128x128xf32, #tpu.memory_space<vmem>>
      tpu.vector_store_idx %scatter3A_742[%add3A_737, %broadcast_in_dim3A_658], %get3A_734 : memref<128x128xf32, #tpu.memory_space<vmem>>[vector<16xi32>, vector<16xi32>], vector<16xf32>,
      %get3A_743 = arith.constant 0 : i32
      %get3A_744 = arith.constant 3 : i32
      %get3A_745 = arith.index_cast %get3A_743 : i32 to index
      %get3A_746 = arith.index_cast %get3A_744 : i32 to index
      %get3A_747 = arith.constant 96 : index
      %get3A_748 = tpu.vector_load %arg8[%get3A_745, %get3A_746, %get3A_747] {strides = array<i32>} : memref<5x4x128xf32, #tpu.memory_space<vmem>>, vector<16xf32>,
      %add3A_749 = arith.constant 96 : i32
      %add3A_750 = vector.broadcast %add3A_749 : i32 to vector<16xi32>
      %add3A_751 = arith.addi %iota3A, %add3A_750 : vector<16xi32>
      %scatter3A_752 = arith.constant 0 : i32
      %scatter3A_753 = arith.constant 0 : i32
      %scatter3A_754 = arith.constant 0 : i32
      %scatter3A_755 = tpu.memref_slice %arg7[%scatter3A_752, %scatter3A_753, %scatter3A_754] : memref<5x128x128xf32, #tpu.memory_space<vmem>> -> memref<1x128x128xf32, #tpu.memory_space<vmem>>
      %scatter3A_756 = tpu.memref_squeeze %scatter3A_755 : memref<1x128x128xf32, #tpu.memory_space<vmem>> -> memref<128x128xf32, #tpu.memory_space<vmem>>
      tpu.vector_store_idx %scatter3A_756[%add3A_751, %broadcast_in_dim3A_658], %get3A_748 : memref<128x128xf32, #tpu.memory_space<vmem>>[vector<16xi32>, vector<16xi32>], vector<16xf32>,
      %get3A_757 = arith.constant 0 : i32
      %get3A_758 = arith.constant 3 : i32
      %get3A_759 = arith.index_cast %get3A_757 : i32 to index
      %get3A_760 = arith.index_cast %get3A_758 : i32 to index
      %get3A_761 = arith.constant 112 : index
      %get3A_762 = tpu.vector_load %arg8[%get3A_759, %get3A_760, %get3A_761] {strides = array<i32>} : memref<5x4x128xf32, #tpu.memory_space<vmem>>, vector<16xf32>,
      %add3A_763 = arith.constant 112 : i32
      %add3A_764 = vector.broadcast %add3A_763 : i32 to vector<16xi32>
      %add3A_765 = arith.addi %iota3A, %add3A_764 : vector<16xi32>
      %scatter3A_766 = arith.constant 0 : i32
      %scatter3A_767 = arith.constant 0 : i32
      %scatter3A_768 = arith.constant 0 : i32
      %scatter3A_769 = tpu.memref_slice %arg7[%scatter3A_766, %scatter3A_767, %scatter3A_768] : memref<5x128x128xf32, #tpu.memory_space<vmem>> -> memref<1x128x128xf32, #tpu.memory_space<vmem>>
      %scatter3A_770 = tpu.memref_squeeze %scatter3A_769 : memref<1x128x128xf32, #tpu.memory_space<vmem>> -> memref<128x128xf32, #tpu.memory_space<vmem>>
      tpu.vector_store_idx %scatter3A_770[%add3A_765, %broadcast_in_dim3A_658], %get3A_762 : memref<128x128xf32, #tpu.memory_space<vmem>>[vector<16xi32>, vector<16xi32>], vector<16xf32>,
      %dma_start3A_771 = arith.constant 0 : i32
      %dma_start3A_772 = arith.constant 0 : i32
      %dma_start3A_773 = arith.constant 0 : i32
      %dma_start3A_774 = arith.constant 0 : i32
      %dma_start3A_775 = tpu.memref_slice %arg7[%dma_start3A_771, %dma_start3A_773, %dma_start3A_774] : memref<5x128x128xf32, #tpu.memory_space<vmem>> -> memref<1x128x128xf32, #tpu.memory_space<vmem>>
      %dma_start3A_776 = tpu.memref_squeeze %dma_start3A_775 : memref<1x128x128xf32, #tpu.memory_space<vmem>> -> memref<128x128xf32, #tpu.memory_space<vmem>>
      %dma_start3A_777 = arith.constant 0 : i32
      %dma_start3A_778 = tpu.memref_slice %arg9[%dma_start3A_772, %dma_start3A_777] : memref<5x128xi32, #tpu.memory_space<vmem>> -> memref<1x128xi32, #tpu.memory_space<vmem>>
      %dma_start3A_779 = tpu.memref_squeeze %dma_start3A_778 : memref<1x128xi32, #tpu.memory_space<vmem>> -> memref<128xi32, #tpu.memory_space<vmem>>
      %dma_start3A_780 = arith.constant 0 : i32
      %dma_start3A_781 = arith.constant 0 : i32
      %dma_start3A_782 = tpu.memref_slice %arg5[%dma_start3A_780, %dma_start3A_781] : memref<819200x128xf32, #tpu.memory_space<hbm>> -> memref<819200x128xf32, #tpu.memory_space<hbm>>
      tpu.enqueue_indirect_dma source(%dma_start3A_776 : memref<128x128xf32, #tpu.memory_space<vmem>>) target(%dma_start3A_782 : memref<819200x128xf32, #tpu.memory_space<hbm>>) offsets(%dma_start3A_779 : memref<128xi32, #tpu.memory_space<vmem>>) semaphore(%arg16 : memref<!tpu.dma_semaphore, #tpu.memory_space<semaphore_mem>>)
      %mul3A_783 = arith.constant 5 : i32
      %mul3A_784 = arith.muli %scan3A_216, %mul3A_783 : i32
      %add3A_785 = arith.constant 1 : i32
      %add3A_786 = arith.addi %mul3A_784, %add3A_785 : i32
      %add3A_787 = arith.constant 3 : i32
      %add3A_788 = arith.addi %add3A_786, %add3A_787 : i32
      %lt3A_789 = arith.constant 200 : i32
      %lt3A_790 = arith.cmpi slt, %add3A_788, %lt3A_789 : i32
      %convert_element_type3A_791 = arith.extui %lt3A_790 : i1 to i32
      %cond3A_792 = arith.constant 0 : i32
      %cond3A_793 = arith.cmpi ne, %convert_element_type3A_791, %cond3A_792 : i32
      scf.if %cond3A_793 {
        %ge3A = arith.constant 2 : i32
        %ge3A_3071 = arith.cmpi sge, %add3A_786, %ge3A : i32
        %convert_element_type3A_3072 = arith.extui %ge3A_3071 : i1 to i32
        %cond3A_3073 = arith.constant 0 : i32
        %cond3A_3074 = arith.cmpi ne, %convert_element_type3A_3072, %cond3A_3073 : i32
        scf.if %cond3A_3074 {
          %dma_wait3A_3108 = arith.constant 4 : i32
          %dma_wait3A_3109 = arith.constant 4 : i32
          %dma_wait3A_3110 = arith.constant 0 : i32
          %dma_wait3A_3111 = arith.constant 0 : i32
          %dma_wait3A_3112 = tpu.memref_slice %arg7[%dma_wait3A_3108, %dma_wait3A_3110, %dma_wait3A_3111] : memref<5x128x128xf32, #tpu.memory_space<vmem>> -> memref<1x128x128xf32, #tpu.memory_space<vmem>>
          %dma_wait3A_3113 = tpu.memref_squeeze %dma_wait3A_3112 : memref<1x128x128xf32, #tpu.memory_space<vmem>> -> memref<128x128xf32, #tpu.memory_space<vmem>>
          %dma_wait3A_3114 = arith.constant 0 : i32
          %dma_wait3A_3115 = tpu.memref_slice %arg9[%dma_wait3A_3109, %dma_wait3A_3114] : memref<5x128xi32, #tpu.memory_space<vmem>> -> memref<1x128xi32, #tpu.memory_space<vmem>>
          %dma_wait3A_3116 = tpu.memref_squeeze %dma_wait3A_3115 : memref<1x128xi32, #tpu.memory_space<vmem>> -> memref<128xi32, #tpu.memory_space<vmem>>
          %dma_wait3A_3117 = arith.constant 0 : i32
          %dma_wait3A_3118 = arith.constant 0 : i32
          %dma_wait3A_3119 = tpu.memref_slice %arg5[%dma_wait3A_3117, %dma_wait3A_3118] : memref<819200x128xf32, #tpu.memory_space<hbm>> -> memref<819200x128xf32, #tpu.memory_space<hbm>>
          tpu.wait_indirect_dma semaphore(%arg20 : memref<!tpu.dma_semaphore, #tpu.memory_space<semaphore_mem>>) src(%dma_wait3A_3113 : memref<128x128xf32, #tpu.memory_space<vmem>>) dst(%dma_wait3A_3119 : memref<819200x128xf32, #tpu.memory_space<hbm>>)
        } else {
        }
        %add3A_3075 = arith.constant 3 : i32
        %add3A_3076 = arith.addi %add3A_786, %add3A_3075 : i32
        %dma_start3A_3077 = arith.constant 4 : i32
        %dma_start3A_3078 = arith.constant 0 : i32
        %dma_start3A_3079 = arith.constant 0 : i32
        %dma_start3A_3080 = tpu.memref_slice %arg7[%dma_start3A_3077, %dma_start3A_3078, %dma_start3A_3079] : memref<5x128x128xf32, #tpu.memory_space<vmem>> -> memref<1x128x128xf32, #tpu.memory_space<vmem>>
        %dma_start3A_3081 = tpu.memref_squeeze %dma_start3A_3080 : memref<1x128x128xf32, #tpu.memory_space<vmem>> -> memref<128x128xf32, #tpu.memory_space<vmem>>
        %dma_start3A_3082 = arith.constant 0 : i32
        %dma_start3A_3083 = tpu.memref_slice %arg6[%add3A_3076, %dma_start3A_3082] : memref<200x128xi32, #tpu.memory_space<vmem>> -> memref<1x128xi32, #tpu.memory_space<vmem>>
        %dma_start3A_3084 = tpu.memref_squeeze %dma_start3A_3083 : memref<1x128xi32, #tpu.memory_space<vmem>> -> memref<128xi32, #tpu.memory_space<vmem>>
        %dma_start3A_3085 = arith.constant 0 : i32
        %dma_start3A_3086 = arith.constant 0 : i32
        %dma_start3A_3087 = tpu.memref_slice %arg4[%dma_start3A_3085, %dma_start3A_3086] : memref<100000x128xf32, #tpu.memory_space<hbm>> -> memref<100000x128xf32, #tpu.memory_space<hbm>>
        tpu.enqueue_indirect_dma source(%dma_start3A_3087 : memref<100000x128xf32, #tpu.memory_space<hbm>>) target(%dma_start3A_3081 : memref<128x128xf32, #tpu.memory_space<vmem>>) offsets(%dma_start3A_3084 : memref<128xi32, #tpu.memory_space<vmem>>) semaphore(%arg15 : memref<!tpu.dma_semaphore, #tpu.memory_space<semaphore_mem>>)
        %mul3A_3088 = arith.constant 32 : i32
        %mul3A_3089 = arith.muli %add3A_3076, %mul3A_3088 : i32
        %mul3A_3090 = arith.constant 4 : i32
        %mul3A_3091 = arith.muli %mul3A_3089, %mul3A_3090 : i32
        %mul3A_3092 = arith.constant 4 : i32
        %mul3A_3093 = arith.muli %add3A, %mul3A_3092 : i32
        %add3A_3094 = arith.addi %mul3A_3091, %mul3A_3093 : i32
        %dma_start3A_3095 = arith.constant 4 : i32
        %dma_start3A_3096 = arith.constant 0 : i32
        %dma_start3A_3097 = arith.constant 0 : i32
        %dma_start3A_3098 = tpu.memref_slice %arg8[%dma_start3A_3095, %dma_start3A_3096, %dma_start3A_3097] : memref<5x4x128xf32, #tpu.memory_space<vmem>> -> memref<1x4x128xf32, #tpu.memory_space<vmem>>
        %dma_start3A_3099 = tpu.memref_squeeze %dma_start3A_3098 : memref<1x4x128xf32, #tpu.memory_space<vmem>> -> memref<4x128xf32, #tpu.memory_space<vmem>>
        %dma_start3A_3100 = arith.constant 0 : i32
        %dma_start3A_3101 = tpu.memref_slice %arg3[%add3A_3094, %dma_start3A_3100] : memref<25600x128xf32, #tpu.memory_space<hbm>> -> memref<4x128xf32, #tpu.memory_space<hbm>>
        %dma_start3A_3102 = arith.constant 0 : i32
        %dma_start3A_3103 = arith.constant 0 : i32
        %dma_start3A_3104 = tpu.memref_slice %arg8[%dma_start3A_3095, %dma_start3A_3102, %dma_start3A_3103] : memref<5x4x128xf32, #tpu.memory_space<vmem>> -> memref<1x4x128xf32, #tpu.memory_space<vmem>>
        %dma_start3A_3105 = tpu.memref_squeeze %dma_start3A_3104 : memref<1x4x128xf32, #tpu.memory_space<vmem>> -> memref<4x128xf32, #tpu.memory_space<vmem>>
        %dma_start3A_3106 = arith.constant 0 : i32
        %dma_start3A_3107 = tpu.memref_slice %arg3[%add3A_3094, %dma_start3A_3106] : memref<25600x128xf32, #tpu.memory_space<hbm>> -> memref<4x128xf32, #tpu.memory_space<hbm>>
        tpu.enqueue_dma source(%dma_start3A_3107 : memref<4x128xf32, #tpu.memory_space<hbm>>) target(%dma_start3A_3105 : memref<4x128xf32, #tpu.memory_space<vmem>>) target_semaphore(%arg15 : memref<!tpu.dma_semaphore, #tpu.memory_space<semaphore_mem>>)
      } else {
      }
      %mul3A_794 = arith.constant 25600 : i32
      %mul3A_795 = arith.muli %add3A, %mul3A_794 : i32
      %add3A_796 = arith.addi %mul3A_795, %add3A_786 : i32
      %get3A_797 = arith.constant 0 : index
      %get3A_798 = tpu.vector_load %arg10[%get3A_797] {strides = array<i32>} : memref<128xi32, #tpu.memory_space<vmem>>, vector<16xi32>,
      %add3A_799 = vector.broadcast %add3A_796 : i32 to vector<16xi32>
      %add3A_800 = arith.addi %get3A_798, %add3A_799 : vector<16xi32>
      %swap3A_801 = arith.constant 1 : i32
      %swap3A_802 = arith.index_cast %swap3A_801 : i32 to index
      %swap3A_803 = arith.constant 0 : index
      %swap3A_804 = tpu.vector_load %arg9[%swap3A_802, %swap3A_803] {strides = array<i32>} : memref<5x128xi32, #tpu.memory_space<vmem>>, vector<16xi32>,
      tpu.vector_store %arg9[%swap3A_802, %swap3A_803], %add3A_800 {strides = array<i32>} : memref<5x128xi32, #tpu.memory_space<vmem>>, vector<16xi32>,
      %get3A_805 = arith.constant 16 : index
      %get3A_806 = tpu.vector_load %arg10[%get3A_805] {strides = array<i32>} : memref<128xi32, #tpu.memory_space<vmem>>, vector<16xi32>,
      %add3A_807 = vector.broadcast %add3A_796 : i32 to vector<16xi32>
      %add3A_808 = arith.addi %get3A_806, %add3A_807 : vector<16xi32>
      %swap3A_809 = arith.constant 1 : i32
      %swap3A_810 = arith.index_cast %swap3A_809 : i32 to index
      %swap3A_811 = arith.constant 16 : index
      %swap3A_812 = tpu.vector_load %arg9[%swap3A_810, %swap3A_811] {strides = array<i32>} : memref<5x128xi32, #tpu.memory_space<vmem>>, vector<16xi32>,
      tpu.vector_store %arg9[%swap3A_810, %swap3A_811], %add3A_808 {strides = array<i32>} : memref<5x128xi32, #tpu.memory_space<vmem>>, vector<16xi32>,
      %get3A_813 = arith.constant 32 : index
      %get3A_814 = tpu.vector_load %arg10[%get3A_813] {strides = array<i32>} : memref<128xi32, #tpu.memory_space<vmem>>, vector<16xi32>,
      %add3A_815 = vector.broadcast %add3A_796 : i32 to vector<16xi32>
      %add3A_816 = arith.addi %get3A_814, %add3A_815 : vector<16xi32>
      %swap3A_817 = arith.constant 1 : i32
      %swap3A_818 = arith.index_cast %swap3A_817 : i32 to index
      %swap3A_819 = arith.constant 32 : index
      %swap3A_820 = tpu.vector_load %arg9[%swap3A_818, %swap3A_819] {strides = array<i32>} : memref<5x128xi32, #tpu.memory_space<vmem>>, vector<16xi32>,
      tpu.vector_store %arg9[%swap3A_818, %swap3A_819], %add3A_816 {strides = array<i32>} : memref<5x128xi32, #tpu.memory_space<vmem>>, vector<16xi32>,
      %get3A_821 = arith.constant 48 : index
      %get3A_822 = tpu.vector_load %arg10[%get3A_821] {strides = array<i32>} : memref<128xi32, #tpu.memory_space<vmem>>, vector<16xi32>,
      %add3A_823 = vector.broadcast %add3A_796 : i32 to vector<16xi32>
      %add3A_824 = arith.addi %get3A_822, %add3A_823 : vector<16xi32>
      %swap3A_825 = arith.constant 1 : i32
      %swap3A_826 = arith.index_cast %swap3A_825 : i32 to index
      %swap3A_827 = arith.constant 48 : index
      %swap3A_828 = tpu.vector_load %arg9[%swap3A_826, %swap3A_827] {strides = array<i32>} : memref<5x128xi32, #tpu.memory_space<vmem>>, vector<16xi32>,
      tpu.vector_store %arg9[%swap3A_826, %swap3A_827], %add3A_824 {strides = array<i32>} : memref<5x128xi32, #tpu.memory_space<vmem>>, vector<16xi32>,
      %get3A_829 = arith.constant 64 : index
      %get3A_830 = tpu.vector_load %arg10[%get3A_829] {strides = array<i32>} : memref<128xi32, #tpu.memory_space<vmem>>, vector<16xi32>,
      %add3A_831 = vector.broadcast %add3A_796 : i32 to vector<16xi32>
      %add3A_832 = arith.addi %get3A_830, %add3A_831 : vector<16xi32>
      %swap3A_833 = arith.constant 1 : i32
      %swap3A_834 = arith.index_cast %swap3A_833 : i32 to index
      %swap3A_835 = arith.constant 64 : index
      %swap3A_836 = tpu.vector_load %arg9[%swap3A_834, %swap3A_835] {strides = array<i32>} : memref<5x128xi32, #tpu.memory_space<vmem>>, vector<16xi32>,
      tpu.vector_store %arg9[%swap3A_834, %swap3A_835], %add3A_832 {strides = array<i32>} : memref<5x128xi32, #tpu.memory_space<vmem>>, vector<16xi32>,
      %get3A_837 = arith.constant 80 : index
      %get3A_838 = tpu.vector_load %arg10[%get3A_837] {strides = array<i32>} : memref<128xi32, #tpu.memory_space<vmem>>, vector<16xi32>,
      %add3A_839 = vector.broadcast %add3A_796 : i32 to vector<16xi32>
      %add3A_840 = arith.addi %get3A_838, %add3A_839 : vector<16xi32>
      %swap3A_841 = arith.constant 1 : i32
      %swap3A_842 = arith.index_cast %swap3A_841 : i32 to index
      %swap3A_843 = arith.constant 80 : index
      %swap3A_844 = tpu.vector_load %arg9[%swap3A_842, %swap3A_843] {strides = array<i32>} : memref<5x128xi32, #tpu.memory_space<vmem>>, vector<16xi32>,
      tpu.vector_store %arg9[%swap3A_842, %swap3A_843], %add3A_840 {strides = array<i32>} : memref<5x128xi32, #tpu.memory_space<vmem>>, vector<16xi32>,
      %get3A_845 = arith.constant 96 : index
      %get3A_846 = tpu.vector_load %arg10[%get3A_845] {strides = array<i32>} : memref<128xi32, #tpu.memory_space<vmem>>, vector<16xi32>,
      %add3A_847 = vector.broadcast %add3A_796 : i32 to vector<16xi32>
      %add3A_848 = arith.addi %get3A_846, %add3A_847 : vector<16xi32>
      %swap3A_849 = arith.constant 1 : i32
      %swap3A_850 = arith.index_cast %swap3A_849 : i32 to index
      %swap3A_851 = arith.constant 96 : index
      %swap3A_852 = tpu.vector_load %arg9[%swap3A_850, %swap3A_851] {strides = array<i32>} : memref<5x128xi32, #tpu.memory_space<vmem>>, vector<16xi32>,
      tpu.vector_store %arg9[%swap3A_850, %swap3A_851], %add3A_848 {strides = array<i32>} : memref<5x128xi32, #tpu.memory_space<vmem>>, vector<16xi32>,
      %get3A_853 = arith.constant 112 : index
      %get3A_854 = tpu.vector_load %arg10[%get3A_853] {strides = array<i32>} : memref<128xi32, #tpu.memory_space<vmem>>, vector<16xi32>,
      %add3A_855 = vector.broadcast %add3A_796 : i32 to vector<16xi32>
      %add3A_856 = arith.addi %get3A_854, %add3A_855 : vector<16xi32>
      %swap3A_857 = arith.constant 1 : i32
      %swap3A_858 = arith.index_cast %swap3A_857 : i32 to index
      %swap3A_859 = arith.constant 112 : index
      %swap3A_860 = tpu.vector_load %arg9[%swap3A_858, %swap3A_859] {strides = array<i32>} : memref<5x128xi32, #tpu.memory_space<vmem>>, vector<16xi32>,
      tpu.vector_store %arg9[%swap3A_858, %swap3A_859], %add3A_856 {strides = array<i32>} : memref<5x128xi32, #tpu.memory_space<vmem>>, vector<16xi32>,
      %dma_wait3A_861 = arith.constant 1 : i32
      %dma_wait3A_862 = arith.constant 0 : i32
      %dma_wait3A_863 = arith.constant 0 : i32
      %dma_wait3A_864 = tpu.memref_slice %arg7[%dma_wait3A_861, %dma_wait3A_862, %dma_wait3A_863] : memref<5x128x128xf32, #tpu.memory_space<vmem>> -> memref<1x128x128xf32, #tpu.memory_space<vmem>>
      %dma_wait3A_865 = tpu.memref_squeeze %dma_wait3A_864 : memref<1x128x128xf32, #tpu.memory_space<vmem>> -> memref<128x128xf32, #tpu.memory_space<vmem>>
      %dma_wait3A_866 = arith.constant 0 : i32
      %dma_wait3A_867 = tpu.memref_slice %arg6[%add3A_786, %dma_wait3A_866] : memref<200x128xi32, #tpu.memory_space<vmem>> -> memref<1x128xi32, #tpu.memory_space<vmem>>
      %dma_wait3A_868 = tpu.memref_squeeze %dma_wait3A_867 : memref<1x128xi32, #tpu.memory_space<vmem>> -> memref<128xi32, #tpu.memory_space<vmem>>
      %dma_wait3A_869 = arith.constant 0 : i32
      %dma_wait3A_870 = arith.constant 0 : i32
      %dma_wait3A_871 = tpu.memref_slice %arg4[%dma_wait3A_869, %dma_wait3A_870] : memref<100000x128xf32, #tpu.memory_space<hbm>> -> memref<100000x128xf32, #tpu.memory_space<hbm>>
      tpu.wait_indirect_dma semaphore(%arg12 : memref<!tpu.dma_semaphore, #tpu.memory_space<semaphore_mem>>) src(%dma_wait3A_871 : memref<100000x128xf32, #tpu.memory_space<hbm>>) dst(%dma_wait3A_865 : memref<128x128xf32, #tpu.memory_space<vmem>>)
      %dma_wait3A_872 = arith.constant 1 : i32
      %dma_wait3A_873 = arith.constant 0 : i32
      %dma_wait3A_874 = arith.constant 0 : i32
      %dma_wait3A_875 = tpu.memref_slice %arg8[%dma_wait3A_872, %dma_wait3A_873, %dma_wait3A_874] : memref<5x4x128xf32, #tpu.memory_space<vmem>> -> memref<1x4x128xf32, #tpu.memory_space<vmem>>
      %dma_wait3A_876 = tpu.memref_squeeze %dma_wait3A_875 : memref<1x4x128xf32, #tpu.memory_space<vmem>> -> memref<4x128xf32, #tpu.memory_space<vmem>>
      %dma_wait3A_877 = arith.constant 0 : i32
      %dma_wait3A_878 = arith.constant 0 : i32
      %dma_wait3A_879 = tpu.memref_slice %arg3[%dma_wait3A_877, %dma_wait3A_878] : memref<25600x128xf32, #tpu.memory_space<hbm>> -> memref<4x128xf32, #tpu.memory_space<hbm>>
      %dma_wait3A_880 = arith.constant 0 : i32
      %dma_wait3A_881 = arith.constant 0 : i32
      %dma_wait3A_882 = tpu.memref_slice %arg8[%dma_wait3A_872, %dma_wait3A_880, %dma_wait3A_881] : memref<5x4x128xf32, #tpu.memory_space<vmem>> -> memref<1x4x128xf32, #tpu.memory_space<vmem>>
      %dma_wait3A_883 = tpu.memref_squeeze %dma_wait3A_882 : memref<1x4x128xf32, #tpu.memory_space<vmem>> -> memref<4x128xf32, #tpu.memory_space<vmem>>
      %dma_wait3A_884 = arith.constant 0 : i32
      %dma_wait3A_885 = arith.constant 0 : i32
      %dma_wait3A_886 = tpu.memref_slice %arg3[%dma_wait3A_884, %dma_wait3A_885] : memref<25600x128xf32, #tpu.memory_space<hbm>> -> memref<4x128xf32, #tpu.memory_space<hbm>>
      tpu.wait_dma2 semaphore(%arg12 : memref<!tpu.dma_semaphore, #tpu.memory_space<semaphore_mem>>) src(%dma_wait3A_886 : memref<4x128xf32, #tpu.memory_space<hbm>>) dst(%dma_wait3A_883 : memref<4x128xf32, #tpu.memory_space<vmem>>)
      %broadcast_in_dim3A_887 = arith.constant 124 : i32
      %broadcast_in_dim3A_888 = vector.broadcast %broadcast_in_dim3A_887 : i32 to vector<16xi32>
      %get3A_889 = arith.constant 1 : i32
      %get3A_890 = arith.constant 0 : i32
      %get3A_891 = arith.index_cast %get3A_889 : i32 to index
      %get3A_892 = arith.index_cast %get3A_890 : i32 to index
      %get3A_893 = arith.constant 0 : index
      %get3A_894 = tpu.vector_load %arg8[%get3A_891, %get3A_892, %get3A_893] {strides = array<i32>} : memref<5x4x128xf32, #tpu.memory_space<vmem>>, vector<16xf32>,
      %add3A_895 = arith.constant 0 : i32
      %add3A_896 = vector.broadcast %add3A_895 : i32 to vector<16xi32>
      %add3A_897 = arith.addi %iota3A, %add3A_896 : vector<16xi32>
      %scatter3A_898 = arith.constant 1 : i32
      %scatter3A_899 = arith.constant 0 : i32
      %scatter3A_900 = arith.constant 0 : i32
      %scatter3A_901 = tpu.memref_slice %arg7[%scatter3A_898, %scatter3A_899, %scatter3A_900] : memref<5x128x128xf32, #tpu.memory_space<vmem>> -> memref<1x128x128xf32, #tpu.memory_space<vmem>>
      %scatter3A_902 = tpu.memref_squeeze %scatter3A_901 : memref<1x128x128xf32, #tpu.memory_space<vmem>> -> memref<128x128xf32, #tpu.memory_space<vmem>>
      tpu.vector_store_idx %scatter3A_902[%add3A_897, %broadcast_in_dim3A_888], %get3A_894 : memref<128x128xf32, #tpu.memory_space<vmem>>[vector<16xi32>, vector<16xi32>], vector<16xf32>,
      %get3A_903 = arith.constant 1 : i32
      %get3A_904 = arith.constant 0 : i32
      %get3A_905 = arith.index_cast %get3A_903 : i32 to index
      %get3A_906 = arith.index_cast %get3A_904 : i32 to index
      %get3A_907 = arith.constant 16 : index
      %get3A_908 = tpu.vector_load %arg8[%get3A_905, %get3A_906, %get3A_907] {strides = array<i32>} : memref<5x4x128xf32, #tpu.memory_space<vmem>>, vector<16xf32>,
      %add3A_909 = arith.constant 16 : i32
      %add3A_910 = vector.broadcast %add3A_909 : i32 to vector<16xi32>
      %add3A_911 = arith.addi %iota3A, %add3A_910 : vector<16xi32>
      %scatter3A_912 = arith.constant 1 : i32
      %scatter3A_913 = arith.constant 0 : i32
      %scatter3A_914 = arith.constant 0 : i32
      %scatter3A_915 = tpu.memref_slice %arg7[%scatter3A_912, %scatter3A_913, %scatter3A_914] : memref<5x128x128xf32, #tpu.memory_space<vmem>> -> memref<1x128x128xf32, #tpu.memory_space<vmem>>
      %scatter3A_916 = tpu.memref_squeeze %scatter3A_915 : memref<1x128x128xf32, #tpu.memory_space<vmem>> -> memref<128x128xf32, #tpu.memory_space<vmem>>
      tpu.vector_store_idx %scatter3A_916[%add3A_911, %broadcast_in_dim3A_888], %get3A_908 : memref<128x128xf32, #tpu.memory_space<vmem>>[vector<16xi32>, vector<16xi32>], vector<16xf32>,
      %get3A_917 = arith.constant 1 : i32
      %get3A_918 = arith.constant 0 : i32
      %get3A_919 = arith.index_cast %get3A_917 : i32 to index
      %get3A_920 = arith.index_cast %get3A_918 : i32 to index
      %get3A_921 = arith.constant 32 : index
      %get3A_922 = tpu.vector_load %arg8[%get3A_919, %get3A_920, %get3A_921] {strides = array<i32>} : memref<5x4x128xf32, #tpu.memory_space<vmem>>, vector<16xf32>,
      %add3A_923 = arith.constant 32 : i32
      %add3A_924 = vector.broadcast %add3A_923 : i32 to vector<16xi32>
      %add3A_925 = arith.addi %iota3A, %add3A_924 : vector<16xi32>
      %scatter3A_926 = arith.constant 1 : i32
      %scatter3A_927 = arith.constant 0 : i32
      %scatter3A_928 = arith.constant 0 : i32
      %scatter3A_929 = tpu.memref_slice %arg7[%scatter3A_926, %scatter3A_927, %scatter3A_928] : memref<5x128x128xf32, #tpu.memory_space<vmem>> -> memref<1x128x128xf32, #tpu.memory_space<vmem>>
      %scatter3A_930 = tpu.memref_squeeze %scatter3A_929 : memref<1x128x128xf32, #tpu.memory_space<vmem>> -> memref<128x128xf32, #tpu.memory_space<vmem>>
      tpu.vector_store_idx %scatter3A_930[%add3A_925, %broadcast_in_dim3A_888], %get3A_922 : memref<128x128xf32, #tpu.memory_space<vmem>>[vector<16xi32>, vector<16xi32>], vector<16xf32>,
      %get3A_931 = arith.constant 1 : i32
      %get3A_932 = arith.constant 0 : i32
      %get3A_933 = arith.index_cast %get3A_931 : i32 to index
      %get3A_934 = arith.index_cast %get3A_932 : i32 to index
      %get3A_935 = arith.constant 48 : index
      %get3A_936 = tpu.vector_load %arg8[%get3A_933, %get3A_934, %get3A_935] {strides = array<i32>} : memref<5x4x128xf32, #tpu.memory_space<vmem>>, vector<16xf32>,
      %add3A_937 = arith.constant 48 : i32
      %add3A_938 = vector.broadcast %add3A_937 : i32 to vector<16xi32>
      %add3A_939 = arith.addi %iota3A, %add3A_938 : vector<16xi32>
      %scatter3A_940 = arith.constant 1 : i32
      %scatter3A_941 = arith.constant 0 : i32
      %scatter3A_942 = arith.constant 0 : i32
      %scatter3A_943 = tpu.memref_slice %arg7[%scatter3A_940, %scatter3A_941, %scatter3A_942] : memref<5x128x128xf32, #tpu.memory_space<vmem>> -> memref<1x128x128xf32, #tpu.memory_space<vmem>>
      %scatter3A_944 = tpu.memref_squeeze %scatter3A_943 : memref<1x128x128xf32, #tpu.memory_space<vmem>> -> memref<128x128xf32, #tpu.memory_space<vmem>>
      tpu.vector_store_idx %scatter3A_944[%add3A_939, %broadcast_in_dim3A_888], %get3A_936 : memref<128x128xf32, #tpu.memory_space<vmem>>[vector<16xi32>, vector<16xi32>], vector<16xf32>,
      %get3A_945 = arith.constant 1 : i32
      %get3A_946 = arith.constant 0 : i32
      %get3A_947 = arith.index_cast %get3A_945 : i32 to index
      %get3A_948 = arith.index_cast %get3A_946 : i32 to index
      %get3A_949 = arith.constant 64 : index
      %get3A_950 = tpu.vector_load %arg8[%get3A_947, %get3A_948, %get3A_949] {strides = array<i32>} : memref<5x4x128xf32, #tpu.memory_space<vmem>>, vector<16xf32>,
      %add3A_951 = arith.constant 64 : i32
      %add3A_952 = vector.broadcast %add3A_951 : i32 to vector<16xi32>
      %add3A_953 = arith.addi %iota3A, %add3A_952 : vector<16xi32>
      %scatter3A_954 = arith.constant 1 : i32
      %scatter3A_955 = arith.constant 0 : i32
      %scatter3A_956 = arith.constant 0 : i32
      %scatter3A_957 = tpu.memref_slice %arg7[%scatter3A_954, %scatter3A_955, %scatter3A_956] : memref<5x128x128xf32, #tpu.memory_space<vmem>> -> memref<1x128x128xf32, #tpu.memory_space<vmem>>
      %scatter3A_958 = tpu.memref_squeeze %scatter3A_957 : memref<1x128x128xf32, #tpu.memory_space<vmem>> -> memref<128x128xf32, #tpu.memory_space<vmem>>
      tpu.vector_store_idx %scatter3A_958[%add3A_953, %broadcast_in_dim3A_888], %get3A_950 : memref<128x128xf32, #tpu.memory_space<vmem>>[vector<16xi32>, vector<16xi32>], vector<16xf32>,
      %get3A_959 = arith.constant 1 : i32
      %get3A_960 = arith.constant 0 : i32
      %get3A_961 = arith.index_cast %get3A_959 : i32 to index
      %get3A_962 = arith.index_cast %get3A_960 : i32 to index
      %get3A_963 = arith.constant 80 : index
      %get3A_964 = tpu.vector_load %arg8[%get3A_961, %get3A_962, %get3A_963] {strides = array<i32>} : memref<5x4x128xf32, #tpu.memory_space<vmem>>, vector<16xf32>,
      %add3A_965 = arith.constant 80 : i32
      %add3A_966 = vector.broadcast %add3A_965 : i32 to vector<16xi32>
      %add3A_967 = arith.addi %iota3A, %add3A_966 : vector<16xi32>
      %scatter3A_968 = arith.constant 1 : i32
      %scatter3A_969 = arith.constant 0 : i32
      %scatter3A_970 = arith.constant 0 : i32
      %scatter3A_971 = tpu.memref_slice %arg7[%scatter3A_968, %scatter3A_969, %scatter3A_970] : memref<5x128x128xf32, #tpu.memory_space<vmem>> -> memref<1x128x128xf32, #tpu.memory_space<vmem>>
      %scatter3A_972 = tpu.memref_squeeze %scatter3A_971 : memref<1x128x128xf32, #tpu.memory_space<vmem>> -> memref<128x128xf32, #tpu.memory_space<vmem>>
      tpu.vector_store_idx %scatter3A_972[%add3A_967, %broadcast_in_dim3A_888], %get3A_964 : memref<128x128xf32, #tpu.memory_space<vmem>>[vector<16xi32>, vector<16xi32>], vector<16xf32>,
      %get3A_973 = arith.constant 1 : i32
      %get3A_974 = arith.constant 0 : i32
      %get3A_975 = arith.index_cast %get3A_973 : i32 to index
      %get3A_976 = arith.index_cast %get3A_974 : i32 to index
      %get3A_977 = arith.constant 96 : index
      %get3A_978 = tpu.vector_load %arg8[%get3A_975, %get3A_976, %get3A_977] {strides = array<i32>} : memref<5x4x128xf32, #tpu.memory_space<vmem>>, vector<16xf32>,
      %add3A_979 = arith.constant 96 : i32
      %add3A_980 = vector.broadcast %add3A_979 : i32 to vector<16xi32>
      %add3A_981 = arith.addi %iota3A, %add3A_980 : vector<16xi32>
      %scatter3A_982 = arith.constant 1 : i32
      %scatter3A_983 = arith.constant 0 : i32
      %scatter3A_984 = arith.constant 0 : i32
      %scatter3A_985 = tpu.memref_slice %arg7[%scatter3A_982, %scatter3A_983, %scatter3A_984] : memref<5x128x128xf32, #tpu.memory_space<vmem>> -> memref<1x128x128xf32, #tpu.memory_space<vmem>>
      %scatter3A_986 = tpu.memref_squeeze %scatter3A_985 : memref<1x128x128xf32, #tpu.memory_space<vmem>> -> memref<128x128xf32, #tpu.memory_space<vmem>>
      tpu.vector_store_idx %scatter3A_986[%add3A_981, %broadcast_in_dim3A_888], %get3A_978 : memref<128x128xf32, #tpu.memory_space<vmem>>[vector<16xi32>, vector<16xi32>], vector<16xf32>,
      %get3A_987 = arith.constant 1 : i32
      %get3A_988 = arith.constant 0 : i32
      %get3A_989 = arith.index_cast %get3A_987 : i32 to index
      %get3A_990 = arith.index_cast %get3A_988 : i32 to index
      %get3A_991 = arith.constant 112 : index
      %get3A_992 = tpu.vector_load %arg8[%get3A_989, %get3A_990, %get3A_991] {strides = array<i32>} : memref<5x4x128xf32, #tpu.memory_space<vmem>>, vector<16xf32>,
      %add3A_993 = arith.constant 112 : i32
      %add3A_994 = vector.broadcast %add3A_993 : i32 to vector<16xi32>
      %add3A_995 = arith.addi %iota3A, %add3A_994 : vector<16xi32>
      %scatter3A_996 = arith.constant 1 : i32
      %scatter3A_997 = arith.constant 0 : i32
      %scatter3A_998 = arith.constant 0 : i32
      %scatter3A_999 = tpu.memref_slice %arg7[%scatter3A_996, %scatter3A_997, %scatter3A_998] : memref<5x128x128xf32, #tpu.memory_space<vmem>> -> memref<1x128x128xf32, #tpu.memory_space<vmem>>
      %scatter3A_1000 = tpu.memref_squeeze %scatter3A_999 : memref<1x128x128xf32, #tpu.memory_space<vmem>> -> memref<128x128xf32, #tpu.memory_space<vmem>>
      tpu.vector_store_idx %scatter3A_1000[%add3A_995, %broadcast_in_dim3A_888], %get3A_992 : memref<128x128xf32, #tpu.memory_space<vmem>>[vector<16xi32>, vector<16xi32>], vector<16xf32>,
      %broadcast_in_dim3A_1001 = arith.constant 125 : i32
      %broadcast_in_dim3A_1002 = vector.broadcast %broadcast_in_dim3A_1001 : i32 to vector<16xi32>
      %get3A_1003 = arith.constant 1 : i32
      %get3A_1004 = arith.constant 1 : i32
      %get3A_1005 = arith.index_cast %get3A_1003 : i32 to index
      %get3A_1006 = arith.index_cast %get3A_1004 : i32 to index
      %get3A_1007 = arith.constant 0 : index
      %get3A_1008 = tpu.vector_load %arg8[%get3A_1005, %get3A_1006, %get3A_1007] {strides = array<i32>} : memref<5x4x128xf32, #tpu.memory_space<vmem>>, vector<16xf32>,
      %add3A_1009 = arith.constant 0 : i32
      %add3A_1010 = vector.broadcast %add3A_1009 : i32 to vector<16xi32>
      %add3A_1011 = arith.addi %iota3A, %add3A_1010 : vector<16xi32>
      %scatter3A_1012 = arith.constant 1 : i32
      %scatter3A_1013 = arith.constant 0 : i32
      %scatter3A_1014 = arith.constant 0 : i32
      %scatter3A_1015 = tpu.memref_slice %arg7[%scatter3A_1012, %scatter3A_1013, %scatter3A_1014] : memref<5x128x128xf32, #tpu.memory_space<vmem>> -> memref<1x128x128xf32, #tpu.memory_space<vmem>>
      %scatter3A_1016 = tpu.memref_squeeze %scatter3A_1015 : memref<1x128x128xf32, #tpu.memory_space<vmem>> -> memref<128x128xf32, #tpu.memory_space<vmem>>
      tpu.vector_store_idx %scatter3A_1016[%add3A_1011, %broadcast_in_dim3A_1002], %get3A_1008 : memref<128x128xf32, #tpu.memory_space<vmem>>[vector<16xi32>, vector<16xi32>], vector<16xf32>,
      %get3A_1017 = arith.constant 1 : i32
      %get3A_1018 = arith.constant 1 : i32
      %get3A_1019 = arith.index_cast %get3A_1017 : i32 to index
      %get3A_1020 = arith.index_cast %get3A_1018 : i32 to index
      %get3A_1021 = arith.constant 16 : index
      %get3A_1022 = tpu.vector_load %arg8[%get3A_1019, %get3A_1020, %get3A_1021] {strides = array<i32>} : memref<5x4x128xf32, #tpu.memory_space<vmem>>, vector<16xf32>,
      %add3A_1023 = arith.constant 16 : i32
      %add3A_1024 = vector.broadcast %add3A_1023 : i32 to vector<16xi32>
      %add3A_1025 = arith.addi %iota3A, %add3A_1024 : vector<16xi32>
      %scatter3A_1026 = arith.constant 1 : i32
      %scatter3A_1027 = arith.constant 0 : i32
      %scatter3A_1028 = arith.constant 0 : i32
      %scatter3A_1029 = tpu.memref_slice %arg7[%scatter3A_1026, %scatter3A_1027, %scatter3A_1028] : memref<5x128x128xf32, #tpu.memory_space<vmem>> -> memref<1x128x128xf32, #tpu.memory_space<vmem>>
      %scatter3A_1030 = tpu.memref_squeeze %scatter3A_1029 : memref<1x128x128xf32, #tpu.memory_space<vmem>> -> memref<128x128xf32, #tpu.memory_space<vmem>>
      tpu.vector_store_idx %scatter3A_1030[%add3A_1025, %broadcast_in_dim3A_1002], %get3A_1022 : memref<128x128xf32, #tpu.memory_space<vmem>>[vector<16xi32>, vector<16xi32>], vector<16xf32>,
      %get3A_1031 = arith.constant 1 : i32
      %get3A_1032 = arith.constant 1 : i32
      %get3A_1033 = arith.index_cast %get3A_1031 : i32 to index
      %get3A_1034 = arith.index_cast %get3A_1032 : i32 to index
      %get3A_1035 = arith.constant 32 : index
      %get3A_1036 = tpu.vector_load %arg8[%get3A_1033, %get3A_1034, %get3A_1035] {strides = array<i32>} : memref<5x4x128xf32, #tpu.memory_space<vmem>>, vector<16xf32>,
      %add3A_1037 = arith.constant 32 : i32
      %add3A_1038 = vector.broadcast %add3A_1037 : i32 to vector<16xi32>
      %add3A_1039 = arith.addi %iota3A, %add3A_1038 : vector<16xi32>
      %scatter3A_1040 = arith.constant 1 : i32
      %scatter3A_1041 = arith.constant 0 : i32
      %scatter3A_1042 = arith.constant 0 : i32
      %scatter3A_1043 = tpu.memref_slice %arg7[%scatter3A_1040, %scatter3A_1041, %scatter3A_1042] : memref<5x128x128xf32, #tpu.memory_space<vmem>> -> memref<1x128x128xf32, #tpu.memory_space<vmem>>
      %scatter3A_1044 = tpu.memref_squeeze %scatter3A_1043 : memref<1x128x128xf32, #tpu.memory_space<vmem>> -> memref<128x128xf32, #tpu.memory_space<vmem>>
      tpu.vector_store_idx %scatter3A_1044[%add3A_1039, %broadcast_in_dim3A_1002], %get3A_1036 : memref<128x128xf32, #tpu.memory_space<vmem>>[vector<16xi32>, vector<16xi32>], vector<16xf32>,
      %get3A_1045 = arith.constant 1 : i32
      %get3A_1046 = arith.constant 1 : i32
      %get3A_1047 = arith.index_cast %get3A_1045 : i32 to index
      %get3A_1048 = arith.index_cast %get3A_1046 : i32 to index
      %get3A_1049 = arith.constant 48 : index
      %get3A_1050 = tpu.vector_load %arg8[%get3A_1047, %get3A_1048, %get3A_1049] {strides = array<i32>} : memref<5x4x128xf32, #tpu.memory_space<vmem>>, vector<16xf32>,
      %add3A_1051 = arith.constant 48 : i32
      %add3A_1052 = vector.broadcast %add3A_1051 : i32 to vector<16xi32>
      %add3A_1053 = arith.addi %iota3A, %add3A_1052 : vector<16xi32>
      %scatter3A_1054 = arith.constant 1 : i32
      %scatter3A_1055 = arith.constant 0 : i32
      %scatter3A_1056 = arith.constant 0 : i32
      %scatter3A_1057 = tpu.memref_slice %arg7[%scatter3A_1054, %scatter3A_1055, %scatter3A_1056] : memref<5x128x128xf32, #tpu.memory_space<vmem>> -> memref<1x128x128xf32, #tpu.memory_space<vmem>>
      %scatter3A_1058 = tpu.memref_squeeze %scatter3A_1057 : memref<1x128x128xf32, #tpu.memory_space<vmem>> -> memref<128x128xf32, #tpu.memory_space<vmem>>
      tpu.vector_store_idx %scatter3A_1058[%add3A_1053, %broadcast_in_dim3A_1002], %get3A_1050 : memref<128x128xf32, #tpu.memory_space<vmem>>[vector<16xi32>, vector<16xi32>], vector<16xf32>,
      %get3A_1059 = arith.constant 1 : i32
      %get3A_1060 = arith.constant 1 : i32
      %get3A_1061 = arith.index_cast %get3A_1059 : i32 to index
      %get3A_1062 = arith.index_cast %get3A_1060 : i32 to index
      %get3A_1063 = arith.constant 64 : index
      %get3A_1064 = tpu.vector_load %arg8[%get3A_1061, %get3A_1062, %get3A_1063] {strides = array<i32>} : memref<5x4x128xf32, #tpu.memory_space<vmem>>, vector<16xf32>,
      %add3A_1065 = arith.constant 64 : i32
      %add3A_1066 = vector.broadcast %add3A_1065 : i32 to vector<16xi32>
      %add3A_1067 = arith.addi %iota3A, %add3A_1066 : vector<16xi32>
      %scatter3A_1068 = arith.constant 1 : i32
      %scatter3A_1069 = arith.constant 0 : i32
      %scatter3A_1070 = arith.constant 0 : i32
      %scatter3A_1071 = tpu.memref_slice %arg7[%scatter3A_1068, %scatter3A_1069, %scatter3A_1070] : memref<5x128x128xf32, #tpu.memory_space<vmem>> -> memref<1x128x128xf32, #tpu.memory_space<vmem>>
      %scatter3A_1072 = tpu.memref_squeeze %scatter3A_1071 : memref<1x128x128xf32, #tpu.memory_space<vmem>> -> memref<128x128xf32, #tpu.memory_space<vmem>>
      tpu.vector_store_idx %scatter3A_1072[%add3A_1067, %broadcast_in_dim3A_1002], %get3A_1064 : memref<128x128xf32, #tpu.memory_space<vmem>>[vector<16xi32>, vector<16xi32>], vector<16xf32>,
      %get3A_1073 = arith.constant 1 : i32
      %get3A_1074 = arith.constant 1 : i32
      %get3A_1075 = arith.index_cast %get3A_1073 : i32 to index
      %get3A_1076 = arith.index_cast %get3A_1074 : i32 to index
      %get3A_1077 = arith.constant 80 : index
      %get3A_1078 = tpu.vector_load %arg8[%get3A_1075, %get3A_1076, %get3A_1077] {strides = array<i32>} : memref<5x4x128xf32, #tpu.memory_space<vmem>>, vector<16xf32>,
      %add3A_1079 = arith.constant 80 : i32
      %add3A_1080 = vector.broadcast %add3A_1079 : i32 to vector<16xi32>
      %add3A_1081 = arith.addi %iota3A, %add3A_1080 : vector<16xi32>
      %scatter3A_1082 = arith.constant 1 : i32
      %scatter3A_1083 = arith.constant 0 : i32
      %scatter3A_1084 = arith.constant 0 : i32
      %scatter3A_1085 = tpu.memref_slice %arg7[%scatter3A_1082, %scatter3A_1083, %scatter3A_1084] : memref<5x128x128xf32, #tpu.memory_space<vmem>> -> memref<1x128x128xf32, #tpu.memory_space<vmem>>
      %scatter3A_1086 = tpu.memref_squeeze %scatter3A_1085 : memref<1x128x128xf32, #tpu.memory_space<vmem>> -> memref<128x128xf32, #tpu.memory_space<vmem>>
      tpu.vector_store_idx %scatter3A_1086[%add3A_1081, %broadcast_in_dim3A_1002], %get3A_1078 : memref<128x128xf32, #tpu.memory_space<vmem>>[vector<16xi32>, vector<16xi32>], vector<16xf32>,
      %get3A_1087 = arith.constant 1 : i32
      %get3A_1088 = arith.constant 1 : i32
      %get3A_1089 = arith.index_cast %get3A_1087 : i32 to index
      %get3A_1090 = arith.index_cast %get3A_1088 : i32 to index
      %get3A_1091 = arith.constant 96 : index
      %get3A_1092 = tpu.vector_load %arg8[%get3A_1089, %get3A_1090, %get3A_1091] {strides = array<i32>} : memref<5x4x128xf32, #tpu.memory_space<vmem>>, vector<16xf32>,
      %add3A_1093 = arith.constant 96 : i32
      %add3A_1094 = vector.broadcast %add3A_1093 : i32 to vector<16xi32>
      %add3A_1095 = arith.addi %iota3A, %add3A_1094 : vector<16xi32>
      %scatter3A_1096 = arith.constant 1 : i32
      %scatter3A_1097 = arith.constant 0 : i32
      %scatter3A_1098 = arith.constant 0 : i32
      %scatter3A_1099 = tpu.memref_slice %arg7[%scatter3A_1096, %scatter3A_1097, %scatter3A_1098] : memref<5x128x128xf32, #tpu.memory_space<vmem>> -> memref<1x128x128xf32, #tpu.memory_space<vmem>>
      %scatter3A_1100 = tpu.memref_squeeze %scatter3A_1099 : memref<1x128x128xf32, #tpu.memory_space<vmem>> -> memref<128x128xf32, #tpu.memory_space<vmem>>
      tpu.vector_store_idx %scatter3A_1100[%add3A_1095, %broadcast_in_dim3A_1002], %get3A_1092 : memref<128x128xf32, #tpu.memory_space<vmem>>[vector<16xi32>, vector<16xi32>], vector<16xf32>,
      %get3A_1101 = arith.constant 1 : i32
      %get3A_1102 = arith.constant 1 : i32
      %get3A_1103 = arith.index_cast %get3A_1101 : i32 to index
      %get3A_1104 = arith.index_cast %get3A_1102 : i32 to index
      %get3A_1105 = arith.constant 112 : index
      %get3A_1106 = tpu.vector_load %arg8[%get3A_1103, %get3A_1104, %get3A_1105] {strides = array<i32>} : memref<5x4x128xf32, #tpu.memory_space<vmem>>, vector<16xf32>,
      %add3A_1107 = arith.constant 112 : i32
      %add3A_1108 = vector.broadcast %add3A_1107 : i32 to vector<16xi32>
      %add3A_1109 = arith.addi %iota3A, %add3A_1108 : vector<16xi32>
      %scatter3A_1110 = arith.constant 1 : i32
      %scatter3A_1111 = arith.constant 0 : i32
      %scatter3A_1112 = arith.constant 0 : i32
      %scatter3A_1113 = tpu.memref_slice %arg7[%scatter3A_1110, %scatter3A_1111, %scatter3A_1112] : memref<5x128x128xf32, #tpu.memory_space<vmem>> -> memref<1x128x128xf32, #tpu.memory_space<vmem>>
      %scatter3A_1114 = tpu.memref_squeeze %scatter3A_1113 : memref<1x128x128xf32, #tpu.memory_space<vmem>> -> memref<128x128xf32, #tpu.memory_space<vmem>>
      tpu.vector_store_idx %scatter3A_1114[%add3A_1109, %broadcast_in_dim3A_1002], %get3A_1106 : memref<128x128xf32, #tpu.memory_space<vmem>>[vector<16xi32>, vector<16xi32>], vector<16xf32>,
      %broadcast_in_dim3A_1115 = arith.constant 126 : i32
      %broadcast_in_dim3A_1116 = vector.broadcast %broadcast_in_dim3A_1115 : i32 to vector<16xi32>
      %get3A_1117 = arith.constant 1 : i32
      %get3A_1118 = arith.constant 2 : i32
      %get3A_1119 = arith.index_cast %get3A_1117 : i32 to index
      %get3A_1120 = arith.index_cast %get3A_1118 : i32 to index
      %get3A_1121 = arith.constant 0 : index
      %get3A_1122 = tpu.vector_load %arg8[%get3A_1119, %get3A_1120, %get3A_1121] {strides = array<i32>} : memref<5x4x128xf32, #tpu.memory_space<vmem>>, vector<16xf32>,
      %add3A_1123 = arith.constant 0 : i32
      %add3A_1124 = vector.broadcast %add3A_1123 : i32 to vector<16xi32>
      %add3A_1125 = arith.addi %iota3A, %add3A_1124 : vector<16xi32>
      %scatter3A_1126 = arith.constant 1 : i32
      %scatter3A_1127 = arith.constant 0 : i32
      %scatter3A_1128 = arith.constant 0 : i32
      %scatter3A_1129 = tpu.memref_slice %arg7[%scatter3A_1126, %scatter3A_1127, %scatter3A_1128] : memref<5x128x128xf32, #tpu.memory_space<vmem>> -> memref<1x128x128xf32, #tpu.memory_space<vmem>>
      %scatter3A_1130 = tpu.memref_squeeze %scatter3A_1129 : memref<1x128x128xf32, #tpu.memory_space<vmem>> -> memref<128x128xf32, #tpu.memory_space<vmem>>
      tpu.vector_store_idx %scatter3A_1130[%add3A_1125, %broadcast_in_dim3A_1116], %get3A_1122 : memref<128x128xf32, #tpu.memory_space<vmem>>[vector<16xi32>, vector<16xi32>], vector<16xf32>,
      %get3A_1131 = arith.constant 1 : i32
      %get3A_1132 = arith.constant 2 : i32
      %get3A_1133 = arith.index_cast %get3A_1131 : i32 to index
      %get3A_1134 = arith.index_cast %get3A_1132 : i32 to index
      %get3A_1135 = arith.constant 16 : index
      %get3A_1136 = tpu.vector_load %arg8[%get3A_1133, %get3A_1134, %get3A_1135] {strides = array<i32>} : memref<5x4x128xf32, #tpu.memory_space<vmem>>, vector<16xf32>,
      %add3A_1137 = arith.constant 16 : i32
      %add3A_1138 = vector.broadcast %add3A_1137 : i32 to vector<16xi32>
      %add3A_1139 = arith.addi %iota3A, %add3A_1138 : vector<16xi32>
      %scatter3A_1140 = arith.constant 1 : i32
      %scatter3A_1141 = arith.constant 0 : i32
      %scatter3A_1142 = arith.constant 0 : i32
      %scatter3A_1143 = tpu.memref_slice %arg7[%scatter3A_1140, %scatter3A_1141, %scatter3A_1142] : memref<5x128x128xf32, #tpu.memory_space<vmem>> -> memref<1x128x128xf32, #tpu.memory_space<vmem>>
      %scatter3A_1144 = tpu.memref_squeeze %scatter3A_1143 : memref<1x128x128xf32, #tpu.memory_space<vmem>> -> memref<128x128xf32, #tpu.memory_space<vmem>>
      tpu.vector_store_idx %scatter3A_1144[%add3A_1139, %broadcast_in_dim3A_1116], %get3A_1136 : memref<128x128xf32, #tpu.memory_space<vmem>>[vector<16xi32>, vector<16xi32>], vector<16xf32>,
      %get3A_1145 = arith.constant 1 : i32
      %get3A_1146 = arith.constant 2 : i32
      %get3A_1147 = arith.index_cast %get3A_1145 : i32 to index
      %get3A_1148 = arith.index_cast %get3A_1146 : i32 to index
      %get3A_1149 = arith.constant 32 : index
      %get3A_1150 = tpu.vector_load %arg8[%get3A_1147, %get3A_1148, %get3A_1149] {strides = array<i32>} : memref<5x4x128xf32, #tpu.memory_space<vmem>>, vector<16xf32>,
      %add3A_1151 = arith.constant 32 : i32
      %add3A_1152 = vector.broadcast %add3A_1151 : i32 to vector<16xi32>
      %add3A_1153 = arith.addi %iota3A, %add3A_1152 : vector<16xi32>
      %scatter3A_1154 = arith.constant 1 : i32
      %scatter3A_1155 = arith.constant 0 : i32
      %scatter3A_1156 = arith.constant 0 : i32
      %scatter3A_1157 = tpu.memref_slice %arg7[%scatter3A_1154, %scatter3A_1155, %scatter3A_1156] : memref<5x128x128xf32, #tpu.memory_space<vmem>> -> memref<1x128x128xf32, #tpu.memory_space<vmem>>
      %scatter3A_1158 = tpu.memref_squeeze %scatter3A_1157 : memref<1x128x128xf32, #tpu.memory_space<vmem>> -> memref<128x128xf32, #tpu.memory_space<vmem>>
      tpu.vector_store_idx %scatter3A_1158[%add3A_1153, %broadcast_in_dim3A_1116], %get3A_1150 : memref<128x128xf32, #tpu.memory_space<vmem>>[vector<16xi32>, vector<16xi32>], vector<16xf32>,
      %get3A_1159 = arith.constant 1 : i32
      %get3A_1160 = arith.constant 2 : i32
      %get3A_1161 = arith.index_cast %get3A_1159 : i32 to index
      %get3A_1162 = arith.index_cast %get3A_1160 : i32 to index
      %get3A_1163 = arith.constant 48 : index
      %get3A_1164 = tpu.vector_load %arg8[%get3A_1161, %get3A_1162, %get3A_1163] {strides = array<i32>} : memref<5x4x128xf32, #tpu.memory_space<vmem>>, vector<16xf32>,
      %add3A_1165 = arith.constant 48 : i32
      %add3A_1166 = vector.broadcast %add3A_1165 : i32 to vector<16xi32>
      %add3A_1167 = arith.addi %iota3A, %add3A_1166 : vector<16xi32>
      %scatter3A_1168 = arith.constant 1 : i32
      %scatter3A_1169 = arith.constant 0 : i32
      %scatter3A_1170 = arith.constant 0 : i32
      %scatter3A_1171 = tpu.memref_slice %arg7[%scatter3A_1168, %scatter3A_1169, %scatter3A_1170] : memref<5x128x128xf32, #tpu.memory_space<vmem>> -> memref<1x128x128xf32, #tpu.memory_space<vmem>>
      %scatter3A_1172 = tpu.memref_squeeze %scatter3A_1171 : memref<1x128x128xf32, #tpu.memory_space<vmem>> -> memref<128x128xf32, #tpu.memory_space<vmem>>
      tpu.vector_store_idx %scatter3A_1172[%add3A_1167, %broadcast_in_dim3A_1116], %get3A_1164 : memref<128x128xf32, #tpu.memory_space<vmem>>[vector<16xi32>, vector<16xi32>], vector<16xf32>,
      %get3A_1173 = arith.constant 1 : i32
      %get3A_1174 = arith.constant 2 : i32
      %get3A_1175 = arith.index_cast %get3A_1173 : i32 to index
      %get3A_1176 = arith.index_cast %get3A_1174 : i32 to index
      %get3A_1177 = arith.constant 64 : index
      %get3A_1178 = tpu.vector_load %arg8[%get3A_1175, %get3A_1176, %get3A_1177] {strides = array<i32>} : memref<5x4x128xf32, #tpu.memory_space<vmem>>, vector<16xf32>,
      %add3A_1179 = arith.constant 64 : i32
      %add3A_1180 = vector.broadcast %add3A_1179 : i32 to vector<16xi32>
      %add3A_1181 = arith.addi %iota3A, %add3A_1180 : vector<16xi32>
      %scatter3A_1182 = arith.constant 1 : i32
      %scatter3A_1183 = arith.constant 0 : i32
      %scatter3A_1184 = arith.constant 0 : i32
      %scatter3A_1185 = tpu.memref_slice %arg7[%scatter3A_1182, %scatter3A_1183, %scatter3A_1184] : memref<5x128x128xf32, #tpu.memory_space<vmem>> -> memref<1x128x128xf32, #tpu.memory_space<vmem>>
      %scatter3A_1186 = tpu.memref_squeeze %scatter3A_1185 : memref<1x128x128xf32, #tpu.memory_space<vmem>> -> memref<128x128xf32, #tpu.memory_space<vmem>>
      tpu.vector_store_idx %scatter3A_1186[%add3A_1181, %broadcast_in_dim3A_1116], %get3A_1178 : memref<128x128xf32, #tpu.memory_space<vmem>>[vector<16xi32>, vector<16xi32>], vector<16xf32>,
      %get3A_1187 = arith.constant 1 : i32
      %get3A_1188 = arith.constant 2 : i32
      %get3A_1189 = arith.index_cast %get3A_1187 : i32 to index
      %get3A_1190 = arith.index_cast %get3A_1188 : i32 to index
      %get3A_1191 = arith.constant 80 : index
      %get3A_1192 = tpu.vector_load %arg8[%get3A_1189, %get3A_1190, %get3A_1191] {strides = array<i32>} : memref<5x4x128xf32, #tpu.memory_space<vmem>>, vector<16xf32>,
      %add3A_1193 = arith.constant 80 : i32
      %add3A_1194 = vector.broadcast %add3A_1193 : i32 to vector<16xi32>
      %add3A_1195 = arith.addi %iota3A, %add3A_1194 : vector<16xi32>
      %scatter3A_1196 = arith.constant 1 : i32
      %scatter3A_1197 = arith.constant 0 : i32
      %scatter3A_1198 = arith.constant 0 : i32
      %scatter3A_1199 = tpu.memref_slice %arg7[%scatter3A_1196, %scatter3A_1197, %scatter3A_1198] : memref<5x128x128xf32, #tpu.memory_space<vmem>> -> memref<1x128x128xf32, #tpu.memory_space<vmem>>
      %scatter3A_1200 = tpu.memref_squeeze %scatter3A_1199 : memref<1x128x128xf32, #tpu.memory_space<vmem>> -> memref<128x128xf32, #tpu.memory_space<vmem>>
      tpu.vector_store_idx %scatter3A_1200[%add3A_1195, %broadcast_in_dim3A_1116], %get3A_1192 : memref<128x128xf32, #tpu.memory_space<vmem>>[vector<16xi32>, vector<16xi32>], vector<16xf32>,
      %get3A_1201 = arith.constant 1 : i32
      %get3A_1202 = arith.constant 2 : i32
      %get3A_1203 = arith.index_cast %get3A_1201 : i32 to index
      %get3A_1204 = arith.index_cast %get3A_1202 : i32 to index
      %get3A_1205 = arith.constant 96 : index
      %get3A_1206 = tpu.vector_load %arg8[%get3A_1203, %get3A_1204, %get3A_1205] {strides = array<i32>} : memref<5x4x128xf32, #tpu.memory_space<vmem>>, vector<16xf32>,
      %add3A_1207 = arith.constant 96 : i32
      %add3A_1208 = vector.broadcast %add3A_1207 : i32 to vector<16xi32>
      %add3A_1209 = arith.addi %iota3A, %add3A_1208 : vector<16xi32>
      %scatter3A_1210 = arith.constant 1 : i32
      %scatter3A_1211 = arith.constant 0 : i32
      %scatter3A_1212 = arith.constant 0 : i32
      %scatter3A_1213 = tpu.memref_slice %arg7[%scatter3A_1210, %scatter3A_1211, %scatter3A_1212] : memref<5x128x128xf32, #tpu.memory_space<vmem>> -> memref<1x128x128xf32, #tpu.memory_space<vmem>>
      %scatter3A_1214 = tpu.memref_squeeze %scatter3A_1213 : memref<1x128x128xf32, #tpu.memory_space<vmem>> -> memref<128x128xf32, #tpu.memory_space<vmem>>
      tpu.vector_store_idx %scatter3A_1214[%add3A_1209, %broadcast_in_dim3A_1116], %get3A_1206 : memref<128x128xf32, #tpu.memory_space<vmem>>[vector<16xi32>, vector<16xi32>], vector<16xf32>,
      %get3A_1215 = arith.constant 1 : i32
      %get3A_1216 = arith.constant 2 : i32
      %get3A_1217 = arith.index_cast %get3A_1215 : i32 to index
      %get3A_1218 = arith.index_cast %get3A_1216 : i32 to index
      %get3A_1219 = arith.constant 112 : index
      %get3A_1220 = tpu.vector_load %arg8[%get3A_1217, %get3A_1218, %get3A_1219] {strides = array<i32>} : memref<5x4x128xf32, #tpu.memory_space<vmem>>, vector<16xf32>,
      %add3A_1221 = arith.constant 112 : i32
      %add3A_1222 = vector.broadcast %add3A_1221 : i32 to vector<16xi32>
      %add3A_1223 = arith.addi %iota3A, %add3A_1222 : vector<16xi32>
      %scatter3A_1224 = arith.constant 1 : i32
      %scatter3A_1225 = arith.constant 0 : i32
      %scatter3A_1226 = arith.constant 0 : i32
      %scatter3A_1227 = tpu.memref_slice %arg7[%scatter3A_1224, %scatter3A_1225, %scatter3A_1226] : memref<5x128x128xf32, #tpu.memory_space<vmem>> -> memref<1x128x128xf32, #tpu.memory_space<vmem>>
      %scatter3A_1228 = tpu.memref_squeeze %scatter3A_1227 : memref<1x128x128xf32, #tpu.memory_space<vmem>> -> memref<128x128xf32, #tpu.memory_space<vmem>>
      tpu.vector_store_idx %scatter3A_1228[%add3A_1223, %broadcast_in_dim3A_1116], %get3A_1220 : memref<128x128xf32, #tpu.memory_space<vmem>>[vector<16xi32>, vector<16xi32>], vector<16xf32>,
      %broadcast_in_dim3A_1229 = arith.constant 127 : i32
      %broadcast_in_dim3A_1230 = vector.broadcast %broadcast_in_dim3A_1229 : i32 to vector<16xi32>
      %get3A_1231 = arith.constant 1 : i32
      %get3A_1232 = arith.constant 3 : i32
      %get3A_1233 = arith.index_cast %get3A_1231 : i32 to index
      %get3A_1234 = arith.index_cast %get3A_1232 : i32 to index
      %get3A_1235 = arith.constant 0 : index
      %get3A_1236 = tpu.vector_load %arg8[%get3A_1233, %get3A_1234, %get3A_1235] {strides = array<i32>} : memref<5x4x128xf32, #tpu.memory_space<vmem>>, vector<16xf32>,
      %add3A_1237 = arith.constant 0 : i32
      %add3A_1238 = vector.broadcast %add3A_1237 : i32 to vector<16xi32>
      %add3A_1239 = arith.addi %iota3A, %add3A_1238 : vector<16xi32>
      %scatter3A_1240 = arith.constant 1 : i32
      %scatter3A_1241 = arith.constant 0 : i32
      %scatter3A_1242 = arith.constant 0 : i32
      %scatter3A_1243 = tpu.memref_slice %arg7[%scatter3A_1240, %scatter3A_1241, %scatter3A_1242] : memref<5x128x128xf32, #tpu.memory_space<vmem>> -> memref<1x128x128xf32, #tpu.memory_space<vmem>>
      %scatter3A_1244 = tpu.memref_squeeze %scatter3A_1243 : memref<1x128x128xf32, #tpu.memory_space<vmem>> -> memref<128x128xf32, #tpu.memory_space<vmem>>
      tpu.vector_store_idx %scatter3A_1244[%add3A_1239, %broadcast_in_dim3A_1230], %get3A_1236 : memref<128x128xf32, #tpu.memory_space<vmem>>[vector<16xi32>, vector<16xi32>], vector<16xf32>,
      %get3A_1245 = arith.constant 1 : i32
      %get3A_1246 = arith.constant 3 : i32
      %get3A_1247 = arith.index_cast %get3A_1245 : i32 to index
      %get3A_1248 = arith.index_cast %get3A_1246 : i32 to index
      %get3A_1249 = arith.constant 16 : index
      %get3A_1250 = tpu.vector_load %arg8[%get3A_1247, %get3A_1248, %get3A_1249] {strides = array<i32>} : memref<5x4x128xf32, #tpu.memory_space<vmem>>, vector<16xf32>,
      %add3A_1251 = arith.constant 16 : i32
      %add3A_1252 = vector.broadcast %add3A_1251 : i32 to vector<16xi32>
      %add3A_1253 = arith.addi %iota3A, %add3A_1252 : vector<16xi32>
      %scatter3A_1254 = arith.constant 1 : i32
      %scatter3A_1255 = arith.constant 0 : i32
      %scatter3A_1256 = arith.constant 0 : i32
      %scatter3A_1257 = tpu.memref_slice %arg7[%scatter3A_1254, %scatter3A_1255, %scatter3A_1256] : memref<5x128x128xf32, #tpu.memory_space<vmem>> -> memref<1x128x128xf32, #tpu.memory_space<vmem>>
      %scatter3A_1258 = tpu.memref_squeeze %scatter3A_1257 : memref<1x128x128xf32, #tpu.memory_space<vmem>> -> memref<128x128xf32, #tpu.memory_space<vmem>>
      tpu.vector_store_idx %scatter3A_1258[%add3A_1253, %broadcast_in_dim3A_1230], %get3A_1250 : memref<128x128xf32, #tpu.memory_space<vmem>>[vector<16xi32>, vector<16xi32>], vector<16xf32>,
      %get3A_1259 = arith.constant 1 : i32
      %get3A_1260 = arith.constant 3 : i32
      %get3A_1261 = arith.index_cast %get3A_1259 : i32 to index
      %get3A_1262 = arith.index_cast %get3A_1260 : i32 to index
      %get3A_1263 = arith.constant 32 : index
      %get3A_1264 = tpu.vector_load %arg8[%get3A_1261, %get3A_1262, %get3A_1263] {strides = array<i32>} : memref<5x4x128xf32, #tpu.memory_space<vmem>>, vector<16xf32>,
      %add3A_1265 = arith.constant 32 : i32
      %add3A_1266 = vector.broadcast %add3A_1265 : i32 to vector<16xi32>
      %add3A_1267 = arith.addi %iota3A, %add3A_1266 : vector<16xi32>
      %scatter3A_1268 = arith.constant 1 : i32
      %scatter3A_1269 = arith.constant 0 : i32
      %scatter3A_1270 = arith.constant 0 : i32
      %scatter3A_1271 = tpu.memref_slice %arg7[%scatter3A_1268, %scatter3A_1269, %scatter3A_1270] : memref<5x128x128xf32, #tpu.memory_space<vmem>> -> memref<1x128x128xf32, #tpu.memory_space<vmem>>
      %scatter3A_1272 = tpu.memref_squeeze %scatter3A_1271 : memref<1x128x128xf32, #tpu.memory_space<vmem>> -> memref<128x128xf32, #tpu.memory_space<vmem>>
      tpu.vector_store_idx %scatter3A_1272[%add3A_1267, %broadcast_in_dim3A_1230], %get3A_1264 : memref<128x128xf32, #tpu.memory_space<vmem>>[vector<16xi32>, vector<16xi32>], vector<16xf32>,
      %get3A_1273 = arith.constant 1 : i32
      %get3A_1274 = arith.constant 3 : i32
      %get3A_1275 = arith.index_cast %get3A_1273 : i32 to index
      %get3A_1276 = arith.index_cast %get3A_1274 : i32 to index
      %get3A_1277 = arith.constant 48 : index
      %get3A_1278 = tpu.vector_load %arg8[%get3A_1275, %get3A_1276, %get3A_1277] {strides = array<i32>} : memref<5x4x128xf32, #tpu.memory_space<vmem>>, vector<16xf32>,
      %add3A_1279 = arith.constant 48 : i32
      %add3A_1280 = vector.broadcast %add3A_1279 : i32 to vector<16xi32>
      %add3A_1281 = arith.addi %iota3A, %add3A_1280 : vector<16xi32>
      %scatter3A_1282 = arith.constant 1 : i32
      %scatter3A_1283 = arith.constant 0 : i32
      %scatter3A_1284 = arith.constant 0 : i32
      %scatter3A_1285 = tpu.memref_slice %arg7[%scatter3A_1282, %scatter3A_1283, %scatter3A_1284] : memref<5x128x128xf32, #tpu.memory_space<vmem>> -> memref<1x128x128xf32, #tpu.memory_space<vmem>>
      %scatter3A_1286 = tpu.memref_squeeze %scatter3A_1285 : memref<1x128x128xf32, #tpu.memory_space<vmem>> -> memref<128x128xf32, #tpu.memory_space<vmem>>
      tpu.vector_store_idx %scatter3A_1286[%add3A_1281, %broadcast_in_dim3A_1230], %get3A_1278 : memref<128x128xf32, #tpu.memory_space<vmem>>[vector<16xi32>, vector<16xi32>], vector<16xf32>,
      %get3A_1287 = arith.constant 1 : i32
      %get3A_1288 = arith.constant 3 : i32
      %get3A_1289 = arith.index_cast %get3A_1287 : i32 to index
      %get3A_1290 = arith.index_cast %get3A_1288 : i32 to index
      %get3A_1291 = arith.constant 64 : index
      %get3A_1292 = tpu.vector_load %arg8[%get3A_1289, %get3A_1290, %get3A_1291] {strides = array<i32>} : memref<5x4x128xf32, #tpu.memory_space<vmem>>, vector<16xf32>,
      %add3A_1293 = arith.constant 64 : i32
      %add3A_1294 = vector.broadcast %add3A_1293 : i32 to vector<16xi32>
      %add3A_1295 = arith.addi %iota3A, %add3A_1294 : vector<16xi32>
      %scatter3A_1296 = arith.constant 1 : i32
      %scatter3A_1297 = arith.constant 0 : i32
      %scatter3A_1298 = arith.constant 0 : i32
      %scatter3A_1299 = tpu.memref_slice %arg7[%scatter3A_1296, %scatter3A_1297, %scatter3A_1298] : memref<5x128x128xf32, #tpu.memory_space<vmem>> -> memref<1x128x128xf32, #tpu.memory_space<vmem>>
      %scatter3A_1300 = tpu.memref_squeeze %scatter3A_1299 : memref<1x128x128xf32, #tpu.memory_space<vmem>> -> memref<128x128xf32, #tpu.memory_space<vmem>>
      tpu.vector_store_idx %scatter3A_1300[%add3A_1295, %broadcast_in_dim3A_1230], %get3A_1292 : memref<128x128xf32, #tpu.memory_space<vmem>>[vector<16xi32>, vector<16xi32>], vector<16xf32>,
      %get3A_1301 = arith.constant 1 : i32
      %get3A_1302 = arith.constant 3 : i32
      %get3A_1303 = arith.index_cast %get3A_1301 : i32 to index
      %get3A_1304 = arith.index_cast %get3A_1302 : i32 to index
      %get3A_1305 = arith.constant 80 : index
      %get3A_1306 = tpu.vector_load %arg8[%get3A_1303, %get3A_1304, %get3A_1305] {strides = array<i32>} : memref<5x4x128xf32, #tpu.memory_space<vmem>>, vector<16xf32>,
      %add3A_1307 = arith.constant 80 : i32
      %add3A_1308 = vector.broadcast %add3A_1307 : i32 to vector<16xi32>
      %add3A_1309 = arith.addi %iota3A, %add3A_1308 : vector<16xi32>
      %scatter3A_1310 = arith.constant 1 : i32
      %scatter3A_1311 = arith.constant 0 : i32
      %scatter3A_1312 = arith.constant 0 : i32
      %scatter3A_1313 = tpu.memref_slice %arg7[%scatter3A_1310, %scatter3A_1311, %scatter3A_1312] : memref<5x128x128xf32, #tpu.memory_space<vmem>> -> memref<1x128x128xf32, #tpu.memory_space<vmem>>
      %scatter3A_1314 = tpu.memref_squeeze %scatter3A_1313 : memref<1x128x128xf32, #tpu.memory_space<vmem>> -> memref<128x128xf32, #tpu.memory_space<vmem>>
      tpu.vector_store_idx %scatter3A_1314[%add3A_1309, %broadcast_in_dim3A_1230], %get3A_1306 : memref<128x128xf32, #tpu.memory_space<vmem>>[vector<16xi32>, vector<16xi32>], vector<16xf32>,
      %get3A_1315 = arith.constant 1 : i32
      %get3A_1316 = arith.constant 3 : i32
      %get3A_1317 = arith.index_cast %get3A_1315 : i32 to index
      %get3A_1318 = arith.index_cast %get3A_1316 : i32 to index
      %get3A_1319 = arith.constant 96 : index
      %get3A_1320 = tpu.vector_load %arg8[%get3A_1317, %get3A_1318, %get3A_1319] {strides = array<i32>} : memref<5x4x128xf32, #tpu.memory_space<vmem>>, vector<16xf32>,
      %add3A_1321 = arith.constant 96 : i32
      %add3A_1322 = vector.broadcast %add3A_1321 : i32 to vector<16xi32>
      %add3A_1323 = arith.addi %iota3A, %add3A_1322 : vector<16xi32>
      %scatter3A_1324 = arith.constant 1 : i32
      %scatter3A_1325 = arith.constant 0 : i32
      %scatter3A_1326 = arith.constant 0 : i32
      %scatter3A_1327 = tpu.memref_slice %arg7[%scatter3A_1324, %scatter3A_1325, %scatter3A_1326] : memref<5x128x128xf32, #tpu.memory_space<vmem>> -> memref<1x128x128xf32, #tpu.memory_space<vmem>>
      %scatter3A_1328 = tpu.memref_squeeze %scatter3A_1327 : memref<1x128x128xf32, #tpu.memory_space<vmem>> -> memref<128x128xf32, #tpu.memory_space<vmem>>
      tpu.vector_store_idx %scatter3A_1328[%add3A_1323, %broadcast_in_dim3A_1230], %get3A_1320 : memref<128x128xf32, #tpu.memory_space<vmem>>[vector<16xi32>, vector<16xi32>], vector<16xf32>,
      %get3A_1329 = arith.constant 1 : i32
      %get3A_1330 = arith.constant 3 : i32
      %get3A_1331 = arith.index_cast %get3A_1329 : i32 to index
      %get3A_1332 = arith.index_cast %get3A_1330 : i32 to index
      %get3A_1333 = arith.constant 112 : index
      %get3A_1334 = tpu.vector_load %arg8[%get3A_1331, %get3A_1332, %get3A_1333] {strides = array<i32>} : memref<5x4x128xf32, #tpu.memory_space<vmem>>, vector<16xf32>,
      %add3A_1335 = arith.constant 112 : i32
      %add3A_1336 = vector.broadcast %add3A_1335 : i32 to vector<16xi32>
      %add3A_1337 = arith.addi %iota3A, %add3A_1336 : vector<16xi32>
      %scatter3A_1338 = arith.constant 1 : i32
      %scatter3A_1339 = arith.constant 0 : i32
      %scatter3A_1340 = arith.constant 0 : i32
      %scatter3A_1341 = tpu.memref_slice %arg7[%scatter3A_1338, %scatter3A_1339, %scatter3A_1340] : memref<5x128x128xf32, #tpu.memory_space<vmem>> -> memref<1x128x128xf32, #tpu.memory_space<vmem>>
      %scatter3A_1342 = tpu.memref_squeeze %scatter3A_1341 : memref<1x128x128xf32, #tpu.memory_space<vmem>> -> memref<128x128xf32, #tpu.memory_space<vmem>>
      tpu.vector_store_idx %scatter3A_1342[%add3A_1337, %broadcast_in_dim3A_1230], %get3A_1334 : memref<128x128xf32, #tpu.memory_space<vmem>>[vector<16xi32>, vector<16xi32>], vector<16xf32>,
      %dma_start3A_1343 = arith.constant 1 : i32
      %dma_start3A_1344 = arith.constant 1 : i32
      %dma_start3A_1345 = arith.constant 0 : i32
      %dma_start3A_1346 = arith.constant 0 : i32
      %dma_start3A_1347 = tpu.memref_slice %arg7[%dma_start3A_1343, %dma_start3A_1345, %dma_start3A_1346] : memref<5x128x128xf32, #tpu.memory_space<vmem>> -> memref<1x128x128xf32, #tpu.memory_space<vmem>>
      %dma_start3A_1348 = tpu.memref_squeeze %dma_start3A_1347 : memref<1x128x128xf32, #tpu.memory_space<vmem>> -> memref<128x128xf32, #tpu.memory_space<vmem>>
      %dma_start3A_1349 = arith.constant 0 : i32
      %dma_start3A_1350 = tpu.memref_slice %arg9[%dma_start3A_1344, %dma_start3A_1349] : memref<5x128xi32, #tpu.memory_space<vmem>> -> memref<1x128xi32, #tpu.memory_space<vmem>>
      %dma_start3A_1351 = tpu.memref_squeeze %dma_start3A_1350 : memref<1x128xi32, #tpu.memory_space<vmem>> -> memref<128xi32, #tpu.memory_space<vmem>>
      %dma_start3A_1352 = arith.constant 0 : i32
      %dma_start3A_1353 = arith.constant 0 : i32
      %dma_start3A_1354 = tpu.memref_slice %arg5[%dma_start3A_1352, %dma_start3A_1353] : memref<819200x128xf32, #tpu.memory_space<hbm>> -> memref<819200x128xf32, #tpu.memory_space<hbm>>
      tpu.enqueue_indirect_dma source(%dma_start3A_1348 : memref<128x128xf32, #tpu.memory_space<vmem>>) target(%dma_start3A_1354 : memref<819200x128xf32, #tpu.memory_space<hbm>>) offsets(%dma_start3A_1351 : memref<128xi32, #tpu.memory_space<vmem>>) semaphore(%arg17 : memref<!tpu.dma_semaphore, #tpu.memory_space<semaphore_mem>>)
      %mul3A_1355 = arith.constant 5 : i32
      %mul3A_1356 = arith.muli %scan3A_216, %mul3A_1355 : i32
      %add3A_1357 = arith.constant 2 : i32
      %add3A_1358 = arith.addi %mul3A_1356, %add3A_1357 : i32
      %add3A_1359 = arith.constant 3 : i32
      %add3A_1360 = arith.addi %add3A_1358, %add3A_1359 : i32
      %lt3A_1361 = arith.constant 200 : i32
      %lt3A_1362 = arith.cmpi slt, %add3A_1360, %lt3A_1361 : i32
      %convert_element_type3A_1363 = arith.extui %lt3A_1362 : i1 to i32
      %cond3A_1364 = arith.constant 0 : i32
      %cond3A_1365 = arith.cmpi ne, %convert_element_type3A_1363, %cond3A_1364 : i32
      scf.if %cond3A_1365 {
        %ge3A = arith.constant 2 : i32
        %ge3A_3071 = arith.cmpi sge, %add3A_1358, %ge3A : i32
        %convert_element_type3A_3072 = arith.extui %ge3A_3071 : i1 to i32
        %cond3A_3073 = arith.constant 0 : i32
        %cond3A_3074 = arith.cmpi ne, %convert_element_type3A_3072, %cond3A_3073 : i32
        scf.if %cond3A_3074 {
          %dma_wait3A_3108 = arith.constant 0 : i32
          %dma_wait3A_3109 = arith.constant 0 : i32
          %dma_wait3A_3110 = arith.constant 0 : i32
          %dma_wait3A_3111 = arith.constant 0 : i32
          %dma_wait3A_3112 = tpu.memref_slice %arg7[%dma_wait3A_3108, %dma_wait3A_3110, %dma_wait3A_3111] : memref<5x128x128xf32, #tpu.memory_space<vmem>> -> memref<1x128x128xf32, #tpu.memory_space<vmem>>
          %dma_wait3A_3113 = tpu.memref_squeeze %dma_wait3A_3112 : memref<1x128x128xf32, #tpu.memory_space<vmem>> -> memref<128x128xf32, #tpu.memory_space<vmem>>
          %dma_wait3A_3114 = arith.constant 0 : i32
          %dma_wait3A_3115 = tpu.memref_slice %arg9[%dma_wait3A_3109, %dma_wait3A_3114] : memref<5x128xi32, #tpu.memory_space<vmem>> -> memref<1x128xi32, #tpu.memory_space<vmem>>
          %dma_wait3A_3116 = tpu.memref_squeeze %dma_wait3A_3115 : memref<1x128xi32, #tpu.memory_space<vmem>> -> memref<128xi32, #tpu.memory_space<vmem>>
          %dma_wait3A_3117 = arith.constant 0 : i32
          %dma_wait3A_3118 = arith.constant 0 : i32
          %dma_wait3A_3119 = tpu.memref_slice %arg5[%dma_wait3A_3117, %dma_wait3A_3118] : memref<819200x128xf32, #tpu.memory_space<hbm>> -> memref<819200x128xf32, #tpu.memory_space<hbm>>
          tpu.wait_indirect_dma semaphore(%arg16 : memref<!tpu.dma_semaphore, #tpu.memory_space<semaphore_mem>>) src(%dma_wait3A_3113 : memref<128x128xf32, #tpu.memory_space<vmem>>) dst(%dma_wait3A_3119 : memref<819200x128xf32, #tpu.memory_space<hbm>>)
        } else {
        }
        %add3A_3075 = arith.constant 3 : i32
        %add3A_3076 = arith.addi %add3A_1358, %add3A_3075 : i32
        %dma_start3A_3077 = arith.constant 0 : i32
        %dma_start3A_3078 = arith.constant 0 : i32
        %dma_start3A_3079 = arith.constant 0 : i32
        %dma_start3A_3080 = tpu.memref_slice %arg7[%dma_start3A_3077, %dma_start3A_3078, %dma_start3A_3079] : memref<5x128x128xf32, #tpu.memory_space<vmem>> -> memref<1x128x128xf32, #tpu.memory_space<vmem>>
        %dma_start3A_3081 = tpu.memref_squeeze %dma_start3A_3080 : memref<1x128x128xf32, #tpu.memory_space<vmem>> -> memref<128x128xf32, #tpu.memory_space<vmem>>
        %dma_start3A_3082 = arith.constant 0 : i32
        %dma_start3A_3083 = tpu.memref_slice %arg6[%add3A_3076, %dma_start3A_3082] : memref<200x128xi32, #tpu.memory_space<vmem>> -> memref<1x128xi32, #tpu.memory_space<vmem>>
        %dma_start3A_3084 = tpu.memref_squeeze %dma_start3A_3083 : memref<1x128xi32, #tpu.memory_space<vmem>> -> memref<128xi32, #tpu.memory_space<vmem>>
        %dma_start3A_3085 = arith.constant 0 : i32
        %dma_start3A_3086 = arith.constant 0 : i32
        %dma_start3A_3087 = tpu.memref_slice %arg4[%dma_start3A_3085, %dma_start3A_3086] : memref<100000x128xf32, #tpu.memory_space<hbm>> -> memref<100000x128xf32, #tpu.memory_space<hbm>>
        tpu.enqueue_indirect_dma source(%dma_start3A_3087 : memref<100000x128xf32, #tpu.memory_space<hbm>>) target(%dma_start3A_3081 : memref<128x128xf32, #tpu.memory_space<vmem>>) offsets(%dma_start3A_3084 : memref<128xi32, #tpu.memory_space<vmem>>) semaphore(%arg11 : memref<!tpu.dma_semaphore, #tpu.memory_space<semaphore_mem>>)
        %mul3A_3088 = arith.constant 32 : i32
        %mul3A_3089 = arith.muli %add3A_3076, %mul3A_3088 : i32
        %mul3A_3090 = arith.constant 4 : i32
        %mul3A_3091 = arith.muli %mul3A_3089, %mul3A_3090 : i32
        %mul3A_3092 = arith.constant 4 : i32
        %mul3A_3093 = arith.muli %add3A, %mul3A_3092 : i32
        %add3A_3094 = arith.addi %mul3A_3091, %mul3A_3093 : i32
        %dma_start3A_3095 = arith.constant 0 : i32
        %dma_start3A_3096 = arith.constant 0 : i32
        %dma_start3A_3097 = arith.constant 0 : i32
        %dma_start3A_3098 = tpu.memref_slice %arg8[%dma_start3A_3095, %dma_start3A_3096, %dma_start3A_3097] : memref<5x4x128xf32, #tpu.memory_space<vmem>> -> memref<1x4x128xf32, #tpu.memory_space<vmem>>
        %dma_start3A_3099 = tpu.memref_squeeze %dma_start3A_3098 : memref<1x4x128xf32, #tpu.memory_space<vmem>> -> memref<4x128xf32, #tpu.memory_space<vmem>>
        %dma_start3A_3100 = arith.constant 0 : i32
        %dma_start3A_3101 = tpu.memref_slice %arg3[%add3A_3094, %dma_start3A_3100] : memref<25600x128xf32, #tpu.memory_space<hbm>> -> memref<4x128xf32, #tpu.memory_space<hbm>>
        %dma_start3A_3102 = arith.constant 0 : i32
        %dma_start3A_3103 = arith.constant 0 : i32
        %dma_start3A_3104 = tpu.memref_slice %arg8[%dma_start3A_3095, %dma_start3A_3102, %dma_start3A_3103] : memref<5x4x128xf32, #tpu.memory_space<vmem>> -> memref<1x4x128xf32, #tpu.memory_space<vmem>>
        %dma_start3A_3105 = tpu.memref_squeeze %dma_start3A_3104 : memref<1x4x128xf32, #tpu.memory_space<vmem>> -> memref<4x128xf32, #tpu.memory_space<vmem>>
        %dma_start3A_3106 = arith.constant 0 : i32
        %dma_start3A_3107 = tpu.memref_slice %arg3[%add3A_3094, %dma_start3A_3106] : memref<25600x128xf32, #tpu.memory_space<hbm>> -> memref<4x128xf32, #tpu.memory_space<hbm>>
        tpu.enqueue_dma source(%dma_start3A_3107 : memref<4x128xf32, #tpu.memory_space<hbm>>) target(%dma_start3A_3105 : memref<4x128xf32, #tpu.memory_space<vmem>>) target_semaphore(%arg11 : memref<!tpu.dma_semaphore, #tpu.memory_space<semaphore_mem>>)
      } else {
      }
      %mul3A_1366 = arith.constant 25600 : i32
      %mul3A_1367 = arith.muli %add3A, %mul3A_1366 : i32
      %add3A_1368 = arith.addi %mul3A_1367, %add3A_1358 : i32
      %get3A_1369 = arith.constant 0 : index
      %get3A_1370 = tpu.vector_load %arg10[%get3A_1369] {strides = array<i32>} : memref<128xi32, #tpu.memory_space<vmem>>, vector<16xi32>,
      %add3A_1371 = vector.broadcast %add3A_1368 : i32 to vector<16xi32>
      %add3A_1372 = arith.addi %get3A_1370, %add3A_1371 : vector<16xi32>
      %swap3A_1373 = arith.constant 2 : i32
      %swap3A_1374 = arith.index_cast %swap3A_1373 : i32 to index
      %swap3A_1375 = arith.constant 0 : index
      %swap3A_1376 = tpu.vector_load %arg9[%swap3A_1374, %swap3A_1375] {strides = array<i32>} : memref<5x128xi32, #tpu.memory_space<vmem>>, vector<16xi32>,
      tpu.vector_store %arg9[%swap3A_1374, %swap3A_1375], %add3A_1372 {strides = array<i32>} : memref<5x128xi32, #tpu.memory_space<vmem>>, vector<16xi32>,
      %get3A_1377 = arith.constant 16 : index
      %get3A_1378 = tpu.vector_load %arg10[%get3A_1377] {strides = array<i32>} : memref<128xi32, #tpu.memory_space<vmem>>, vector<16xi32>,
      %add3A_1379 = vector.broadcast %add3A_1368 : i32 to vector<16xi32>
      %add3A_1380 = arith.addi %get3A_1378, %add3A_1379 : vector<16xi32>
      %swap3A_1381 = arith.constant 2 : i32
      %swap3A_1382 = arith.index_cast %swap3A_1381 : i32 to index
      %swap3A_1383 = arith.constant 16 : index
      %swap3A_1384 = tpu.vector_load %arg9[%swap3A_1382, %swap3A_1383] {strides = array<i32>} : memref<5x128xi32, #tpu.memory_space<vmem>>, vector<16xi32>,
      tpu.vector_store %arg9[%swap3A_1382, %swap3A_1383], %add3A_1380 {strides = array<i32>} : memref<5x128xi32, #tpu.memory_space<vmem>>, vector<16xi32>,
      %get3A_1385 = arith.constant 32 : index
      %get3A_1386 = tpu.vector_load %arg10[%get3A_1385] {strides = array<i32>} : memref<128xi32, #tpu.memory_space<vmem>>, vector<16xi32>,
      %add3A_1387 = vector.broadcast %add3A_1368 : i32 to vector<16xi32>
      %add3A_1388 = arith.addi %get3A_1386, %add3A_1387 : vector<16xi32>
      %swap3A_1389 = arith.constant 2 : i32
      %swap3A_1390 = arith.index_cast %swap3A_1389 : i32 to index
      %swap3A_1391 = arith.constant 32 : index
      %swap3A_1392 = tpu.vector_load %arg9[%swap3A_1390, %swap3A_1391] {strides = array<i32>} : memref<5x128xi32, #tpu.memory_space<vmem>>, vector<16xi32>,
      tpu.vector_store %arg9[%swap3A_1390, %swap3A_1391], %add3A_1388 {strides = array<i32>} : memref<5x128xi32, #tpu.memory_space<vmem>>, vector<16xi32>,
      %get3A_1393 = arith.constant 48 : index
      %get3A_1394 = tpu.vector_load %arg10[%get3A_1393] {strides = array<i32>} : memref<128xi32, #tpu.memory_space<vmem>>, vector<16xi32>,
      %add3A_1395 = vector.broadcast %add3A_1368 : i32 to vector<16xi32>
      %add3A_1396 = arith.addi %get3A_1394, %add3A_1395 : vector<16xi32>
      %swap3A_1397 = arith.constant 2 : i32
      %swap3A_1398 = arith.index_cast %swap3A_1397 : i32 to index
      %swap3A_1399 = arith.constant 48 : index
      %swap3A_1400 = tpu.vector_load %arg9[%swap3A_1398, %swap3A_1399] {strides = array<i32>} : memref<5x128xi32, #tpu.memory_space<vmem>>, vector<16xi32>,
      tpu.vector_store %arg9[%swap3A_1398, %swap3A_1399], %add3A_1396 {strides = array<i32>} : memref<5x128xi32, #tpu.memory_space<vmem>>, vector<16xi32>,
      %get3A_1401 = arith.constant 64 : index
      %get3A_1402 = tpu.vector_load %arg10[%get3A_1401] {strides = array<i32>} : memref<128xi32, #tpu.memory_space<vmem>>, vector<16xi32>,
      %add3A_1403 = vector.broadcast %add3A_1368 : i32 to vector<16xi32>
      %add3A_1404 = arith.addi %get3A_1402, %add3A_1403 : vector<16xi32>
      %swap3A_1405 = arith.constant 2 : i32
      %swap3A_1406 = arith.index_cast %swap3A_1405 : i32 to index
      %swap3A_1407 = arith.constant 64 : index
      %swap3A_1408 = tpu.vector_load %arg9[%swap3A_1406, %swap3A_1407] {strides = array<i32>} : memref<5x128xi32, #tpu.memory_space<vmem>>, vector<16xi32>,
      tpu.vector_store %arg9[%swap3A_1406, %swap3A_1407], %add3A_1404 {strides = array<i32>} : memref<5x128xi32, #tpu.memory_space<vmem>>, vector<16xi32>,
      %get3A_1409 = arith.constant 80 : index
      %get3A_1410 = tpu.vector_load %arg10[%get3A_1409] {strides = array<i32>} : memref<128xi32, #tpu.memory_space<vmem>>, vector<16xi32>,
      %add3A_1411 = vector.broadcast %add3A_1368 : i32 to vector<16xi32>
      %add3A_1412 = arith.addi %get3A_1410, %add3A_1411 : vector<16xi32>
      %swap3A_1413 = arith.constant 2 : i32
      %swap3A_1414 = arith.index_cast %swap3A_1413 : i32 to index
      %swap3A_1415 = arith.constant 80 : index
      %swap3A_1416 = tpu.vector_load %arg9[%swap3A_1414, %swap3A_1415] {strides = array<i32>} : memref<5x128xi32, #tpu.memory_space<vmem>>, vector<16xi32>,
      tpu.vector_store %arg9[%swap3A_1414, %swap3A_1415], %add3A_1412 {strides = array<i32>} : memref<5x128xi32, #tpu.memory_space<vmem>>, vector<16xi32>,
      %get3A_1417 = arith.constant 96 : index
      %get3A_1418 = tpu.vector_load %arg10[%get3A_1417] {strides = array<i32>} : memref<128xi32, #tpu.memory_space<vmem>>, vector<16xi32>,
      %add3A_1419 = vector.broadcast %add3A_1368 : i32 to vector<16xi32>
      %add3A_1420 = arith.addi %get3A_1418, %add3A_1419 : vector<16xi32>
      %swap3A_1421 = arith.constant 2 : i32
      %swap3A_1422 = arith.index_cast %swap3A_1421 : i32 to index
      %swap3A_1423 = arith.constant 96 : index
      %swap3A_1424 = tpu.vector_load %arg9[%swap3A_1422, %swap3A_1423] {strides = array<i32>} : memref<5x128xi32, #tpu.memory_space<vmem>>, vector<16xi32>,
      tpu.vector_store %arg9[%swap3A_1422, %swap3A_1423], %add3A_1420 {strides = array<i32>} : memref<5x128xi32, #tpu.memory_space<vmem>>, vector<16xi32>,
      %get3A_1425 = arith.constant 112 : index
      %get3A_1426 = tpu.vector_load %arg10[%get3A_1425] {strides = array<i32>} : memref<128xi32, #tpu.memory_space<vmem>>, vector<16xi32>,
      %add3A_1427 = vector.broadcast %add3A_1368 : i32 to vector<16xi32>
      %add3A_1428 = arith.addi %get3A_1426, %add3A_1427 : vector<16xi32>
      %swap3A_1429 = arith.constant 2 : i32
      %swap3A_1430 = arith.index_cast %swap3A_1429 : i32 to index
      %swap3A_1431 = arith.constant 112 : index
      %swap3A_1432 = tpu.vector_load %arg9[%swap3A_1430, %swap3A_1431] {strides = array<i32>} : memref<5x128xi32, #tpu.memory_space<vmem>>, vector<16xi32>,
      tpu.vector_store %arg9[%swap3A_1430, %swap3A_1431], %add3A_1428 {strides = array<i32>} : memref<5x128xi32, #tpu.memory_space<vmem>>, vector<16xi32>,
      %dma_wait3A_1433 = arith.constant 2 : i32
      %dma_wait3A_1434 = arith.constant 0 : i32
      %dma_wait3A_1435 = arith.constant 0 : i32
      %dma_wait3A_1436 = tpu.memref_slice %arg7[%dma_wait3A_1433, %dma_wait3A_1434, %dma_wait3A_1435] : memref<5x128x128xf32, #tpu.memory_space<vmem>> -> memref<1x128x128xf32, #tpu.memory_space<vmem>>
      %dma_wait3A_1437 = tpu.memref_squeeze %dma_wait3A_1436 : memref<1x128x128xf32, #tpu.memory_space<vmem>> -> memref<128x128xf32, #tpu.memory_space<vmem>>
      %dma_wait3A_1438 = arith.constant 0 : i32
      %dma_wait3A_1439 = tpu.memref_slice %arg6[%add3A_1358, %dma_wait3A_1438] : memref<200x128xi32, #tpu.memory_space<vmem>> -> memref<1x128xi32, #tpu.memory_space<vmem>>
      %dma_wait3A_1440 = tpu.memref_squeeze %dma_wait3A_1439 : memref<1x128xi32, #tpu.memory_space<vmem>> -> memref<128xi32, #tpu.memory_space<vmem>>
      %dma_wait3A_1441 = arith.constant 0 : i32
      %dma_wait3A_1442 = arith.constant 0 : i32
      %dma_wait3A_1443 = tpu.memref_slice %arg4[%dma_wait3A_1441, %dma_wait3A_1442] : memref<100000x128xf32, #tpu.memory_space<hbm>> -> memref<100000x128xf32, #tpu.memory_space<hbm>>
      tpu.wait_indirect_dma semaphore(%arg13 : memref<!tpu.dma_semaphore, #tpu.memory_space<semaphore_mem>>) src(%dma_wait3A_1443 : memref<100000x128xf32, #tpu.memory_space<hbm>>) dst(%dma_wait3A_1437 : memref<128x128xf32, #tpu.memory_space<vmem>>)
      %dma_wait3A_1444 = arith.constant 2 : i32
      %dma_wait3A_1445 = arith.constant 0 : i32
      %dma_wait3A_1446 = arith.constant 0 : i32
      %dma_wait3A_1447 = tpu.memref_slice %arg8[%dma_wait3A_1444, %dma_wait3A_1445, %dma_wait3A_1446] : memref<5x4x128xf32, #tpu.memory_space<vmem>> -> memref<1x4x128xf32, #tpu.memory_space<vmem>>
      %dma_wait3A_1448 = tpu.memref_squeeze %dma_wait3A_1447 : memref<1x4x128xf32, #tpu.memory_space<vmem>> -> memref<4x128xf32, #tpu.memory_space<vmem>>
      %dma_wait3A_1449 = arith.constant 0 : i32
      %dma_wait3A_1450 = arith.constant 0 : i32
      %dma_wait3A_1451 = tpu.memref_slice %arg3[%dma_wait3A_1449, %dma_wait3A_1450] : memref<25600x128xf32, #tpu.memory_space<hbm>> -> memref<4x128xf32, #tpu.memory_space<hbm>>
      %dma_wait3A_1452 = arith.constant 0 : i32
      %dma_wait3A_1453 = arith.constant 0 : i32
      %dma_wait3A_1454 = tpu.memref_slice %arg8[%dma_wait3A_1444, %dma_wait3A_1452, %dma_wait3A_1453] : memref<5x4x128xf32, #tpu.memory_space<vmem>> -> memref<1x4x128xf32, #tpu.memory_space<vmem>>
      %dma_wait3A_1455 = tpu.memref_squeeze %dma_wait3A_1454 : memref<1x4x128xf32, #tpu.memory_space<vmem>> -> memref<4x128xf32, #tpu.memory_space<vmem>>
      %dma_wait3A_1456 = arith.constant 0 : i32
      %dma_wait3A_1457 = arith.constant 0 : i32
      %dma_wait3A_1458 = tpu.memref_slice %arg3[%dma_wait3A_1456, %dma_wait3A_1457] : memref<25600x128xf32, #tpu.memory_space<hbm>> -> memref<4x128xf32, #tpu.memory_space<hbm>>
      tpu.wait_dma2 semaphore(%arg13 : memref<!tpu.dma_semaphore, #tpu.memory_space<semaphore_mem>>) src(%dma_wait3A_1458 : memref<4x128xf32, #tpu.memory_space<hbm>>) dst(%dma_wait3A_1455 : memref<4x128xf32, #tpu.memory_space<vmem>>)
      %broadcast_in_dim3A_1459 = arith.constant 124 : i32
      %broadcast_in_dim3A_1460 = vector.broadcast %broadcast_in_dim3A_1459 : i32 to vector<16xi32>
      %get3A_1461 = arith.constant 2 : i32
      %get3A_1462 = arith.constant 0 : i32
      %get3A_1463 = arith.index_cast %get3A_1461 : i32 to index
      %get3A_1464 = arith.index_cast %get3A_1462 : i32 to index
      %get3A_1465 = arith.constant 0 : index
      %get3A_1466 = tpu.vector_load %arg8[%get3A_1463, %get3A_1464, %get3A_1465] {strides = array<i32>} : memref<5x4x128xf32, #tpu.memory_space<vmem>>, vector<16xf32>,
      %add3A_1467 = arith.constant 0 : i32
      %add3A_1468 = vector.broadcast %add3A_1467 : i32 to vector<16xi32>
      %add3A_1469 = arith.addi %iota3A, %add3A_1468 : vector<16xi32>
      %scatter3A_1470 = arith.constant 2 : i32
      %scatter3A_1471 = arith.constant 0 : i32
      %scatter3A_1472 = arith.constant 0 : i32
      %scatter3A_1473 = tpu.memref_slice %arg7[%scatter3A_1470, %scatter3A_1471, %scatter3A_1472] : memref<5x128x128xf32, #tpu.memory_space<vmem>> -> memref<1x128x128xf32, #tpu.memory_space<vmem>>
      %scatter3A_1474 = tpu.memref_squeeze %scatter3A_1473 : memref<1x128x128xf32, #tpu.memory_space<vmem>> -> memref<128x128xf32, #tpu.memory_space<vmem>>
      tpu.vector_store_idx %scatter3A_1474[%add3A_1469, %broadcast_in_dim3A_1460], %get3A_1466 : memref<128x128xf32, #tpu.memory_space<vmem>>[vector<16xi32>, vector<16xi32>], vector<16xf32>,
      %get3A_1475 = arith.constant 2 : i32
      %get3A_1476 = arith.constant 0 : i32
      %get3A_1477 = arith.index_cast %get3A_1475 : i32 to index
      %get3A_1478 = arith.index_cast %get3A_1476 : i32 to index
      %get3A_1479 = arith.constant 16 : index
      %get3A_1480 = tpu.vector_load %arg8[%get3A_1477, %get3A_1478, %get3A_1479] {strides = array<i32>} : memref<5x4x128xf32, #tpu.memory_space<vmem>>, vector<16xf32>,
      %add3A_1481 = arith.constant 16 : i32
      %add3A_1482 = vector.broadcast %add3A_1481 : i32 to vector<16xi32>
      %add3A_1483 = arith.addi %iota3A, %add3A_1482 : vector<16xi32>
      %scatter3A_1484 = arith.constant 2 : i32
      %scatter3A_1485 = arith.constant 0 : i32
      %scatter3A_1486 = arith.constant 0 : i32
      %scatter3A_1487 = tpu.memref_slice %arg7[%scatter3A_1484, %scatter3A_1485, %scatter3A_1486] : memref<5x128x128xf32, #tpu.memory_space<vmem>> -> memref<1x128x128xf32, #tpu.memory_space<vmem>>
      %scatter3A_1488 = tpu.memref_squeeze %scatter3A_1487 : memref<1x128x128xf32, #tpu.memory_space<vmem>> -> memref<128x128xf32, #tpu.memory_space<vmem>>
      tpu.vector_store_idx %scatter3A_1488[%add3A_1483, %broadcast_in_dim3A_1460], %get3A_1480 : memref<128x128xf32, #tpu.memory_space<vmem>>[vector<16xi32>, vector<16xi32>], vector<16xf32>,
      %get3A_1489 = arith.constant 2 : i32
      %get3A_1490 = arith.constant 0 : i32
      %get3A_1491 = arith.index_cast %get3A_1489 : i32 to index
      %get3A_1492 = arith.index_cast %get3A_1490 : i32 to index
      %get3A_1493 = arith.constant 32 : index
      %get3A_1494 = tpu.vector_load %arg8[%get3A_1491, %get3A_1492, %get3A_1493] {strides = array<i32>} : memref<5x4x128xf32, #tpu.memory_space<vmem>>, vector<16xf32>,
      %add3A_1495 = arith.constant 32 : i32
      %add3A_1496 = vector.broadcast %add3A_1495 : i32 to vector<16xi32>
      %add3A_1497 = arith.addi %iota3A, %add3A_1496 : vector<16xi32>
      %scatter3A_1498 = arith.constant 2 : i32
      %scatter3A_1499 = arith.constant 0 : i32
      %scatter3A_1500 = arith.constant 0 : i32
      %scatter3A_1501 = tpu.memref_slice %arg7[%scatter3A_1498, %scatter3A_1499, %scatter3A_1500] : memref<5x128x128xf32, #tpu.memory_space<vmem>> -> memref<1x128x128xf32, #tpu.memory_space<vmem>>
      %scatter3A_1502 = tpu.memref_squeeze %scatter3A_1501 : memref<1x128x128xf32, #tpu.memory_space<vmem>> -> memref<128x128xf32, #tpu.memory_space<vmem>>
      tpu.vector_store_idx %scatter3A_1502[%add3A_1497, %broadcast_in_dim3A_1460], %get3A_1494 : memref<128x128xf32, #tpu.memory_space<vmem>>[vector<16xi32>, vector<16xi32>], vector<16xf32>,
      %get3A_1503 = arith.constant 2 : i32
      %get3A_1504 = arith.constant 0 : i32
      %get3A_1505 = arith.index_cast %get3A_1503 : i32 to index
      %get3A_1506 = arith.index_cast %get3A_1504 : i32 to index
      %get3A_1507 = arith.constant 48 : index
      %get3A_1508 = tpu.vector_load %arg8[%get3A_1505, %get3A_1506, %get3A_1507] {strides = array<i32>} : memref<5x4x128xf32, #tpu.memory_space<vmem>>, vector<16xf32>,
      %add3A_1509 = arith.constant 48 : i32
      %add3A_1510 = vector.broadcast %add3A_1509 : i32 to vector<16xi32>
      %add3A_1511 = arith.addi %iota3A, %add3A_1510 : vector<16xi32>
      %scatter3A_1512 = arith.constant 2 : i32
      %scatter3A_1513 = arith.constant 0 : i32
      %scatter3A_1514 = arith.constant 0 : i32
      %scatter3A_1515 = tpu.memref_slice %arg7[%scatter3A_1512, %scatter3A_1513, %scatter3A_1514] : memref<5x128x128xf32, #tpu.memory_space<vmem>> -> memref<1x128x128xf32, #tpu.memory_space<vmem>>
      %scatter3A_1516 = tpu.memref_squeeze %scatter3A_1515 : memref<1x128x128xf32, #tpu.memory_space<vmem>> -> memref<128x128xf32, #tpu.memory_space<vmem>>
      tpu.vector_store_idx %scatter3A_1516[%add3A_1511, %broadcast_in_dim3A_1460], %get3A_1508 : memref<128x128xf32, #tpu.memory_space<vmem>>[vector<16xi32>, vector<16xi32>], vector<16xf32>,
      %get3A_1517 = arith.constant 2 : i32
      %get3A_1518 = arith.constant 0 : i32
      %get3A_1519 = arith.index_cast %get3A_1517 : i32 to index
      %get3A_1520 = arith.index_cast %get3A_1518 : i32 to index
      %get3A_1521 = arith.constant 64 : index
      %get3A_1522 = tpu.vector_load %arg8[%get3A_1519, %get3A_1520, %get3A_1521] {strides = array<i32>} : memref<5x4x128xf32, #tpu.memory_space<vmem>>, vector<16xf32>,
      %add3A_1523 = arith.constant 64 : i32
      %add3A_1524 = vector.broadcast %add3A_1523 : i32 to vector<16xi32>
      %add3A_1525 = arith.addi %iota3A, %add3A_1524 : vector<16xi32>
      %scatter3A_1526 = arith.constant 2 : i32
      %scatter3A_1527 = arith.constant 0 : i32
      %scatter3A_1528 = arith.constant 0 : i32
      %scatter3A_1529 = tpu.memref_slice %arg7[%scatter3A_1526, %scatter3A_1527, %scatter3A_1528] : memref<5x128x128xf32, #tpu.memory_space<vmem>> -> memref<1x128x128xf32, #tpu.memory_space<vmem>>
      %scatter3A_1530 = tpu.memref_squeeze %scatter3A_1529 : memref<1x128x128xf32, #tpu.memory_space<vmem>> -> memref<128x128xf32, #tpu.memory_space<vmem>>
      tpu.vector_store_idx %scatter3A_1530[%add3A_1525, %broadcast_in_dim3A_1460], %get3A_1522 : memref<128x128xf32, #tpu.memory_space<vmem>>[vector<16xi32>, vector<16xi32>], vector<16xf32>,
      %get3A_1531 = arith.constant 2 : i32
      %get3A_1532 = arith.constant 0 : i32
      %get3A_1533 = arith.index_cast %get3A_1531 : i32 to index
      %get3A_1534 = arith.index_cast %get3A_1532 : i32 to index
      %get3A_1535 = arith.constant 80 : index
      %get3A_1536 = tpu.vector_load %arg8[%get3A_1533, %get3A_1534, %get3A_1535] {strides = array<i32>} : memref<5x4x128xf32, #tpu.memory_space<vmem>>, vector<16xf32>,
      %add3A_1537 = arith.constant 80 : i32
      %add3A_1538 = vector.broadcast %add3A_1537 : i32 to vector<16xi32>
      %add3A_1539 = arith.addi %iota3A, %add3A_1538 : vector<16xi32>
      %scatter3A_1540 = arith.constant 2 : i32
      %scatter3A_1541 = arith.constant 0 : i32
      %scatter3A_1542 = arith.constant 0 : i32
      %scatter3A_1543 = tpu.memref_slice %arg7[%scatter3A_1540, %scatter3A_1541, %scatter3A_1542] : memref<5x128x128xf32, #tpu.memory_space<vmem>> -> memref<1x128x128xf32, #tpu.memory_space<vmem>>
      %scatter3A_1544 = tpu.memref_squeeze %scatter3A_1543 : memref<1x128x128xf32, #tpu.memory_space<vmem>> -> memref<128x128xf32, #tpu.memory_space<vmem>>
      tpu.vector_store_idx %scatter3A_1544[%add3A_1539, %broadcast_in_dim3A_1460], %get3A_1536 : memref<128x128xf32, #tpu.memory_space<vmem>>[vector<16xi32>, vector<16xi32>], vector<16xf32>,
      %get3A_1545 = arith.constant 2 : i32
      %get3A_1546 = arith.constant 0 : i32
      %get3A_1547 = arith.index_cast %get3A_1545 : i32 to index
      %get3A_1548 = arith.index_cast %get3A_1546 : i32 to index
      %get3A_1549 = arith.constant 96 : index
      %get3A_1550 = tpu.vector_load %arg8[%get3A_1547, %get3A_1548, %get3A_1549] {strides = array<i32>} : memref<5x4x128xf32, #tpu.memory_space<vmem>>, vector<16xf32>,
      %add3A_1551 = arith.constant 96 : i32
      %add3A_1552 = vector.broadcast %add3A_1551 : i32 to vector<16xi32>
      %add3A_1553 = arith.addi %iota3A, %add3A_1552 : vector<16xi32>
      %scatter3A_1554 = arith.constant 2 : i32
      %scatter3A_1555 = arith.constant 0 : i32
      %scatter3A_1556 = arith.constant 0 : i32
      %scatter3A_1557 = tpu.memref_slice %arg7[%scatter3A_1554, %scatter3A_1555, %scatter3A_1556] : memref<5x128x128xf32, #tpu.memory_space<vmem>> -> memref<1x128x128xf32, #tpu.memory_space<vmem>>
      %scatter3A_1558 = tpu.memref_squeeze %scatter3A_1557 : memref<1x128x128xf32, #tpu.memory_space<vmem>> -> memref<128x128xf32, #tpu.memory_space<vmem>>
      tpu.vector_store_idx %scatter3A_1558[%add3A_1553, %broadcast_in_dim3A_1460], %get3A_1550 : memref<128x128xf32, #tpu.memory_space<vmem>>[vector<16xi32>, vector<16xi32>], vector<16xf32>,
      %get3A_1559 = arith.constant 2 : i32
      %get3A_1560 = arith.constant 0 : i32
      %get3A_1561 = arith.index_cast %get3A_1559 : i32 to index
      %get3A_1562 = arith.index_cast %get3A_1560 : i32 to index
      %get3A_1563 = arith.constant 112 : index
      %get3A_1564 = tpu.vector_load %arg8[%get3A_1561, %get3A_1562, %get3A_1563] {strides = array<i32>} : memref<5x4x128xf32, #tpu.memory_space<vmem>>, vector<16xf32>,
      %add3A_1565 = arith.constant 112 : i32
      %add3A_1566 = vector.broadcast %add3A_1565 : i32 to vector<16xi32>
      %add3A_1567 = arith.addi %iota3A, %add3A_1566 : vector<16xi32>
      %scatter3A_1568 = arith.constant 2 : i32
      %scatter3A_1569 = arith.constant 0 : i32
      %scatter3A_1570 = arith.constant 0 : i32
      %scatter3A_1571 = tpu.memref_slice %arg7[%scatter3A_1568, %scatter3A_1569, %scatter3A_1570] : memref<5x128x128xf32, #tpu.memory_space<vmem>> -> memref<1x128x128xf32, #tpu.memory_space<vmem>>
      %scatter3A_1572 = tpu.memref_squeeze %scatter3A_1571 : memref<1x128x128xf32, #tpu.memory_space<vmem>> -> memref<128x128xf32, #tpu.memory_space<vmem>>
      tpu.vector_store_idx %scatter3A_1572[%add3A_1567, %broadcast_in_dim3A_1460], %get3A_1564 : memref<128x128xf32, #tpu.memory_space<vmem>>[vector<16xi32>, vector<16xi32>], vector<16xf32>,
      %broadcast_in_dim3A_1573 = arith.constant 125 : i32
      %broadcast_in_dim3A_1574 = vector.broadcast %broadcast_in_dim3A_1573 : i32 to vector<16xi32>
      %get3A_1575 = arith.constant 2 : i32
      %get3A_1576 = arith.constant 1 : i32
      %get3A_1577 = arith.index_cast %get3A_1575 : i32 to index
      %get3A_1578 = arith.index_cast %get3A_1576 : i32 to index
      %get3A_1579 = arith.constant 0 : index
      %get3A_1580 = tpu.vector_load %arg8[%get3A_1577, %get3A_1578, %get3A_1579] {strides = array<i32>} : memref<5x4x128xf32, #tpu.memory_space<vmem>>, vector<16xf32>,
      %add3A_1581 = arith.constant 0 : i32
      %add3A_1582 = vector.broadcast %add3A_1581 : i32 to vector<16xi32>
      %add3A_1583 = arith.addi %iota3A, %add3A_1582 : vector<16xi32>
      %scatter3A_1584 = arith.constant 2 : i32
      %scatter3A_1585 = arith.constant 0 : i32
      %scatter3A_1586 = arith.constant 0 : i32
      %scatter3A_1587 = tpu.memref_slice %arg7[%scatter3A_1584, %scatter3A_1585, %scatter3A_1586] : memref<5x128x128xf32, #tpu.memory_space<vmem>> -> memref<1x128x128xf32, #tpu.memory_space<vmem>>
      %scatter3A_1588 = tpu.memref_squeeze %scatter3A_1587 : memref<1x128x128xf32, #tpu.memory_space<vmem>> -> memref<128x128xf32, #tpu.memory_space<vmem>>
      tpu.vector_store_idx %scatter3A_1588[%add3A_1583, %broadcast_in_dim3A_1574], %get3A_1580 : memref<128x128xf32, #tpu.memory_space<vmem>>[vector<16xi32>, vector<16xi32>], vector<16xf32>,
      %get3A_1589 = arith.constant 2 : i32
      %get3A_1590 = arith.constant 1 : i32
      %get3A_1591 = arith.index_cast %get3A_1589 : i32 to index
      %get3A_1592 = arith.index_cast %get3A_1590 : i32 to index
      %get3A_1593 = arith.constant 16 : index
      %get3A_1594 = tpu.vector_load %arg8[%get3A_1591, %get3A_1592, %get3A_1593] {strides = array<i32>} : memref<5x4x128xf32, #tpu.memory_space<vmem>>, vector<16xf32>,
      %add3A_1595 = arith.constant 16 : i32
      %add3A_1596 = vector.broadcast %add3A_1595 : i32 to vector<16xi32>
      %add3A_1597 = arith.addi %iota3A, %add3A_1596 : vector<16xi32>
      %scatter3A_1598 = arith.constant 2 : i32
      %scatter3A_1599 = arith.constant 0 : i32
      %scatter3A_1600 = arith.constant 0 : i32
      %scatter3A_1601 = tpu.memref_slice %arg7[%scatter3A_1598, %scatter3A_1599, %scatter3A_1600] : memref<5x128x128xf32, #tpu.memory_space<vmem>> -> memref<1x128x128xf32, #tpu.memory_space<vmem>>
      %scatter3A_1602 = tpu.memref_squeeze %scatter3A_1601 : memref<1x128x128xf32, #tpu.memory_space<vmem>> -> memref<128x128xf32, #tpu.memory_space<vmem>>
      tpu.vector_store_idx %scatter3A_1602[%add3A_1597, %broadcast_in_dim3A_1574], %get3A_1594 : memref<128x128xf32, #tpu.memory_space<vmem>>[vector<16xi32>, vector<16xi32>], vector<16xf32>,
      %get3A_1603 = arith.constant 2 : i32
      %get3A_1604 = arith.constant 1 : i32
      %get3A_1605 = arith.index_cast %get3A_1603 : i32 to index
      %get3A_1606 = arith.index_cast %get3A_1604 : i32 to index
      %get3A_1607 = arith.constant 32 : index
      %get3A_1608 = tpu.vector_load %arg8[%get3A_1605, %get3A_1606, %get3A_1607] {strides = array<i32>} : memref<5x4x128xf32, #tpu.memory_space<vmem>>, vector<16xf32>,
      %add3A_1609 = arith.constant 32 : i32
      %add3A_1610 = vector.broadcast %add3A_1609 : i32 to vector<16xi32>
      %add3A_1611 = arith.addi %iota3A, %add3A_1610 : vector<16xi32>
      %scatter3A_1612 = arith.constant 2 : i32
      %scatter3A_1613 = arith.constant 0 : i32
      %scatter3A_1614 = arith.constant 0 : i32
      %scatter3A_1615 = tpu.memref_slice %arg7[%scatter3A_1612, %scatter3A_1613, %scatter3A_1614] : memref<5x128x128xf32, #tpu.memory_space<vmem>> -> memref<1x128x128xf32, #tpu.memory_space<vmem>>
      %scatter3A_1616 = tpu.memref_squeeze %scatter3A_1615 : memref<1x128x128xf32, #tpu.memory_space<vmem>> -> memref<128x128xf32, #tpu.memory_space<vmem>>
      tpu.vector_store_idx %scatter3A_1616[%add3A_1611, %broadcast_in_dim3A_1574], %get3A_1608 : memref<128x128xf32, #tpu.memory_space<vmem>>[vector<16xi32>, vector<16xi32>], vector<16xf32>,
      %get3A_1617 = arith.constant 2 : i32
      %get3A_1618 = arith.constant 1 : i32
      %get3A_1619 = arith.index_cast %get3A_1617 : i32 to index
      %get3A_1620 = arith.index_cast %get3A_1618 : i32 to index
      %get3A_1621 = arith.constant 48 : index
      %get3A_1622 = tpu.vector_load %arg8[%get3A_1619, %get3A_1620, %get3A_1621] {strides = array<i32>} : memref<5x4x128xf32, #tpu.memory_space<vmem>>, vector<16xf32>,
      %add3A_1623 = arith.constant 48 : i32
      %add3A_1624 = vector.broadcast %add3A_1623 : i32 to vector<16xi32>
      %add3A_1625 = arith.addi %iota3A, %add3A_1624 : vector<16xi32>
      %scatter3A_1626 = arith.constant 2 : i32
      %scatter3A_1627 = arith.constant 0 : i32
      %scatter3A_1628 = arith.constant 0 : i32
      %scatter3A_1629 = tpu.memref_slice %arg7[%scatter3A_1626, %scatter3A_1627, %scatter3A_1628] : memref<5x128x128xf32, #tpu.memory_space<vmem>> -> memref<1x128x128xf32, #tpu.memory_space<vmem>>
      %scatter3A_1630 = tpu.memref_squeeze %scatter3A_1629 : memref<1x128x128xf32, #tpu.memory_space<vmem>> -> memref<128x128xf32, #tpu.memory_space<vmem>>
      tpu.vector_store_idx %scatter3A_1630[%add3A_1625, %broadcast_in_dim3A_1574], %get3A_1622 : memref<128x128xf32, #tpu.memory_space<vmem>>[vector<16xi32>, vector<16xi32>], vector<16xf32>,
      %get3A_1631 = arith.constant 2 : i32
      %get3A_1632 = arith.constant 1 : i32
      %get3A_1633 = arith.index_cast %get3A_1631 : i32 to index
      %get3A_1634 = arith.index_cast %get3A_1632 : i32 to index
      %get3A_1635 = arith.constant 64 : index
      %get3A_1636 = tpu.vector_load %arg8[%get3A_1633, %get3A_1634, %get3A_1635] {strides = array<i32>} : memref<5x4x128xf32, #tpu.memory_space<vmem>>, vector<16xf32>,
      %add3A_1637 = arith.constant 64 : i32
      %add3A_1638 = vector.broadcast %add3A_1637 : i32 to vector<16xi32>
      %add3A_1639 = arith.addi %iota3A, %add3A_1638 : vector<16xi32>
      %scatter3A_1640 = arith.constant 2 : i32
      %scatter3A_1641 = arith.constant 0 : i32
      %scatter3A_1642 = arith.constant 0 : i32
      %scatter3A_1643 = tpu.memref_slice %arg7[%scatter3A_1640, %scatter3A_1641, %scatter3A_1642] : memref<5x128x128xf32, #tpu.memory_space<vmem>> -> memref<1x128x128xf32, #tpu.memory_space<vmem>>
      %scatter3A_1644 = tpu.memref_squeeze %scatter3A_1643 : memref<1x128x128xf32, #tpu.memory_space<vmem>> -> memref<128x128xf32, #tpu.memory_space<vmem>>
      tpu.vector_store_idx %scatter3A_1644[%add3A_1639, %broadcast_in_dim3A_1574], %get3A_1636 : memref<128x128xf32, #tpu.memory_space<vmem>>[vector<16xi32>, vector<16xi32>], vector<16xf32>,
      %get3A_1645 = arith.constant 2 : i32
      %get3A_1646 = arith.constant 1 : i32
      %get3A_1647 = arith.index_cast %get3A_1645 : i32 to index
      %get3A_1648 = arith.index_cast %get3A_1646 : i32 to index
      %get3A_1649 = arith.constant 80 : index
      %get3A_1650 = tpu.vector_load %arg8[%get3A_1647, %get3A_1648, %get3A_1649] {strides = array<i32>} : memref<5x4x128xf32, #tpu.memory_space<vmem>>, vector<16xf32>,
      %add3A_1651 = arith.constant 80 : i32
      %add3A_1652 = vector.broadcast %add3A_1651 : i32 to vector<16xi32>
      %add3A_1653 = arith.addi %iota3A, %add3A_1652 : vector<16xi32>
      %scatter3A_1654 = arith.constant 2 : i32
      %scatter3A_1655 = arith.constant 0 : i32
      %scatter3A_1656 = arith.constant 0 : i32
      %scatter3A_1657 = tpu.memref_slice %arg7[%scatter3A_1654, %scatter3A_1655, %scatter3A_1656] : memref<5x128x128xf32, #tpu.memory_space<vmem>> -> memref<1x128x128xf32, #tpu.memory_space<vmem>>
      %scatter3A_1658 = tpu.memref_squeeze %scatter3A_1657 : memref<1x128x128xf32, #tpu.memory_space<vmem>> -> memref<128x128xf32, #tpu.memory_space<vmem>>
      tpu.vector_store_idx %scatter3A_1658[%add3A_1653, %broadcast_in_dim3A_1574], %get3A_1650 : memref<128x128xf32, #tpu.memory_space<vmem>>[vector<16xi32>, vector<16xi32>], vector<16xf32>,
      %get3A_1659 = arith.constant 2 : i32
      %get3A_1660 = arith.constant 1 : i32
      %get3A_1661 = arith.index_cast %get3A_1659 : i32 to index
      %get3A_1662 = arith.index_cast %get3A_1660 : i32 to index
      %get3A_1663 = arith.constant 96 : index
      %get3A_1664 = tpu.vector_load %arg8[%get3A_1661, %get3A_1662, %get3A_1663] {strides = array<i32>} : memref<5x4x128xf32, #tpu.memory_space<vmem>>, vector<16xf32>,
      %add3A_1665 = arith.constant 96 : i32
      %add3A_1666 = vector.broadcast %add3A_1665 : i32 to vector<16xi32>
      %add3A_1667 = arith.addi %iota3A, %add3A_1666 : vector<16xi32>
      %scatter3A_1668 = arith.constant 2 : i32
      %scatter3A_1669 = arith.constant 0 : i32
      %scatter3A_1670 = arith.constant 0 : i32
      %scatter3A_1671 = tpu.memref_slice %arg7[%scatter3A_1668, %scatter3A_1669, %scatter3A_1670] : memref<5x128x128xf32, #tpu.memory_space<vmem>> -> memref<1x128x128xf32, #tpu.memory_space<vmem>>
      %scatter3A_1672 = tpu.memref_squeeze %scatter3A_1671 : memref<1x128x128xf32, #tpu.memory_space<vmem>> -> memref<128x128xf32, #tpu.memory_space<vmem>>
      tpu.vector_store_idx %scatter3A_1672[%add3A_1667, %broadcast_in_dim3A_1574], %get3A_1664 : memref<128x128xf32, #tpu.memory_space<vmem>>[vector<16xi32>, vector<16xi32>], vector<16xf32>,
      %get3A_1673 = arith.constant 2 : i32
      %get3A_1674 = arith.constant 1 : i32
      %get3A_1675 = arith.index_cast %get3A_1673 : i32 to index
      %get3A_1676 = arith.index_cast %get3A_1674 : i32 to index
      %get3A_1677 = arith.constant 112 : index
      %get3A_1678 = tpu.vector_load %arg8[%get3A_1675, %get3A_1676, %get3A_1677] {strides = array<i32>} : memref<5x4x128xf32, #tpu.memory_space<vmem>>, vector<16xf32>,
      %add3A_1679 = arith.constant 112 : i32
      %add3A_1680 = vector.broadcast %add3A_1679 : i32 to vector<16xi32>
      %add3A_1681 = arith.addi %iota3A, %add3A_1680 : vector<16xi32>
      %scatter3A_1682 = arith.constant 2 : i32
      %scatter3A_1683 = arith.constant 0 : i32
      %scatter3A_1684 = arith.constant 0 : i32
      %scatter3A_1685 = tpu.memref_slice %arg7[%scatter3A_1682, %scatter3A_1683, %scatter3A_1684] : memref<5x128x128xf32, #tpu.memory_space<vmem>> -> memref<1x128x128xf32, #tpu.memory_space<vmem>>
      %scatter3A_1686 = tpu.memref_squeeze %scatter3A_1685 : memref<1x128x128xf32, #tpu.memory_space<vmem>> -> memref<128x128xf32, #tpu.memory_space<vmem>>
      tpu.vector_store_idx %scatter3A_1686[%add3A_1681, %broadcast_in_dim3A_1574], %get3A_1678 : memref<128x128xf32, #tpu.memory_space<vmem>>[vector<16xi32>, vector<16xi32>], vector<16xf32>,
      %broadcast_in_dim3A_1687 = arith.constant 126 : i32
      %broadcast_in_dim3A_1688 = vector.broadcast %broadcast_in_dim3A_1687 : i32 to vector<16xi32>
      %get3A_1689 = arith.constant 2 : i32
      %get3A_1690 = arith.constant 2 : i32
      %get3A_1691 = arith.index_cast %get3A_1689 : i32 to index
      %get3A_1692 = arith.index_cast %get3A_1690 : i32 to index
      %get3A_1693 = arith.constant 0 : index
      %get3A_1694 = tpu.vector_load %arg8[%get3A_1691, %get3A_1692, %get3A_1693] {strides = array<i32>} : memref<5x4x128xf32, #tpu.memory_space<vmem>>, vector<16xf32>,
      %add3A_1695 = arith.constant 0 : i32
      %add3A_1696 = vector.broadcast %add3A_1695 : i32 to vector<16xi32>
      %add3A_1697 = arith.addi %iota3A, %add3A_1696 : vector<16xi32>
      %scatter3A_1698 = arith.constant 2 : i32
      %scatter3A_1699 = arith.constant 0 : i32
      %scatter3A_1700 = arith.constant 0 : i32
      %scatter3A_1701 = tpu.memref_slice %arg7[%scatter3A_1698, %scatter3A_1699, %scatter3A_1700] : memref<5x128x128xf32, #tpu.memory_space<vmem>> -> memref<1x128x128xf32, #tpu.memory_space<vmem>>
      %scatter3A_1702 = tpu.memref_squeeze %scatter3A_1701 : memref<1x128x128xf32, #tpu.memory_space<vmem>> -> memref<128x128xf32, #tpu.memory_space<vmem>>
      tpu.vector_store_idx %scatter3A_1702[%add3A_1697, %broadcast_in_dim3A_1688], %get3A_1694 : memref<128x128xf32, #tpu.memory_space<vmem>>[vector<16xi32>, vector<16xi32>], vector<16xf32>,
      %get3A_1703 = arith.constant 2 : i32
      %get3A_1704 = arith.constant 2 : i32
      %get3A_1705 = arith.index_cast %get3A_1703 : i32 to index
      %get3A_1706 = arith.index_cast %get3A_1704 : i32 to index
      %get3A_1707 = arith.constant 16 : index
      %get3A_1708 = tpu.vector_load %arg8[%get3A_1705, %get3A_1706, %get3A_1707] {strides = array<i32>} : memref<5x4x128xf32, #tpu.memory_space<vmem>>, vector<16xf32>,
      %add3A_1709 = arith.constant 16 : i32
      %add3A_1710 = vector.broadcast %add3A_1709 : i32 to vector<16xi32>
      %add3A_1711 = arith.addi %iota3A, %add3A_1710 : vector<16xi32>
      %scatter3A_1712 = arith.constant 2 : i32
      %scatter3A_1713 = arith.constant 0 : i32
      %scatter3A_1714 = arith.constant 0 : i32
      %scatter3A_1715 = tpu.memref_slice %arg7[%scatter3A_1712, %scatter3A_1713, %scatter3A_1714] : memref<5x128x128xf32, #tpu.memory_space<vmem>> -> memref<1x128x128xf32, #tpu.memory_space<vmem>>
      %scatter3A_1716 = tpu.memref_squeeze %scatter3A_1715 : memref<1x128x128xf32, #tpu.memory_space<vmem>> -> memref<128x128xf32, #tpu.memory_space<vmem>>
      tpu.vector_store_idx %scatter3A_1716[%add3A_1711, %broadcast_in_dim3A_1688], %get3A_1708 : memref<128x128xf32, #tpu.memory_space<vmem>>[vector<16xi32>, vector<16xi32>], vector<16xf32>,
      %get3A_1717 = arith.constant 2 : i32
      %get3A_1718 = arith.constant 2 : i32
      %get3A_1719 = arith.index_cast %get3A_1717 : i32 to index
      %get3A_1720 = arith.index_cast %get3A_1718 : i32 to index
      %get3A_1721 = arith.constant 32 : index
      %get3A_1722 = tpu.vector_load %arg8[%get3A_1719, %get3A_1720, %get3A_1721] {strides = array<i32>} : memref<5x4x128xf32, #tpu.memory_space<vmem>>, vector<16xf32>,
      %add3A_1723 = arith.constant 32 : i32
      %add3A_1724 = vector.broadcast %add3A_1723 : i32 to vector<16xi32>
      %add3A_1725 = arith.addi %iota3A, %add3A_1724 : vector<16xi32>
      %scatter3A_1726 = arith.constant 2 : i32
      %scatter3A_1727 = arith.constant 0 : i32
      %scatter3A_1728 = arith.constant 0 : i32
      %scatter3A_1729 = tpu.memref_slice %arg7[%scatter3A_1726, %scatter3A_1727, %scatter3A_1728] : memref<5x128x128xf32, #tpu.memory_space<vmem>> -> memref<1x128x128xf32, #tpu.memory_space<vmem>>
      %scatter3A_1730 = tpu.memref_squeeze %scatter3A_1729 : memref<1x128x128xf32, #tpu.memory_space<vmem>> -> memref<128x128xf32, #tpu.memory_space<vmem>>
      tpu.vector_store_idx %scatter3A_1730[%add3A_1725, %broadcast_in_dim3A_1688], %get3A_1722 : memref<128x128xf32, #tpu.memory_space<vmem>>[vector<16xi32>, vector<16xi32>], vector<16xf32>,
      %get3A_1731 = arith.constant 2 : i32
      %get3A_1732 = arith.constant 2 : i32
      %get3A_1733 = arith.index_cast %get3A_1731 : i32 to index
      %get3A_1734 = arith.index_cast %get3A_1732 : i32 to index
      %get3A_1735 = arith.constant 48 : index
      %get3A_1736 = tpu.vector_load %arg8[%get3A_1733, %get3A_1734, %get3A_1735] {strides = array<i32>} : memref<5x4x128xf32, #tpu.memory_space<vmem>>, vector<16xf32>,
      %add3A_1737 = arith.constant 48 : i32
      %add3A_1738 = vector.broadcast %add3A_1737 : i32 to vector<16xi32>
      %add3A_1739 = arith.addi %iota3A, %add3A_1738 : vector<16xi32>
      %scatter3A_1740 = arith.constant 2 : i32
      %scatter3A_1741 = arith.constant 0 : i32
      %scatter3A_1742 = arith.constant 0 : i32
      %scatter3A_1743 = tpu.memref_slice %arg7[%scatter3A_1740, %scatter3A_1741, %scatter3A_1742] : memref<5x128x128xf32, #tpu.memory_space<vmem>> -> memref<1x128x128xf32, #tpu.memory_space<vmem>>
      %scatter3A_1744 = tpu.memref_squeeze %scatter3A_1743 : memref<1x128x128xf32, #tpu.memory_space<vmem>> -> memref<128x128xf32, #tpu.memory_space<vmem>>
      tpu.vector_store_idx %scatter3A_1744[%add3A_1739, %broadcast_in_dim3A_1688], %get3A_1736 : memref<128x128xf32, #tpu.memory_space<vmem>>[vector<16xi32>, vector<16xi32>], vector<16xf32>,
      %get3A_1745 = arith.constant 2 : i32
      %get3A_1746 = arith.constant 2 : i32
      %get3A_1747 = arith.index_cast %get3A_1745 : i32 to index
      %get3A_1748 = arith.index_cast %get3A_1746 : i32 to index
      %get3A_1749 = arith.constant 64 : index
      %get3A_1750 = tpu.vector_load %arg8[%get3A_1747, %get3A_1748, %get3A_1749] {strides = array<i32>} : memref<5x4x128xf32, #tpu.memory_space<vmem>>, vector<16xf32>,
      %add3A_1751 = arith.constant 64 : i32
      %add3A_1752 = vector.broadcast %add3A_1751 : i32 to vector<16xi32>
      %add3A_1753 = arith.addi %iota3A, %add3A_1752 : vector<16xi32>
      %scatter3A_1754 = arith.constant 2 : i32
      %scatter3A_1755 = arith.constant 0 : i32
      %scatter3A_1756 = arith.constant 0 : i32
      %scatter3A_1757 = tpu.memref_slice %arg7[%scatter3A_1754, %scatter3A_1755, %scatter3A_1756] : memref<5x128x128xf32, #tpu.memory_space<vmem>> -> memref<1x128x128xf32, #tpu.memory_space<vmem>>
      %scatter3A_1758 = tpu.memref_squeeze %scatter3A_1757 : memref<1x128x128xf32, #tpu.memory_space<vmem>> -> memref<128x128xf32, #tpu.memory_space<vmem>>
      tpu.vector_store_idx %scatter3A_1758[%add3A_1753, %broadcast_in_dim3A_1688], %get3A_1750 : memref<128x128xf32, #tpu.memory_space<vmem>>[vector<16xi32>, vector<16xi32>], vector<16xf32>,
      %get3A_1759 = arith.constant 2 : i32
      %get3A_1760 = arith.constant 2 : i32
      %get3A_1761 = arith.index_cast %get3A_1759 : i32 to index
      %get3A_1762 = arith.index_cast %get3A_1760 : i32 to index
      %get3A_1763 = arith.constant 80 : index
      %get3A_1764 = tpu.vector_load %arg8[%get3A_1761, %get3A_1762, %get3A_1763] {strides = array<i32>} : memref<5x4x128xf32, #tpu.memory_space<vmem>>, vector<16xf32>,
      %add3A_1765 = arith.constant 80 : i32
      %add3A_1766 = vector.broadcast %add3A_1765 : i32 to vector<16xi32>
      %add3A_1767 = arith.addi %iota3A, %add3A_1766 : vector<16xi32>
      %scatter3A_1768 = arith.constant 2 : i32
      %scatter3A_1769 = arith.constant 0 : i32
      %scatter3A_1770 = arith.constant 0 : i32
      %scatter3A_1771 = tpu.memref_slice %arg7[%scatter3A_1768, %scatter3A_1769, %scatter3A_1770] : memref<5x128x128xf32, #tpu.memory_space<vmem>> -> memref<1x128x128xf32, #tpu.memory_space<vmem>>
      %scatter3A_1772 = tpu.memref_squeeze %scatter3A_1771 : memref<1x128x128xf32, #tpu.memory_space<vmem>> -> memref<128x128xf32, #tpu.memory_space<vmem>>
      tpu.vector_store_idx %scatter3A_1772[%add3A_1767, %broadcast_in_dim3A_1688], %get3A_1764 : memref<128x128xf32, #tpu.memory_space<vmem>>[vector<16xi32>, vector<16xi32>], vector<16xf32>,
      %get3A_1773 = arith.constant 2 : i32
      %get3A_1774 = arith.constant 2 : i32
      %get3A_1775 = arith.index_cast %get3A_1773 : i32 to index
      %get3A_1776 = arith.index_cast %get3A_1774 : i32 to index
      %get3A_1777 = arith.constant 96 : index
      %get3A_1778 = tpu.vector_load %arg8[%get3A_1775, %get3A_1776, %get3A_1777] {strides = array<i32>} : memref<5x4x128xf32, #tpu.memory_space<vmem>>, vector<16xf32>,
      %add3A_1779 = arith.constant 96 : i32
      %add3A_1780 = vector.broadcast %add3A_1779 : i32 to vector<16xi32>
      %add3A_1781 = arith.addi %iota3A, %add3A_1780 : vector<16xi32>
      %scatter3A_1782 = arith.constant 2 : i32
      %scatter3A_1783 = arith.constant 0 : i32
      %scatter3A_1784 = arith.constant 0 : i32
      %scatter3A_1785 = tpu.memref_slice %arg7[%scatter3A_1782, %scatter3A_1783, %scatter3A_1784] : memref<5x128x128xf32, #tpu.memory_space<vmem>> -> memref<1x128x128xf32, #tpu.memory_space<vmem>>
      %scatter3A_1786 = tpu.memref_squeeze %scatter3A_1785 : memref<1x128x128xf32, #tpu.memory_space<vmem>> -> memref<128x128xf32, #tpu.memory_space<vmem>>
      tpu.vector_store_idx %scatter3A_1786[%add3A_1781, %broadcast_in_dim3A_1688], %get3A_1778 : memref<128x128xf32, #tpu.memory_space<vmem>>[vector<16xi32>, vector<16xi32>], vector<16xf32>,
      %get3A_1787 = arith.constant 2 : i32
      %get3A_1788 = arith.constant 2 : i32
      %get3A_1789 = arith.index_cast %get3A_1787 : i32 to index
      %get3A_1790 = arith.index_cast %get3A_1788 : i32 to index
      %get3A_1791 = arith.constant 112 : index
      %get3A_1792 = tpu.vector_load %arg8[%get3A_1789, %get3A_1790, %get3A_1791] {strides = array<i32>} : memref<5x4x128xf32, #tpu.memory_space<vmem>>, vector<16xf32>,
      %add3A_1793 = arith.constant 112 : i32
      %add3A_1794 = vector.broadcast %add3A_1793 : i32 to vector<16xi32>
      %add3A_1795 = arith.addi %iota3A, %add3A_1794 : vector<16xi32>
      %scatter3A_1796 = arith.constant 2 : i32
      %scatter3A_1797 = arith.constant 0 : i32
      %scatter3A_1798 = arith.constant 0 : i32
      %scatter3A_1799 = tpu.memref_slice %arg7[%scatter3A_1796, %scatter3A_1797, %scatter3A_1798] : memref<5x128x128xf32, #tpu.memory_space<vmem>> -> memref<1x128x128xf32, #tpu.memory_space<vmem>>
      %scatter3A_1800 = tpu.memref_squeeze %scatter3A_1799 : memref<1x128x128xf32, #tpu.memory_space<vmem>> -> memref<128x128xf32, #tpu.memory_space<vmem>>
      tpu.vector_store_idx %scatter3A_1800[%add3A_1795, %broadcast_in_dim3A_1688], %get3A_1792 : memref<128x128xf32, #tpu.memory_space<vmem>>[vector<16xi32>, vector<16xi32>], vector<16xf32>,
      %broadcast_in_dim3A_1801 = arith.constant 127 : i32
      %broadcast_in_dim3A_1802 = vector.broadcast %broadcast_in_dim3A_1801 : i32 to vector<16xi32>
      %get3A_1803 = arith.constant 2 : i32
      %get3A_1804 = arith.constant 3 : i32
      %get3A_1805 = arith.index_cast %get3A_1803 : i32 to index
      %get3A_1806 = arith.index_cast %get3A_1804 : i32 to index
      %get3A_1807 = arith.constant 0 : index
      %get3A_1808 = tpu.vector_load %arg8[%get3A_1805, %get3A_1806, %get3A_1807] {strides = array<i32>} : memref<5x4x128xf32, #tpu.memory_space<vmem>>, vector<16xf32>,
      %add3A_1809 = arith.constant 0 : i32
      %add3A_1810 = vector.broadcast %add3A_1809 : i32 to vector<16xi32>
      %add3A_1811 = arith.addi %iota3A, %add3A_1810 : vector<16xi32>
      %scatter3A_1812 = arith.constant 2 : i32
      %scatter3A_1813 = arith.constant 0 : i32
      %scatter3A_1814 = arith.constant 0 : i32
      %scatter3A_1815 = tpu.memref_slice %arg7[%scatter3A_1812, %scatter3A_1813, %scatter3A_1814] : memref<5x128x128xf32, #tpu.memory_space<vmem>> -> memref<1x128x128xf32, #tpu.memory_space<vmem>>
      %scatter3A_1816 = tpu.memref_squeeze %scatter3A_1815 : memref<1x128x128xf32, #tpu.memory_space<vmem>> -> memref<128x128xf32, #tpu.memory_space<vmem>>
      tpu.vector_store_idx %scatter3A_1816[%add3A_1811, %broadcast_in_dim3A_1802], %get3A_1808 : memref<128x128xf32, #tpu.memory_space<vmem>>[vector<16xi32>, vector<16xi32>], vector<16xf32>,
      %get3A_1817 = arith.constant 2 : i32
      %get3A_1818 = arith.constant 3 : i32
      %get3A_1819 = arith.index_cast %get3A_1817 : i32 to index
      %get3A_1820 = arith.index_cast %get3A_1818 : i32 to index
      %get3A_1821 = arith.constant 16 : index
      %get3A_1822 = tpu.vector_load %arg8[%get3A_1819, %get3A_1820, %get3A_1821] {strides = array<i32>} : memref<5x4x128xf32, #tpu.memory_space<vmem>>, vector<16xf32>,
      %add3A_1823 = arith.constant 16 : i32
      %add3A_1824 = vector.broadcast %add3A_1823 : i32 to vector<16xi32>
      %add3A_1825 = arith.addi %iota3A, %add3A_1824 : vector<16xi32>
      %scatter3A_1826 = arith.constant 2 : i32
      %scatter3A_1827 = arith.constant 0 : i32
      %scatter3A_1828 = arith.constant 0 : i32
      %scatter3A_1829 = tpu.memref_slice %arg7[%scatter3A_1826, %scatter3A_1827, %scatter3A_1828] : memref<5x128x128xf32, #tpu.memory_space<vmem>> -> memref<1x128x128xf32, #tpu.memory_space<vmem>>
      %scatter3A_1830 = tpu.memref_squeeze %scatter3A_1829 : memref<1x128x128xf32, #tpu.memory_space<vmem>> -> memref<128x128xf32, #tpu.memory_space<vmem>>
      tpu.vector_store_idx %scatter3A_1830[%add3A_1825, %broadcast_in_dim3A_1802], %get3A_1822 : memref<128x128xf32, #tpu.memory_space<vmem>>[vector<16xi32>, vector<16xi32>], vector<16xf32>,
      %get3A_1831 = arith.constant 2 : i32
      %get3A_1832 = arith.constant 3 : i32
      %get3A_1833 = arith.index_cast %get3A_1831 : i32 to index
      %get3A_1834 = arith.index_cast %get3A_1832 : i32 to index
      %get3A_1835 = arith.constant 32 : index
      %get3A_1836 = tpu.vector_load %arg8[%get3A_1833, %get3A_1834, %get3A_1835] {strides = array<i32>} : memref<5x4x128xf32, #tpu.memory_space<vmem>>, vector<16xf32>,
      %add3A_1837 = arith.constant 32 : i32
      %add3A_1838 = vector.broadcast %add3A_1837 : i32 to vector<16xi32>
      %add3A_1839 = arith.addi %iota3A, %add3A_1838 : vector<16xi32>
      %scatter3A_1840 = arith.constant 2 : i32
      %scatter3A_1841 = arith.constant 0 : i32
      %scatter3A_1842 = arith.constant 0 : i32
      %scatter3A_1843 = tpu.memref_slice %arg7[%scatter3A_1840, %scatter3A_1841, %scatter3A_1842] : memref<5x128x128xf32, #tpu.memory_space<vmem>> -> memref<1x128x128xf32, #tpu.memory_space<vmem>>
      %scatter3A_1844 = tpu.memref_squeeze %scatter3A_1843 : memref<1x128x128xf32, #tpu.memory_space<vmem>> -> memref<128x128xf32, #tpu.memory_space<vmem>>
      tpu.vector_store_idx %scatter3A_1844[%add3A_1839, %broadcast_in_dim3A_1802], %get3A_1836 : memref<128x128xf32, #tpu.memory_space<vmem>>[vector<16xi32>, vector<16xi32>], vector<16xf32>,
      %get3A_1845 = arith.constant 2 : i32
      %get3A_1846 = arith.constant 3 : i32
      %get3A_1847 = arith.index_cast %get3A_1845 : i32 to index
      %get3A_1848 = arith.index_cast %get3A_1846 : i32 to index
      %get3A_1849 = arith.constant 48 : index
      %get3A_1850 = tpu.vector_load %arg8[%get3A_1847, %get3A_1848, %get3A_1849] {strides = array<i32>} : memref<5x4x128xf32, #tpu.memory_space<vmem>>, vector<16xf32>,
      %add3A_1851 = arith.constant 48 : i32
      %add3A_1852 = vector.broadcast %add3A_1851 : i32 to vector<16xi32>
      %add3A_1853 = arith.addi %iota3A, %add3A_1852 : vector<16xi32>
      %scatter3A_1854 = arith.constant 2 : i32
      %scatter3A_1855 = arith.constant 0 : i32
      %scatter3A_1856 = arith.constant 0 : i32
      %scatter3A_1857 = tpu.memref_slice %arg7[%scatter3A_1854, %scatter3A_1855, %scatter3A_1856] : memref<5x128x128xf32, #tpu.memory_space<vmem>> -> memref<1x128x128xf32, #tpu.memory_space<vmem>>
      %scatter3A_1858 = tpu.memref_squeeze %scatter3A_1857 : memref<1x128x128xf32, #tpu.memory_space<vmem>> -> memref<128x128xf32, #tpu.memory_space<vmem>>
      tpu.vector_store_idx %scatter3A_1858[%add3A_1853, %broadcast_in_dim3A_1802], %get3A_1850 : memref<128x128xf32, #tpu.memory_space<vmem>>[vector<16xi32>, vector<16xi32>], vector<16xf32>,
      %get3A_1859 = arith.constant 2 : i32
      %get3A_1860 = arith.constant 3 : i32
      %get3A_1861 = arith.index_cast %get3A_1859 : i32 to index
      %get3A_1862 = arith.index_cast %get3A_1860 : i32 to index
      %get3A_1863 = arith.constant 64 : index
      %get3A_1864 = tpu.vector_load %arg8[%get3A_1861, %get3A_1862, %get3A_1863] {strides = array<i32>} : memref<5x4x128xf32, #tpu.memory_space<vmem>>, vector<16xf32>,
      %add3A_1865 = arith.constant 64 : i32
      %add3A_1866 = vector.broadcast %add3A_1865 : i32 to vector<16xi32>
      %add3A_1867 = arith.addi %iota3A, %add3A_1866 : vector<16xi32>
      %scatter3A_1868 = arith.constant 2 : i32
      %scatter3A_1869 = arith.constant 0 : i32
      %scatter3A_1870 = arith.constant 0 : i32
      %scatter3A_1871 = tpu.memref_slice %arg7[%scatter3A_1868, %scatter3A_1869, %scatter3A_1870] : memref<5x128x128xf32, #tpu.memory_space<vmem>> -> memref<1x128x128xf32, #tpu.memory_space<vmem>>
      %scatter3A_1872 = tpu.memref_squeeze %scatter3A_1871 : memref<1x128x128xf32, #tpu.memory_space<vmem>> -> memref<128x128xf32, #tpu.memory_space<vmem>>
      tpu.vector_store_idx %scatter3A_1872[%add3A_1867, %broadcast_in_dim3A_1802], %get3A_1864 : memref<128x128xf32, #tpu.memory_space<vmem>>[vector<16xi32>, vector<16xi32>], vector<16xf32>,
      %get3A_1873 = arith.constant 2 : i32
      %get3A_1874 = arith.constant 3 : i32
      %get3A_1875 = arith.index_cast %get3A_1873 : i32 to index
      %get3A_1876 = arith.index_cast %get3A_1874 : i32 to index
      %get3A_1877 = arith.constant 80 : index
      %get3A_1878 = tpu.vector_load %arg8[%get3A_1875, %get3A_1876, %get3A_1877] {strides = array<i32>} : memref<5x4x128xf32, #tpu.memory_space<vmem>>, vector<16xf32>,
      %add3A_1879 = arith.constant 80 : i32
      %add3A_1880 = vector.broadcast %add3A_1879 : i32 to vector<16xi32>
      %add3A_1881 = arith.addi %iota3A, %add3A_1880 : vector<16xi32>
      %scatter3A_1882 = arith.constant 2 : i32
      %scatter3A_1883 = arith.constant 0 : i32
      %scatter3A_1884 = arith.constant 0 : i32
      %scatter3A_1885 = tpu.memref_slice %arg7[%scatter3A_1882, %scatter3A_1883, %scatter3A_1884] : memref<5x128x128xf32, #tpu.memory_space<vmem>> -> memref<1x128x128xf32, #tpu.memory_space<vmem>>
      %scatter3A_1886 = tpu.memref_squeeze %scatter3A_1885 : memref<1x128x128xf32, #tpu.memory_space<vmem>> -> memref<128x128xf32, #tpu.memory_space<vmem>>
      tpu.vector_store_idx %scatter3A_1886[%add3A_1881, %broadcast_in_dim3A_1802], %get3A_1878 : memref<128x128xf32, #tpu.memory_space<vmem>>[vector<16xi32>, vector<16xi32>], vector<16xf32>,
      %get3A_1887 = arith.constant 2 : i32
      %get3A_1888 = arith.constant 3 : i32
      %get3A_1889 = arith.index_cast %get3A_1887 : i32 to index
      %get3A_1890 = arith.index_cast %get3A_1888 : i32 to index
      %get3A_1891 = arith.constant 96 : index
      %get3A_1892 = tpu.vector_load %arg8[%get3A_1889, %get3A_1890, %get3A_1891] {strides = array<i32>} : memref<5x4x128xf32, #tpu.memory_space<vmem>>, vector<16xf32>,
      %add3A_1893 = arith.constant 96 : i32
      %add3A_1894 = vector.broadcast %add3A_1893 : i32 to vector<16xi32>
      %add3A_1895 = arith.addi %iota3A, %add3A_1894 : vector<16xi32>
      %scatter3A_1896 = arith.constant 2 : i32
      %scatter3A_1897 = arith.constant 0 : i32
      %scatter3A_1898 = arith.constant 0 : i32
      %scatter3A_1899 = tpu.memref_slice %arg7[%scatter3A_1896, %scatter3A_1897, %scatter3A_1898] : memref<5x128x128xf32, #tpu.memory_space<vmem>> -> memref<1x128x128xf32, #tpu.memory_space<vmem>>
      %scatter3A_1900 = tpu.memref_squeeze %scatter3A_1899 : memref<1x128x128xf32, #tpu.memory_space<vmem>> -> memref<128x128xf32, #tpu.memory_space<vmem>>
      tpu.vector_store_idx %scatter3A_1900[%add3A_1895, %broadcast_in_dim3A_1802], %get3A_1892 : memref<128x128xf32, #tpu.memory_space<vmem>>[vector<16xi32>, vector<16xi32>], vector<16xf32>,
      %get3A_1901 = arith.constant 2 : i32
      %get3A_1902 = arith.constant 3 : i32
      %get3A_1903 = arith.index_cast %get3A_1901 : i32 to index
      %get3A_1904 = arith.index_cast %get3A_1902 : i32 to index
      %get3A_1905 = arith.constant 112 : index
      %get3A_1906 = tpu.vector_load %arg8[%get3A_1903, %get3A_1904, %get3A_1905] {strides = array<i32>} : memref<5x4x128xf32, #tpu.memory_space<vmem>>, vector<16xf32>,
      %add3A_1907 = arith.constant 112 : i32
      %add3A_1908 = vector.broadcast %add3A_1907 : i32 to vector<16xi32>
      %add3A_1909 = arith.addi %iota3A, %add3A_1908 : vector<16xi32>
      %scatter3A_1910 = arith.constant 2 : i32
      %scatter3A_1911 = arith.constant 0 : i32
      %scatter3A_1912 = arith.constant 0 : i32
      %scatter3A_1913 = tpu.memref_slice %arg7[%scatter3A_1910, %scatter3A_1911, %scatter3A_1912] : memref<5x128x128xf32, #tpu.memory_space<vmem>> -> memref<1x128x128xf32, #tpu.memory_space<vmem>>
      %scatter3A_1914 = tpu.memref_squeeze %scatter3A_1913 : memref<1x128x128xf32, #tpu.memory_space<vmem>> -> memref<128x128xf32, #tpu.memory_space<vmem>>
      tpu.vector_store_idx %scatter3A_1914[%add3A_1909, %broadcast_in_dim3A_1802], %get3A_1906 : memref<128x128xf32, #tpu.memory_space<vmem>>[vector<16xi32>, vector<16xi32>], vector<16xf32>,
      %dma_start3A_1915 = arith.constant 2 : i32
      %dma_start3A_1916 = arith.constant 2 : i32
      %dma_start3A_1917 = arith.constant 0 : i32
      %dma_start3A_1918 = arith.constant 0 : i32
      %dma_start3A_1919 = tpu.memref_slice %arg7[%dma_start3A_1915, %dma_start3A_1917, %dma_start3A_1918] : memref<5x128x128xf32, #tpu.memory_space<vmem>> -> memref<1x128x128xf32, #tpu.memory_space<vmem>>
      %dma_start3A_1920 = tpu.memref_squeeze %dma_start3A_1919 : memref<1x128x128xf32, #tpu.memory_space<vmem>> -> memref<128x128xf32, #tpu.memory_space<vmem>>
      %dma_start3A_1921 = arith.constant 0 : i32
      %dma_start3A_1922 = tpu.memref_slice %arg9[%dma_start3A_1916, %dma_start3A_1921] : memref<5x128xi32, #tpu.memory_space<vmem>> -> memref<1x128xi32, #tpu.memory_space<vmem>>
      %dma_start3A_1923 = tpu.memref_squeeze %dma_start3A_1922 : memref<1x128xi32, #tpu.memory_space<vmem>> -> memref<128xi32, #tpu.memory_space<vmem>>
      %dma_start3A_1924 = arith.constant 0 : i32
      %dma_start3A_1925 = arith.constant 0 : i32
      %dma_start3A_1926 = tpu.memref_slice %arg5[%dma_start3A_1924, %dma_start3A_1925] : memref<819200x128xf32, #tpu.memory_space<hbm>> -> memref<819200x128xf32, #tpu.memory_space<hbm>>
      tpu.enqueue_indirect_dma source(%dma_start3A_1920 : memref<128x128xf32, #tpu.memory_space<vmem>>) target(%dma_start3A_1926 : memref<819200x128xf32, #tpu.memory_space<hbm>>) offsets(%dma_start3A_1923 : memref<128xi32, #tpu.memory_space<vmem>>) semaphore(%arg18 : memref<!tpu.dma_semaphore, #tpu.memory_space<semaphore_mem>>)
      %mul3A_1927 = arith.constant 5 : i32
      %mul3A_1928 = arith.muli %scan3A_216, %mul3A_1927 : i32
      %add3A_1929 = arith.constant 3 : i32
      %add3A_1930 = arith.addi %mul3A_1928, %add3A_1929 : i32
      %add3A_1931 = arith.constant 3 : i32
      %add3A_1932 = arith.addi %add3A_1930, %add3A_1931 : i32
      %lt3A_1933 = arith.constant 200 : i32
      %lt3A_1934 = arith.cmpi slt, %add3A_1932, %lt3A_1933 : i32
      %convert_element_type3A_1935 = arith.extui %lt3A_1934 : i1 to i32
      %cond3A_1936 = arith.constant 0 : i32
      %cond3A_1937 = arith.cmpi ne, %convert_element_type3A_1935, %cond3A_1936 : i32
      scf.if %cond3A_1937 {
        %ge3A = arith.constant 2 : i32
        %ge3A_3071 = arith.cmpi sge, %add3A_1930, %ge3A : i32
        %convert_element_type3A_3072 = arith.extui %ge3A_3071 : i1 to i32
        %cond3A_3073 = arith.constant 0 : i32
        %cond3A_3074 = arith.cmpi ne, %convert_element_type3A_3072, %cond3A_3073 : i32
        scf.if %cond3A_3074 {
          %dma_wait3A_3108 = arith.constant 1 : i32
          %dma_wait3A_3109 = arith.constant 1 : i32
          %dma_wait3A_3110 = arith.constant 0 : i32
          %dma_wait3A_3111 = arith.constant 0 : i32
          %dma_wait3A_3112 = tpu.memref_slice %arg7[%dma_wait3A_3108, %dma_wait3A_3110, %dma_wait3A_3111] : memref<5x128x128xf32, #tpu.memory_space<vmem>> -> memref<1x128x128xf32, #tpu.memory_space<vmem>>
          %dma_wait3A_3113 = tpu.memref_squeeze %dma_wait3A_3112 : memref<1x128x128xf32, #tpu.memory_space<vmem>> -> memref<128x128xf32, #tpu.memory_space<vmem>>
          %dma_wait3A_3114 = arith.constant 0 : i32
          %dma_wait3A_3115 = tpu.memref_slice %arg9[%dma_wait3A_3109, %dma_wait3A_3114] : memref<5x128xi32, #tpu.memory_space<vmem>> -> memref<1x128xi32, #tpu.memory_space<vmem>>
          %dma_wait3A_3116 = tpu.memref_squeeze %dma_wait3A_3115 : memref<1x128xi32, #tpu.memory_space<vmem>> -> memref<128xi32, #tpu.memory_space<vmem>>
          %dma_wait3A_3117 = arith.constant 0 : i32
          %dma_wait3A_3118 = arith.constant 0 : i32
          %dma_wait3A_3119 = tpu.memref_slice %arg5[%dma_wait3A_3117, %dma_wait3A_3118] : memref<819200x128xf32, #tpu.memory_space<hbm>> -> memref<819200x128xf32, #tpu.memory_space<hbm>>
          tpu.wait_indirect_dma semaphore(%arg17 : memref<!tpu.dma_semaphore, #tpu.memory_space<semaphore_mem>>) src(%dma_wait3A_3113 : memref<128x128xf32, #tpu.memory_space<vmem>>) dst(%dma_wait3A_3119 : memref<819200x128xf32, #tpu.memory_space<hbm>>)
        } else {
        }
        %add3A_3075 = arith.constant 3 : i32
        %add3A_3076 = arith.addi %add3A_1930, %add3A_3075 : i32
        %dma_start3A_3077 = arith.constant 1 : i32
        %dma_start3A_3078 = arith.constant 0 : i32
        %dma_start3A_3079 = arith.constant 0 : i32
        %dma_start3A_3080 = tpu.memref_slice %arg7[%dma_start3A_3077, %dma_start3A_3078, %dma_start3A_3079] : memref<5x128x128xf32, #tpu.memory_space<vmem>> -> memref<1x128x128xf32, #tpu.memory_space<vmem>>
        %dma_start3A_3081 = tpu.memref_squeeze %dma_start3A_3080 : memref<1x128x128xf32, #tpu.memory_space<vmem>> -> memref<128x128xf32, #tpu.memory_space<vmem>>
        %dma_start3A_3082 = arith.constant 0 : i32
        %dma_start3A_3083 = tpu.memref_slice %arg6[%add3A_3076, %dma_start3A_3082] : memref<200x128xi32, #tpu.memory_space<vmem>> -> memref<1x128xi32, #tpu.memory_space<vmem>>
        %dma_start3A_3084 = tpu.memref_squeeze %dma_start3A_3083 : memref<1x128xi32, #tpu.memory_space<vmem>> -> memref<128xi32, #tpu.memory_space<vmem>>
        %dma_start3A_3085 = arith.constant 0 : i32
        %dma_start3A_3086 = arith.constant 0 : i32
        %dma_start3A_3087 = tpu.memref_slice %arg4[%dma_start3A_3085, %dma_start3A_3086] : memref<100000x128xf32, #tpu.memory_space<hbm>> -> memref<100000x128xf32, #tpu.memory_space<hbm>>
        tpu.enqueue_indirect_dma source(%dma_start3A_3087 : memref<100000x128xf32, #tpu.memory_space<hbm>>) target(%dma_start3A_3081 : memref<128x128xf32, #tpu.memory_space<vmem>>) offsets(%dma_start3A_3084 : memref<128xi32, #tpu.memory_space<vmem>>) semaphore(%arg12 : memref<!tpu.dma_semaphore, #tpu.memory_space<semaphore_mem>>)
        %mul3A_3088 = arith.constant 32 : i32
        %mul3A_3089 = arith.muli %add3A_3076, %mul3A_3088 : i32
        %mul3A_3090 = arith.constant 4 : i32
        %mul3A_3091 = arith.muli %mul3A_3089, %mul3A_3090 : i32
        %mul3A_3092 = arith.constant 4 : i32
        %mul3A_3093 = arith.muli %add3A, %mul3A_3092 : i32
        %add3A_3094 = arith.addi %mul3A_3091, %mul3A_3093 : i32
        %dma_start3A_3095 = arith.constant 1 : i32
        %dma_start3A_3096 = arith.constant 0 : i32
        %dma_start3A_3097 = arith.constant 0 : i32
        %dma_start3A_3098 = tpu.memref_slice %arg8[%dma_start3A_3095, %dma_start3A_3096, %dma_start3A_3097] : memref<5x4x128xf32, #tpu.memory_space<vmem>> -> memref<1x4x128xf32, #tpu.memory_space<vmem>>
        %dma_start3A_3099 = tpu.memref_squeeze %dma_start3A_3098 : memref<1x4x128xf32, #tpu.memory_space<vmem>> -> memref<4x128xf32, #tpu.memory_space<vmem>>
        %dma_start3A_3100 = arith.constant 0 : i32
        %dma_start3A_3101 = tpu.memref_slice %arg3[%add3A_3094, %dma_start3A_3100] : memref<25600x128xf32, #tpu.memory_space<hbm>> -> memref<4x128xf32, #tpu.memory_space<hbm>>
        %dma_start3A_3102 = arith.constant 0 : i32
        %dma_start3A_3103 = arith.constant 0 : i32
        %dma_start3A_3104 = tpu.memref_slice %arg8[%dma_start3A_3095, %dma_start3A_3102, %dma_start3A_3103] : memref<5x4x128xf32, #tpu.memory_space<vmem>> -> memref<1x4x128xf32, #tpu.memory_space<vmem>>
        %dma_start3A_3105 = tpu.memref_squeeze %dma_start3A_3104 : memref<1x4x128xf32, #tpu.memory_space<vmem>> -> memref<4x128xf32, #tpu.memory_space<vmem>>
        %dma_start3A_3106 = arith.constant 0 : i32
        %dma_start3A_3107 = tpu.memref_slice %arg3[%add3A_3094, %dma_start3A_3106] : memref<25600x128xf32, #tpu.memory_space<hbm>> -> memref<4x128xf32, #tpu.memory_space<hbm>>
        tpu.enqueue_dma source(%dma_start3A_3107 : memref<4x128xf32, #tpu.memory_space<hbm>>) target(%dma_start3A_3105 : memref<4x128xf32, #tpu.memory_space<vmem>>) target_semaphore(%arg12 : memref<!tpu.dma_semaphore, #tpu.memory_space<semaphore_mem>>)
      } else {
      }
      %mul3A_1938 = arith.constant 25600 : i32
      %mul3A_1939 = arith.muli %add3A, %mul3A_1938 : i32
      %add3A_1940 = arith.addi %mul3A_1939, %add3A_1930 : i32
      %get3A_1941 = arith.constant 0 : index
      %get3A_1942 = tpu.vector_load %arg10[%get3A_1941] {strides = array<i32>} : memref<128xi32, #tpu.memory_space<vmem>>, vector<16xi32>,
      %add3A_1943 = vector.broadcast %add3A_1940 : i32 to vector<16xi32>
      %add3A_1944 = arith.addi %get3A_1942, %add3A_1943 : vector<16xi32>
      %swap3A_1945 = arith.constant 3 : i32
      %swap3A_1946 = arith.index_cast %swap3A_1945 : i32 to index
      %swap3A_1947 = arith.constant 0 : index
      %swap3A_1948 = tpu.vector_load %arg9[%swap3A_1946, %swap3A_1947] {strides = array<i32>} : memref<5x128xi32, #tpu.memory_space<vmem>>, vector<16xi32>,
      tpu.vector_store %arg9[%swap3A_1946, %swap3A_1947], %add3A_1944 {strides = array<i32>} : memref<5x128xi32, #tpu.memory_space<vmem>>, vector<16xi32>,
      %get3A_1949 = arith.constant 16 : index
      %get3A_1950 = tpu.vector_load %arg10[%get3A_1949] {strides = array<i32>} : memref<128xi32, #tpu.memory_space<vmem>>, vector<16xi32>,
      %add3A_1951 = vector.broadcast %add3A_1940 : i32 to vector<16xi32>
      %add3A_1952 = arith.addi %get3A_1950, %add3A_1951 : vector<16xi32>
      %swap3A_1953 = arith.constant 3 : i32
      %swap3A_1954 = arith.index_cast %swap3A_1953 : i32 to index
      %swap3A_1955 = arith.constant 16 : index
      %swap3A_1956 = tpu.vector_load %arg9[%swap3A_1954, %swap3A_1955] {strides = array<i32>} : memref<5x128xi32, #tpu.memory_space<vmem>>, vector<16xi32>,
      tpu.vector_store %arg9[%swap3A_1954, %swap3A_1955], %add3A_1952 {strides = array<i32>} : memref<5x128xi32, #tpu.memory_space<vmem>>, vector<16xi32>,
      %get3A_1957 = arith.constant 32 : index
      %get3A_1958 = tpu.vector_load %arg10[%get3A_1957] {strides = array<i32>} : memref<128xi32, #tpu.memory_space<vmem>>, vector<16xi32>,
      %add3A_1959 = vector.broadcast %add3A_1940 : i32 to vector<16xi32>
      %add3A_1960 = arith.addi %get3A_1958, %add3A_1959 : vector<16xi32>
      %swap3A_1961 = arith.constant 3 : i32
      %swap3A_1962 = arith.index_cast %swap3A_1961 : i32 to index
      %swap3A_1963 = arith.constant 32 : index
      %swap3A_1964 = tpu.vector_load %arg9[%swap3A_1962, %swap3A_1963] {strides = array<i32>} : memref<5x128xi32, #tpu.memory_space<vmem>>, vector<16xi32>,
      tpu.vector_store %arg9[%swap3A_1962, %swap3A_1963], %add3A_1960 {strides = array<i32>} : memref<5x128xi32, #tpu.memory_space<vmem>>, vector<16xi32>,
      %get3A_1965 = arith.constant 48 : index
      %get3A_1966 = tpu.vector_load %arg10[%get3A_1965] {strides = array<i32>} : memref<128xi32, #tpu.memory_space<vmem>>, vector<16xi32>,
      %add3A_1967 = vector.broadcast %add3A_1940 : i32 to vector<16xi32>
      %add3A_1968 = arith.addi %get3A_1966, %add3A_1967 : vector<16xi32>
      %swap3A_1969 = arith.constant 3 : i32
      %swap3A_1970 = arith.index_cast %swap3A_1969 : i32 to index
      %swap3A_1971 = arith.constant 48 : index
      %swap3A_1972 = tpu.vector_load %arg9[%swap3A_1970, %swap3A_1971] {strides = array<i32>} : memref<5x128xi32, #tpu.memory_space<vmem>>, vector<16xi32>,
      tpu.vector_store %arg9[%swap3A_1970, %swap3A_1971], %add3A_1968 {strides = array<i32>} : memref<5x128xi32, #tpu.memory_space<vmem>>, vector<16xi32>,
      %get3A_1973 = arith.constant 64 : index
      %get3A_1974 = tpu.vector_load %arg10[%get3A_1973] {strides = array<i32>} : memref<128xi32, #tpu.memory_space<vmem>>, vector<16xi32>,
      %add3A_1975 = vector.broadcast %add3A_1940 : i32 to vector<16xi32>
      %add3A_1976 = arith.addi %get3A_1974, %add3A_1975 : vector<16xi32>
      %swap3A_1977 = arith.constant 3 : i32
      %swap3A_1978 = arith.index_cast %swap3A_1977 : i32 to index
      %swap3A_1979 = arith.constant 64 : index
      %swap3A_1980 = tpu.vector_load %arg9[%swap3A_1978, %swap3A_1979] {strides = array<i32>} : memref<5x128xi32, #tpu.memory_space<vmem>>, vector<16xi32>,
      tpu.vector_store %arg9[%swap3A_1978, %swap3A_1979], %add3A_1976 {strides = array<i32>} : memref<5x128xi32, #tpu.memory_space<vmem>>, vector<16xi32>,
      %get3A_1981 = arith.constant 80 : index
      %get3A_1982 = tpu.vector_load %arg10[%get3A_1981] {strides = array<i32>} : memref<128xi32, #tpu.memory_space<vmem>>, vector<16xi32>,
      %add3A_1983 = vector.broadcast %add3A_1940 : i32 to vector<16xi32>
      %add3A_1984 = arith.addi %get3A_1982, %add3A_1983 : vector<16xi32>
      %swap3A_1985 = arith.constant 3 : i32
      %swap3A_1986 = arith.index_cast %swap3A_1985 : i32 to index
      %swap3A_1987 = arith.constant 80 : index
      %swap3A_1988 = tpu.vector_load %arg9[%swap3A_1986, %swap3A_1987] {strides = array<i32>} : memref<5x128xi32, #tpu.memory_space<vmem>>, vector<16xi32>,
      tpu.vector_store %arg9[%swap3A_1986, %swap3A_1987], %add3A_1984 {strides = array<i32>} : memref<5x128xi32, #tpu.memory_space<vmem>>, vector<16xi32>,
      %get3A_1989 = arith.constant 96 : index
      %get3A_1990 = tpu.vector_load %arg10[%get3A_1989] {strides = array<i32>} : memref<128xi32, #tpu.memory_space<vmem>>, vector<16xi32>,
      %add3A_1991 = vector.broadcast %add3A_1940 : i32 to vector<16xi32>
      %add3A_1992 = arith.addi %get3A_1990, %add3A_1991 : vector<16xi32>
      %swap3A_1993 = arith.constant 3 : i32
      %swap3A_1994 = arith.index_cast %swap3A_1993 : i32 to index
      %swap3A_1995 = arith.constant 96 : index
      %swap3A_1996 = tpu.vector_load %arg9[%swap3A_1994, %swap3A_1995] {strides = array<i32>} : memref<5x128xi32, #tpu.memory_space<vmem>>, vector<16xi32>,
      tpu.vector_store %arg9[%swap3A_1994, %swap3A_1995], %add3A_1992 {strides = array<i32>} : memref<5x128xi32, #tpu.memory_space<vmem>>, vector<16xi32>,
      %get3A_1997 = arith.constant 112 : index
      %get3A_1998 = tpu.vector_load %arg10[%get3A_1997] {strides = array<i32>} : memref<128xi32, #tpu.memory_space<vmem>>, vector<16xi32>,
      %add3A_1999 = vector.broadcast %add3A_1940 : i32 to vector<16xi32>
      %add3A_2000 = arith.addi %get3A_1998, %add3A_1999 : vector<16xi32>
      %swap3A_2001 = arith.constant 3 : i32
      %swap3A_2002 = arith.index_cast %swap3A_2001 : i32 to index
      %swap3A_2003 = arith.constant 112 : index
      %swap3A_2004 = tpu.vector_load %arg9[%swap3A_2002, %swap3A_2003] {strides = array<i32>} : memref<5x128xi32, #tpu.memory_space<vmem>>, vector<16xi32>,
      tpu.vector_store %arg9[%swap3A_2002, %swap3A_2003], %add3A_2000 {strides = array<i32>} : memref<5x128xi32, #tpu.memory_space<vmem>>, vector<16xi32>,
      %dma_wait3A_2005 = arith.constant 3 : i32
      %dma_wait3A_2006 = arith.constant 0 : i32
      %dma_wait3A_2007 = arith.constant 0 : i32
      %dma_wait3A_2008 = tpu.memref_slice %arg7[%dma_wait3A_2005, %dma_wait3A_2006, %dma_wait3A_2007] : memref<5x128x128xf32, #tpu.memory_space<vmem>> -> memref<1x128x128xf32, #tpu.memory_space<vmem>>
      %dma_wait3A_2009 = tpu.memref_squeeze %dma_wait3A_2008 : memref<1x128x128xf32, #tpu.memory_space<vmem>> -> memref<128x128xf32, #tpu.memory_space<vmem>>
      %dma_wait3A_2010 = arith.constant 0 : i32
      %dma_wait3A_2011 = tpu.memref_slice %arg6[%add3A_1930, %dma_wait3A_2010] : memref<200x128xi32, #tpu.memory_space<vmem>> -> memref<1x128xi32, #tpu.memory_space<vmem>>
      %dma_wait3A_2012 = tpu.memref_squeeze %dma_wait3A_2011 : memref<1x128xi32, #tpu.memory_space<vmem>> -> memref<128xi32, #tpu.memory_space<vmem>>
      %dma_wait3A_2013 = arith.constant 0 : i32
      %dma_wait3A_2014 = arith.constant 0 : i32
      %dma_wait3A_2015 = tpu.memref_slice %arg4[%dma_wait3A_2013, %dma_wait3A_2014] : memref<100000x128xf32, #tpu.memory_space<hbm>> -> memref<100000x128xf32, #tpu.memory_space<hbm>>
      tpu.wait_indirect_dma semaphore(%arg14 : memref<!tpu.dma_semaphore, #tpu.memory_space<semaphore_mem>>) src(%dma_wait3A_2015 : memref<100000x128xf32, #tpu.memory_space<hbm>>) dst(%dma_wait3A_2009 : memref<128x128xf32, #tpu.memory_space<vmem>>)
      %dma_wait3A_2016 = arith.constant 3 : i32
      %dma_wait3A_2017 = arith.constant 0 : i32
      %dma_wait3A_2018 = arith.constant 0 : i32
      %dma_wait3A_2019 = tpu.memref_slice %arg8[%dma_wait3A_2016, %dma_wait3A_2017, %dma_wait3A_2018] : memref<5x4x128xf32, #tpu.memory_space<vmem>> -> memref<1x4x128xf32, #tpu.memory_space<vmem>>
      %dma_wait3A_2020 = tpu.memref_squeeze %dma_wait3A_2019 : memref<1x4x128xf32, #tpu.memory_space<vmem>> -> memref<4x128xf32, #tpu.memory_space<vmem>>
      %dma_wait3A_2021 = arith.constant 0 : i32
      %dma_wait3A_2022 = arith.constant 0 : i32
      %dma_wait3A_2023 = tpu.memref_slice %arg3[%dma_wait3A_2021, %dma_wait3A_2022] : memref<25600x128xf32, #tpu.memory_space<hbm>> -> memref<4x128xf32, #tpu.memory_space<hbm>>
      %dma_wait3A_2024 = arith.constant 0 : i32
      %dma_wait3A_2025 = arith.constant 0 : i32
      %dma_wait3A_2026 = tpu.memref_slice %arg8[%dma_wait3A_2016, %dma_wait3A_2024, %dma_wait3A_2025] : memref<5x4x128xf32, #tpu.memory_space<vmem>> -> memref<1x4x128xf32, #tpu.memory_space<vmem>>
      %dma_wait3A_2027 = tpu.memref_squeeze %dma_wait3A_2026 : memref<1x4x128xf32, #tpu.memory_space<vmem>> -> memref<4x128xf32, #tpu.memory_space<vmem>>
      %dma_wait3A_2028 = arith.constant 0 : i32
      %dma_wait3A_2029 = arith.constant 0 : i32
      %dma_wait3A_2030 = tpu.memref_slice %arg3[%dma_wait3A_2028, %dma_wait3A_2029] : memref<25600x128xf32, #tpu.memory_space<hbm>> -> memref<4x128xf32, #tpu.memory_space<hbm>>
      tpu.wait_dma2 semaphore(%arg14 : memref<!tpu.dma_semaphore, #tpu.memory_space<semaphore_mem>>) src(%dma_wait3A_2030 : memref<4x128xf32, #tpu.memory_space<hbm>>) dst(%dma_wait3A_2027 : memref<4x128xf32, #tpu.memory_space<vmem>>)
      %broadcast_in_dim3A_2031 = arith.constant 124 : i32
      %broadcast_in_dim3A_2032 = vector.broadcast %broadcast_in_dim3A_2031 : i32 to vector<16xi32>
      %get3A_2033 = arith.constant 3 : i32
      %get3A_2034 = arith.constant 0 : i32
      %get3A_2035 = arith.index_cast %get3A_2033 : i32 to index
      %get3A_2036 = arith.index_cast %get3A_2034 : i32 to index
      %get3A_2037 = arith.constant 0 : index
      %get3A_2038 = tpu.vector_load %arg8[%get3A_2035, %get3A_2036, %get3A_2037] {strides = array<i32>} : memref<5x4x128xf32, #tpu.memory_space<vmem>>, vector<16xf32>,
      %add3A_2039 = arith.constant 0 : i32
      %add3A_2040 = vector.broadcast %add3A_2039 : i32 to vector<16xi32>
      %add3A_2041 = arith.addi %iota3A, %add3A_2040 : vector<16xi32>
      %scatter3A_2042 = arith.constant 3 : i32
      %scatter3A_2043 = arith.constant 0 : i32
      %scatter3A_2044 = arith.constant 0 : i32
      %scatter3A_2045 = tpu.memref_slice %arg7[%scatter3A_2042, %scatter3A_2043, %scatter3A_2044] : memref<5x128x128xf32, #tpu.memory_space<vmem>> -> memref<1x128x128xf32, #tpu.memory_space<vmem>>
      %scatter3A_2046 = tpu.memref_squeeze %scatter3A_2045 : memref<1x128x128xf32, #tpu.memory_space<vmem>> -> memref<128x128xf32, #tpu.memory_space<vmem>>
      tpu.vector_store_idx %scatter3A_2046[%add3A_2041, %broadcast_in_dim3A_2032], %get3A_2038 : memref<128x128xf32, #tpu.memory_space<vmem>>[vector<16xi32>, vector<16xi32>], vector<16xf32>,
      %get3A_2047 = arith.constant 3 : i32
      %get3A_2048 = arith.constant 0 : i32
      %get3A_2049 = arith.index_cast %get3A_2047 : i32 to index
      %get3A_2050 = arith.index_cast %get3A_2048 : i32 to index
      %get3A_2051 = arith.constant 16 : index
      %get3A_2052 = tpu.vector_load %arg8[%get3A_2049, %get3A_2050, %get3A_2051] {strides = array<i32>} : memref<5x4x128xf32, #tpu.memory_space<vmem>>, vector<16xf32>,
      %add3A_2053 = arith.constant 16 : i32
      %add3A_2054 = vector.broadcast %add3A_2053 : i32 to vector<16xi32>
      %add3A_2055 = arith.addi %iota3A, %add3A_2054 : vector<16xi32>
      %scatter3A_2056 = arith.constant 3 : i32
      %scatter3A_2057 = arith.constant 0 : i32
      %scatter3A_2058 = arith.constant 0 : i32
      %scatter3A_2059 = tpu.memref_slice %arg7[%scatter3A_2056, %scatter3A_2057, %scatter3A_2058] : memref<5x128x128xf32, #tpu.memory_space<vmem>> -> memref<1x128x128xf32, #tpu.memory_space<vmem>>
      %scatter3A_2060 = tpu.memref_squeeze %scatter3A_2059 : memref<1x128x128xf32, #tpu.memory_space<vmem>> -> memref<128x128xf32, #tpu.memory_space<vmem>>
      tpu.vector_store_idx %scatter3A_2060[%add3A_2055, %broadcast_in_dim3A_2032], %get3A_2052 : memref<128x128xf32, #tpu.memory_space<vmem>>[vector<16xi32>, vector<16xi32>], vector<16xf32>,
      %get3A_2061 = arith.constant 3 : i32
      %get3A_2062 = arith.constant 0 : i32
      %get3A_2063 = arith.index_cast %get3A_2061 : i32 to index
      %get3A_2064 = arith.index_cast %get3A_2062 : i32 to index
      %get3A_2065 = arith.constant 32 : index
      %get3A_2066 = tpu.vector_load %arg8[%get3A_2063, %get3A_2064, %get3A_2065] {strides = array<i32>} : memref<5x4x128xf32, #tpu.memory_space<vmem>>, vector<16xf32>,
      %add3A_2067 = arith.constant 32 : i32
      %add3A_2068 = vector.broadcast %add3A_2067 : i32 to vector<16xi32>
      %add3A_2069 = arith.addi %iota3A, %add3A_2068 : vector<16xi32>
      %scatter3A_2070 = arith.constant 3 : i32
      %scatter3A_2071 = arith.constant 0 : i32
      %scatter3A_2072 = arith.constant 0 : i32
      %scatter3A_2073 = tpu.memref_slice %arg7[%scatter3A_2070, %scatter3A_2071, %scatter3A_2072] : memref<5x128x128xf32, #tpu.memory_space<vmem>> -> memref<1x128x128xf32, #tpu.memory_space<vmem>>
      %scatter3A_2074 = tpu.memref_squeeze %scatter3A_2073 : memref<1x128x128xf32, #tpu.memory_space<vmem>> -> memref<128x128xf32, #tpu.memory_space<vmem>>
      tpu.vector_store_idx %scatter3A_2074[%add3A_2069, %broadcast_in_dim3A_2032], %get3A_2066 : memref<128x128xf32, #tpu.memory_space<vmem>>[vector<16xi32>, vector<16xi32>], vector<16xf32>,
      %get3A_2075 = arith.constant 3 : i32
      %get3A_2076 = arith.constant 0 : i32
      %get3A_2077 = arith.index_cast %get3A_2075 : i32 to index
      %get3A_2078 = arith.index_cast %get3A_2076 : i32 to index
      %get3A_2079 = arith.constant 48 : index
      %get3A_2080 = tpu.vector_load %arg8[%get3A_2077, %get3A_2078, %get3A_2079] {strides = array<i32>} : memref<5x4x128xf32, #tpu.memory_space<vmem>>, vector<16xf32>,
      %add3A_2081 = arith.constant 48 : i32
      %add3A_2082 = vector.broadcast %add3A_2081 : i32 to vector<16xi32>
      %add3A_2083 = arith.addi %iota3A, %add3A_2082 : vector<16xi32>
      %scatter3A_2084 = arith.constant 3 : i32
      %scatter3A_2085 = arith.constant 0 : i32
      %scatter3A_2086 = arith.constant 0 : i32
      %scatter3A_2087 = tpu.memref_slice %arg7[%scatter3A_2084, %scatter3A_2085, %scatter3A_2086] : memref<5x128x128xf32, #tpu.memory_space<vmem>> -> memref<1x128x128xf32, #tpu.memory_space<vmem>>
      %scatter3A_2088 = tpu.memref_squeeze %scatter3A_2087 : memref<1x128x128xf32, #tpu.memory_space<vmem>> -> memref<128x128xf32, #tpu.memory_space<vmem>>
      tpu.vector_store_idx %scatter3A_2088[%add3A_2083, %broadcast_in_dim3A_2032], %get3A_2080 : memref<128x128xf32, #tpu.memory_space<vmem>>[vector<16xi32>, vector<16xi32>], vector<16xf32>,
      %get3A_2089 = arith.constant 3 : i32
      %get3A_2090 = arith.constant 0 : i32
      %get3A_2091 = arith.index_cast %get3A_2089 : i32 to index
      %get3A_2092 = arith.index_cast %get3A_2090 : i32 to index
      %get3A_2093 = arith.constant 64 : index
      %get3A_2094 = tpu.vector_load %arg8[%get3A_2091, %get3A_2092, %get3A_2093] {strides = array<i32>} : memref<5x4x128xf32, #tpu.memory_space<vmem>>, vector<16xf32>,
      %add3A_2095 = arith.constant 64 : i32
      %add3A_2096 = vector.broadcast %add3A_2095 : i32 to vector<16xi32>
      %add3A_2097 = arith.addi %iota3A, %add3A_2096 : vector<16xi32>
      %scatter3A_2098 = arith.constant 3 : i32
      %scatter3A_2099 = arith.constant 0 : i32
      %scatter3A_2100 = arith.constant 0 : i32
      %scatter3A_2101 = tpu.memref_slice %arg7[%scatter3A_2098, %scatter3A_2099, %scatter3A_2100] : memref<5x128x128xf32, #tpu.memory_space<vmem>> -> memref<1x128x128xf32, #tpu.memory_space<vmem>>
      %scatter3A_2102 = tpu.memref_squeeze %scatter3A_2101 : memref<1x128x128xf32, #tpu.memory_space<vmem>> -> memref<128x128xf32, #tpu.memory_space<vmem>>
      tpu.vector_store_idx %scatter3A_2102[%add3A_2097, %broadcast_in_dim3A_2032], %get3A_2094 : memref<128x128xf32, #tpu.memory_space<vmem>>[vector<16xi32>, vector<16xi32>], vector<16xf32>,
      %get3A_2103 = arith.constant 3 : i32
      %get3A_2104 = arith.constant 0 : i32
      %get3A_2105 = arith.index_cast %get3A_2103 : i32 to index
      %get3A_2106 = arith.index_cast %get3A_2104 : i32 to index
      %get3A_2107 = arith.constant 80 : index
      %get3A_2108 = tpu.vector_load %arg8[%get3A_2105, %get3A_2106, %get3A_2107] {strides = array<i32>} : memref<5x4x128xf32, #tpu.memory_space<vmem>>, vector<16xf32>,
      %add3A_2109 = arith.constant 80 : i32
      %add3A_2110 = vector.broadcast %add3A_2109 : i32 to vector<16xi32>
      %add3A_2111 = arith.addi %iota3A, %add3A_2110 : vector<16xi32>
      %scatter3A_2112 = arith.constant 3 : i32
      %scatter3A_2113 = arith.constant 0 : i32
      %scatter3A_2114 = arith.constant 0 : i32
      %scatter3A_2115 = tpu.memref_slice %arg7[%scatter3A_2112, %scatter3A_2113, %scatter3A_2114] : memref<5x128x128xf32, #tpu.memory_space<vmem>> -> memref<1x128x128xf32, #tpu.memory_space<vmem>>
      %scatter3A_2116 = tpu.memref_squeeze %scatter3A_2115 : memref<1x128x128xf32, #tpu.memory_space<vmem>> -> memref<128x128xf32, #tpu.memory_space<vmem>>
      tpu.vector_store_idx %scatter3A_2116[%add3A_2111, %broadcast_in_dim3A_2032], %get3A_2108 : memref<128x128xf32, #tpu.memory_space<vmem>>[vector<16xi32>, vector<16xi32>], vector<16xf32>,
      %get3A_2117 = arith.constant 3 : i32
      %get3A_2118 = arith.constant 0 : i32
      %get3A_2119 = arith.index_cast %get3A_2117 : i32 to index
      %get3A_2120 = arith.index_cast %get3A_2118 : i32 to index
      %get3A_2121 = arith.constant 96 : index
      %get3A_2122 = tpu.vector_load %arg8[%get3A_2119, %get3A_2120, %get3A_2121] {strides = array<i32>} : memref<5x4x128xf32, #tpu.memory_space<vmem>>, vector<16xf32>,
      %add3A_2123 = arith.constant 96 : i32
      %add3A_2124 = vector.broadcast %add3A_2123 : i32 to vector<16xi32>
      %add3A_2125 = arith.addi %iota3A, %add3A_2124 : vector<16xi32>
      %scatter3A_2126 = arith.constant 3 : i32
      %scatter3A_2127 = arith.constant 0 : i32
      %scatter3A_2128 = arith.constant 0 : i32
      %scatter3A_2129 = tpu.memref_slice %arg7[%scatter3A_2126, %scatter3A_2127, %scatter3A_2128] : memref<5x128x128xf32, #tpu.memory_space<vmem>> -> memref<1x128x128xf32, #tpu.memory_space<vmem>>
      %scatter3A_2130 = tpu.memref_squeeze %scatter3A_2129 : memref<1x128x128xf32, #tpu.memory_space<vmem>> -> memref<128x128xf32, #tpu.memory_space<vmem>>
      tpu.vector_store_idx %scatter3A_2130[%add3A_2125, %broadcast_in_dim3A_2032], %get3A_2122 : memref<128x128xf32, #tpu.memory_space<vmem>>[vector<16xi32>, vector<16xi32>], vector<16xf32>,
      %get3A_2131 = arith.constant 3 : i32
      %get3A_2132 = arith.constant 0 : i32
      %get3A_2133 = arith.index_cast %get3A_2131 : i32 to index
      %get3A_2134 = arith.index_cast %get3A_2132 : i32 to index
      %get3A_2135 = arith.constant 112 : index
      %get3A_2136 = tpu.vector_load %arg8[%get3A_2133, %get3A_2134, %get3A_2135] {strides = array<i32>} : memref<5x4x128xf32, #tpu.memory_space<vmem>>, vector<16xf32>,
      %add3A_2137 = arith.constant 112 : i32
      %add3A_2138 = vector.broadcast %add3A_2137 : i32 to vector<16xi32>
      %add3A_2139 = arith.addi %iota3A, %add3A_2138 : vector<16xi32>
      %scatter3A_2140 = arith.constant 3 : i32
      %scatter3A_2141 = arith.constant 0 : i32
      %scatter3A_2142 = arith.constant 0 : i32
      %scatter3A_2143 = tpu.memref_slice %arg7[%scatter3A_2140, %scatter3A_2141, %scatter3A_2142] : memref<5x128x128xf32, #tpu.memory_space<vmem>> -> memref<1x128x128xf32, #tpu.memory_space<vmem>>
      %scatter3A_2144 = tpu.memref_squeeze %scatter3A_2143 : memref<1x128x128xf32, #tpu.memory_space<vmem>> -> memref<128x128xf32, #tpu.memory_space<vmem>>
      tpu.vector_store_idx %scatter3A_2144[%add3A_2139, %broadcast_in_dim3A_2032], %get3A_2136 : memref<128x128xf32, #tpu.memory_space<vmem>>[vector<16xi32>, vector<16xi32>], vector<16xf32>,
      %broadcast_in_dim3A_2145 = arith.constant 125 : i32
      %broadcast_in_dim3A_2146 = vector.broadcast %broadcast_in_dim3A_2145 : i32 to vector<16xi32>
      %get3A_2147 = arith.constant 3 : i32
      %get3A_2148 = arith.constant 1 : i32
      %get3A_2149 = arith.index_cast %get3A_2147 : i32 to index
      %get3A_2150 = arith.index_cast %get3A_2148 : i32 to index
      %get3A_2151 = arith.constant 0 : index
      %get3A_2152 = tpu.vector_load %arg8[%get3A_2149, %get3A_2150, %get3A_2151] {strides = array<i32>} : memref<5x4x128xf32, #tpu.memory_space<vmem>>, vector<16xf32>,
      %add3A_2153 = arith.constant 0 : i32
      %add3A_2154 = vector.broadcast %add3A_2153 : i32 to vector<16xi32>
      %add3A_2155 = arith.addi %iota3A, %add3A_2154 : vector<16xi32>
      %scatter3A_2156 = arith.constant 3 : i32
      %scatter3A_2157 = arith.constant 0 : i32
      %scatter3A_2158 = arith.constant 0 : i32
      %scatter3A_2159 = tpu.memref_slice %arg7[%scatter3A_2156, %scatter3A_2157, %scatter3A_2158] : memref<5x128x128xf32, #tpu.memory_space<vmem>> -> memref<1x128x128xf32, #tpu.memory_space<vmem>>
      %scatter3A_2160 = tpu.memref_squeeze %scatter3A_2159 : memref<1x128x128xf32, #tpu.memory_space<vmem>> -> memref<128x128xf32, #tpu.memory_space<vmem>>
      tpu.vector_store_idx %scatter3A_2160[%add3A_2155, %broadcast_in_dim3A_2146], %get3A_2152 : memref<128x128xf32, #tpu.memory_space<vmem>>[vector<16xi32>, vector<16xi32>], vector<16xf32>,
      %get3A_2161 = arith.constant 3 : i32
      %get3A_2162 = arith.constant 1 : i32
      %get3A_2163 = arith.index_cast %get3A_2161 : i32 to index
      %get3A_2164 = arith.index_cast %get3A_2162 : i32 to index
      %get3A_2165 = arith.constant 16 : index
      %get3A_2166 = tpu.vector_load %arg8[%get3A_2163, %get3A_2164, %get3A_2165] {strides = array<i32>} : memref<5x4x128xf32, #tpu.memory_space<vmem>>, vector<16xf32>,
      %add3A_2167 = arith.constant 16 : i32
      %add3A_2168 = vector.broadcast %add3A_2167 : i32 to vector<16xi32>
      %add3A_2169 = arith.addi %iota3A, %add3A_2168 : vector<16xi32>
      %scatter3A_2170 = arith.constant 3 : i32
      %scatter3A_2171 = arith.constant 0 : i32
      %scatter3A_2172 = arith.constant 0 : i32
      %scatter3A_2173 = tpu.memref_slice %arg7[%scatter3A_2170, %scatter3A_2171, %scatter3A_2172] : memref<5x128x128xf32, #tpu.memory_space<vmem>> -> memref<1x128x128xf32, #tpu.memory_space<vmem>>
      %scatter3A_2174 = tpu.memref_squeeze %scatter3A_2173 : memref<1x128x128xf32, #tpu.memory_space<vmem>> -> memref<128x128xf32, #tpu.memory_space<vmem>>
      tpu.vector_store_idx %scatter3A_2174[%add3A_2169, %broadcast_in_dim3A_2146], %get3A_2166 : memref<128x128xf32, #tpu.memory_space<vmem>>[vector<16xi32>, vector<16xi32>], vector<16xf32>,
      %get3A_2175 = arith.constant 3 : i32
      %get3A_2176 = arith.constant 1 : i32
      %get3A_2177 = arith.index_cast %get3A_2175 : i32 to index
      %get3A_2178 = arith.index_cast %get3A_2176 : i32 to index
      %get3A_2179 = arith.constant 32 : index
      %get3A_2180 = tpu.vector_load %arg8[%get3A_2177, %get3A_2178, %get3A_2179] {strides = array<i32>} : memref<5x4x128xf32, #tpu.memory_space<vmem>>, vector<16xf32>,
      %add3A_2181 = arith.constant 32 : i32
      %add3A_2182 = vector.broadcast %add3A_2181 : i32 to vector<16xi32>
      %add3A_2183 = arith.addi %iota3A, %add3A_2182 : vector<16xi32>
      %scatter3A_2184 = arith.constant 3 : i32
      %scatter3A_2185 = arith.constant 0 : i32
      %scatter3A_2186 = arith.constant 0 : i32
      %scatter3A_2187 = tpu.memref_slice %arg7[%scatter3A_2184, %scatter3A_2185, %scatter3A_2186] : memref<5x128x128xf32, #tpu.memory_space<vmem>> -> memref<1x128x128xf32, #tpu.memory_space<vmem>>
      %scatter3A_2188 = tpu.memref_squeeze %scatter3A_2187 : memref<1x128x128xf32, #tpu.memory_space<vmem>> -> memref<128x128xf32, #tpu.memory_space<vmem>>
      tpu.vector_store_idx %scatter3A_2188[%add3A_2183, %broadcast_in_dim3A_2146], %get3A_2180 : memref<128x128xf32, #tpu.memory_space<vmem>>[vector<16xi32>, vector<16xi32>], vector<16xf32>,
      %get3A_2189 = arith.constant 3 : i32
      %get3A_2190 = arith.constant 1 : i32
      %get3A_2191 = arith.index_cast %get3A_2189 : i32 to index
      %get3A_2192 = arith.index_cast %get3A_2190 : i32 to index
      %get3A_2193 = arith.constant 48 : index
      %get3A_2194 = tpu.vector_load %arg8[%get3A_2191, %get3A_2192, %get3A_2193] {strides = array<i32>} : memref<5x4x128xf32, #tpu.memory_space<vmem>>, vector<16xf32>,
      %add3A_2195 = arith.constant 48 : i32
      %add3A_2196 = vector.broadcast %add3A_2195 : i32 to vector<16xi32>
      %add3A_2197 = arith.addi %iota3A, %add3A_2196 : vector<16xi32>
      %scatter3A_2198 = arith.constant 3 : i32
      %scatter3A_2199 = arith.constant 0 : i32
      %scatter3A_2200 = arith.constant 0 : i32
      %scatter3A_2201 = tpu.memref_slice %arg7[%scatter3A_2198, %scatter3A_2199, %scatter3A_2200] : memref<5x128x128xf32, #tpu.memory_space<vmem>> -> memref<1x128x128xf32, #tpu.memory_space<vmem>>
      %scatter3A_2202 = tpu.memref_squeeze %scatter3A_2201 : memref<1x128x128xf32, #tpu.memory_space<vmem>> -> memref<128x128xf32, #tpu.memory_space<vmem>>
      tpu.vector_store_idx %scatter3A_2202[%add3A_2197, %broadcast_in_dim3A_2146], %get3A_2194 : memref<128x128xf32, #tpu.memory_space<vmem>>[vector<16xi32>, vector<16xi32>], vector<16xf32>,
      %get3A_2203 = arith.constant 3 : i32
      %get3A_2204 = arith.constant 1 : i32
      %get3A_2205 = arith.index_cast %get3A_2203 : i32 to index
      %get3A_2206 = arith.index_cast %get3A_2204 : i32 to index
      %get3A_2207 = arith.constant 64 : index
      %get3A_2208 = tpu.vector_load %arg8[%get3A_2205, %get3A_2206, %get3A_2207] {strides = array<i32>} : memref<5x4x128xf32, #tpu.memory_space<vmem>>, vector<16xf32>,
      %add3A_2209 = arith.constant 64 : i32
      %add3A_2210 = vector.broadcast %add3A_2209 : i32 to vector<16xi32>
      %add3A_2211 = arith.addi %iota3A, %add3A_2210 : vector<16xi32>
      %scatter3A_2212 = arith.constant 3 : i32
      %scatter3A_2213 = arith.constant 0 : i32
      %scatter3A_2214 = arith.constant 0 : i32
      %scatter3A_2215 = tpu.memref_slice %arg7[%scatter3A_2212, %scatter3A_2213, %scatter3A_2214] : memref<5x128x128xf32, #tpu.memory_space<vmem>> -> memref<1x128x128xf32, #tpu.memory_space<vmem>>
      %scatter3A_2216 = tpu.memref_squeeze %scatter3A_2215 : memref<1x128x128xf32, #tpu.memory_space<vmem>> -> memref<128x128xf32, #tpu.memory_space<vmem>>
      tpu.vector_store_idx %scatter3A_2216[%add3A_2211, %broadcast_in_dim3A_2146], %get3A_2208 : memref<128x128xf32, #tpu.memory_space<vmem>>[vector<16xi32>, vector<16xi32>], vector<16xf32>,
      %get3A_2217 = arith.constant 3 : i32
      %get3A_2218 = arith.constant 1 : i32
      %get3A_2219 = arith.index_cast %get3A_2217 : i32 to index
      %get3A_2220 = arith.index_cast %get3A_2218 : i32 to index
      %get3A_2221 = arith.constant 80 : index
      %get3A_2222 = tpu.vector_load %arg8[%get3A_2219, %get3A_2220, %get3A_2221] {strides = array<i32>} : memref<5x4x128xf32, #tpu.memory_space<vmem>>, vector<16xf32>,
      %add3A_2223 = arith.constant 80 : i32
      %add3A_2224 = vector.broadcast %add3A_2223 : i32 to vector<16xi32>
      %add3A_2225 = arith.addi %iota3A, %add3A_2224 : vector<16xi32>
      %scatter3A_2226 = arith.constant 3 : i32
      %scatter3A_2227 = arith.constant 0 : i32
      %scatter3A_2228 = arith.constant 0 : i32
      %scatter3A_2229 = tpu.memref_slice %arg7[%scatter3A_2226, %scatter3A_2227, %scatter3A_2228] : memref<5x128x128xf32, #tpu.memory_space<vmem>> -> memref<1x128x128xf32, #tpu.memory_space<vmem>>
      %scatter3A_2230 = tpu.memref_squeeze %scatter3A_2229 : memref<1x128x128xf32, #tpu.memory_space<vmem>> -> memref<128x128xf32, #tpu.memory_space<vmem>>
      tpu.vector_store_idx %scatter3A_2230[%add3A_2225, %broadcast_in_dim3A_2146], %get3A_2222 : memref<128x128xf32, #tpu.memory_space<vmem>>[vector<16xi32>, vector<16xi32>], vector<16xf32>,
      %get3A_2231 = arith.constant 3 : i32
      %get3A_2232 = arith.constant 1 : i32
      %get3A_2233 = arith.index_cast %get3A_2231 : i32 to index
      %get3A_2234 = arith.index_cast %get3A_2232 : i32 to index
      %get3A_2235 = arith.constant 96 : index
      %get3A_2236 = tpu.vector_load %arg8[%get3A_2233, %get3A_2234, %get3A_2235] {strides = array<i32>} : memref<5x4x128xf32, #tpu.memory_space<vmem>>, vector<16xf32>,
      %add3A_2237 = arith.constant 96 : i32
      %add3A_2238 = vector.broadcast %add3A_2237 : i32 to vector<16xi32>
      %add3A_2239 = arith.addi %iota3A, %add3A_2238 : vector<16xi32>
      %scatter3A_2240 = arith.constant 3 : i32
      %scatter3A_2241 = arith.constant 0 : i32
      %scatter3A_2242 = arith.constant 0 : i32
      %scatter3A_2243 = tpu.memref_slice %arg7[%scatter3A_2240, %scatter3A_2241, %scatter3A_2242] : memref<5x128x128xf32, #tpu.memory_space<vmem>> -> memref<1x128x128xf32, #tpu.memory_space<vmem>>
      %scatter3A_2244 = tpu.memref_squeeze %scatter3A_2243 : memref<1x128x128xf32, #tpu.memory_space<vmem>> -> memref<128x128xf32, #tpu.memory_space<vmem>>
      tpu.vector_store_idx %scatter3A_2244[%add3A_2239, %broadcast_in_dim3A_2146], %get3A_2236 : memref<128x128xf32, #tpu.memory_space<vmem>>[vector<16xi32>, vector<16xi32>], vector<16xf32>,
      %get3A_2245 = arith.constant 3 : i32
      %get3A_2246 = arith.constant 1 : i32
      %get3A_2247 = arith.index_cast %get3A_2245 : i32 to index
      %get3A_2248 = arith.index_cast %get3A_2246 : i32 to index
      %get3A_2249 = arith.constant 112 : index
      %get3A_2250 = tpu.vector_load %arg8[%get3A_2247, %get3A_2248, %get3A_2249] {strides = array<i32>} : memref<5x4x128xf32, #tpu.memory_space<vmem>>, vector<16xf32>,
      %add3A_2251 = arith.constant 112 : i32
      %add3A_2252 = vector.broadcast %add3A_2251 : i32 to vector<16xi32>
      %add3A_2253 = arith.addi %iota3A, %add3A_2252 : vector<16xi32>
      %scatter3A_2254 = arith.constant 3 : i32
      %scatter3A_2255 = arith.constant 0 : i32
      %scatter3A_2256 = arith.constant 0 : i32
      %scatter3A_2257 = tpu.memref_slice %arg7[%scatter3A_2254, %scatter3A_2255, %scatter3A_2256] : memref<5x128x128xf32, #tpu.memory_space<vmem>> -> memref<1x128x128xf32, #tpu.memory_space<vmem>>
      %scatter3A_2258 = tpu.memref_squeeze %scatter3A_2257 : memref<1x128x128xf32, #tpu.memory_space<vmem>> -> memref<128x128xf32, #tpu.memory_space<vmem>>
      tpu.vector_store_idx %scatter3A_2258[%add3A_2253, %broadcast_in_dim3A_2146], %get3A_2250 : memref<128x128xf32, #tpu.memory_space<vmem>>[vector<16xi32>, vector<16xi32>], vector<16xf32>,
      %broadcast_in_dim3A_2259 = arith.constant 126 : i32
      %broadcast_in_dim3A_2260 = vector.broadcast %broadcast_in_dim3A_2259 : i32 to vector<16xi32>
      %get3A_2261 = arith.constant 3 : i32
      %get3A_2262 = arith.constant 2 : i32
      %get3A_2263 = arith.index_cast %get3A_2261 : i32 to index
      %get3A_2264 = arith.index_cast %get3A_2262 : i32 to index
      %get3A_2265 = arith.constant 0 : index
      %get3A_2266 = tpu.vector_load %arg8[%get3A_2263, %get3A_2264, %get3A_2265] {strides = array<i32>} : memref<5x4x128xf32, #tpu.memory_space<vmem>>, vector<16xf32>,
      %add3A_2267 = arith.constant 0 : i32
      %add3A_2268 = vector.broadcast %add3A_2267 : i32 to vector<16xi32>
      %add3A_2269 = arith.addi %iota3A, %add3A_2268 : vector<16xi32>
      %scatter3A_2270 = arith.constant 3 : i32
      %scatter3A_2271 = arith.constant 0 : i32
      %scatter3A_2272 = arith.constant 0 : i32
      %scatter3A_2273 = tpu.memref_slice %arg7[%scatter3A_2270, %scatter3A_2271, %scatter3A_2272] : memref<5x128x128xf32, #tpu.memory_space<vmem>> -> memref<1x128x128xf32, #tpu.memory_space<vmem>>
      %scatter3A_2274 = tpu.memref_squeeze %scatter3A_2273 : memref<1x128x128xf32, #tpu.memory_space<vmem>> -> memref<128x128xf32, #tpu.memory_space<vmem>>
      tpu.vector_store_idx %scatter3A_2274[%add3A_2269, %broadcast_in_dim3A_2260], %get3A_2266 : memref<128x128xf32, #tpu.memory_space<vmem>>[vector<16xi32>, vector<16xi32>], vector<16xf32>,
      %get3A_2275 = arith.constant 3 : i32
      %get3A_2276 = arith.constant 2 : i32
      %get3A_2277 = arith.index_cast %get3A_2275 : i32 to index
      %get3A_2278 = arith.index_cast %get3A_2276 : i32 to index
      %get3A_2279 = arith.constant 16 : index
      %get3A_2280 = tpu.vector_load %arg8[%get3A_2277, %get3A_2278, %get3A_2279] {strides = array<i32>} : memref<5x4x128xf32, #tpu.memory_space<vmem>>, vector<16xf32>,
      %add3A_2281 = arith.constant 16 : i32
      %add3A_2282 = vector.broadcast %add3A_2281 : i32 to vector<16xi32>
      %add3A_2283 = arith.addi %iota3A, %add3A_2282 : vector<16xi32>
      %scatter3A_2284 = arith.constant 3 : i32
      %scatter3A_2285 = arith.constant 0 : i32
      %scatter3A_2286 = arith.constant 0 : i32
      %scatter3A_2287 = tpu.memref_slice %arg7[%scatter3A_2284, %scatter3A_2285, %scatter3A_2286] : memref<5x128x128xf32, #tpu.memory_space<vmem>> -> memref<1x128x128xf32, #tpu.memory_space<vmem>>
      %scatter3A_2288 = tpu.memref_squeeze %scatter3A_2287 : memref<1x128x128xf32, #tpu.memory_space<vmem>> -> memref<128x128xf32, #tpu.memory_space<vmem>>
      tpu.vector_store_idx %scatter3A_2288[%add3A_2283, %broadcast_in_dim3A_2260], %get3A_2280 : memref<128x128xf32, #tpu.memory_space<vmem>>[vector<16xi32>, vector<16xi32>], vector<16xf32>,
      %get3A_2289 = arith.constant 3 : i32
      %get3A_2290 = arith.constant 2 : i32
      %get3A_2291 = arith.index_cast %get3A_2289 : i32 to index
      %get3A_2292 = arith.index_cast %get3A_2290 : i32 to index
      %get3A_2293 = arith.constant 32 : index
      %get3A_2294 = tpu.vector_load %arg8[%get3A_2291, %get3A_2292, %get3A_2293] {strides = array<i32>} : memref<5x4x128xf32, #tpu.memory_space<vmem>>, vector<16xf32>,
      %add3A_2295 = arith.constant 32 : i32
      %add3A_2296 = vector.broadcast %add3A_2295 : i32 to vector<16xi32>
      %add3A_2297 = arith.addi %iota3A, %add3A_2296 : vector<16xi32>
      %scatter3A_2298 = arith.constant 3 : i32
      %scatter3A_2299 = arith.constant 0 : i32
      %scatter3A_2300 = arith.constant 0 : i32
      %scatter3A_2301 = tpu.memref_slice %arg7[%scatter3A_2298, %scatter3A_2299, %scatter3A_2300] : memref<5x128x128xf32, #tpu.memory_space<vmem>> -> memref<1x128x128xf32, #tpu.memory_space<vmem>>
      %scatter3A_2302 = tpu.memref_squeeze %scatter3A_2301 : memref<1x128x128xf32, #tpu.memory_space<vmem>> -> memref<128x128xf32, #tpu.memory_space<vmem>>
      tpu.vector_store_idx %scatter3A_2302[%add3A_2297, %broadcast_in_dim3A_2260], %get3A_2294 : memref<128x128xf32, #tpu.memory_space<vmem>>[vector<16xi32>, vector<16xi32>], vector<16xf32>,
      %get3A_2303 = arith.constant 3 : i32
      %get3A_2304 = arith.constant 2 : i32
      %get3A_2305 = arith.index_cast %get3A_2303 : i32 to index
      %get3A_2306 = arith.index_cast %get3A_2304 : i32 to index
      %get3A_2307 = arith.constant 48 : index
      %get3A_2308 = tpu.vector_load %arg8[%get3A_2305, %get3A_2306, %get3A_2307] {strides = array<i32>} : memref<5x4x128xf32, #tpu.memory_space<vmem>>, vector<16xf32>,
      %add3A_2309 = arith.constant 48 : i32
      %add3A_2310 = vector.broadcast %add3A_2309 : i32 to vector<16xi32>
      %add3A_2311 = arith.addi %iota3A, %add3A_2310 : vector<16xi32>
      %scatter3A_2312 = arith.constant 3 : i32
      %scatter3A_2313 = arith.constant 0 : i32
      %scatter3A_2314 = arith.constant 0 : i32
      %scatter3A_2315 = tpu.memref_slice %arg7[%scatter3A_2312, %scatter3A_2313, %scatter3A_2314] : memref<5x128x128xf32, #tpu.memory_space<vmem>> -> memref<1x128x128xf32, #tpu.memory_space<vmem>>
      %scatter3A_2316 = tpu.memref_squeeze %scatter3A_2315 : memref<1x128x128xf32, #tpu.memory_space<vmem>> -> memref<128x128xf32, #tpu.memory_space<vmem>>
      tpu.vector_store_idx %scatter3A_2316[%add3A_2311, %broadcast_in_dim3A_2260], %get3A_2308 : memref<128x128xf32, #tpu.memory_space<vmem>>[vector<16xi32>, vector<16xi32>], vector<16xf32>,
      %get3A_2317 = arith.constant 3 : i32
      %get3A_2318 = arith.constant 2 : i32
      %get3A_2319 = arith.index_cast %get3A_2317 : i32 to index
      %get3A_2320 = arith.index_cast %get3A_2318 : i32 to index
      %get3A_2321 = arith.constant 64 : index
      %get3A_2322 = tpu.vector_load %arg8[%get3A_2319, %get3A_2320, %get3A_2321] {strides = array<i32>} : memref<5x4x128xf32, #tpu.memory_space<vmem>>, vector<16xf32>,
      %add3A_2323 = arith.constant 64 : i32
      %add3A_2324 = vector.broadcast %add3A_2323 : i32 to vector<16xi32>
      %add3A_2325 = arith.addi %iota3A, %add3A_2324 : vector<16xi32>
      %scatter3A_2326 = arith.constant 3 : i32
      %scatter3A_2327 = arith.constant 0 : i32
      %scatter3A_2328 = arith.constant 0 : i32
      %scatter3A_2329 = tpu.memref_slice %arg7[%scatter3A_2326, %scatter3A_2327, %scatter3A_2328] : memref<5x128x128xf32, #tpu.memory_space<vmem>> -> memref<1x128x128xf32, #tpu.memory_space<vmem>>
      %scatter3A_2330 = tpu.memref_squeeze %scatter3A_2329 : memref<1x128x128xf32, #tpu.memory_space<vmem>> -> memref<128x128xf32, #tpu.memory_space<vmem>>
      tpu.vector_store_idx %scatter3A_2330[%add3A_2325, %broadcast_in_dim3A_2260], %get3A_2322 : memref<128x128xf32, #tpu.memory_space<vmem>>[vector<16xi32>, vector<16xi32>], vector<16xf32>,
      %get3A_2331 = arith.constant 3 : i32
      %get3A_2332 = arith.constant 2 : i32
      %get3A_2333 = arith.index_cast %get3A_2331 : i32 to index
      %get3A_2334 = arith.index_cast %get3A_2332 : i32 to index
      %get3A_2335 = arith.constant 80 : index
      %get3A_2336 = tpu.vector_load %arg8[%get3A_2333, %get3A_2334, %get3A_2335] {strides = array<i32>} : memref<5x4x128xf32, #tpu.memory_space<vmem>>, vector<16xf32>,
      %add3A_2337 = arith.constant 80 : i32
      %add3A_2338 = vector.broadcast %add3A_2337 : i32 to vector<16xi32>
      %add3A_2339 = arith.addi %iota3A, %add3A_2338 : vector<16xi32>
      %scatter3A_2340 = arith.constant 3 : i32
      %scatter3A_2341 = arith.constant 0 : i32
      %scatter3A_2342 = arith.constant 0 : i32
      %scatter3A_2343 = tpu.memref_slice %arg7[%scatter3A_2340, %scatter3A_2341, %scatter3A_2342] : memref<5x128x128xf32, #tpu.memory_space<vmem>> -> memref<1x128x128xf32, #tpu.memory_space<vmem>>
      %scatter3A_2344 = tpu.memref_squeeze %scatter3A_2343 : memref<1x128x128xf32, #tpu.memory_space<vmem>> -> memref<128x128xf32, #tpu.memory_space<vmem>>
      tpu.vector_store_idx %scatter3A_2344[%add3A_2339, %broadcast_in_dim3A_2260], %get3A_2336 : memref<128x128xf32, #tpu.memory_space<vmem>>[vector<16xi32>, vector<16xi32>], vector<16xf32>,
      %get3A_2345 = arith.constant 3 : i32
      %get3A_2346 = arith.constant 2 : i32
      %get3A_2347 = arith.index_cast %get3A_2345 : i32 to index
      %get3A_2348 = arith.index_cast %get3A_2346 : i32 to index
      %get3A_2349 = arith.constant 96 : index
      %get3A_2350 = tpu.vector_load %arg8[%get3A_2347, %get3A_2348, %get3A_2349] {strides = array<i32>} : memref<5x4x128xf32, #tpu.memory_space<vmem>>, vector<16xf32>,
      %add3A_2351 = arith.constant 96 : i32
      %add3A_2352 = vector.broadcast %add3A_2351 : i32 to vector<16xi32>
      %add3A_2353 = arith.addi %iota3A, %add3A_2352 : vector<16xi32>
      %scatter3A_2354 = arith.constant 3 : i32
      %scatter3A_2355 = arith.constant 0 : i32
      %scatter3A_2356 = arith.constant 0 : i32
      %scatter3A_2357 = tpu.memref_slice %arg7[%scatter3A_2354, %scatter3A_2355, %scatter3A_2356] : memref<5x128x128xf32, #tpu.memory_space<vmem>> -> memref<1x128x128xf32, #tpu.memory_space<vmem>>
      %scatter3A_2358 = tpu.memref_squeeze %scatter3A_2357 : memref<1x128x128xf32, #tpu.memory_space<vmem>> -> memref<128x128xf32, #tpu.memory_space<vmem>>
      tpu.vector_store_idx %scatter3A_2358[%add3A_2353, %broadcast_in_dim3A_2260], %get3A_2350 : memref<128x128xf32, #tpu.memory_space<vmem>>[vector<16xi32>, vector<16xi32>], vector<16xf32>,
      %get3A_2359 = arith.constant 3 : i32
      %get3A_2360 = arith.constant 2 : i32
      %get3A_2361 = arith.index_cast %get3A_2359 : i32 to index
      %get3A_2362 = arith.index_cast %get3A_2360 : i32 to index
      %get3A_2363 = arith.constant 112 : index
      %get3A_2364 = tpu.vector_load %arg8[%get3A_2361, %get3A_2362, %get3A_2363] {strides = array<i32>} : memref<5x4x128xf32, #tpu.memory_space<vmem>>, vector<16xf32>,
      %add3A_2365 = arith.constant 112 : i32
      %add3A_2366 = vector.broadcast %add3A_2365 : i32 to vector<16xi32>
      %add3A_2367 = arith.addi %iota3A, %add3A_2366 : vector<16xi32>
      %scatter3A_2368 = arith.constant 3 : i32
      %scatter3A_2369 = arith.constant 0 : i32
      %scatter3A_2370 = arith.constant 0 : i32
      %scatter3A_2371 = tpu.memref_slice %arg7[%scatter3A_2368, %scatter3A_2369, %scatter3A_2370] : memref<5x128x128xf32, #tpu.memory_space<vmem>> -> memref<1x128x128xf32, #tpu.memory_space<vmem>>
      %scatter3A_2372 = tpu.memref_squeeze %scatter3A_2371 : memref<1x128x128xf32, #tpu.memory_space<vmem>> -> memref<128x128xf32, #tpu.memory_space<vmem>>
      tpu.vector_store_idx %scatter3A_2372[%add3A_2367, %broadcast_in_dim3A_2260], %get3A_2364 : memref<128x128xf32, #tpu.memory_space<vmem>>[vector<16xi32>, vector<16xi32>], vector<16xf32>,
      %broadcast_in_dim3A_2373 = arith.constant 127 : i32
      %broadcast_in_dim3A_2374 = vector.broadcast %broadcast_in_dim3A_2373 : i32 to vector<16xi32>
      %get3A_2375 = arith.constant 3 : i32
      %get3A_2376 = arith.constant 3 : i32
      %get3A_2377 = arith.index_cast %get3A_2375 : i32 to index
      %get3A_2378 = arith.index_cast %get3A_2376 : i32 to index
      %get3A_2379 = arith.constant 0 : index
      %get3A_2380 = tpu.vector_load %arg8[%get3A_2377, %get3A_2378, %get3A_2379] {strides = array<i32>} : memref<5x4x128xf32, #tpu.memory_space<vmem>>, vector<16xf32>,
      %add3A_2381 = arith.constant 0 : i32
      %add3A_2382 = vector.broadcast %add3A_2381 : i32 to vector<16xi32>
      %add3A_2383 = arith.addi %iota3A, %add3A_2382 : vector<16xi32>
      %scatter3A_2384 = arith.constant 3 : i32
      %scatter3A_2385 = arith.constant 0 : i32
      %scatter3A_2386 = arith.constant 0 : i32
      %scatter3A_2387 = tpu.memref_slice %arg7[%scatter3A_2384, %scatter3A_2385, %scatter3A_2386] : memref<5x128x128xf32, #tpu.memory_space<vmem>> -> memref<1x128x128xf32, #tpu.memory_space<vmem>>
      %scatter3A_2388 = tpu.memref_squeeze %scatter3A_2387 : memref<1x128x128xf32, #tpu.memory_space<vmem>> -> memref<128x128xf32, #tpu.memory_space<vmem>>
      tpu.vector_store_idx %scatter3A_2388[%add3A_2383, %broadcast_in_dim3A_2374], %get3A_2380 : memref<128x128xf32, #tpu.memory_space<vmem>>[vector<16xi32>, vector<16xi32>], vector<16xf32>,
      %get3A_2389 = arith.constant 3 : i32
      %get3A_2390 = arith.constant 3 : i32
      %get3A_2391 = arith.index_cast %get3A_2389 : i32 to index
      %get3A_2392 = arith.index_cast %get3A_2390 : i32 to index
      %get3A_2393 = arith.constant 16 : index
      %get3A_2394 = tpu.vector_load %arg8[%get3A_2391, %get3A_2392, %get3A_2393] {strides = array<i32>} : memref<5x4x128xf32, #tpu.memory_space<vmem>>, vector<16xf32>,
      %add3A_2395 = arith.constant 16 : i32
      %add3A_2396 = vector.broadcast %add3A_2395 : i32 to vector<16xi32>
      %add3A_2397 = arith.addi %iota3A, %add3A_2396 : vector<16xi32>
      %scatter3A_2398 = arith.constant 3 : i32
      %scatter3A_2399 = arith.constant 0 : i32
      %scatter3A_2400 = arith.constant 0 : i32
      %scatter3A_2401 = tpu.memref_slice %arg7[%scatter3A_2398, %scatter3A_2399, %scatter3A_2400] : memref<5x128x128xf32, #tpu.memory_space<vmem>> -> memref<1x128x128xf32, #tpu.memory_space<vmem>>
      %scatter3A_2402 = tpu.memref_squeeze %scatter3A_2401 : memref<1x128x128xf32, #tpu.memory_space<vmem>> -> memref<128x128xf32, #tpu.memory_space<vmem>>
      tpu.vector_store_idx %scatter3A_2402[%add3A_2397, %broadcast_in_dim3A_2374], %get3A_2394 : memref<128x128xf32, #tpu.memory_space<vmem>>[vector<16xi32>, vector<16xi32>], vector<16xf32>,
      %get3A_2403 = arith.constant 3 : i32
      %get3A_2404 = arith.constant 3 : i32
      %get3A_2405 = arith.index_cast %get3A_2403 : i32 to index
      %get3A_2406 = arith.index_cast %get3A_2404 : i32 to index
      %get3A_2407 = arith.constant 32 : index
      %get3A_2408 = tpu.vector_load %arg8[%get3A_2405, %get3A_2406, %get3A_2407] {strides = array<i32>} : memref<5x4x128xf32, #tpu.memory_space<vmem>>, vector<16xf32>,
      %add3A_2409 = arith.constant 32 : i32
      %add3A_2410 = vector.broadcast %add3A_2409 : i32 to vector<16xi32>
      %add3A_2411 = arith.addi %iota3A, %add3A_2410 : vector<16xi32>
      %scatter3A_2412 = arith.constant 3 : i32
      %scatter3A_2413 = arith.constant 0 : i32
      %scatter3A_2414 = arith.constant 0 : i32
      %scatter3A_2415 = tpu.memref_slice %arg7[%scatter3A_2412, %scatter3A_2413, %scatter3A_2414] : memref<5x128x128xf32, #tpu.memory_space<vmem>> -> memref<1x128x128xf32, #tpu.memory_space<vmem>>
      %scatter3A_2416 = tpu.memref_squeeze %scatter3A_2415 : memref<1x128x128xf32, #tpu.memory_space<vmem>> -> memref<128x128xf32, #tpu.memory_space<vmem>>
      tpu.vector_store_idx %scatter3A_2416[%add3A_2411, %broadcast_in_dim3A_2374], %get3A_2408 : memref<128x128xf32, #tpu.memory_space<vmem>>[vector<16xi32>, vector<16xi32>], vector<16xf32>,
      %get3A_2417 = arith.constant 3 : i32
      %get3A_2418 = arith.constant 3 : i32
      %get3A_2419 = arith.index_cast %get3A_2417 : i32 to index
      %get3A_2420 = arith.index_cast %get3A_2418 : i32 to index
      %get3A_2421 = arith.constant 48 : index
      %get3A_2422 = tpu.vector_load %arg8[%get3A_2419, %get3A_2420, %get3A_2421] {strides = array<i32>} : memref<5x4x128xf32, #tpu.memory_space<vmem>>, vector<16xf32>,
      %add3A_2423 = arith.constant 48 : i32
      %add3A_2424 = vector.broadcast %add3A_2423 : i32 to vector<16xi32>
      %add3A_2425 = arith.addi %iota3A, %add3A_2424 : vector<16xi32>
      %scatter3A_2426 = arith.constant 3 : i32
      %scatter3A_2427 = arith.constant 0 : i32
      %scatter3A_2428 = arith.constant 0 : i32
      %scatter3A_2429 = tpu.memref_slice %arg7[%scatter3A_2426, %scatter3A_2427, %scatter3A_2428] : memref<5x128x128xf32, #tpu.memory_space<vmem>> -> memref<1x128x128xf32, #tpu.memory_space<vmem>>
      %scatter3A_2430 = tpu.memref_squeeze %scatter3A_2429 : memref<1x128x128xf32, #tpu.memory_space<vmem>> -> memref<128x128xf32, #tpu.memory_space<vmem>>
      tpu.vector_store_idx %scatter3A_2430[%add3A_2425, %broadcast_in_dim3A_2374], %get3A_2422 : memref<128x128xf32, #tpu.memory_space<vmem>>[vector<16xi32>, vector<16xi32>], vector<16xf32>,
      %get3A_2431 = arith.constant 3 : i32
      %get3A_2432 = arith.constant 3 : i32
      %get3A_2433 = arith.index_cast %get3A_2431 : i32 to index
      %get3A_2434 = arith.index_cast %get3A_2432 : i32 to index
      %get3A_2435 = arith.constant 64 : index
      %get3A_2436 = tpu.vector_load %arg8[%get3A_2433, %get3A_2434, %get3A_2435] {strides = array<i32>} : memref<5x4x128xf32, #tpu.memory_space<vmem>>, vector<16xf32>,
      %add3A_2437 = arith.constant 64 : i32
      %add3A_2438 = vector.broadcast %add3A_2437 : i32 to vector<16xi32>
      %add3A_2439 = arith.addi %iota3A, %add3A_2438 : vector<16xi32>
      %scatter3A_2440 = arith.constant 3 : i32
      %scatter3A_2441 = arith.constant 0 : i32
      %scatter3A_2442 = arith.constant 0 : i32
      %scatter3A_2443 = tpu.memref_slice %arg7[%scatter3A_2440, %scatter3A_2441, %scatter3A_2442] : memref<5x128x128xf32, #tpu.memory_space<vmem>> -> memref<1x128x128xf32, #tpu.memory_space<vmem>>
      %scatter3A_2444 = tpu.memref_squeeze %scatter3A_2443 : memref<1x128x128xf32, #tpu.memory_space<vmem>> -> memref<128x128xf32, #tpu.memory_space<vmem>>
      tpu.vector_store_idx %scatter3A_2444[%add3A_2439, %broadcast_in_dim3A_2374], %get3A_2436 : memref<128x128xf32, #tpu.memory_space<vmem>>[vector<16xi32>, vector<16xi32>], vector<16xf32>,
      %get3A_2445 = arith.constant 3 : i32
      %get3A_2446 = arith.constant 3 : i32
      %get3A_2447 = arith.index_cast %get3A_2445 : i32 to index
      %get3A_2448 = arith.index_cast %get3A_2446 : i32 to index
      %get3A_2449 = arith.constant 80 : index
      %get3A_2450 = tpu.vector_load %arg8[%get3A_2447, %get3A_2448, %get3A_2449] {strides = array<i32>} : memref<5x4x128xf32, #tpu.memory_space<vmem>>, vector<16xf32>,
      %add3A_2451 = arith.constant 80 : i32
      %add3A_2452 = vector.broadcast %add3A_2451 : i32 to vector<16xi32>
      %add3A_2453 = arith.addi %iota3A, %add3A_2452 : vector<16xi32>
      %scatter3A_2454 = arith.constant 3 : i32
      %scatter3A_2455 = arith.constant 0 : i32
      %scatter3A_2456 = arith.constant 0 : i32
      %scatter3A_2457 = tpu.memref_slice %arg7[%scatter3A_2454, %scatter3A_2455, %scatter3A_2456] : memref<5x128x128xf32, #tpu.memory_space<vmem>> -> memref<1x128x128xf32, #tpu.memory_space<vmem>>
      %scatter3A_2458 = tpu.memref_squeeze %scatter3A_2457 : memref<1x128x128xf32, #tpu.memory_space<vmem>> -> memref<128x128xf32, #tpu.memory_space<vmem>>
      tpu.vector_store_idx %scatter3A_2458[%add3A_2453, %broadcast_in_dim3A_2374], %get3A_2450 : memref<128x128xf32, #tpu.memory_space<vmem>>[vector<16xi32>, vector<16xi32>], vector<16xf32>,
      %get3A_2459 = arith.constant 3 : i32
      %get3A_2460 = arith.constant 3 : i32
      %get3A_2461 = arith.index_cast %get3A_2459 : i32 to index
      %get3A_2462 = arith.index_cast %get3A_2460 : i32 to index
      %get3A_2463 = arith.constant 96 : index
      %get3A_2464 = tpu.vector_load %arg8[%get3A_2461, %get3A_2462, %get3A_2463] {strides = array<i32>} : memref<5x4x128xf32, #tpu.memory_space<vmem>>, vector<16xf32>,
      %add3A_2465 = arith.constant 96 : i32
      %add3A_2466 = vector.broadcast %add3A_2465 : i32 to vector<16xi32>
      %add3A_2467 = arith.addi %iota3A, %add3A_2466 : vector<16xi32>
      %scatter3A_2468 = arith.constant 3 : i32
      %scatter3A_2469 = arith.constant 0 : i32
      %scatter3A_2470 = arith.constant 0 : i32
      %scatter3A_2471 = tpu.memref_slice %arg7[%scatter3A_2468, %scatter3A_2469, %scatter3A_2470] : memref<5x128x128xf32, #tpu.memory_space<vmem>> -> memref<1x128x128xf32, #tpu.memory_space<vmem>>
      %scatter3A_2472 = tpu.memref_squeeze %scatter3A_2471 : memref<1x128x128xf32, #tpu.memory_space<vmem>> -> memref<128x128xf32, #tpu.memory_space<vmem>>
      tpu.vector_store_idx %scatter3A_2472[%add3A_2467, %broadcast_in_dim3A_2374], %get3A_2464 : memref<128x128xf32, #tpu.memory_space<vmem>>[vector<16xi32>, vector<16xi32>], vector<16xf32>,
      %get3A_2473 = arith.constant 3 : i32
      %get3A_2474 = arith.constant 3 : i32
      %get3A_2475 = arith.index_cast %get3A_2473 : i32 to index
      %get3A_2476 = arith.index_cast %get3A_2474 : i32 to index
      %get3A_2477 = arith.constant 112 : index
      %get3A_2478 = tpu.vector_load %arg8[%get3A_2475, %get3A_2476, %get3A_2477] {strides = array<i32>} : memref<5x4x128xf32, #tpu.memory_space<vmem>>, vector<16xf32>,
      %add3A_2479 = arith.constant 112 : i32
      %add3A_2480 = vector.broadcast %add3A_2479 : i32 to vector<16xi32>
      %add3A_2481 = arith.addi %iota3A, %add3A_2480 : vector<16xi32>
      %scatter3A_2482 = arith.constant 3 : i32
      %scatter3A_2483 = arith.constant 0 : i32
      %scatter3A_2484 = arith.constant 0 : i32
      %scatter3A_2485 = tpu.memref_slice %arg7[%scatter3A_2482, %scatter3A_2483, %scatter3A_2484] : memref<5x128x128xf32, #tpu.memory_space<vmem>> -> memref<1x128x128xf32, #tpu.memory_space<vmem>>
      %scatter3A_2486 = tpu.memref_squeeze %scatter3A_2485 : memref<1x128x128xf32, #tpu.memory_space<vmem>> -> memref<128x128xf32, #tpu.memory_space<vmem>>
      tpu.vector_store_idx %scatter3A_2486[%add3A_2481, %broadcast_in_dim3A_2374], %get3A_2478 : memref<128x128xf32, #tpu.memory_space<vmem>>[vector<16xi32>, vector<16xi32>], vector<16xf32>,
      %dma_start3A_2487 = arith.constant 3 : i32
      %dma_start3A_2488 = arith.constant 3 : i32
      %dma_start3A_2489 = arith.constant 0 : i32
      %dma_start3A_2490 = arith.constant 0 : i32
      %dma_start3A_2491 = tpu.memref_slice %arg7[%dma_start3A_2487, %dma_start3A_2489, %dma_start3A_2490] : memref<5x128x128xf32, #tpu.memory_space<vmem>> -> memref<1x128x128xf32, #tpu.memory_space<vmem>>
      %dma_start3A_2492 = tpu.memref_squeeze %dma_start3A_2491 : memref<1x128x128xf32, #tpu.memory_space<vmem>> -> memref<128x128xf32, #tpu.memory_space<vmem>>
      %dma_start3A_2493 = arith.constant 0 : i32
      %dma_start3A_2494 = tpu.memref_slice %arg9[%dma_start3A_2488, %dma_start3A_2493] : memref<5x128xi32, #tpu.memory_space<vmem>> -> memref<1x128xi32, #tpu.memory_space<vmem>>
      %dma_start3A_2495 = tpu.memref_squeeze %dma_start3A_2494 : memref<1x128xi32, #tpu.memory_space<vmem>> -> memref<128xi32, #tpu.memory_space<vmem>>
      %dma_start3A_2496 = arith.constant 0 : i32
      %dma_start3A_2497 = arith.constant 0 : i32
      %dma_start3A_2498 = tpu.memref_slice %arg5[%dma_start3A_2496, %dma_start3A_2497] : memref<819200x128xf32, #tpu.memory_space<hbm>> -> memref<819200x128xf32, #tpu.memory_space<hbm>>
      tpu.enqueue_indirect_dma source(%dma_start3A_2492 : memref<128x128xf32, #tpu.memory_space<vmem>>) target(%dma_start3A_2498 : memref<819200x128xf32, #tpu.memory_space<hbm>>) offsets(%dma_start3A_2495 : memref<128xi32, #tpu.memory_space<vmem>>) semaphore(%arg19 : memref<!tpu.dma_semaphore, #tpu.memory_space<semaphore_mem>>)
      %mul3A_2499 = arith.constant 5 : i32
      %mul3A_2500 = arith.muli %scan3A_216, %mul3A_2499 : i32
      %add3A_2501 = arith.constant 4 : i32
      %add3A_2502 = arith.addi %mul3A_2500, %add3A_2501 : i32
      %add3A_2503 = arith.constant 3 : i32
      %add3A_2504 = arith.addi %add3A_2502, %add3A_2503 : i32
      %lt3A_2505 = arith.constant 200 : i32
      %lt3A_2506 = arith.cmpi slt, %add3A_2504, %lt3A_2505 : i32
      %convert_element_type3A_2507 = arith.extui %lt3A_2506 : i1 to i32
      %cond3A_2508 = arith.constant 0 : i32
      %cond3A_2509 = arith.cmpi ne, %convert_element_type3A_2507, %cond3A_2508 : i32
      scf.if %cond3A_2509 {
        %ge3A = arith.constant 2 : i32
        %ge3A_3071 = arith.cmpi sge, %add3A_2502, %ge3A : i32
        %convert_element_type3A_3072 = arith.extui %ge3A_3071 : i1 to i32
        %cond3A_3073 = arith.constant 0 : i32
        %cond3A_3074 = arith.cmpi ne, %convert_element_type3A_3072, %cond3A_3073 : i32
        scf.if %cond3A_3074 {
          %dma_wait3A_3108 = arith.constant 2 : i32
          %dma_wait3A_3109 = arith.constant 2 : i32
          %dma_wait3A_3110 = arith.constant 0 : i32
          %dma_wait3A_3111 = arith.constant 0 : i32
          %dma_wait3A_3112 = tpu.memref_slice %arg7[%dma_wait3A_3108, %dma_wait3A_3110, %dma_wait3A_3111] : memref<5x128x128xf32, #tpu.memory_space<vmem>> -> memref<1x128x128xf32, #tpu.memory_space<vmem>>
          %dma_wait3A_3113 = tpu.memref_squeeze %dma_wait3A_3112 : memref<1x128x128xf32, #tpu.memory_space<vmem>> -> memref<128x128xf32, #tpu.memory_space<vmem>>
          %dma_wait3A_3114 = arith.constant 0 : i32
          %dma_wait3A_3115 = tpu.memref_slice %arg9[%dma_wait3A_3109, %dma_wait3A_3114] : memref<5x128xi32, #tpu.memory_space<vmem>> -> memref<1x128xi32, #tpu.memory_space<vmem>>
          %dma_wait3A_3116 = tpu.memref_squeeze %dma_wait3A_3115 : memref<1x128xi32, #tpu.memory_space<vmem>> -> memref<128xi32, #tpu.memory_space<vmem>>
          %dma_wait3A_3117 = arith.constant 0 : i32
          %dma_wait3A_3118 = arith.constant 0 : i32
          %dma_wait3A_3119 = tpu.memref_slice %arg5[%dma_wait3A_3117, %dma_wait3A_3118] : memref<819200x128xf32, #tpu.memory_space<hbm>> -> memref<819200x128xf32, #tpu.memory_space<hbm>>
          tpu.wait_indirect_dma semaphore(%arg18 : memref<!tpu.dma_semaphore, #tpu.memory_space<semaphore_mem>>) src(%dma_wait3A_3113 : memref<128x128xf32, #tpu.memory_space<vmem>>) dst(%dma_wait3A_3119 : memref<819200x128xf32, #tpu.memory_space<hbm>>)
        } else {
        }
        %add3A_3075 = arith.constant 3 : i32
        %add3A_3076 = arith.addi %add3A_2502, %add3A_3075 : i32
        %dma_start3A_3077 = arith.constant 2 : i32
        %dma_start3A_3078 = arith.constant 0 : i32
        %dma_start3A_3079 = arith.constant 0 : i32
        %dma_start3A_3080 = tpu.memref_slice %arg7[%dma_start3A_3077, %dma_start3A_3078, %dma_start3A_3079] : memref<5x128x128xf32, #tpu.memory_space<vmem>> -> memref<1x128x128xf32, #tpu.memory_space<vmem>>
        %dma_start3A_3081 = tpu.memref_squeeze %dma_start3A_3080 : memref<1x128x128xf32, #tpu.memory_space<vmem>> -> memref<128x128xf32, #tpu.memory_space<vmem>>
        %dma_start3A_3082 = arith.constant 0 : i32
        %dma_start3A_3083 = tpu.memref_slice %arg6[%add3A_3076, %dma_start3A_3082] : memref<200x128xi32, #tpu.memory_space<vmem>> -> memref<1x128xi32, #tpu.memory_space<vmem>>
        %dma_start3A_3084 = tpu.memref_squeeze %dma_start3A_3083 : memref<1x128xi32, #tpu.memory_space<vmem>> -> memref<128xi32, #tpu.memory_space<vmem>>
        %dma_start3A_3085 = arith.constant 0 : i32
        %dma_start3A_3086 = arith.constant 0 : i32
        %dma_start3A_3087 = tpu.memref_slice %arg4[%dma_start3A_3085, %dma_start3A_3086] : memref<100000x128xf32, #tpu.memory_space<hbm>> -> memref<100000x128xf32, #tpu.memory_space<hbm>>
        tpu.enqueue_indirect_dma source(%dma_start3A_3087 : memref<100000x128xf32, #tpu.memory_space<hbm>>) target(%dma_start3A_3081 : memref<128x128xf32, #tpu.memory_space<vmem>>) offsets(%dma_start3A_3084 : memref<128xi32, #tpu.memory_space<vmem>>) semaphore(%arg13 : memref<!tpu.dma_semaphore, #tpu.memory_space<semaphore_mem>>)
        %mul3A_3088 = arith.constant 32 : i32
        %mul3A_3089 = arith.muli %add3A_3076, %mul3A_3088 : i32
        %mul3A_3090 = arith.constant 4 : i32
        %mul3A_3091 = arith.muli %mul3A_3089, %mul3A_3090 : i32
        %mul3A_3092 = arith.constant 4 : i32
        %mul3A_3093 = arith.muli %add3A, %mul3A_3092 : i32
        %add3A_3094 = arith.addi %mul3A_3091, %mul3A_3093 : i32
        %dma_start3A_3095 = arith.constant 2 : i32
        %dma_start3A_3096 = arith.constant 0 : i32
        %dma_start3A_3097 = arith.constant 0 : i32
        %dma_start3A_3098 = tpu.memref_slice %arg8[%dma_start3A_3095, %dma_start3A_3096, %dma_start3A_3097] : memref<5x4x128xf32, #tpu.memory_space<vmem>> -> memref<1x4x128xf32, #tpu.memory_space<vmem>>
        %dma_start3A_3099 = tpu.memref_squeeze %dma_start3A_3098 : memref<1x4x128xf32, #tpu.memory_space<vmem>> -> memref<4x128xf32, #tpu.memory_space<vmem>>
        %dma_start3A_3100 = arith.constant 0 : i32
        %dma_start3A_3101 = tpu.memref_slice %arg3[%add3A_3094, %dma_start3A_3100] : memref<25600x128xf32, #tpu.memory_space<hbm>> -> memref<4x128xf32, #tpu.memory_space<hbm>>
        %dma_start3A_3102 = arith.constant 0 : i32
        %dma_start3A_3103 = arith.constant 0 : i32
        %dma_start3A_3104 = tpu.memref_slice %arg8[%dma_start3A_3095, %dma_start3A_3102, %dma_start3A_3103] : memref<5x4x128xf32, #tpu.memory_space<vmem>> -> memref<1x4x128xf32, #tpu.memory_space<vmem>>
        %dma_start3A_3105 = tpu.memref_squeeze %dma_start3A_3104 : memref<1x4x128xf32, #tpu.memory_space<vmem>> -> memref<4x128xf32, #tpu.memory_space<vmem>>
        %dma_start3A_3106 = arith.constant 0 : i32
        %dma_start3A_3107 = tpu.memref_slice %arg3[%add3A_3094, %dma_start3A_3106] : memref<25600x128xf32, #tpu.memory_space<hbm>> -> memref<4x128xf32, #tpu.memory_space<hbm>>
        tpu.enqueue_dma source(%dma_start3A_3107 : memref<4x128xf32, #tpu.memory_space<hbm>>) target(%dma_start3A_3105 : memref<4x128xf32, #tpu.memory_space<vmem>>) target_semaphore(%arg13 : memref<!tpu.dma_semaphore, #tpu.memory_space<semaphore_mem>>)
      } else {
      }
      %mul3A_2510 = arith.constant 25600 : i32
      %mul3A_2511 = arith.muli %add3A, %mul3A_2510 : i32
      %add3A_2512 = arith.addi %mul3A_2511, %add3A_2502 : i32
      %get3A_2513 = arith.constant 0 : index
      %get3A_2514 = tpu.vector_load %arg10[%get3A_2513] {strides = array<i32>} : memref<128xi32, #tpu.memory_space<vmem>>, vector<16xi32>,
      %add3A_2515 = vector.broadcast %add3A_2512 : i32 to vector<16xi32>
      %add3A_2516 = arith.addi %get3A_2514, %add3A_2515 : vector<16xi32>
      %swap3A_2517 = arith.constant 4 : i32
      %swap3A_2518 = arith.index_cast %swap3A_2517 : i32 to index
      %swap3A_2519 = arith.constant 0 : index
      %swap3A_2520 = tpu.vector_load %arg9[%swap3A_2518, %swap3A_2519] {strides = array<i32>} : memref<5x128xi32, #tpu.memory_space<vmem>>, vector<16xi32>,
      tpu.vector_store %arg9[%swap3A_2518, %swap3A_2519], %add3A_2516 {strides = array<i32>} : memref<5x128xi32, #tpu.memory_space<vmem>>, vector<16xi32>,
      %get3A_2521 = arith.constant 16 : index
      %get3A_2522 = tpu.vector_load %arg10[%get3A_2521] {strides = array<i32>} : memref<128xi32, #tpu.memory_space<vmem>>, vector<16xi32>,
      %add3A_2523 = vector.broadcast %add3A_2512 : i32 to vector<16xi32>
      %add3A_2524 = arith.addi %get3A_2522, %add3A_2523 : vector<16xi32>
      %swap3A_2525 = arith.constant 4 : i32
      %swap3A_2526 = arith.index_cast %swap3A_2525 : i32 to index
      %swap3A_2527 = arith.constant 16 : index
      %swap3A_2528 = tpu.vector_load %arg9[%swap3A_2526, %swap3A_2527] {strides = array<i32>} : memref<5x128xi32, #tpu.memory_space<vmem>>, vector<16xi32>,
      tpu.vector_store %arg9[%swap3A_2526, %swap3A_2527], %add3A_2524 {strides = array<i32>} : memref<5x128xi32, #tpu.memory_space<vmem>>, vector<16xi32>,
      %get3A_2529 = arith.constant 32 : index
      %get3A_2530 = tpu.vector_load %arg10[%get3A_2529] {strides = array<i32>} : memref<128xi32, #tpu.memory_space<vmem>>, vector<16xi32>,
      %add3A_2531 = vector.broadcast %add3A_2512 : i32 to vector<16xi32>
      %add3A_2532 = arith.addi %get3A_2530, %add3A_2531 : vector<16xi32>
      %swap3A_2533 = arith.constant 4 : i32
      %swap3A_2534 = arith.index_cast %swap3A_2533 : i32 to index
      %swap3A_2535 = arith.constant 32 : index
      %swap3A_2536 = tpu.vector_load %arg9[%swap3A_2534, %swap3A_2535] {strides = array<i32>} : memref<5x128xi32, #tpu.memory_space<vmem>>, vector<16xi32>,
      tpu.vector_store %arg9[%swap3A_2534, %swap3A_2535], %add3A_2532 {strides = array<i32>} : memref<5x128xi32, #tpu.memory_space<vmem>>, vector<16xi32>,
      %get3A_2537 = arith.constant 48 : index
      %get3A_2538 = tpu.vector_load %arg10[%get3A_2537] {strides = array<i32>} : memref<128xi32, #tpu.memory_space<vmem>>, vector<16xi32>,
      %add3A_2539 = vector.broadcast %add3A_2512 : i32 to vector<16xi32>
      %add3A_2540 = arith.addi %get3A_2538, %add3A_2539 : vector<16xi32>
      %swap3A_2541 = arith.constant 4 : i32
      %swap3A_2542 = arith.index_cast %swap3A_2541 : i32 to index
      %swap3A_2543 = arith.constant 48 : index
      %swap3A_2544 = tpu.vector_load %arg9[%swap3A_2542, %swap3A_2543] {strides = array<i32>} : memref<5x128xi32, #tpu.memory_space<vmem>>, vector<16xi32>,
      tpu.vector_store %arg9[%swap3A_2542, %swap3A_2543], %add3A_2540 {strides = array<i32>} : memref<5x128xi32, #tpu.memory_space<vmem>>, vector<16xi32>,
      %get3A_2545 = arith.constant 64 : index
      %get3A_2546 = tpu.vector_load %arg10[%get3A_2545] {strides = array<i32>} : memref<128xi32, #tpu.memory_space<vmem>>, vector<16xi32>,
      %add3A_2547 = vector.broadcast %add3A_2512 : i32 to vector<16xi32>
      %add3A_2548 = arith.addi %get3A_2546, %add3A_2547 : vector<16xi32>
      %swap3A_2549 = arith.constant 4 : i32
      %swap3A_2550 = arith.index_cast %swap3A_2549 : i32 to index
      %swap3A_2551 = arith.constant 64 : index
      %swap3A_2552 = tpu.vector_load %arg9[%swap3A_2550, %swap3A_2551] {strides = array<i32>} : memref<5x128xi32, #tpu.memory_space<vmem>>, vector<16xi32>,
      tpu.vector_store %arg9[%swap3A_2550, %swap3A_2551], %add3A_2548 {strides = array<i32>} : memref<5x128xi32, #tpu.memory_space<vmem>>, vector<16xi32>,
      %get3A_2553 = arith.constant 80 : index
      %get3A_2554 = tpu.vector_load %arg10[%get3A_2553] {strides = array<i32>} : memref<128xi32, #tpu.memory_space<vmem>>, vector<16xi32>,
      %add3A_2555 = vector.broadcast %add3A_2512 : i32 to vector<16xi32>
      %add3A_2556 = arith.addi %get3A_2554, %add3A_2555 : vector<16xi32>
      %swap3A_2557 = arith.constant 4 : i32
      %swap3A_2558 = arith.index_cast %swap3A_2557 : i32 to index
      %swap3A_2559 = arith.constant 80 : index
      %swap3A_2560 = tpu.vector_load %arg9[%swap3A_2558, %swap3A_2559] {strides = array<i32>} : memref<5x128xi32, #tpu.memory_space<vmem>>, vector<16xi32>,
      tpu.vector_store %arg9[%swap3A_2558, %swap3A_2559], %add3A_2556 {strides = array<i32>} : memref<5x128xi32, #tpu.memory_space<vmem>>, vector<16xi32>,
      %get3A_2561 = arith.constant 96 : index
      %get3A_2562 = tpu.vector_load %arg10[%get3A_2561] {strides = array<i32>} : memref<128xi32, #tpu.memory_space<vmem>>, vector<16xi32>,
      %add3A_2563 = vector.broadcast %add3A_2512 : i32 to vector<16xi32>
      %add3A_2564 = arith.addi %get3A_2562, %add3A_2563 : vector<16xi32>
      %swap3A_2565 = arith.constant 4 : i32
      %swap3A_2566 = arith.index_cast %swap3A_2565 : i32 to index
      %swap3A_2567 = arith.constant 96 : index
      %swap3A_2568 = tpu.vector_load %arg9[%swap3A_2566, %swap3A_2567] {strides = array<i32>} : memref<5x128xi32, #tpu.memory_space<vmem>>, vector<16xi32>,
      tpu.vector_store %arg9[%swap3A_2566, %swap3A_2567], %add3A_2564 {strides = array<i32>} : memref<5x128xi32, #tpu.memory_space<vmem>>, vector<16xi32>,
      %get3A_2569 = arith.constant 112 : index
      %get3A_2570 = tpu.vector_load %arg10[%get3A_2569] {strides = array<i32>} : memref<128xi32, #tpu.memory_space<vmem>>, vector<16xi32>,
      %add3A_2571 = vector.broadcast %add3A_2512 : i32 to vector<16xi32>
      %add3A_2572 = arith.addi %get3A_2570, %add3A_2571 : vector<16xi32>
      %swap3A_2573 = arith.constant 4 : i32
      %swap3A_2574 = arith.index_cast %swap3A_2573 : i32 to index
      %swap3A_2575 = arith.constant 112 : index
      %swap3A_2576 = tpu.vector_load %arg9[%swap3A_2574, %swap3A_2575] {strides = array<i32>} : memref<5x128xi32, #tpu.memory_space<vmem>>, vector<16xi32>,
      tpu.vector_store %arg9[%swap3A_2574, %swap3A_2575], %add3A_2572 {strides = array<i32>} : memref<5x128xi32, #tpu.memory_space<vmem>>, vector<16xi32>,
      %dma_wait3A_2577 = arith.constant 4 : i32
      %dma_wait3A_2578 = arith.constant 0 : i32
      %dma_wait3A_2579 = arith.constant 0 : i32
      %dma_wait3A_2580 = tpu.memref_slice %arg7[%dma_wait3A_2577, %dma_wait3A_2578, %dma_wait3A_2579] : memref<5x128x128xf32, #tpu.memory_space<vmem>> -> memref<1x128x128xf32, #tpu.memory_space<vmem>>
      %dma_wait3A_2581 = tpu.memref_squeeze %dma_wait3A_2580 : memref<1x128x128xf32, #tpu.memory_space<vmem>> -> memref<128x128xf32, #tpu.memory_space<vmem>>
      %dma_wait3A_2582 = arith.constant 0 : i32
      %dma_wait3A_2583 = tpu.memref_slice %arg6[%add3A_2502, %dma_wait3A_2582] : memref<200x128xi32, #tpu.memory_space<vmem>> -> memref<1x128xi32, #tpu.memory_space<vmem>>
      %dma_wait3A_2584 = tpu.memref_squeeze %dma_wait3A_2583 : memref<1x128xi32, #tpu.memory_space<vmem>> -> memref<128xi32, #tpu.memory_space<vmem>>
      %dma_wait3A_2585 = arith.constant 0 : i32
      %dma_wait3A_2586 = arith.constant 0 : i32
      %dma_wait3A_2587 = tpu.memref_slice %arg4[%dma_wait3A_2585, %dma_wait3A_2586] : memref<100000x128xf32, #tpu.memory_space<hbm>> -> memref<100000x128xf32, #tpu.memory_space<hbm>>
      tpu.wait_indirect_dma semaphore(%arg15 : memref<!tpu.dma_semaphore, #tpu.memory_space<semaphore_mem>>) src(%dma_wait3A_2587 : memref<100000x128xf32, #tpu.memory_space<hbm>>) dst(%dma_wait3A_2581 : memref<128x128xf32, #tpu.memory_space<vmem>>)
      %dma_wait3A_2588 = arith.constant 4 : i32
      %dma_wait3A_2589 = arith.constant 0 : i32
      %dma_wait3A_2590 = arith.constant 0 : i32
      %dma_wait3A_2591 = tpu.memref_slice %arg8[%dma_wait3A_2588, %dma_wait3A_2589, %dma_wait3A_2590] : memref<5x4x128xf32, #tpu.memory_space<vmem>> -> memref<1x4x128xf32, #tpu.memory_space<vmem>>
      %dma_wait3A_2592 = tpu.memref_squeeze %dma_wait3A_2591 : memref<1x4x128xf32, #tpu.memory_space<vmem>> -> memref<4x128xf32, #tpu.memory_space<vmem>>
      %dma_wait3A_2593 = arith.constant 0 : i32
      %dma_wait3A_2594 = arith.constant 0 : i32
      %dma_wait3A_2595 = tpu.memref_slice %arg3[%dma_wait3A_2593, %dma_wait3A_2594] : memref<25600x128xf32, #tpu.memory_space<hbm>> -> memref<4x128xf32, #tpu.memory_space<hbm>>
      %dma_wait3A_2596 = arith.constant 0 : i32
      %dma_wait3A_2597 = arith.constant 0 : i32
      %dma_wait3A_2598 = tpu.memref_slice %arg8[%dma_wait3A_2588, %dma_wait3A_2596, %dma_wait3A_2597] : memref<5x4x128xf32, #tpu.memory_space<vmem>> -> memref<1x4x128xf32, #tpu.memory_space<vmem>>
      %dma_wait3A_2599 = tpu.memref_squeeze %dma_wait3A_2598 : memref<1x4x128xf32, #tpu.memory_space<vmem>> -> memref<4x128xf32, #tpu.memory_space<vmem>>
      %dma_wait3A_2600 = arith.constant 0 : i32
      %dma_wait3A_2601 = arith.constant 0 : i32
      %dma_wait3A_2602 = tpu.memref_slice %arg3[%dma_wait3A_2600, %dma_wait3A_2601] : memref<25600x128xf32, #tpu.memory_space<hbm>> -> memref<4x128xf32, #tpu.memory_space<hbm>>
      tpu.wait_dma2 semaphore(%arg15 : memref<!tpu.dma_semaphore, #tpu.memory_space<semaphore_mem>>) src(%dma_wait3A_2602 : memref<4x128xf32, #tpu.memory_space<hbm>>) dst(%dma_wait3A_2599 : memref<4x128xf32, #tpu.memory_space<vmem>>)
      %broadcast_in_dim3A_2603 = arith.constant 124 : i32
      %broadcast_in_dim3A_2604 = vector.broadcast %broadcast_in_dim3A_2603 : i32 to vector<16xi32>
      %get3A_2605 = arith.constant 4 : i32
      %get3A_2606 = arith.constant 0 : i32
      %get3A_2607 = arith.index_cast %get3A_2605 : i32 to index
      %get3A_2608 = arith.index_cast %get3A_2606 : i32 to index
      %get3A_2609 = arith.constant 0 : index
      %get3A_2610 = tpu.vector_load %arg8[%get3A_2607, %get3A_2608, %get3A_2609] {strides = array<i32>} : memref<5x4x128xf32, #tpu.memory_space<vmem>>, vector<16xf32>,
      %add3A_2611 = arith.constant 0 : i32
      %add3A_2612 = vector.broadcast %add3A_2611 : i32 to vector<16xi32>
      %add3A_2613 = arith.addi %iota3A, %add3A_2612 : vector<16xi32>
      %scatter3A_2614 = arith.constant 4 : i32
      %scatter3A_2615 = arith.constant 0 : i32
      %scatter3A_2616 = arith.constant 0 : i32
      %scatter3A_2617 = tpu.memref_slice %arg7[%scatter3A_2614, %scatter3A_2615, %scatter3A_2616] : memref<5x128x128xf32, #tpu.memory_space<vmem>> -> memref<1x128x128xf32, #tpu.memory_space<vmem>>
      %scatter3A_2618 = tpu.memref_squeeze %scatter3A_2617 : memref<1x128x128xf32, #tpu.memory_space<vmem>> -> memref<128x128xf32, #tpu.memory_space<vmem>>
      tpu.vector_store_idx %scatter3A_2618[%add3A_2613, %broadcast_in_dim3A_2604], %get3A_2610 : memref<128x128xf32, #tpu.memory_space<vmem>>[vector<16xi32>, vector<16xi32>], vector<16xf32>,
      %get3A_2619 = arith.constant 4 : i32
      %get3A_2620 = arith.constant 0 : i32
      %get3A_2621 = arith.index_cast %get3A_2619 : i32 to index
      %get3A_2622 = arith.index_cast %get3A_2620 : i32 to index
      %get3A_2623 = arith.constant 16 : index
      %get3A_2624 = tpu.vector_load %arg8[%get3A_2621, %get3A_2622, %get3A_2623] {strides = array<i32>} : memref<5x4x128xf32, #tpu.memory_space<vmem>>, vector<16xf32>,
      %add3A_2625 = arith.constant 16 : i32
      %add3A_2626 = vector.broadcast %add3A_2625 : i32 to vector<16xi32>
      %add3A_2627 = arith.addi %iota3A, %add3A_2626 : vector<16xi32>
      %scatter3A_2628 = arith.constant 4 : i32
      %scatter3A_2629 = arith.constant 0 : i32
      %scatter3A_2630 = arith.constant 0 : i32
      %scatter3A_2631 = tpu.memref_slice %arg7[%scatter3A_2628, %scatter3A_2629, %scatter3A_2630] : memref<5x128x128xf32, #tpu.memory_space<vmem>> -> memref<1x128x128xf32, #tpu.memory_space<vmem>>
      %scatter3A_2632 = tpu.memref_squeeze %scatter3A_2631 : memref<1x128x128xf32, #tpu.memory_space<vmem>> -> memref<128x128xf32, #tpu.memory_space<vmem>>
      tpu.vector_store_idx %scatter3A_2632[%add3A_2627, %broadcast_in_dim3A_2604], %get3A_2624 : memref<128x128xf32, #tpu.memory_space<vmem>>[vector<16xi32>, vector<16xi32>], vector<16xf32>,
      %get3A_2633 = arith.constant 4 : i32
      %get3A_2634 = arith.constant 0 : i32
      %get3A_2635 = arith.index_cast %get3A_2633 : i32 to index
      %get3A_2636 = arith.index_cast %get3A_2634 : i32 to index
      %get3A_2637 = arith.constant 32 : index
      %get3A_2638 = tpu.vector_load %arg8[%get3A_2635, %get3A_2636, %get3A_2637] {strides = array<i32>} : memref<5x4x128xf32, #tpu.memory_space<vmem>>, vector<16xf32>,
      %add3A_2639 = arith.constant 32 : i32
      %add3A_2640 = vector.broadcast %add3A_2639 : i32 to vector<16xi32>
      %add3A_2641 = arith.addi %iota3A, %add3A_2640 : vector<16xi32>
      %scatter3A_2642 = arith.constant 4 : i32
      %scatter3A_2643 = arith.constant 0 : i32
      %scatter3A_2644 = arith.constant 0 : i32
      %scatter3A_2645 = tpu.memref_slice %arg7[%scatter3A_2642, %scatter3A_2643, %scatter3A_2644] : memref<5x128x128xf32, #tpu.memory_space<vmem>> -> memref<1x128x128xf32, #tpu.memory_space<vmem>>
      %scatter3A_2646 = tpu.memref_squeeze %scatter3A_2645 : memref<1x128x128xf32, #tpu.memory_space<vmem>> -> memref<128x128xf32, #tpu.memory_space<vmem>>
      tpu.vector_store_idx %scatter3A_2646[%add3A_2641, %broadcast_in_dim3A_2604], %get3A_2638 : memref<128x128xf32, #tpu.memory_space<vmem>>[vector<16xi32>, vector<16xi32>], vector<16xf32>,
      %get3A_2647 = arith.constant 4 : i32
      %get3A_2648 = arith.constant 0 : i32
      %get3A_2649 = arith.index_cast %get3A_2647 : i32 to index
      %get3A_2650 = arith.index_cast %get3A_2648 : i32 to index
      %get3A_2651 = arith.constant 48 : index
      %get3A_2652 = tpu.vector_load %arg8[%get3A_2649, %get3A_2650, %get3A_2651] {strides = array<i32>} : memref<5x4x128xf32, #tpu.memory_space<vmem>>, vector<16xf32>,
      %add3A_2653 = arith.constant 48 : i32
      %add3A_2654 = vector.broadcast %add3A_2653 : i32 to vector<16xi32>
      %add3A_2655 = arith.addi %iota3A, %add3A_2654 : vector<16xi32>
      %scatter3A_2656 = arith.constant 4 : i32
      %scatter3A_2657 = arith.constant 0 : i32
      %scatter3A_2658 = arith.constant 0 : i32
      %scatter3A_2659 = tpu.memref_slice %arg7[%scatter3A_2656, %scatter3A_2657, %scatter3A_2658] : memref<5x128x128xf32, #tpu.memory_space<vmem>> -> memref<1x128x128xf32, #tpu.memory_space<vmem>>
      %scatter3A_2660 = tpu.memref_squeeze %scatter3A_2659 : memref<1x128x128xf32, #tpu.memory_space<vmem>> -> memref<128x128xf32, #tpu.memory_space<vmem>>
      tpu.vector_store_idx %scatter3A_2660[%add3A_2655, %broadcast_in_dim3A_2604], %get3A_2652 : memref<128x128xf32, #tpu.memory_space<vmem>>[vector<16xi32>, vector<16xi32>], vector<16xf32>,
      %get3A_2661 = arith.constant 4 : i32
      %get3A_2662 = arith.constant 0 : i32
      %get3A_2663 = arith.index_cast %get3A_2661 : i32 to index
      %get3A_2664 = arith.index_cast %get3A_2662 : i32 to index
      %get3A_2665 = arith.constant 64 : index
      %get3A_2666 = tpu.vector_load %arg8[%get3A_2663, %get3A_2664, %get3A_2665] {strides = array<i32>} : memref<5x4x128xf32, #tpu.memory_space<vmem>>, vector<16xf32>,
      %add3A_2667 = arith.constant 64 : i32
      %add3A_2668 = vector.broadcast %add3A_2667 : i32 to vector<16xi32>
      %add3A_2669 = arith.addi %iota3A, %add3A_2668 : vector<16xi32>
      %scatter3A_2670 = arith.constant 4 : i32
      %scatter3A_2671 = arith.constant 0 : i32
      %scatter3A_2672 = arith.constant 0 : i32
      %scatter3A_2673 = tpu.memref_slice %arg7[%scatter3A_2670, %scatter3A_2671, %scatter3A_2672] : memref<5x128x128xf32, #tpu.memory_space<vmem>> -> memref<1x128x128xf32, #tpu.memory_space<vmem>>
      %scatter3A_2674 = tpu.memref_squeeze %scatter3A_2673 : memref<1x128x128xf32, #tpu.memory_space<vmem>> -> memref<128x128xf32, #tpu.memory_space<vmem>>
      tpu.vector_store_idx %scatter3A_2674[%add3A_2669, %broadcast_in_dim3A_2604], %get3A_2666 : memref<128x128xf32, #tpu.memory_space<vmem>>[vector<16xi32>, vector<16xi32>], vector<16xf32>,
      %get3A_2675 = arith.constant 4 : i32
      %get3A_2676 = arith.constant 0 : i32
      %get3A_2677 = arith.index_cast %get3A_2675 : i32 to index
      %get3A_2678 = arith.index_cast %get3A_2676 : i32 to index
      %get3A_2679 = arith.constant 80 : index
      %get3A_2680 = tpu.vector_load %arg8[%get3A_2677, %get3A_2678, %get3A_2679] {strides = array<i32>} : memref<5x4x128xf32, #tpu.memory_space<vmem>>, vector<16xf32>,
      %add3A_2681 = arith.constant 80 : i32
      %add3A_2682 = vector.broadcast %add3A_2681 : i32 to vector<16xi32>
      %add3A_2683 = arith.addi %iota3A, %add3A_2682 : vector<16xi32>
      %scatter3A_2684 = arith.constant 4 : i32
      %scatter3A_2685 = arith.constant 0 : i32
      %scatter3A_2686 = arith.constant 0 : i32
      %scatter3A_2687 = tpu.memref_slice %arg7[%scatter3A_2684, %scatter3A_2685, %scatter3A_2686] : memref<5x128x128xf32, #tpu.memory_space<vmem>> -> memref<1x128x128xf32, #tpu.memory_space<vmem>>
      %scatter3A_2688 = tpu.memref_squeeze %scatter3A_2687 : memref<1x128x128xf32, #tpu.memory_space<vmem>> -> memref<128x128xf32, #tpu.memory_space<vmem>>
      tpu.vector_store_idx %scatter3A_2688[%add3A_2683, %broadcast_in_dim3A_2604], %get3A_2680 : memref<128x128xf32, #tpu.memory_space<vmem>>[vector<16xi32>, vector<16xi32>], vector<16xf32>,
      %get3A_2689 = arith.constant 4 : i32
      %get3A_2690 = arith.constant 0 : i32
      %get3A_2691 = arith.index_cast %get3A_2689 : i32 to index
      %get3A_2692 = arith.index_cast %get3A_2690 : i32 to index
      %get3A_2693 = arith.constant 96 : index
      %get3A_2694 = tpu.vector_load %arg8[%get3A_2691, %get3A_2692, %get3A_2693] {strides = array<i32>} : memref<5x4x128xf32, #tpu.memory_space<vmem>>, vector<16xf32>,
      %add3A_2695 = arith.constant 96 : i32
      %add3A_2696 = vector.broadcast %add3A_2695 : i32 to vector<16xi32>
      %add3A_2697 = arith.addi %iota3A, %add3A_2696 : vector<16xi32>
      %scatter3A_2698 = arith.constant 4 : i32
      %scatter3A_2699 = arith.constant 0 : i32
      %scatter3A_2700 = arith.constant 0 : i32
      %scatter3A_2701 = tpu.memref_slice %arg7[%scatter3A_2698, %scatter3A_2699, %scatter3A_2700] : memref<5x128x128xf32, #tpu.memory_space<vmem>> -> memref<1x128x128xf32, #tpu.memory_space<vmem>>
      %scatter3A_2702 = tpu.memref_squeeze %scatter3A_2701 : memref<1x128x128xf32, #tpu.memory_space<vmem>> -> memref<128x128xf32, #tpu.memory_space<vmem>>
      tpu.vector_store_idx %scatter3A_2702[%add3A_2697, %broadcast_in_dim3A_2604], %get3A_2694 : memref<128x128xf32, #tpu.memory_space<vmem>>[vector<16xi32>, vector<16xi32>], vector<16xf32>,
      %get3A_2703 = arith.constant 4 : i32
      %get3A_2704 = arith.constant 0 : i32
      %get3A_2705 = arith.index_cast %get3A_2703 : i32 to index
      %get3A_2706 = arith.index_cast %get3A_2704 : i32 to index
      %get3A_2707 = arith.constant 112 : index
      %get3A_2708 = tpu.vector_load %arg8[%get3A_2705, %get3A_2706, %get3A_2707] {strides = array<i32>} : memref<5x4x128xf32, #tpu.memory_space<vmem>>, vector<16xf32>,
      %add3A_2709 = arith.constant 112 : i32
      %add3A_2710 = vector.broadcast %add3A_2709 : i32 to vector<16xi32>
      %add3A_2711 = arith.addi %iota3A, %add3A_2710 : vector<16xi32>
      %scatter3A_2712 = arith.constant 4 : i32
      %scatter3A_2713 = arith.constant 0 : i32
      %scatter3A_2714 = arith.constant 0 : i32
      %scatter3A_2715 = tpu.memref_slice %arg7[%scatter3A_2712, %scatter3A_2713, %scatter3A_2714] : memref<5x128x128xf32, #tpu.memory_space<vmem>> -> memref<1x128x128xf32, #tpu.memory_space<vmem>>
      %scatter3A_2716 = tpu.memref_squeeze %scatter3A_2715 : memref<1x128x128xf32, #tpu.memory_space<vmem>> -> memref<128x128xf32, #tpu.memory_space<vmem>>
      tpu.vector_store_idx %scatter3A_2716[%add3A_2711, %broadcast_in_dim3A_2604], %get3A_2708 : memref<128x128xf32, #tpu.memory_space<vmem>>[vector<16xi32>, vector<16xi32>], vector<16xf32>,
      %broadcast_in_dim3A_2717 = arith.constant 125 : i32
      %broadcast_in_dim3A_2718 = vector.broadcast %broadcast_in_dim3A_2717 : i32 to vector<16xi32>
      %get3A_2719 = arith.constant 4 : i32
      %get3A_2720 = arith.constant 1 : i32
      %get3A_2721 = arith.index_cast %get3A_2719 : i32 to index
      %get3A_2722 = arith.index_cast %get3A_2720 : i32 to index
      %get3A_2723 = arith.constant 0 : index
      %get3A_2724 = tpu.vector_load %arg8[%get3A_2721, %get3A_2722, %get3A_2723] {strides = array<i32>} : memref<5x4x128xf32, #tpu.memory_space<vmem>>, vector<16xf32>,
      %add3A_2725 = arith.constant 0 : i32
      %add3A_2726 = vector.broadcast %add3A_2725 : i32 to vector<16xi32>
      %add3A_2727 = arith.addi %iota3A, %add3A_2726 : vector<16xi32>
      %scatter3A_2728 = arith.constant 4 : i32
      %scatter3A_2729 = arith.constant 0 : i32
      %scatter3A_2730 = arith.constant 0 : i32
      %scatter3A_2731 = tpu.memref_slice %arg7[%scatter3A_2728, %scatter3A_2729, %scatter3A_2730] : memref<5x128x128xf32, #tpu.memory_space<vmem>> -> memref<1x128x128xf32, #tpu.memory_space<vmem>>
      %scatter3A_2732 = tpu.memref_squeeze %scatter3A_2731 : memref<1x128x128xf32, #tpu.memory_space<vmem>> -> memref<128x128xf32, #tpu.memory_space<vmem>>
      tpu.vector_store_idx %scatter3A_2732[%add3A_2727, %broadcast_in_dim3A_2718], %get3A_2724 : memref<128x128xf32, #tpu.memory_space<vmem>>[vector<16xi32>, vector<16xi32>], vector<16xf32>,
      %get3A_2733 = arith.constant 4 : i32
      %get3A_2734 = arith.constant 1 : i32
      %get3A_2735 = arith.index_cast %get3A_2733 : i32 to index
      %get3A_2736 = arith.index_cast %get3A_2734 : i32 to index
      %get3A_2737 = arith.constant 16 : index
      %get3A_2738 = tpu.vector_load %arg8[%get3A_2735, %get3A_2736, %get3A_2737] {strides = array<i32>} : memref<5x4x128xf32, #tpu.memory_space<vmem>>, vector<16xf32>,
      %add3A_2739 = arith.constant 16 : i32
      %add3A_2740 = vector.broadcast %add3A_2739 : i32 to vector<16xi32>
      %add3A_2741 = arith.addi %iota3A, %add3A_2740 : vector<16xi32>
      %scatter3A_2742 = arith.constant 4 : i32
      %scatter3A_2743 = arith.constant 0 : i32
      %scatter3A_2744 = arith.constant 0 : i32
      %scatter3A_2745 = tpu.memref_slice %arg7[%scatter3A_2742, %scatter3A_2743, %scatter3A_2744] : memref<5x128x128xf32, #tpu.memory_space<vmem>> -> memref<1x128x128xf32, #tpu.memory_space<vmem>>
      %scatter3A_2746 = tpu.memref_squeeze %scatter3A_2745 : memref<1x128x128xf32, #tpu.memory_space<vmem>> -> memref<128x128xf32, #tpu.memory_space<vmem>>
      tpu.vector_store_idx %scatter3A_2746[%add3A_2741, %broadcast_in_dim3A_2718], %get3A_2738 : memref<128x128xf32, #tpu.memory_space<vmem>>[vector<16xi32>, vector<16xi32>], vector<16xf32>,
      %get3A_2747 = arith.constant 4 : i32
      %get3A_2748 = arith.constant 1 : i32
      %get3A_2749 = arith.index_cast %get3A_2747 : i32 to index
      %get3A_2750 = arith.index_cast %get3A_2748 : i32 to index
      %get3A_2751 = arith.constant 32 : index
      %get3A_2752 = tpu.vector_load %arg8[%get3A_2749, %get3A_2750, %get3A_2751] {strides = array<i32>} : memref<5x4x128xf32, #tpu.memory_space<vmem>>, vector<16xf32>,
      %add3A_2753 = arith.constant 32 : i32
      %add3A_2754 = vector.broadcast %add3A_2753 : i32 to vector<16xi32>
      %add3A_2755 = arith.addi %iota3A, %add3A_2754 : vector<16xi32>
      %scatter3A_2756 = arith.constant 4 : i32
      %scatter3A_2757 = arith.constant 0 : i32
      %scatter3A_2758 = arith.constant 0 : i32
      %scatter3A_2759 = tpu.memref_slice %arg7[%scatter3A_2756, %scatter3A_2757, %scatter3A_2758] : memref<5x128x128xf32, #tpu.memory_space<vmem>> -> memref<1x128x128xf32, #tpu.memory_space<vmem>>
      %scatter3A_2760 = tpu.memref_squeeze %scatter3A_2759 : memref<1x128x128xf32, #tpu.memory_space<vmem>> -> memref<128x128xf32, #tpu.memory_space<vmem>>
      tpu.vector_store_idx %scatter3A_2760[%add3A_2755, %broadcast_in_dim3A_2718], %get3A_2752 : memref<128x128xf32, #tpu.memory_space<vmem>>[vector<16xi32>, vector<16xi32>], vector<16xf32>,
      %get3A_2761 = arith.constant 4 : i32
      %get3A_2762 = arith.constant 1 : i32
      %get3A_2763 = arith.index_cast %get3A_2761 : i32 to index
      %get3A_2764 = arith.index_cast %get3A_2762 : i32 to index
      %get3A_2765 = arith.constant 48 : index
      %get3A_2766 = tpu.vector_load %arg8[%get3A_2763, %get3A_2764, %get3A_2765] {strides = array<i32>} : memref<5x4x128xf32, #tpu.memory_space<vmem>>, vector<16xf32>,
      %add3A_2767 = arith.constant 48 : i32
      %add3A_2768 = vector.broadcast %add3A_2767 : i32 to vector<16xi32>
      %add3A_2769 = arith.addi %iota3A, %add3A_2768 : vector<16xi32>
      %scatter3A_2770 = arith.constant 4 : i32
      %scatter3A_2771 = arith.constant 0 : i32
      %scatter3A_2772 = arith.constant 0 : i32
      %scatter3A_2773 = tpu.memref_slice %arg7[%scatter3A_2770, %scatter3A_2771, %scatter3A_2772] : memref<5x128x128xf32, #tpu.memory_space<vmem>> -> memref<1x128x128xf32, #tpu.memory_space<vmem>>
      %scatter3A_2774 = tpu.memref_squeeze %scatter3A_2773 : memref<1x128x128xf32, #tpu.memory_space<vmem>> -> memref<128x128xf32, #tpu.memory_space<vmem>>
      tpu.vector_store_idx %scatter3A_2774[%add3A_2769, %broadcast_in_dim3A_2718], %get3A_2766 : memref<128x128xf32, #tpu.memory_space<vmem>>[vector<16xi32>, vector<16xi32>], vector<16xf32>,
      %get3A_2775 = arith.constant 4 : i32
      %get3A_2776 = arith.constant 1 : i32
      %get3A_2777 = arith.index_cast %get3A_2775 : i32 to index
      %get3A_2778 = arith.index_cast %get3A_2776 : i32 to index
      %get3A_2779 = arith.constant 64 : index
      %get3A_2780 = tpu.vector_load %arg8[%get3A_2777, %get3A_2778, %get3A_2779] {strides = array<i32>} : memref<5x4x128xf32, #tpu.memory_space<vmem>>, vector<16xf32>,
      %add3A_2781 = arith.constant 64 : i32
      %add3A_2782 = vector.broadcast %add3A_2781 : i32 to vector<16xi32>
      %add3A_2783 = arith.addi %iota3A, %add3A_2782 : vector<16xi32>
      %scatter3A_2784 = arith.constant 4 : i32
      %scatter3A_2785 = arith.constant 0 : i32
      %scatter3A_2786 = arith.constant 0 : i32
      %scatter3A_2787 = tpu.memref_slice %arg7[%scatter3A_2784, %scatter3A_2785, %scatter3A_2786] : memref<5x128x128xf32, #tpu.memory_space<vmem>> -> memref<1x128x128xf32, #tpu.memory_space<vmem>>
      %scatter3A_2788 = tpu.memref_squeeze %scatter3A_2787 : memref<1x128x128xf32, #tpu.memory_space<vmem>> -> memref<128x128xf32, #tpu.memory_space<vmem>>
      tpu.vector_store_idx %scatter3A_2788[%add3A_2783, %broadcast_in_dim3A_2718], %get3A_2780 : memref<128x128xf32, #tpu.memory_space<vmem>>[vector<16xi32>, vector<16xi32>], vector<16xf32>,
      %get3A_2789 = arith.constant 4 : i32
      %get3A_2790 = arith.constant 1 : i32
      %get3A_2791 = arith.index_cast %get3A_2789 : i32 to index
      %get3A_2792 = arith.index_cast %get3A_2790 : i32 to index
      %get3A_2793 = arith.constant 80 : index
      %get3A_2794 = tpu.vector_load %arg8[%get3A_2791, %get3A_2792, %get3A_2793] {strides = array<i32>} : memref<5x4x128xf32, #tpu.memory_space<vmem>>, vector<16xf32>,
      %add3A_2795 = arith.constant 80 : i32
      %add3A_2796 = vector.broadcast %add3A_2795 : i32 to vector<16xi32>
      %add3A_2797 = arith.addi %iota3A, %add3A_2796 : vector<16xi32>
      %scatter3A_2798 = arith.constant 4 : i32
      %scatter3A_2799 = arith.constant 0 : i32
      %scatter3A_2800 = arith.constant 0 : i32
      %scatter3A_2801 = tpu.memref_slice %arg7[%scatter3A_2798, %scatter3A_2799, %scatter3A_2800] : memref<5x128x128xf32, #tpu.memory_space<vmem>> -> memref<1x128x128xf32, #tpu.memory_space<vmem>>
      %scatter3A_2802 = tpu.memref_squeeze %scatter3A_2801 : memref<1x128x128xf32, #tpu.memory_space<vmem>> -> memref<128x128xf32, #tpu.memory_space<vmem>>
      tpu.vector_store_idx %scatter3A_2802[%add3A_2797, %broadcast_in_dim3A_2718], %get3A_2794 : memref<128x128xf32, #tpu.memory_space<vmem>>[vector<16xi32>, vector<16xi32>], vector<16xf32>,
      %get3A_2803 = arith.constant 4 : i32
      %get3A_2804 = arith.constant 1 : i32
      %get3A_2805 = arith.index_cast %get3A_2803 : i32 to index
      %get3A_2806 = arith.index_cast %get3A_2804 : i32 to index
      %get3A_2807 = arith.constant 96 : index
      %get3A_2808 = tpu.vector_load %arg8[%get3A_2805, %get3A_2806, %get3A_2807] {strides = array<i32>} : memref<5x4x128xf32, #tpu.memory_space<vmem>>, vector<16xf32>,
      %add3A_2809 = arith.constant 96 : i32
      %add3A_2810 = vector.broadcast %add3A_2809 : i32 to vector<16xi32>
      %add3A_2811 = arith.addi %iota3A, %add3A_2810 : vector<16xi32>
      %scatter3A_2812 = arith.constant 4 : i32
      %scatter3A_2813 = arith.constant 0 : i32
      %scatter3A_2814 = arith.constant 0 : i32
      %scatter3A_2815 = tpu.memref_slice %arg7[%scatter3A_2812, %scatter3A_2813, %scatter3A_2814] : memref<5x128x128xf32, #tpu.memory_space<vmem>> -> memref<1x128x128xf32, #tpu.memory_space<vmem>>
      %scatter3A_2816 = tpu.memref_squeeze %scatter3A_2815 : memref<1x128x128xf32, #tpu.memory_space<vmem>> -> memref<128x128xf32, #tpu.memory_space<vmem>>
      tpu.vector_store_idx %scatter3A_2816[%add3A_2811, %broadcast_in_dim3A_2718], %get3A_2808 : memref<128x128xf32, #tpu.memory_space<vmem>>[vector<16xi32>, vector<16xi32>], vector<16xf32>,
      %get3A_2817 = arith.constant 4 : i32
      %get3A_2818 = arith.constant 1 : i32
      %get3A_2819 = arith.index_cast %get3A_2817 : i32 to index
      %get3A_2820 = arith.index_cast %get3A_2818 : i32 to index
      %get3A_2821 = arith.constant 112 : index
      %get3A_2822 = tpu.vector_load %arg8[%get3A_2819, %get3A_2820, %get3A_2821] {strides = array<i32>} : memref<5x4x128xf32, #tpu.memory_space<vmem>>, vector<16xf32>,
      %add3A_2823 = arith.constant 112 : i32
      %add3A_2824 = vector.broadcast %add3A_2823 : i32 to vector<16xi32>
      %add3A_2825 = arith.addi %iota3A, %add3A_2824 : vector<16xi32>
      %scatter3A_2826 = arith.constant 4 : i32
      %scatter3A_2827 = arith.constant 0 : i32
      %scatter3A_2828 = arith.constant 0 : i32
      %scatter3A_2829 = tpu.memref_slice %arg7[%scatter3A_2826, %scatter3A_2827, %scatter3A_2828] : memref<5x128x128xf32, #tpu.memory_space<vmem>> -> memref<1x128x128xf32, #tpu.memory_space<vmem>>
      %scatter3A_2830 = tpu.memref_squeeze %scatter3A_2829 : memref<1x128x128xf32, #tpu.memory_space<vmem>> -> memref<128x128xf32, #tpu.memory_space<vmem>>
      tpu.vector_store_idx %scatter3A_2830[%add3A_2825, %broadcast_in_dim3A_2718], %get3A_2822 : memref<128x128xf32, #tpu.memory_space<vmem>>[vector<16xi32>, vector<16xi32>], vector<16xf32>,
      %broadcast_in_dim3A_2831 = arith.constant 126 : i32
      %broadcast_in_dim3A_2832 = vector.broadcast %broadcast_in_dim3A_2831 : i32 to vector<16xi32>
      %get3A_2833 = arith.constant 4 : i32
      %get3A_2834 = arith.constant 2 : i32
      %get3A_2835 = arith.index_cast %get3A_2833 : i32 to index
      %get3A_2836 = arith.index_cast %get3A_2834 : i32 to index
      %get3A_2837 = arith.constant 0 : index
      %get3A_2838 = tpu.vector_load %arg8[%get3A_2835, %get3A_2836, %get3A_2837] {strides = array<i32>} : memref<5x4x128xf32, #tpu.memory_space<vmem>>, vector<16xf32>,
      %add3A_2839 = arith.constant 0 : i32
      %add3A_2840 = vector.broadcast %add3A_2839 : i32 to vector<16xi32>
      %add3A_2841 = arith.addi %iota3A, %add3A_2840 : vector<16xi32>
      %scatter3A_2842 = arith.constant 4 : i32
      %scatter3A_2843 = arith.constant 0 : i32
      %scatter3A_2844 = arith.constant 0 : i32
      %scatter3A_2845 = tpu.memref_slice %arg7[%scatter3A_2842, %scatter3A_2843, %scatter3A_2844] : memref<5x128x128xf32, #tpu.memory_space<vmem>> -> memref<1x128x128xf32, #tpu.memory_space<vmem>>
      %scatter3A_2846 = tpu.memref_squeeze %scatter3A_2845 : memref<1x128x128xf32, #tpu.memory_space<vmem>> -> memref<128x128xf32, #tpu.memory_space<vmem>>
      tpu.vector_store_idx %scatter3A_2846[%add3A_2841, %broadcast_in_dim3A_2832], %get3A_2838 : memref<128x128xf32, #tpu.memory_space<vmem>>[vector<16xi32>, vector<16xi32>], vector<16xf32>,
      %get3A_2847 = arith.constant 4 : i32
      %get3A_2848 = arith.constant 2 : i32
      %get3A_2849 = arith.index_cast %get3A_2847 : i32 to index
      %get3A_2850 = arith.index_cast %get3A_2848 : i32 to index
      %get3A_2851 = arith.constant 16 : index
      %get3A_2852 = tpu.vector_load %arg8[%get3A_2849, %get3A_2850, %get3A_2851] {strides = array<i32>} : memref<5x4x128xf32, #tpu.memory_space<vmem>>, vector<16xf32>,
      %add3A_2853 = arith.constant 16 : i32
      %add3A_2854 = vector.broadcast %add3A_2853 : i32 to vector<16xi32>
      %add3A_2855 = arith.addi %iota3A, %add3A_2854 : vector<16xi32>
      %scatter3A_2856 = arith.constant 4 : i32
      %scatter3A_2857 = arith.constant 0 : i32
      %scatter3A_2858 = arith.constant 0 : i32
      %scatter3A_2859 = tpu.memref_slice %arg7[%scatter3A_2856, %scatter3A_2857, %scatter3A_2858] : memref<5x128x128xf32, #tpu.memory_space<vmem>> -> memref<1x128x128xf32, #tpu.memory_space<vmem>>
      %scatter3A_2860 = tpu.memref_squeeze %scatter3A_2859 : memref<1x128x128xf32, #tpu.memory_space<vmem>> -> memref<128x128xf32, #tpu.memory_space<vmem>>
      tpu.vector_store_idx %scatter3A_2860[%add3A_2855, %broadcast_in_dim3A_2832], %get3A_2852 : memref<128x128xf32, #tpu.memory_space<vmem>>[vector<16xi32>, vector<16xi32>], vector<16xf32>,
      %get3A_2861 = arith.constant 4 : i32
      %get3A_2862 = arith.constant 2 : i32
      %get3A_2863 = arith.index_cast %get3A_2861 : i32 to index
      %get3A_2864 = arith.index_cast %get3A_2862 : i32 to index
      %get3A_2865 = arith.constant 32 : index
      %get3A_2866 = tpu.vector_load %arg8[%get3A_2863, %get3A_2864, %get3A_2865] {strides = array<i32>} : memref<5x4x128xf32, #tpu.memory_space<vmem>>, vector<16xf32>,
      %add3A_2867 = arith.constant 32 : i32
      %add3A_2868 = vector.broadcast %add3A_2867 : i32 to vector<16xi32>
      %add3A_2869 = arith.addi %iota3A, %add3A_2868 : vector<16xi32>
      %scatter3A_2870 = arith.constant 4 : i32
      %scatter3A_2871 = arith.constant 0 : i32
      %scatter3A_2872 = arith.constant 0 : i32
      %scatter3A_2873 = tpu.memref_slice %arg7[%scatter3A_2870, %scatter3A_2871, %scatter3A_2872] : memref<5x128x128xf32, #tpu.memory_space<vmem>> -> memref<1x128x128xf32, #tpu.memory_space<vmem>>
      %scatter3A_2874 = tpu.memref_squeeze %scatter3A_2873 : memref<1x128x128xf32, #tpu.memory_space<vmem>> -> memref<128x128xf32, #tpu.memory_space<vmem>>
      tpu.vector_store_idx %scatter3A_2874[%add3A_2869, %broadcast_in_dim3A_2832], %get3A_2866 : memref<128x128xf32, #tpu.memory_space<vmem>>[vector<16xi32>, vector<16xi32>], vector<16xf32>,
      %get3A_2875 = arith.constant 4 : i32
      %get3A_2876 = arith.constant 2 : i32
      %get3A_2877 = arith.index_cast %get3A_2875 : i32 to index
      %get3A_2878 = arith.index_cast %get3A_2876 : i32 to index
      %get3A_2879 = arith.constant 48 : index
      %get3A_2880 = tpu.vector_load %arg8[%get3A_2877, %get3A_2878, %get3A_2879] {strides = array<i32>} : memref<5x4x128xf32, #tpu.memory_space<vmem>>, vector<16xf32>,
      %add3A_2881 = arith.constant 48 : i32
      %add3A_2882 = vector.broadcast %add3A_2881 : i32 to vector<16xi32>
      %add3A_2883 = arith.addi %iota3A, %add3A_2882 : vector<16xi32>
      %scatter3A_2884 = arith.constant 4 : i32
      %scatter3A_2885 = arith.constant 0 : i32
      %scatter3A_2886 = arith.constant 0 : i32
      %scatter3A_2887 = tpu.memref_slice %arg7[%scatter3A_2884, %scatter3A_2885, %scatter3A_2886] : memref<5x128x128xf32, #tpu.memory_space<vmem>> -> memref<1x128x128xf32, #tpu.memory_space<vmem>>
      %scatter3A_2888 = tpu.memref_squeeze %scatter3A_2887 : memref<1x128x128xf32, #tpu.memory_space<vmem>> -> memref<128x128xf32, #tpu.memory_space<vmem>>
      tpu.vector_store_idx %scatter3A_2888[%add3A_2883, %broadcast_in_dim3A_2832], %get3A_2880 : memref<128x128xf32, #tpu.memory_space<vmem>>[vector<16xi32>, vector<16xi32>], vector<16xf32>,
      %get3A_2889 = arith.constant 4 : i32
      %get3A_2890 = arith.constant 2 : i32
      %get3A_2891 = arith.index_cast %get3A_2889 : i32 to index
      %get3A_2892 = arith.index_cast %get3A_2890 : i32 to index
      %get3A_2893 = arith.constant 64 : index
      %get3A_2894 = tpu.vector_load %arg8[%get3A_2891, %get3A_2892, %get3A_2893] {strides = array<i32>} : memref<5x4x128xf32, #tpu.memory_space<vmem>>, vector<16xf32>,
      %add3A_2895 = arith.constant 64 : i32
      %add3A_2896 = vector.broadcast %add3A_2895 : i32 to vector<16xi32>
      %add3A_2897 = arith.addi %iota3A, %add3A_2896 : vector<16xi32>
      %scatter3A_2898 = arith.constant 4 : i32
      %scatter3A_2899 = arith.constant 0 : i32
      %scatter3A_2900 = arith.constant 0 : i32
      %scatter3A_2901 = tpu.memref_slice %arg7[%scatter3A_2898, %scatter3A_2899, %scatter3A_2900] : memref<5x128x128xf32, #tpu.memory_space<vmem>> -> memref<1x128x128xf32, #tpu.memory_space<vmem>>
      %scatter3A_2902 = tpu.memref_squeeze %scatter3A_2901 : memref<1x128x128xf32, #tpu.memory_space<vmem>> -> memref<128x128xf32, #tpu.memory_space<vmem>>
      tpu.vector_store_idx %scatter3A_2902[%add3A_2897, %broadcast_in_dim3A_2832], %get3A_2894 : memref<128x128xf32, #tpu.memory_space<vmem>>[vector<16xi32>, vector<16xi32>], vector<16xf32>,
      %get3A_2903 = arith.constant 4 : i32
      %get3A_2904 = arith.constant 2 : i32
      %get3A_2905 = arith.index_cast %get3A_2903 : i32 to index
      %get3A_2906 = arith.index_cast %get3A_2904 : i32 to index
      %get3A_2907 = arith.constant 80 : index
      %get3A_2908 = tpu.vector_load %arg8[%get3A_2905, %get3A_2906, %get3A_2907] {strides = array<i32>} : memref<5x4x128xf32, #tpu.memory_space<vmem>>, vector<16xf32>,
      %add3A_2909 = arith.constant 80 : i32
      %add3A_2910 = vector.broadcast %add3A_2909 : i32 to vector<16xi32>
      %add3A_2911 = arith.addi %iota3A, %add3A_2910 : vector<16xi32>
      %scatter3A_2912 = arith.constant 4 : i32
      %scatter3A_2913 = arith.constant 0 : i32
      %scatter3A_2914 = arith.constant 0 : i32
      %scatter3A_2915 = tpu.memref_slice %arg7[%scatter3A_2912, %scatter3A_2913, %scatter3A_2914] : memref<5x128x128xf32, #tpu.memory_space<vmem>> -> memref<1x128x128xf32, #tpu.memory_space<vmem>>
      %scatter3A_2916 = tpu.memref_squeeze %scatter3A_2915 : memref<1x128x128xf32, #tpu.memory_space<vmem>> -> memref<128x128xf32, #tpu.memory_space<vmem>>
      tpu.vector_store_idx %scatter3A_2916[%add3A_2911, %broadcast_in_dim3A_2832], %get3A_2908 : memref<128x128xf32, #tpu.memory_space<vmem>>[vector<16xi32>, vector<16xi32>], vector<16xf32>,
      %get3A_2917 = arith.constant 4 : i32
      %get3A_2918 = arith.constant 2 : i32
      %get3A_2919 = arith.index_cast %get3A_2917 : i32 to index
      %get3A_2920 = arith.index_cast %get3A_2918 : i32 to index
      %get3A_2921 = arith.constant 96 : index
      %get3A_2922 = tpu.vector_load %arg8[%get3A_2919, %get3A_2920, %get3A_2921] {strides = array<i32>} : memref<5x4x128xf32, #tpu.memory_space<vmem>>, vector<16xf32>,
      %add3A_2923 = arith.constant 96 : i32
      %add3A_2924 = vector.broadcast %add3A_2923 : i32 to vector<16xi32>
      %add3A_2925 = arith.addi %iota3A, %add3A_2924 : vector<16xi32>
      %scatter3A_2926 = arith.constant 4 : i32
      %scatter3A_2927 = arith.constant 0 : i32
      %scatter3A_2928 = arith.constant 0 : i32
      %scatter3A_2929 = tpu.memref_slice %arg7[%scatter3A_2926, %scatter3A_2927, %scatter3A_2928] : memref<5x128x128xf32, #tpu.memory_space<vmem>> -> memref<1x128x128xf32, #tpu.memory_space<vmem>>
      %scatter3A_2930 = tpu.memref_squeeze %scatter3A_2929 : memref<1x128x128xf32, #tpu.memory_space<vmem>> -> memref<128x128xf32, #tpu.memory_space<vmem>>
      tpu.vector_store_idx %scatter3A_2930[%add3A_2925, %broadcast_in_dim3A_2832], %get3A_2922 : memref<128x128xf32, #tpu.memory_space<vmem>>[vector<16xi32>, vector<16xi32>], vector<16xf32>,
      %get3A_2931 = arith.constant 4 : i32
      %get3A_2932 = arith.constant 2 : i32
      %get3A_2933 = arith.index_cast %get3A_2931 : i32 to index
      %get3A_2934 = arith.index_cast %get3A_2932 : i32 to index
      %get3A_2935 = arith.constant 112 : index
      %get3A_2936 = tpu.vector_load %arg8[%get3A_2933, %get3A_2934, %get3A_2935] {strides = array<i32>} : memref<5x4x128xf32, #tpu.memory_space<vmem>>, vector<16xf32>,
      %add3A_2937 = arith.constant 112 : i32
      %add3A_2938 = vector.broadcast %add3A_2937 : i32 to vector<16xi32>
      %add3A_2939 = arith.addi %iota3A, %add3A_2938 : vector<16xi32>
      %scatter3A_2940 = arith.constant 4 : i32
      %scatter3A_2941 = arith.constant 0 : i32
      %scatter3A_2942 = arith.constant 0 : i32
      %scatter3A_2943 = tpu.memref_slice %arg7[%scatter3A_2940, %scatter3A_2941, %scatter3A_2942] : memref<5x128x128xf32, #tpu.memory_space<vmem>> -> memref<1x128x128xf32, #tpu.memory_space<vmem>>
      %scatter3A_2944 = tpu.memref_squeeze %scatter3A_2943 : memref<1x128x128xf32, #tpu.memory_space<vmem>> -> memref<128x128xf32, #tpu.memory_space<vmem>>
      tpu.vector_store_idx %scatter3A_2944[%add3A_2939, %broadcast_in_dim3A_2832], %get3A_2936 : memref<128x128xf32, #tpu.memory_space<vmem>>[vector<16xi32>, vector<16xi32>], vector<16xf32>,
      %broadcast_in_dim3A_2945 = arith.constant 127 : i32
      %broadcast_in_dim3A_2946 = vector.broadcast %broadcast_in_dim3A_2945 : i32 to vector<16xi32>
      %get3A_2947 = arith.constant 4 : i32
      %get3A_2948 = arith.constant 3 : i32
      %get3A_2949 = arith.index_cast %get3A_2947 : i32 to index
      %get3A_2950 = arith.index_cast %get3A_2948 : i32 to index
      %get3A_2951 = arith.constant 0 : index
      %get3A_2952 = tpu.vector_load %arg8[%get3A_2949, %get3A_2950, %get3A_2951] {strides = array<i32>} : memref<5x4x128xf32, #tpu.memory_space<vmem>>, vector<16xf32>,
      %add3A_2953 = arith.constant 0 : i32
      %add3A_2954 = vector.broadcast %add3A_2953 : i32 to vector<16xi32>
      %add3A_2955 = arith.addi %iota3A, %add3A_2954 : vector<16xi32>
      %scatter3A_2956 = arith.constant 4 : i32
      %scatter3A_2957 = arith.constant 0 : i32
      %scatter3A_2958 = arith.constant 0 : i32
      %scatter3A_2959 = tpu.memref_slice %arg7[%scatter3A_2956, %scatter3A_2957, %scatter3A_2958] : memref<5x128x128xf32, #tpu.memory_space<vmem>> -> memref<1x128x128xf32, #tpu.memory_space<vmem>>
      %scatter3A_2960 = tpu.memref_squeeze %scatter3A_2959 : memref<1x128x128xf32, #tpu.memory_space<vmem>> -> memref<128x128xf32, #tpu.memory_space<vmem>>
      tpu.vector_store_idx %scatter3A_2960[%add3A_2955, %broadcast_in_dim3A_2946], %get3A_2952 : memref<128x128xf32, #tpu.memory_space<vmem>>[vector<16xi32>, vector<16xi32>], vector<16xf32>,
      %get3A_2961 = arith.constant 4 : i32
      %get3A_2962 = arith.constant 3 : i32
      %get3A_2963 = arith.index_cast %get3A_2961 : i32 to index
      %get3A_2964 = arith.index_cast %get3A_2962 : i32 to index
      %get3A_2965 = arith.constant 16 : index
      %get3A_2966 = tpu.vector_load %arg8[%get3A_2963, %get3A_2964, %get3A_2965] {strides = array<i32>} : memref<5x4x128xf32, #tpu.memory_space<vmem>>, vector<16xf32>,
      %add3A_2967 = arith.constant 16 : i32
      %add3A_2968 = vector.broadcast %add3A_2967 : i32 to vector<16xi32>
      %add3A_2969 = arith.addi %iota3A, %add3A_2968 : vector<16xi32>
      %scatter3A_2970 = arith.constant 4 : i32
      %scatter3A_2971 = arith.constant 0 : i32
      %scatter3A_2972 = arith.constant 0 : i32
      %scatter3A_2973 = tpu.memref_slice %arg7[%scatter3A_2970, %scatter3A_2971, %scatter3A_2972] : memref<5x128x128xf32, #tpu.memory_space<vmem>> -> memref<1x128x128xf32, #tpu.memory_space<vmem>>
      %scatter3A_2974 = tpu.memref_squeeze %scatter3A_2973 : memref<1x128x128xf32, #tpu.memory_space<vmem>> -> memref<128x128xf32, #tpu.memory_space<vmem>>
      tpu.vector_store_idx %scatter3A_2974[%add3A_2969, %broadcast_in_dim3A_2946], %get3A_2966 : memref<128x128xf32, #tpu.memory_space<vmem>>[vector<16xi32>, vector<16xi32>], vector<16xf32>,
      %get3A_2975 = arith.constant 4 : i32
      %get3A_2976 = arith.constant 3 : i32
      %get3A_2977 = arith.index_cast %get3A_2975 : i32 to index
      %get3A_2978 = arith.index_cast %get3A_2976 : i32 to index
      %get3A_2979 = arith.constant 32 : index
      %get3A_2980 = tpu.vector_load %arg8[%get3A_2977, %get3A_2978, %get3A_2979] {strides = array<i32>} : memref<5x4x128xf32, #tpu.memory_space<vmem>>, vector<16xf32>,
      %add3A_2981 = arith.constant 32 : i32
      %add3A_2982 = vector.broadcast %add3A_2981 : i32 to vector<16xi32>
      %add3A_2983 = arith.addi %iota3A, %add3A_2982 : vector<16xi32>
      %scatter3A_2984 = arith.constant 4 : i32
      %scatter3A_2985 = arith.constant 0 : i32
      %scatter3A_2986 = arith.constant 0 : i32
      %scatter3A_2987 = tpu.memref_slice %arg7[%scatter3A_2984, %scatter3A_2985, %scatter3A_2986] : memref<5x128x128xf32, #tpu.memory_space<vmem>> -> memref<1x128x128xf32, #tpu.memory_space<vmem>>
      %scatter3A_2988 = tpu.memref_squeeze %scatter3A_2987 : memref<1x128x128xf32, #tpu.memory_space<vmem>> -> memref<128x128xf32, #tpu.memory_space<vmem>>
      tpu.vector_store_idx %scatter3A_2988[%add3A_2983, %broadcast_in_dim3A_2946], %get3A_2980 : memref<128x128xf32, #tpu.memory_space<vmem>>[vector<16xi32>, vector<16xi32>], vector<16xf32>,
      %get3A_2989 = arith.constant 4 : i32
      %get3A_2990 = arith.constant 3 : i32
      %get3A_2991 = arith.index_cast %get3A_2989 : i32 to index
      %get3A_2992 = arith.index_cast %get3A_2990 : i32 to index
      %get3A_2993 = arith.constant 48 : index
      %get3A_2994 = tpu.vector_load %arg8[%get3A_2991, %get3A_2992, %get3A_2993] {strides = array<i32>} : memref<5x4x128xf32, #tpu.memory_space<vmem>>, vector<16xf32>,
      %add3A_2995 = arith.constant 48 : i32
      %add3A_2996 = vector.broadcast %add3A_2995 : i32 to vector<16xi32>
      %add3A_2997 = arith.addi %iota3A, %add3A_2996 : vector<16xi32>
      %scatter3A_2998 = arith.constant 4 : i32
      %scatter3A_2999 = arith.constant 0 : i32
      %scatter3A_3000 = arith.constant 0 : i32
      %scatter3A_3001 = tpu.memref_slice %arg7[%scatter3A_2998, %scatter3A_2999, %scatter3A_3000] : memref<5x128x128xf32, #tpu.memory_space<vmem>> -> memref<1x128x128xf32, #tpu.memory_space<vmem>>
      %scatter3A_3002 = tpu.memref_squeeze %scatter3A_3001 : memref<1x128x128xf32, #tpu.memory_space<vmem>> -> memref<128x128xf32, #tpu.memory_space<vmem>>
      tpu.vector_store_idx %scatter3A_3002[%add3A_2997, %broadcast_in_dim3A_2946], %get3A_2994 : memref<128x128xf32, #tpu.memory_space<vmem>>[vector<16xi32>, vector<16xi32>], vector<16xf32>,
      %get3A_3003 = arith.constant 4 : i32
      %get3A_3004 = arith.constant 3 : i32
      %get3A_3005 = arith.index_cast %get3A_3003 : i32 to index
      %get3A_3006 = arith.index_cast %get3A_3004 : i32 to index
      %get3A_3007 = arith.constant 64 : index
      %get3A_3008 = tpu.vector_load %arg8[%get3A_3005, %get3A_3006, %get3A_3007] {strides = array<i32>} : memref<5x4x128xf32, #tpu.memory_space<vmem>>, vector<16xf32>,
      %add3A_3009 = arith.constant 64 : i32
      %add3A_3010 = vector.broadcast %add3A_3009 : i32 to vector<16xi32>
      %add3A_3011 = arith.addi %iota3A, %add3A_3010 : vector<16xi32>
      %scatter3A_3012 = arith.constant 4 : i32
      %scatter3A_3013 = arith.constant 0 : i32
      %scatter3A_3014 = arith.constant 0 : i32
      %scatter3A_3015 = tpu.memref_slice %arg7[%scatter3A_3012, %scatter3A_3013, %scatter3A_3014] : memref<5x128x128xf32, #tpu.memory_space<vmem>> -> memref<1x128x128xf32, #tpu.memory_space<vmem>>
      %scatter3A_3016 = tpu.memref_squeeze %scatter3A_3015 : memref<1x128x128xf32, #tpu.memory_space<vmem>> -> memref<128x128xf32, #tpu.memory_space<vmem>>
      tpu.vector_store_idx %scatter3A_3016[%add3A_3011, %broadcast_in_dim3A_2946], %get3A_3008 : memref<128x128xf32, #tpu.memory_space<vmem>>[vector<16xi32>, vector<16xi32>], vector<16xf32>,
      %get3A_3017 = arith.constant 4 : i32
      %get3A_3018 = arith.constant 3 : i32
      %get3A_3019 = arith.index_cast %get3A_3017 : i32 to index
      %get3A_3020 = arith.index_cast %get3A_3018 : i32 to index
      %get3A_3021 = arith.constant 80 : index
      %get3A_3022 = tpu.vector_load %arg8[%get3A_3019, %get3A_3020, %get3A_3021] {strides = array<i32>} : memref<5x4x128xf32, #tpu.memory_space<vmem>>, vector<16xf32>,
      %add3A_3023 = arith.constant 80 : i32
      %add3A_3024 = vector.broadcast %add3A_3023 : i32 to vector<16xi32>
      %add3A_3025 = arith.addi %iota3A, %add3A_3024 : vector<16xi32>
      %scatter3A_3026 = arith.constant 4 : i32
      %scatter3A_3027 = arith.constant 0 : i32
      %scatter3A_3028 = arith.constant 0 : i32
      %scatter3A_3029 = tpu.memref_slice %arg7[%scatter3A_3026, %scatter3A_3027, %scatter3A_3028] : memref<5x128x128xf32, #tpu.memory_space<vmem>> -> memref<1x128x128xf32, #tpu.memory_space<vmem>>
      %scatter3A_3030 = tpu.memref_squeeze %scatter3A_3029 : memref<1x128x128xf32, #tpu.memory_space<vmem>> -> memref<128x128xf32, #tpu.memory_space<vmem>>
      tpu.vector_store_idx %scatter3A_3030[%add3A_3025, %broadcast_in_dim3A_2946], %get3A_3022 : memref<128x128xf32, #tpu.memory_space<vmem>>[vector<16xi32>, vector<16xi32>], vector<16xf32>,
      %get3A_3031 = arith.constant 4 : i32
      %get3A_3032 = arith.constant 3 : i32
      %get3A_3033 = arith.index_cast %get3A_3031 : i32 to index
      %get3A_3034 = arith.index_cast %get3A_3032 : i32 to index
      %get3A_3035 = arith.constant 96 : index
      %get3A_3036 = tpu.vector_load %arg8[%get3A_3033, %get3A_3034, %get3A_3035] {strides = array<i32>} : memref<5x4x128xf32, #tpu.memory_space<vmem>>, vector<16xf32>,
      %add3A_3037 = arith.constant 96 : i32
      %add3A_3038 = vector.broadcast %add3A_3037 : i32 to vector<16xi32>
      %add3A_3039 = arith.addi %iota3A, %add3A_3038 : vector<16xi32>
      %scatter3A_3040 = arith.constant 4 : i32
      %scatter3A_3041 = arith.constant 0 : i32
      %scatter3A_3042 = arith.constant 0 : i32
      %scatter3A_3043 = tpu.memref_slice %arg7[%scatter3A_3040, %scatter3A_3041, %scatter3A_3042] : memref<5x128x128xf32, #tpu.memory_space<vmem>> -> memref<1x128x128xf32, #tpu.memory_space<vmem>>
      %scatter3A_3044 = tpu.memref_squeeze %scatter3A_3043 : memref<1x128x128xf32, #tpu.memory_space<vmem>> -> memref<128x128xf32, #tpu.memory_space<vmem>>
      tpu.vector_store_idx %scatter3A_3044[%add3A_3039, %broadcast_in_dim3A_2946], %get3A_3036 : memref<128x128xf32, #tpu.memory_space<vmem>>[vector<16xi32>, vector<16xi32>], vector<16xf32>,
      %get3A_3045 = arith.constant 4 : i32
      %get3A_3046 = arith.constant 3 : i32
      %get3A_3047 = arith.index_cast %get3A_3045 : i32 to index
      %get3A_3048 = arith.index_cast %get3A_3046 : i32 to index
      %get3A_3049 = arith.constant 112 : index
      %get3A_3050 = tpu.vector_load %arg8[%get3A_3047, %get3A_3048, %get3A_3049] {strides = array<i32>} : memref<5x4x128xf32, #tpu.memory_space<vmem>>, vector<16xf32>,
      %add3A_3051 = arith.constant 112 : i32
      %add3A_3052 = vector.broadcast %add3A_3051 : i32 to vector<16xi32>
      %add3A_3053 = arith.addi %iota3A, %add3A_3052 : vector<16xi32>
      %scatter3A_3054 = arith.constant 4 : i32
      %scatter3A_3055 = arith.constant 0 : i32
      %scatter3A_3056 = arith.constant 0 : i32
      %scatter3A_3057 = tpu.memref_slice %arg7[%scatter3A_3054, %scatter3A_3055, %scatter3A_3056] : memref<5x128x128xf32, #tpu.memory_space<vmem>> -> memref<1x128x128xf32, #tpu.memory_space<vmem>>
      %scatter3A_3058 = tpu.memref_squeeze %scatter3A_3057 : memref<1x128x128xf32, #tpu.memory_space<vmem>> -> memref<128x128xf32, #tpu.memory_space<vmem>>
      tpu.vector_store_idx %scatter3A_3058[%add3A_3053, %broadcast_in_dim3A_2946], %get3A_3050 : memref<128x128xf32, #tpu.memory_space<vmem>>[vector<16xi32>, vector<16xi32>], vector<16xf32>,
      %dma_start3A_3059 = arith.constant 4 : i32
      %dma_start3A_3060 = arith.constant 4 : i32
      %dma_start3A_3061 = arith.constant 0 : i32
      %dma_start3A_3062 = arith.constant 0 : i32
      %dma_start3A_3063 = tpu.memref_slice %arg7[%dma_start3A_3059, %dma_start3A_3061, %dma_start3A_3062] : memref<5x128x128xf32, #tpu.memory_space<vmem>> -> memref<1x128x128xf32, #tpu.memory_space<vmem>>
      %dma_start3A_3064 = tpu.memref_squeeze %dma_start3A_3063 : memref<1x128x128xf32, #tpu.memory_space<vmem>> -> memref<128x128xf32, #tpu.memory_space<vmem>>
      %dma_start3A_3065 = arith.constant 0 : i32
      %dma_start3A_3066 = tpu.memref_slice %arg9[%dma_start3A_3060, %dma_start3A_3065] : memref<5x128xi32, #tpu.memory_space<vmem>> -> memref<1x128xi32, #tpu.memory_space<vmem>>
      %dma_start3A_3067 = tpu.memref_squeeze %dma_start3A_3066 : memref<1x128xi32, #tpu.memory_space<vmem>> -> memref<128xi32, #tpu.memory_space<vmem>>
      %dma_start3A_3068 = arith.constant 0 : i32
      %dma_start3A_3069 = arith.constant 0 : i32
      %dma_start3A_3070 = tpu.memref_slice %arg5[%dma_start3A_3068, %dma_start3A_3069] : memref<819200x128xf32, #tpu.memory_space<hbm>> -> memref<819200x128xf32, #tpu.memory_space<hbm>>
      tpu.enqueue_indirect_dma source(%dma_start3A_3064 : memref<128x128xf32, #tpu.memory_space<vmem>>) target(%dma_start3A_3070 : memref<819200x128xf32, #tpu.memory_space<hbm>>) offsets(%dma_start3A_3067 : memref<128xi32, #tpu.memory_space<vmem>>) semaphore(%arg20 : memref<!tpu.dma_semaphore, #tpu.memory_space<semaphore_mem>>)
    }
    %scan3A_156 = arith.constant 40 : i32
    %dma_wait3A = arith.constant 0 : i32
    %dma_wait3A_157 = arith.constant 0 : i32
    %dma_wait3A_158 = arith.constant 0 : i32
    %dma_wait3A_159 = arith.constant 0 : i32
    %dma_wait3A_160 = tpu.memref_slice %arg7[%dma_wait3A, %dma_wait3A_158, %dma_wait3A_159] : memref<5x128x128xf32, #tpu.memory_space<vmem>> -> memref<1x128x128xf32, #tpu.memory_space<vmem>>
    %dma_wait3A_161 = tpu.memref_squeeze %dma_wait3A_160 : memref<1x128x128xf32, #tpu.memory_space<vmem>> -> memref<128x128xf32, #tpu.memory_space<vmem>>
    %dma_wait3A_162 = arith.constant 0 : i32
    %dma_wait3A_163 = tpu.memref_slice %arg9[%dma_wait3A_157, %dma_wait3A_162] : memref<5x128xi32, #tpu.memory_space<vmem>> -> memref<1x128xi32, #tpu.memory_space<vmem>>
    %dma_wait3A_164 = tpu.memref_squeeze %dma_wait3A_163 : memref<1x128xi32, #tpu.memory_space<vmem>> -> memref<128xi32, #tpu.memory_space<vmem>>
    %dma_wait3A_165 = arith.constant 0 : i32
    %dma_wait3A_166 = arith.constant 0 : i32
    %dma_wait3A_167 = tpu.memref_slice %arg5[%dma_wait3A_165, %dma_wait3A_166] : memref<819200x128xf32, #tpu.memory_space<hbm>> -> memref<819200x128xf32, #tpu.memory_space<hbm>>
    tpu.wait_indirect_dma semaphore(%arg16 : memref<!tpu.dma_semaphore, #tpu.memory_space<semaphore_mem>>) src(%dma_wait3A_161 : memref<128x128xf32, #tpu.memory_space<vmem>>) dst(%dma_wait3A_167 : memref<819200x128xf32, #tpu.memory_space<hbm>>)
    %dma_wait3A_168 = arith.constant 1 : i32
    %dma_wait3A_169 = arith.constant 1 : i32
    %dma_wait3A_170 = arith.constant 0 : i32
    %dma_wait3A_171 = arith.constant 0 : i32
    %dma_wait3A_172 = tpu.memref_slice %arg7[%dma_wait3A_168, %dma_wait3A_170, %dma_wait3A_171] : memref<5x128x128xf32, #tpu.memory_space<vmem>> -> memref<1x128x128xf32, #tpu.memory_space<vmem>>
    %dma_wait3A_173 = tpu.memref_squeeze %dma_wait3A_172 : memref<1x128x128xf32, #tpu.memory_space<vmem>> -> memref<128x128xf32, #tpu.memory_space<vmem>>
    %dma_wait3A_174 = arith.constant 0 : i32
    %dma_wait3A_175 = tpu.memref_slice %arg9[%dma_wait3A_169, %dma_wait3A_174] : memref<5x128xi32, #tpu.memory_space<vmem>> -> memref<1x128xi32, #tpu.memory_space<vmem>>
    %dma_wait3A_176 = tpu.memref_squeeze %dma_wait3A_175 : memref<1x128xi32, #tpu.memory_space<vmem>> -> memref<128xi32, #tpu.memory_space<vmem>>
    %dma_wait3A_177 = arith.constant 0 : i32
    %dma_wait3A_178 = arith.constant 0 : i32
    %dma_wait3A_179 = tpu.memref_slice %arg5[%dma_wait3A_177, %dma_wait3A_178] : memref<819200x128xf32, #tpu.memory_space<hbm>> -> memref<819200x128xf32, #tpu.memory_space<hbm>>
    tpu.wait_indirect_dma semaphore(%arg17 : memref<!tpu.dma_semaphore, #tpu.memory_space<semaphore_mem>>) src(%dma_wait3A_173 : memref<128x128xf32, #tpu.memory_space<vmem>>) dst(%dma_wait3A_179 : memref<819200x128xf32, #tpu.memory_space<hbm>>)
    %dma_wait3A_180 = arith.constant 2 : i32
    %dma_wait3A_181 = arith.constant 2 : i32
    %dma_wait3A_182 = arith.constant 0 : i32
    %dma_wait3A_183 = arith.constant 0 : i32
    %dma_wait3A_184 = tpu.memref_slice %arg7[%dma_wait3A_180, %dma_wait3A_182, %dma_wait3A_183] : memref<5x128x128xf32, #tpu.memory_space<vmem>> -> memref<1x128x128xf32, #tpu.memory_space<vmem>>
    %dma_wait3A_185 = tpu.memref_squeeze %dma_wait3A_184 : memref<1x128x128xf32, #tpu.memory_space<vmem>> -> memref<128x128xf32, #tpu.memory_space<vmem>>
    %dma_wait3A_186 = arith.constant 0 : i32
    %dma_wait3A_187 = tpu.memref_slice %arg9[%dma_wait3A_181, %dma_wait3A_186] : memref<5x128xi32, #tpu.memory_space<vmem>> -> memref<1x128xi32, #tpu.memory_space<vmem>>
    %dma_wait3A_188 = tpu.memref_squeeze %dma_wait3A_187 : memref<1x128xi32, #tpu.memory_space<vmem>> -> memref<128xi32, #tpu.memory_space<vmem>>
    %dma_wait3A_189 = arith.constant 0 : i32
    %dma_wait3A_190 = arith.constant 0 : i32
    %dma_wait3A_191 = tpu.memref_slice %arg5[%dma_wait3A_189, %dma_wait3A_190] : memref<819200x128xf32, #tpu.memory_space<hbm>> -> memref<819200x128xf32, #tpu.memory_space<hbm>>
    tpu.wait_indirect_dma semaphore(%arg18 : memref<!tpu.dma_semaphore, #tpu.memory_space<semaphore_mem>>) src(%dma_wait3A_185 : memref<128x128xf32, #tpu.memory_space<vmem>>) dst(%dma_wait3A_191 : memref<819200x128xf32, #tpu.memory_space<hbm>>)
    %dma_wait3A_192 = arith.constant 3 : i32
    %dma_wait3A_193 = arith.constant 3 : i32
    %dma_wait3A_194 = arith.constant 0 : i32
    %dma_wait3A_195 = arith.constant 0 : i32
    %dma_wait3A_196 = tpu.memref_slice %arg7[%dma_wait3A_192, %dma_wait3A_194, %dma_wait3A_195] : memref<5x128x128xf32, #tpu.memory_space<vmem>> -> memref<1x128x128xf32, #tpu.memory_space<vmem>>
    %dma_wait3A_197 = tpu.memref_squeeze %dma_wait3A_196 : memref<1x128x128xf32, #tpu.memory_space<vmem>> -> memref<128x128xf32, #tpu.memory_space<vmem>>
    %dma_wait3A_198 = arith.constant 0 : i32
    %dma_wait3A_199 = tpu.memref_slice %arg9[%dma_wait3A_193, %dma_wait3A_198] : memref<5x128xi32, #tpu.memory_space<vmem>> -> memref<1x128xi32, #tpu.memory_space<vmem>>
    %dma_wait3A_200 = tpu.memref_squeeze %dma_wait3A_199 : memref<1x128xi32, #tpu.memory_space<vmem>> -> memref<128xi32, #tpu.memory_space<vmem>>
    %dma_wait3A_201 = arith.constant 0 : i32
    %dma_wait3A_202 = arith.constant 0 : i32
    %dma_wait3A_203 = tpu.memref_slice %arg5[%dma_wait3A_201, %dma_wait3A_202] : memref<819200x128xf32, #tpu.memory_space<hbm>> -> memref<819200x128xf32, #tpu.memory_space<hbm>>
    tpu.wait_indirect_dma semaphore(%arg19 : memref<!tpu.dma_semaphore, #tpu.memory_space<semaphore_mem>>) src(%dma_wait3A_197 : memref<128x128xf32, #tpu.memory_space<vmem>>) dst(%dma_wait3A_203 : memref<819200x128xf32, #tpu.memory_space<hbm>>)
    %dma_wait3A_204 = arith.constant 4 : i32
    %dma_wait3A_205 = arith.constant 4 : i32
    %dma_wait3A_206 = arith.constant 0 : i32
    %dma_wait3A_207 = arith.constant 0 : i32
    %dma_wait3A_208 = tpu.memref_slice %arg7[%dma_wait3A_204, %dma_wait3A_206, %dma_wait3A_207] : memref<5x128x128xf32, #tpu.memory_space<vmem>> -> memref<1x128x128xf32, #tpu.memory_space<vmem>>
    %dma_wait3A_209 = tpu.memref_squeeze %dma_wait3A_208 : memref<1x128x128xf32, #tpu.memory_space<vmem>> -> memref<128x128xf32, #tpu.memory_space<vmem>>
    %dma_wait3A_210 = arith.constant 0 : i32
    %dma_wait3A_211 = tpu.memref_slice %arg9[%dma_wait3A_205, %dma_wait3A_210] : memref<5x128xi32, #tpu.memory_space<vmem>> -> memref<1x128xi32, #tpu.memory_space<vmem>>
    %dma_wait3A_212 = tpu.memref_squeeze %dma_wait3A_211 : memref<1x128xi32, #tpu.memory_space<vmem>> -> memref<128xi32, #tpu.memory_space<vmem>>
    %dma_wait3A_213 = arith.constant 0 : i32
    %dma_wait3A_214 = arith.constant 0 : i32
    %dma_wait3A_215 = tpu.memref_slice %arg5[%dma_wait3A_213, %dma_wait3A_214] : memref<819200x128xf32, #tpu.memory_space<hbm>> -> memref<819200x128xf32, #tpu.memory_space<hbm>>
    tpu.wait_indirect_dma semaphore(%arg20 : memref<!tpu.dma_semaphore, #tpu.memory_space<semaphore_mem>>) src(%dma_wait3A_209 : memref<128x128xf32, #tpu.memory_space<vmem>>) dst(%dma_wait3A_215 : memref<819200x128xf32, #tpu.memory_space<hbm>>)
    return
  }
}

module attributes {stable_mosaic.version = 14 : i64} {
  func.func @_pad_body(%arg0: i32, %arg1: memref<1000x124xf32, #tpu.memory_space<vmem>>, %arg2: memref<1000x128xf32, #tpu.memory_space<vmem>>) attributes {dimension_semantics = [#tpu.dimension_semantics<arbitrary>], iteration_bounds = array<i64: 100>, scalar_prefetch = 0 : i64, scratch_operands = 0 : i64, tpu.core_type = #tpu.core_type<tc>, window_params = [{transform_indices = @transform_0, window_bounds = array<i64: 1000, 124>}, {transform_indices = @transform_1, window_bounds = array<i64: 1000, 128>}]} {
    %get3A = arith.constant 0 : index
    %get3A_0 = arith.constant 0 : index
    %get3A_1 = vector.load %arg1[%get3A, %get3A_0] : memref<1000x124xf32, #tpu.memory_space<vmem>>, vector<1000x124xf32>
    %jit3A = arith.constant 0 : i32
    %convert_element_type3A = arith.sitofp %jit3A : i32 to f32
    %pad3A = vector.broadcast %convert_element_type3A : f32 to vector<1000x4xf32>
    %pad3A_2 = tpu.concatenate %get3A_1, %pad3A in 1 : vector<1000x124xf32>, vector<1000x4xf32> -> vector<1000x128xf32>
    %swap3A = arith.constant 0 : index
    %swap3A_3 = arith.constant 0 : index
    %swap3A_4 = vector.load %arg2[%swap3A, %swap3A_3] : memref<1000x128xf32, #tpu.memory_space<vmem>>, vector<1000x128xf32>
    tpu.vector_store %arg2[%swap3A, %swap3A_3], %pad3A_2 {strides = array<i32>} : memref<1000x128xf32, #tpu.memory_space<vmem>>, vector<1000x128xf32>,
    return
  }
  func.func @transform_0(%arg0: i32) -> (i32, i32) {
    %c0_i32 = arith.constant 0 : i32
    %c0_i32_0 = arith.constant 0 : i32
    return %arg0, %c0_i32 : i32, i32
  }
  func.func @transform_1(%arg0: i32) -> (i32, i32) {
    %c0_i32 = arith.constant 0 : i32
    %c0_i32_0 = arith.constant 0 : i32
    return %arg0, %c0_i32 : i32, i32
  }
}

</mosaic_0001>

<sc_bundles>
// kernel: kernel.4.cloned.1.call-start
scs
__scs_entry_jumppad:
0x0: {  	(pc) =	sbr.rel $0x88, $3  }
0x1: {  	(tag) =	ssettag $0x0;
	lr =	simm.s32 $0x1  }
0x2: {  	[smem:$0x3F9E] =	sst lr;
	_ =	strace $0xD0000000  }
0x3: {  	_ = 	snop  }
0x4: {  	_ = 	snop  }
0x5: {  	_ = 	snop  }
0x6: {  	_ = 	snop  }
0x7: {  	_ = 	snop  }
__scs_overlays_trampoline_lowered:
0x8: {  	[smem:$0x3FAD] =	sst s0  }
0x9: {  	[smem:$0x3FAE] =	sst s1  }
0xa: {  	[smem:$0x3FAF] =	sst s2  }
0xb: {  	[smem:$0x3FB0] =	sst s3  }
0xc: {  	[smem:$0x3FB1] =	sst s4  }
0xd: {  	[smem:$0x3FB2] =	sst s5  }
0xe: {  	[smem:$0x3FB3] =	sst s6  }
0xf: {  	[smem:$0x3FB4] =	sst s7  }
0x10: {  	[smem:$0x3FB5] =	sst s8  }
0x11: {  	[smem:$0x3FB6] =	sst s9;
	s0 =	simm.s32 @!p0 $0x0  }
0x12: {  	s1 =	sld [smem:$0x3F9C];
	s0 =	simm.s32 @p0 $0x1  }
0x13: {  	[smem:$0x3FB7] =	sst s0;
	s0 =	simm.s32 @!p1 $0x0  }
0x14: {  	s2 =	sld [smem:$0x3F9B];
	s0 =	simm.s32 @p1 $0x1  }
0x15: {  	[smem:$0x3FB8] =	sst s0;
	s0 =	simm.s32 @!p2 $0x0  }
0x16: {  	s3 =	sld [smem:$0x3FDB];
	s0 =	simm.s32 @p2 $0x1  }
0x17: {  	s4 =	simm.s32 $0x1BF5;
	[smem:$0x3FBA] =	sst s0  }
0x18: {  	s0 =	sld [smem:$0x3F9D];
	_ =	swait.ge [sflag:s4], $0x0  }
0x19: {  	s7 =	sld [smem:$0x3F9E]  }
0x1a: {  	s8 =	sadd.s32 $0xFFFFE003, lr  }
0x1b: {  	s9 =	sadd.s32 $0xFFFFFEF7, lr;
	s5 =	simm.s32 $0xFFFFFFFF;
	p2 =	slt.u32 s8, $0xFFFFF086  }
0x1c: {  	p1 =	slt.u32 s9, $0xF7A;
	s5 =	simm.s32 @!p2 $0x0  }
0x1d: {  	s5 =	simm.s32 @p1 $0x1;
	p0 =	seq.s32 s7, s2  }
0x1e: {  	s7 =	smul.u32 @!p0 $0xF7A, s2;
	p2 =	seq.s32 @!p0 s5, $0x0  }
0x1f: {  	s9 =	smul.u32 $0xF7A, s1;
	s8 =	simm.s32 @!p0 $0x1BF5;
	p2 =	por !p2, p0  }
0x20: {  	[sflag:s8] =	ssyncset.s32 @!p0 $0xFFFFF086;
	s6 =	sadd.s32 @!p0 s3, s7;
	s7 =	simm.s32 @!p0 $0x108  }
0x21: {  	s3 =	sadd.s32 s3, s9;
	s6 =	sadd.s32 @!p0 $0x88, s6;
	s7 =	simm.s32 @p2 $0x1082  }
0x22: {  	[simem:s7], [sflag:s8] =	dma.local @!p0 [hbm:s6], $0xF7A  }
0x23: {  	s9 =	sor.u32 $0xD0000000, s2;
	s6 =	simm.s32 $0x108;
	_ =	swait.ge @!p0 [sflag:s8], $0x0  }
0x24: {  	s3 =	sadd.s32 $0x88, s3;
	s6 =	simm.s32 @!p1 $0x1082;
	[sflag:s4] =	ssyncset.s32 $0xFFFFF086  }
0x25: {  	[simem:s6], [sflag:s4] =	dma.local [hbm:s3], $0xF7A  }
0x26: {  	[smem:$0x3F9E] =	sst s1;
	(tag) =	ssettag s2;
	_ =	strace s9  }
0x27: {  	s1 =	sld [smem:$0x3FAE]  }
0x28: {  	s2 =	sld [smem:$0x3FAF]  }
0x29: {  	s4 =	sld [smem:$0x3FB1]  }
0x2a: {  	p0 =	seq.s32 s5, $0x0;
	s5 =	sld [smem:$0x3FB2]  }
0x2b: {  	s6 =	sld [smem:$0x3FB3]  }
0x2c: {  	s7 =	sld [smem:$0x3FB4]  }
0x2d: {  	s3 =	simm.s32 $0x108;
	s8 =	sld [smem:$0x3FB5]  }
0x2e: {  	s3 =	simm.s32 @!p0 $0x1082;
	s9 =	sld [smem:$0x3FB6]  }
0x2f: {  	lr =	sadd.s32 s0, s3;
	s0 =	sld [smem:$0x3FAD]  }
0x30: {  	s3 =	sld [smem:$0x3FB0]  }
0x31: {  	[smem:$0x3FB9] =	sst s10  }
0x32: {  	s10 =	sld [smem:$0x3FB7];
	_ =	sdelay $0x3  }
0x33: {  	p0 =	seq.s32 s10, $0x1;
	s10 =	sld [smem:$0x3FB9];
	_ =	sdelay $0x3  }
0x34: {  	[smem:$0x3FB9] =	sst s10  }
0x35: {  	s10 =	sld [smem:$0x3FB8];
	_ =	sdelay $0x3  }
0x36: {  	p1 =	seq.s32 s10, $0x1;
	s10 =	sld [smem:$0x3FB9];
	_ =	sdelay $0x3  }
0x37: {  	[smem:$0x3FB9] =	sst s10  }
0x38: {  	s10 =	sld [smem:$0x3FBA]  }
0x39: {  	_ = 	snop;
	(pc) =	sbr.ind lr, $3  }
0x3a: {  	_ = 	snop  }
0x3b: {  	_ = 	snop  }
0x3c: {  	p2 =	seq.s32 s10, $0x1;
	s10 =	sld [smem:$0x3FB9]  }
0x3d: {  	_ =	shalt  }
0x3e: {  	_ =	shalt  }
0x3f: {  	_ =	shalt  }
0x40: {  	_ =	shalt  }
0x41: {  	_ =	shalt  }
0x42: {  	_ =	shalt  }
0x43: {  	_ =	shalt  }
0x44: {  	_ =	shalt  }
0x45: {  	_ =	shalt  }
0x46: {  	_ =	shalt  }
0x47: {  	_ =	shalt  }
0x48: {  	_ =	shalt  }
0x49: {  	_ =	shalt  }
0x4a: {  	_ =	shalt  }
0x4b: {  	_ =	shalt  }
0x4c: {  	_ =	shalt  }
0x4d: {  	_ =	shalt  }
0x4e: {  	_ =	shalt  }
0x4f: {  	_ =	shalt  }
0x50: {  	_ =	shalt  }
0x51: {  	_ =	shalt  }
0x52: {  	_ =	shalt  }
0x53: {  	_ =	shalt  }
0x54: {  	_ =	shalt  }
0x55: {  	_ =	shalt  }
0x56: {  	_ =	shalt  }
0x57: {  	_ =	shalt  }
0x58: {  	_ =	shalt  }
0x59: {  	_ =	shalt  }
0x5a: {  	_ =	shalt  }
0x5b: {  	_ =	shalt  }
0x5c: {  	_ =	shalt  }
0x5d: {  	_ =	shalt  }
0x5e: {  	_ =	shalt  }
0x5f: {  	_ =	shalt  }
0x60: {  	_ =	shalt  }
0x61: {  	_ =	shalt  }
0x62: {  	_ =	shalt  }
0x63: {  	_ =	shalt  }
0x64: {  	_ =	shalt  }
0x65: {  	_ =	shalt  }
0x66: {  	_ =	shalt  }
0x67: {  	_ =	shalt  }
0x68: {  	_ =	shalt  }
0x69: {  	_ =	shalt  }
0x6a: {  	_ =	shalt  }
0x6b: {  	_ =	shalt  }
0x6c: {  	_ =	shalt  }
0x6d: {  	_ =	shalt  }
0x6e: {  	_ =	shalt  }
0x6f: {  	_ =	shalt  }
0x70: {  	_ =	shalt  }
0x71: {  	_ =	shalt  }
0x72: {  	_ =	shalt  }
0x73: {  	_ =	shalt  }
0x74: {  	_ =	shalt  }
0x75: {  	_ =	shalt  }
0x76: {  	_ =	shalt  }
0x77: {  	_ =	shalt  }
0x78: {  	_ =	shalt  }
0x79: {  	_ =	shalt  }
0x7a: {  	_ =	shalt  }
0x7b: {  	_ =	shalt  }
0x7c: {  	_ =	shalt  }
0x7d: {  	_ =	shalt  }
0x7e: {  	_ =	shalt  }
0x7f: {  	_ =	shalt  }
0x80: {  	_ =	shalt  }
0x81: {  	_ =	shalt  }
0x82: {  	_ =	shalt  }
0x83: {  	_ =	shalt  }
0x84: {  	_ =	shalt  }
0x85: {  	_ =	shalt  }
0x86: {  	_ =	shalt  }
0x87: {  	_ =	shalt  }
.Lfunc_end0:
.L_simem_size_0:
called_computation_lowered:
.L_overlay_start_0:
0x88: {  	s2 =	sld [smem:$0x3FD9]  }
0x89: {  	s3 =	sld [smem:$0x3FFE];
	_ =	sdelay $0x1  }
0x8a: {  	s1 =	srdreg.scid  }
0x8b: {  	s0 =	sand.u32 $0x1, s1  }
0x8c: {  	s17 =	sshll.u32 s0, $0xA;
	s2 =	sadd.s32 s3, s2  }
0x8d: {  	s2 =	sadd.s32 s2, s17  }
0x8e: {  	[smem:$0x3FC5] =	sst s2  }
0x8f: {  	_ = 	snop  }
0x90: {  	s2 =	sld [smem:$0x3FC8]  }
0x91: {  	s18 =	sld [smem:$0x3FD0];
	(tm) =	ssettm $0x1  }
0x92: {  	s4 =	sld [smem:$0x3FFB];
	_ =	sdelay $0x3  }
0x93: {  	_ =	strace s4  }
0x94: {  	s4 =	sld [smem:$0x3FFC];
	_ =	sdelay $0x3  }
0x95: {  	_ =	strace s4  }
0x96: {  	s4 =	sld [smem:$0x3FFD];
	_ =	sdelay $0x3  }
0x97: {  	_ =	strace s4  }
0x98: {  	_ =	strace $0x8FFFFFFF  }
0x99: {  	s19 =	sld [smem:$0x3FDB];
	_ =	sdelay $0x1  }
0x9a: {  	s5 =	simm.s32 $_scs_section_size  }
0x9b: {  	s6 =	simm.s32 $_size__tile_overlayer_lowered;
	s7 =	simm.s32 $_tile_overlayer_lowered  }
0x9c: {  	s22 =	simm.s32 $0x1BFF;
	s21 =	sshll.u32 s7, $0x1;
	s4 =	sadd.s32 s5, s19  }
0x9d: {  	s8 =	simm.s32 $0x0;
	s20 =	sshll.u32 s6, $0x1;
	s6 =	sadd.s32 s21, s4  }
0x9e: {  	[timem:s8], [sflag:s22] =	dma.local [hbm:s6], s20  }
0x9f: {  	_ =	swait.ge [sflag:s22], s20  }
0xa0: {  	s5 =	ssub.s32 $0x0, s20;
	[sflag:s22] =	ssyncset.done $0x0  }
0xa1: {  	[sflag:s22] =	ssyncadd.s32 s5;
	_ =	sdelay $0x1  }
0xa2: {  	s23 =	simm.s32 $0x1B8B  }
0xa3: {  	_ =	swait.ge [sflag:s23], $0x1  }
0xa4: {  	[sflag:s23] =	ssyncset.done $0x0  }
0xa5: {  	s25 =	simm.s32 $0x1B8E;
	s24 =	sld [smem:$0x3FFE];
	[sflag:s23] =	ssyncadd.s32 $0xFFFFFFFF  }
0xa6: {  	s26 =	simm.s32 $execute0_lowered;
	[smem:$0x3FD2] =	sst s25  }
0xa7: {  	s6 =	sshll.u32 s26, $0x1;
	_ =	strace $0x80000046;
	[dreg:$0x1] =	wrdreg $0xFFFFFFFF  }
0xa8: {  	s28 =	simm.s32 $_size_execute0_lowered;
	s4 =	sadd.s32 s4, s6;
	[dreg:$0x0] =	wrdreg $0x0  }
0xa9: {  	s6 =	sshll.u32 s28, $0x1;
	[dreg:$0x2] =	wrdreg s4  }
0xaa: {  	[dreg:$0x3] =	wrdreg s6  }
0xab: {  	[dreg:$0x4] =	wrdreg $0xC0  }
0xac: {  	_ =	task [dreg:s8], $0x5FFFF  }
0xad: {  	[dreg:$0x1] =	wrdreg $0xFFFFFFFF  }
0xae: {  	[dreg:$0x0] =	wrdreg $0x60  }
0xaf: {  	[dreg:$0x2] =	wrdreg s24  }
0xb0: {  	[dreg:$0x3] =	wrdreg s2  }
0xb1: {  	[dreg:$0x4] =	wrdreg s18  }
0xb2: {  	[dreg:$0x5] =	wrdreg $0x9  }
0xb3: {  	_ =	task.clear_ibuf [dreg:s8], $0x6FFFF;
	_ =	strace $0x90000046  }
0xb4: {  	s29 =	simm.s32 $0x9;
	_ =	strace $0x80000048  }
0xb5: {  	_ =	swait.ge [sflag:s29], $0x1  }
0xb6: {  	[sflag:s29] =	ssyncadd.s32 $0xFFFFFFFF  }
0xb7: {  	_ =	strace $0x90000048  }
0xb8: {  	_ =	sfence  }
0xb9: {  	s30 =	sld [smem:$0x0];
	_ =	sdelay $0x2  }
0xba: {  	s31 =	sshll.u32 s1, $0xD;
	s1 =	sshrl.u32 s1, $0x2  }
0xbb: {  	s3 =	sand.u32 $0x4000, s31;
	s1 =	sadd.s32 s1, s30  }
0xbc: {  	s0 =	sor.u32 s3, s0;
	s1 =	sshll.u32 s1, $0x11  }
0xbd: {  	s0 =	sor.u32 s1, s0  }
0xbe: {  	s0 =	sadd.s32 $0x8F2B, s0  }
0xbf: {  	[sflag:s0] =	ssyncadd.remote.s32 $0x1  }
0xc0: {  	_ =	sfence.sel $0xFFFF  }
0xc1: {  	[dreg:$0x0] =	wrdreg $0xFFFFFFFF;
	(pc) =	sbr.abs _section_cstart, $3  }
0xc2: {  	[dreg:$0x1] =	wrdreg $0xFFFFFFFF  }
0xc3: {  	_ =	task.clear_ibuf [dreg:s8], $0x2FFFF;
	_ =	strace $0x9FFFFFFF  }
0xc4: {  	(tm) =	ssettm $0x7FFFFFFF  }
0xc5: {  	_ =	shalt  }
tec
execute0_lowered:
.L_overlay_start_1:
0x0: {  	(tag) =	ssettag $0x1  }
0x1: {  	s0 =	rddreg [dreg:$0x0]  }
0x2: {  	s1 =	srdreg.scid;
	s5 =	rddreg [dreg:$0x1]  }
0x3: {  	s11 =	stileid.u32;
	s2 =	rddreg [dreg:$0x2]  }
0x4: {  	s20 =	simm.s32 $0x1AA00;
	s21 =	simm.s32 $0x1AE00;
	s22 =	simm.s32 $0x1AC00  }
0x5: {  	s23 =	simm.s32 $0x1AE80;
	s24 =	simm.s32 $0x1AF00;
	s25 =	simm.s32 $0x1AF80  }
0x6: {  	s28 =	simm.s32 $0x6;
	s29 =	simm.s32 $0x7;
	s30 =	simm.s32 $0x8  }
0x7: {  	s31 =	simm.s32 $0x9;
	s1 =	sand.u32 $0x1, s1;
	s3 =	sshll.u32 s11, $0x1  }
0x8: {  	s7 =	sshll.u32 s11, $0x7;
	s15 =	smul.u32 $0xC800, s11;
	s4 =	sor.u32 s1, s3  }
0x9: {  	s26 =	ssub.s32 $0x2, s1;
	s8 =	sshll.u32 s1, $0x6;
	s1 =	smul.u32 $0x6400, s1  }
0xa: {  	s11 =	simm.s32 $0xB;
	s3 =	simm.s32 $0x0;
	s4 =	smul.u32 $0xC80, s4  }
0xb: {  	[smem:$0x7FF] =	sst s3;
	s9 =	sshrl.u32 s26, $0x1;
	s10 =	sor.u32 s8, s7  }
0xc: {  	v4 =	vlaneseq.u32;
	s7 =	sadd.s32 s7, s5;
	_ =	strace $0x80000047;
	[dreg:$0x9] =	wrdreg s20  }
0xd: {  	v0 =	vmul.u32 $0xC8, v4;
	s5 =	sadd.s32 s5, s10;
	s8 =	sadd.s32 s8, s7;
	[dreg:$0xa] =	wrdreg s21  }
0xe: {  	v39 =	vmul.u32 $0x80, v4;
	s1 =	sadd.s32 s1, s15;
	s15 =	simm.s32 $0xA400;
	[dreg:$0xb] =	wrdreg s22  }
0xf: {  	v1 =	vadd.s32 $0xC80, v0;
	v2 =	vadd.s32 $0x1900, v0;
	v3 =	vadd.s32 $0x2580, v0;
	s20 =	simm.s32 $0x12400;
	s21 =	simm.s32 $0x1;
	[dreg:$0xc] =	wrdreg s23  }
0x10: {  	v4 =	vadd.s32 $0x3200, v0;
	v5 =	vadd.s32 $0x3E80, v0;
	v6 =	vadd.s32 $0x4B00, v0;
	s22 =	simm.s32 $0x16400;
	s23 =	simm.s32 $0x2;
	[dreg:$0xd] =	wrdreg s24  }
0x11: {  	v7 =	vadd.s32 $0x5780, v0;
	v8 =	vor.u32 $0x7C, v39;
	v9 =	vor.u32 $0x87C, v39;
	s24 =	simm.s32 $0x3;
	[dreg:$0xe] =	wrdreg s25;
	s12 =	sadd.s32 $0x800, s5  }
0x12: {  	v10 =	vor.u32 $0x107C, v39;
	v11 =	vor.u32 $0x187C, v39;
	v12 =	vor.u32 $0x207C, v39;
	s25 =	simm.s32 $0x4;
	s13 =	sadd.s32 $0x3800, s8;
	[dreg:$0x11] =	wrdreg s12  }
0x13: {  	v13 =	vor.u32 $0x287C, v39;
	v14 =	vor.u32 $0x307C, v39;
	v15 =	vor.u32 $0x387C, v39;
	s6 =	sadd.s32 s4, s0;
	s14 =	sadd.s32 $0x3000, s8;
	[dreg:$0x4] =	wrdreg s13  }
0x14: {  	v16 =	vor.u32 $0x7D, v39;
	v17 =	vor.u32 $0x87D, v39;
	v18 =	vor.u32 $0x107D, v39;
	s4 =	sadd.s32 $0x19800, s0;
	s17 =	sadd.s32 $0x1000, s5;
	[dreg:$0x5] =	wrdreg s14  }
0x15: {  	v19 =	vor.u32 $0x187D, v39;
	v20 =	vor.u32 $0x207D, v39;
	v21 =	vor.u32 $0x287D, v39;
	s0 =	ssub.s32 s26, s9;
	s16 =	sadd.s32 $0x2800, s8;
	[dreg:$0x12] =	wrdreg s17  }
0x16: {  	v22 =	vor.u32 $0x307D, v39;
	v23 =	vor.u32 $0x387D, v39;
	v24 =	vor.u32 $0x7E, v39;
	s18 =	sadd.s32 $0x2000, s8;
	s19 =	sadd.s32 $0x1800, s8;
	[dreg:$0x6] =	wrdreg s16  }
0x17: {  	v25 =	vor.u32 $0x87E, v39;
	v26 =	vor.u32 $0x107E, v39;
	v27 =	vor.u32 $0x187E, v39;
	s26 =	simm.s32 $0x1B000;
	s6 =	sadd.s32 $0x800, s6;
	[dreg:$0x7] =	wrdreg s18  }
0x18: {  	v28 =	vor.u32 $0x207E, v39;
	v29 =	vor.u32 $0x287E, v39;
	v30 =	vor.u32 $0x307E, v39;
	s0 =	smax.u32 s0, $0x1;
	s16 =	sor.u32 $0x2, s1;
	[dreg:$0x8] =	wrdreg s19  }
0x19: {  	v31 =	vor.u32 $0x387E, v39;
	v32 =	vor.u32 $0x7F, v39;
	v33 =	vor.u32 $0x87F, v39;
	s12 =	simm.s32 $0x80;
	s13 =	simm.s32 $0x6400;
	[dreg:$0xf] =	wrdreg s26  }
0x1a: {  	v34 =	vor.u32 $0x107F, v39;
	v35 =	vor.u32 $0x187F, v39;
	v36 =	vor.u32 $0x207F, v39;
	s18 =	simm.s32 $0xE400;
	s26 =	simm.s32 $0x5;
	[dreg:$0x10] =	wrdreg s6  }
0x1b: {  	v37 =	vor.u32 $0x287F, v39;
	v38 =	vor.u32 $0x307F, v39;
	v39 =	vor.u32 $0x387F, v39;
	s1 =	simm.s32 $0xA;
	[dreg:$0x13] =	wrdreg s0;
	s0 =	simm.s32 $0x0  }
.LBB2_1:
0x1c: {  	s6 =	rddreg [dreg:$0x10]  }
0x1d: {  	[tilespmem:s3], [sflag:$0xB] =	stream.linear.gather [hbm4b:s6+s3], $0x6400, $0x38;
	[tilespmem:$0x1B280] =	vst v63  }
0x1e: {  	_ =	swait.ge [sflag:s11], $0x6400  }
0x1f: {  	[sflag:s11] =	ssyncset.done $0x0  }
0x20: {  	[sflag:s11] =	ssyncadd.s32 $0xFFFF9C00  }
0x21: {  	[tilespmem:$0x1B200] =	vst v0  }
0x22: {  	[tilespmem:$0x1B210] =	vst v1  }
0x23: {  	[tilespmem:$0x1B220] =	vst v2  }
0x24: {  	[tilespmem:$0x1B230] =	vst v3  }
0x25: {  	[tilespmem:$0x1B240] =	vst v4  }
0x26: {  	[tilespmem:$0x1B250] =	vst v5  }
0x27: {  	[tilespmem:$0x1B260] =	vst v6  }
0x28: {  	[tilespmem:$0x1B270] =	vst v7  }
0x29: {  	[tilespmem:s13], [sflag:$0x1] =	stream.indirect.gather [hbm4b:s4+s12], $0x80, s3, s12, $0xb8;
	[tilespmem:$0x1B280] =	vst v63  }
0x2a: {  	s9 =	simm.s32 $0x1A400  }
0x2b: {  	[tilespmem:s9], [sflag:$0x1] =	stream.linear.gather [hbm4b:s5+s3], $0x200, $0x38;
	[tilespmem:$0x1B280] =	vst v63  }
0x2c: {  	_ = 	snop  }
0x2d: {  	[tilespmem:s15], [sflag:$0x2] =	stream.indirect.gather [hbm4b:s4+s12], $0x80, s12, s12, $0xb8;
	[tilespmem:$0x1B280] =	vst v63  }
0x2e: {  	s7 =	simm.s32 $0x1A600;
	s10 =	rddreg [dreg:$0x11]  }
0x2f: {  	[tilespmem:s7], [sflag:$0x2] =	stream.linear.gather [hbm4b:s10+s3], $0x200, $0x38;
	[tilespmem:$0x1B280] =	vst v63  }
0x30: {  	s14 =	simm.s32 $0x100  }
0x31: {  	[tilespmem:s18], [sflag:$0x3] =	stream.indirect.gather [hbm4b:s4+s12], $0x80, s14, s12, $0xb8;
	[tilespmem:$0x1B280] =	vst v63  }
0x32: {  	s19 =	simm.s32 $0x1A800;
	s17 =	rddreg [dreg:$0x12]  }
0x33: {  	[tilespmem:s19], [sflag:$0x3] =	stream.linear.gather [hbm4b:s17+s3], $0x200, $0x38;
	[tilespmem:$0x1B280] =	vst v63  }
0x34: {  	s10 =	smov.u32 s16;
	s14 =	simm.s32 $0x380;
	s17 =	simm.s32 $0x0  }
.LBB2_2:
0x35: {  	p0 =	seq.s32 s17, $0x0  }
0x36: {  	s6 =	simm.s32 @!p0 $0x9  }
0x37: {  	_ =	swait.ge @!p0 [sflag:s6], $0x4000  }
0x38: {  	[sflag:s6] =	ssyncset.done @!p0 $0x0  }
0x39: {  	s9 =	sadd.s32 $0xFFFFFE00, s14;
	s19 =	rddreg [dreg:$0x8];
	[sflag:s6] =	ssyncadd.s32 @!p0 $0xFFFFC000  }
0x3a: {  	[tilespmem:s20], [sflag:$0x4] =	stream.indirect.gather [hbm4b:s4+s12], $0x80, s9, s12, $0xb8;
	[tilespmem:$0x1B280] =	vst v63  }
0x3b: {  	s7 =	rddreg [dreg:$0x9];
	s19 =	sadd.s32 s17, s19  }
0x3c: {  	[tilespmem:s7], [sflag:$0x4] =	stream.linear.gather [hbm4b:s19+s3], $0x200, $0x38;
	[tilespmem:$0x1B280] =	vst v63  }
0x3d: {  	v40 =	vld [tilespmem:$0x1B200]  }
0x3e: {  	v41 =	vld [tilespmem:$0x1B210]  }
0x3f: {  	v42 =	vld [tilespmem:$0x1B220]  }
0x40: {  	v43 =	vld [tilespmem:$0x1B230]  }
0x41: {  	s7 =	sadd.s32 $0xFFFFFFFE, s10;
	v44 =	vld [tilespmem:$0x1B240]  }
0x42: {  	v45 =	vld [tilespmem:$0x1B250];
	v40 =	vadd.s32 s7, v40  }
0x43: {  	v47 =	vld [tilespmem:$0x1B260];
	v46 =	vadd.s32 s7, v41;
	[tilespmem:$0x1AE00] =	vst v40  }
0x44: {  	v49 =	vld [tilespmem:$0x1B270];
	v48 =	vadd.s32 s7, v42;
	[tilespmem:$0x1AE10] =	vst v46  }
0x45: {  	v50 =	vadd.s32 s7, v43;
	[tilespmem:$0x1AE20] =	vst v48  }
0x46: {  	v51 =	vadd.s32 s7, v44;
	[tilespmem:$0x1AE30] =	vst v50  }
0x47: {  	v52 =	vadd.s32 s7, v45;
	[tilespmem:$0x1AE40] =	vst v51  }
0x48: {  	v53 =	vadd.s32 s7, v47;
	[tilespmem:$0x1AE50] =	vst v52  }
0x49: {  	v54 =	vadd.s32 s7, v49;
	[tilespmem:$0x1AE60] =	vst v53  }
0x4a: {  	[tilespmem:$0x1AE70] =	vst v54  }
0x4b: {  	_ =	swait.ge [sflag:s21], $0x4000  }
0x4c: {  	[sflag:s21] =	ssyncset.done $0x0  }
0x4d: {  	[sflag:s21] =	ssyncadd.s32 $0xFFFFC000  }
0x4e: {  	_ =	swait.ge [sflag:s21], $0x200  }
0x4f: {  	[sflag:s21] =	ssyncset.done $0x0  }
0x50: {  	[sflag:s21] =	ssyncadd.s32 $0xFFFFFE00  }
0x51: {  	v55 =	vld [tilespmem:$0x1A400];
	_ =	sdelay $0x4  }
0x52: {  	[tilespmem:v8+s13+$0x0] =	vst.idx.msk $0xffff, v55  }
0x53: {  	v40 =	vld [tilespmem:$0x1A410];
	_ =	sdelay $0x4  }
0x54: {  	[tilespmem:v9+s13+$0x0] =	vst.idx.msk $0xffff, v40  }
0x55: {  	v40 =	vld [tilespmem:$0x1A420];
	_ =	sdelay $0x4  }
0x56: {  	[tilespmem:v10+s13+$0x0] =	vst.idx.msk $0xffff, v40  }
0x57: {  	v40 =	vld [tilespmem:$0x1A430];
	_ =	sdelay $0x4  }
0x58: {  	[tilespmem:v11+s13+$0x0] =	vst.idx.msk $0xffff, v40  }
0x59: {  	v40 =	vld [tilespmem:$0x1A440];
	_ =	sdelay $0x4  }
0x5a: {  	[tilespmem:v12+s13+$0x0] =	vst.idx.msk $0xffff, v40  }
0x5b: {  	v40 =	vld [tilespmem:$0x1A450];
	_ =	sdelay $0x4  }
0x5c: {  	[tilespmem:v13+s13+$0x0] =	vst.idx.msk $0xffff, v40  }
0x5d: {  	v40 =	vld [tilespmem:$0x1A460];
	_ =	sdelay $0x4  }
0x5e: {  	[tilespmem:v14+s13+$0x0] =	vst.idx.msk $0xffff, v40  }
0x5f: {  	v40 =	vld [tilespmem:$0x1A470];
	_ =	sdelay $0x4  }
0x60: {  	[tilespmem:v15+s13+$0x0] =	vst.idx.msk $0xffff, v40  }
0x61: {  	v40 =	vld [tilespmem:$0x1A480];
	_ =	sdelay $0x4  }
0x62: {  	[tilespmem:v16+s13+$0x0] =	vst.idx.msk $0xffff, v40  }
0x63: {  	v40 =	vld [tilespmem:$0x1A490];
	_ =	sdelay $0x4  }
0x64: {  	[tilespmem:v17+s13+$0x0] =	vst.idx.msk $0xffff, v40  }
0x65: {  	v40 =	vld [tilespmem:$0x1A4A0];
	_ =	sdelay $0x4  }
0x66: {  	[tilespmem:v18+s13+$0x0] =	vst.idx.msk $0xffff, v40  }
0x67: {  	v40 =	vld [tilespmem:$0x1A4B0];
	_ =	sdelay $0x4  }
0x68: {  	[tilespmem:v19+s13+$0x0] =	vst.idx.msk $0xffff, v40  }
0x69: {  	v40 =	vld [tilespmem:$0x1A4C0];
	_ =	sdelay $0x4  }
0x6a: {  	[tilespmem:v20+s13+$0x0] =	vst.idx.msk $0xffff, v40  }
0x6b: {  	v40 =	vld [tilespmem:$0x1A4D0];
	_ =	sdelay $0x4  }
0x6c: {  	[tilespmem:v21+s13+$0x0] =	vst.idx.msk $0xffff, v40  }
0x6d: {  	v40 =	vld [tilespmem:$0x1A4E0];
	_ =	sdelay $0x4  }
0x6e: {  	[tilespmem:v22+s13+$0x0] =	vst.idx.msk $0xffff, v40  }
0x6f: {  	v40 =	vld [tilespmem:$0x1A4F0];
	_ =	sdelay $0x4  }
0x70: {  	[tilespmem:v23+s13+$0x0] =	vst.idx.msk $0xffff, v40  }
0x71: {  	v40 =	vld [tilespmem:$0x1A500];
	_ =	sdelay $0x4  }
0x72: {  	[tilespmem:v24+s13+$0x0] =	vst.idx.msk $0xffff, v40  }
0x73: {  	v40 =	vld [tilespmem:$0x1A510];
	_ =	sdelay $0x4  }
0x74: {  	[tilespmem:v25+s13+$0x0] =	vst.idx.msk $0xffff, v40  }
0x75: {  	v40 =	vld [tilespmem:$0x1A520];
	_ =	sdelay $0x4  }
0x76: {  	[tilespmem:v26+s13+$0x0] =	vst.idx.msk $0xffff, v40  }
0x77: {  	v40 =	vld [tilespmem:$0x1A530];
	_ =	sdelay $0x4  }
0x78: {  	[tilespmem:v27+s13+$0x0] =	vst.idx.msk $0xffff, v40  }
0x79: {  	v40 =	vld [tilespmem:$0x1A540];
	_ =	sdelay $0x4  }
0x7a: {  	[tilespmem:v28+s13+$0x0] =	vst.idx.msk $0xffff, v40  }
0x7b: {  	v40 =	vld [tilespmem:$0x1A550];
	_ =	sdelay $0x4  }
0x7c: {  	[tilespmem:v29+s13+$0x0] =	vst.idx.msk $0xffff, v40  }
0x7d: {  	v40 =	vld [tilespmem:$0x1A560];
	_ =	sdelay $0x4  }
0x7e: {  	[tilespmem:v30+s13+$0x0] =	vst.idx.msk $0xffff, v40  }
0x7f: {  	v40 =	vld [tilespmem:$0x1A570];
	_ =	sdelay $0x4  }
0x80: {  	[tilespmem:v31+s13+$0x0] =	vst.idx.msk $0xffff, v40  }
0x81: {  	v40 =	vld [tilespmem:$0x1A580];
	_ =	sdelay $0x4  }
0x82: {  	[tilespmem:v32+s13+$0x0] =	vst.idx.msk $0xffff, v40  }
0x83: {  	v40 =	vld [tilespmem:$0x1A590];
	_ =	sdelay $0x4  }
0x84: {  	[tilespmem:v33+s13+$0x0] =	vst.idx.msk $0xffff, v40  }
0x85: {  	v40 =	vld [tilespmem:$0x1A5A0];
	_ =	sdelay $0x4  }
0x86: {  	[tilespmem:v34+s13+$0x0] =	vst.idx.msk $0xffff, v40  }
0x87: {  	v40 =	vld [tilespmem:$0x1A5B0];
	_ =	sdelay $0x4  }
0x88: {  	[tilespmem:v35+s13+$0x0] =	vst.idx.msk $0xffff, v40  }
0x89: {  	v40 =	vld [tilespmem:$0x1A5C0];
	_ =	sdelay $0x4  }
0x8a: {  	[tilespmem:v36+s13+$0x0] =	vst.idx.msk $0xffff, v40  }
0x8b: {  	v40 =	vld [tilespmem:$0x1A5D0];
	_ =	sdelay $0x4  }
0x8c: {  	[tilespmem:v37+s13+$0x0] =	vst.idx.msk $0xffff, v40  }
0x8d: {  	v40 =	vld [tilespmem:$0x1A5E0];
	_ =	sdelay $0x4  }
0x8e: {  	[tilespmem:v38+s13+$0x0] =	vst.idx.msk $0xffff, v40  }
0x8f: {  	v40 =	vld [tilespmem:$0x1A5F0];
	_ =	sdelay $0x4  }
0x90: {  	s6 =	simm.s32 @!p0 $0xA;
	s8 =	rddreg [dreg:$0xa];
	[tilespmem:v39+s13+$0x0] =	vst.idx.msk $0xffff, v40  }
0x91: {  	[hbm4b:s2+s12] =	stream.indirect.scatter [tilespmem:s13], [sflag:$0x6], $0x80, s8, s12, $0xb8;
	[tilespmem:$0x1B280] =	vst v63  }
0x92: {  	_ =	swait.ge @!p0 [sflag:s6], $0x4000  }
0x93: {  	[sflag:s6] =	ssyncset.done @!p0 $0x0  }
0x94: {  	s19 =	sadd.s32 $0xFFFFFE80, s14;
	s9 =	rddreg [dreg:$0x7];
	[sflag:s6] =	ssyncadd.s32 @!p0 $0xFFFFC000  }
0x95: {  	[tilespmem:s22], [sflag:$0x5] =	stream.indirect.gather [hbm4b:s4+s12], $0x80, s19, s12, $0xb8;
	[tilespmem:$0x1B280] =	vst v63  }
0x96: {  	s8 =	rddreg [dreg:$0xb];
	s9 =	sadd.s32 s17, s9  }
0x97: {  	[tilespmem:s8], [sflag:$0x5] =	stream.linear.gather [hbm4b:s9+s3], $0x200, $0x38;
	[tilespmem:$0x1B280] =	vst v63  }
0x98: {  	v56 =	vld [tilespmem:$0x1B200]  }
0x99: {  	v57 =	vld [tilespmem:$0x1B210]  }
0x9a: {  	v58 =	vld [tilespmem:$0x1B220]  }
0x9b: {  	v59 =	vld [tilespmem:$0x1B230]  }
0x9c: {  	s19 =	sadd.s32 $0xFFFFFFFF, s10;
	v60 =	vld [tilespmem:$0x1B240]  }
0x9d: {  	v61 =	vld [tilespmem:$0x1B250];
	v40 =	vadd.s32 s19, v56  }
0x9e: {  	v63 =	vld [tilespmem:$0x1B260];
	v62 =	vadd.s32 s19, v57;
	[tilespmem:$0x1AE80] =	vst v40  }
0x9f: {  	v47 =	vld [tilespmem:$0x1B270];
	v46 =	vadd.s32 s19, v58;
	[tilespmem:$0x1AE90] =	vst v62  }
0xa0: {  	v48 =	vadd.s32 s19, v59;
	[tilespmem:$0x1AEA0] =	vst v46  }
0xa1: {  	v49 =	vadd.s32 s19, v60;
	[tilespmem:$0x1AEB0] =	vst v48  }
0xa2: {  	v50 =	vadd.s32 s19, v61;
	[tilespmem:$0x1AEC0] =	vst v49  }
0xa3: {  	v51 =	vadd.s32 s19, v63;
	[tilespmem:$0x1AED0] =	vst v50  }
0xa4: {  	v52 =	vadd.s32 s19, v47;
	[tilespmem:$0x1AEE0] =	vst v51  }
0xa5: {  	[tilespmem:$0x1AEF0] =	vst v52  }
0xa6: {  	_ =	swait.ge [sflag:s23], $0x4000  }
0xa7: {  	[sflag:s23] =	ssyncset.done $0x0  }
0xa8: {  	[sflag:s23] =	ssyncadd.s32 $0xFFFFC000  }
0xa9: {  	_ =	swait.ge [sflag:s23], $0x200  }
0xaa: {  	[sflag:s23] =	ssyncset.done $0x0  }
0xab: {  	[sflag:s23] =	ssyncadd.s32 $0xFFFFFE00  }
0xac: {  	v53 =	vld [tilespmem:$0x1A600];
	_ =	sdelay $0x4  }
0xad: {  	[tilespmem:v8+s15+$0x0] =	vst.idx.msk $0xffff, v53  }
0xae: {  	v40 =	vld [tilespmem:$0x1A610];
	_ =	sdelay $0x4  }
0xaf: {  	[tilespmem:v9+s15+$0x0] =	vst.idx.msk $0xffff, v40  }
0xb0: {  	v40 =	vld [tilespmem:$0x1A620];
	_ =	sdelay $0x4  }
0xb1: {  	[tilespmem:v10+s15+$0x0] =	vst.idx.msk $0xffff, v40  }
0xb2: {  	v40 =	vld [tilespmem:$0x1A630];
	_ =	sdelay $0x4  }
0xb3: {  	[tilespmem:v11+s15+$0x0] =	vst.idx.msk $0xffff, v40  }
0xb4: {  	v40 =	vld [tilespmem:$0x1A640];
	_ =	sdelay $0x4  }
0xb5: {  	[tilespmem:v12+s15+$0x0] =	vst.idx.msk $0xffff, v40  }
0xb6: {  	v40 =	vld [tilespmem:$0x1A650];
	_ =	sdelay $0x4  }
0xb7: {  	[tilespmem:v13+s15+$0x0] =	vst.idx.msk $0xffff, v40  }
0xb8: {  	v40 =	vld [tilespmem:$0x1A660];
	_ =	sdelay $0x4  }
0xb9: {  	[tilespmem:v14+s15+$0x0] =	vst.idx.msk $0xffff, v40  }
0xba: {  	v40 =	vld [tilespmem:$0x1A670];
	_ =	sdelay $0x4  }
0xbb: {  	[tilespmem:v15+s15+$0x0] =	vst.idx.msk $0xffff, v40  }
0xbc: {  	v40 =	vld [tilespmem:$0x1A680];
	_ =	sdelay $0x4  }
0xbd: {  	[tilespmem:v16+s15+$0x0] =	vst.idx.msk $0xffff, v40  }
0xbe: {  	v40 =	vld [tilespmem:$0x1A690];
	_ =	sdelay $0x4  }
0xbf: {  	[tilespmem:v17+s15+$0x0] =	vst.idx.msk $0xffff, v40  }
0xc0: {  	v40 =	vld [tilespmem:$0x1A6A0];
	_ =	sdelay $0x4  }
0xc1: {  	[tilespmem:v18+s15+$0x0] =	vst.idx.msk $0xffff, v40  }
0xc2: {  	v40 =	vld [tilespmem:$0x1A6B0];
	_ =	sdelay $0x4  }
0xc3: {  	[tilespmem:v19+s15+$0x0] =	vst.idx.msk $0xffff, v40  }
0xc4: {  	v40 =	vld [tilespmem:$0x1A6C0];
	_ =	sdelay $0x4  }
0xc5: {  	[tilespmem:v20+s15+$0x0] =	vst.idx.msk $0xffff, v40  }
0xc6: {  	v40 =	vld [tilespmem:$0x1A6D0];
	_ =	sdelay $0x4  }
0xc7: {  	[tilespmem:v21+s15+$0x0] =	vst.idx.msk $0xffff, v40  }
0xc8: {  	v40 =	vld [tilespmem:$0x1A6E0];
	_ =	sdelay $0x4  }
0xc9: {  	[tilespmem:v22+s15+$0x0] =	vst.idx.msk $0xffff, v40  }
0xca: {  	v40 =	vld [tilespmem:$0x1A6F0];
	_ =	sdelay $0x4  }
0xcb: {  	[tilespmem:v23+s15+$0x0] =	vst.idx.msk $0xffff, v40  }
0xcc: {  	v40 =	vld [tilespmem:$0x1A700];
	_ =	sdelay $0x4  }
0xcd: {  	[tilespmem:v24+s15+$0x0] =	vst.idx.msk $0xffff, v40  }
0xce: {  	v40 =	vld [tilespmem:$0x1A710];
	_ =	sdelay $0x4  }
0xcf: {  	[tilespmem:v25+s15+$0x0] =	vst.idx.msk $0xffff, v40  }
0xd0: {  	v40 =	vld [tilespmem:$0x1A720];
	_ =	sdelay $0x4  }
0xd1: {  	[tilespmem:v26+s15+$0x0] =	vst.idx.msk $0xffff, v40  }
0xd2: {  	v40 =	vld [tilespmem:$0x1A730];
	_ =	sdelay $0x4  }
0xd3: {  	[tilespmem:v27+s15+$0x0] =	vst.idx.msk $0xffff, v40  }
0xd4: {  	v40 =	vld [tilespmem:$0x1A740];
	_ =	sdelay $0x4  }
0xd5: {  	[tilespmem:v28+s15+$0x0] =	vst.idx.msk $0xffff, v40  }
0xd6: {  	v40 =	vld [tilespmem:$0x1A750];
	_ =	sdelay $0x4  }
0xd7: {  	[tilespmem:v29+s15+$0x0] =	vst.idx.msk $0xffff, v40  }
0xd8: {  	v40 =	vld [tilespmem:$0x1A760];
	_ =	sdelay $0x4  }
0xd9: {  	[tilespmem:v30+s15+$0x0] =	vst.idx.msk $0xffff, v40  }
0xda: {  	v40 =	vld [tilespmem:$0x1A770];
	_ =	sdelay $0x4  }
0xdb: {  	[tilespmem:v31+s15+$0x0] =	vst.idx.msk $0xffff, v40  }
0xdc: {  	v40 =	vld [tilespmem:$0x1A780];
	_ =	sdelay $0x4  }
0xdd: {  	[tilespmem:v32+s15+$0x0] =	vst.idx.msk $0xffff, v40  }
0xde: {  	v40 =	vld [tilespmem:$0x1A790];
	_ =	sdelay $0x4  }
0xdf: {  	[tilespmem:v33+s15+$0x0] =	vst.idx.msk $0xffff, v40  }
0xe0: {  	v40 =	vld [tilespmem:$0x1A7A0];
	_ =	sdelay $0x4  }
0xe1: {  	[tilespmem:v34+s15+$0x0] =	vst.idx.msk $0xffff, v40  }
0xe2: {  	v40 =	vld [tilespmem:$0x1A7B0];
	_ =	sdelay $0x4  }
0xe3: {  	[tilespmem:v35+s15+$0x0] =	vst.idx.msk $0xffff, v40  }
0xe4: {  	v40 =	vld [tilespmem:$0x1A7C0];
	_ =	sdelay $0x4  }
0xe5: {  	[tilespmem:v36+s15+$0x0] =	vst.idx.msk $0xffff, v40  }
0xe6: {  	v40 =	vld [tilespmem:$0x1A7D0];
	_ =	sdelay $0x4  }
0xe7: {  	[tilespmem:v37+s15+$0x0] =	vst.idx.msk $0xffff, v40  }
0xe8: {  	v40 =	vld [tilespmem:$0x1A7E0];
	_ =	sdelay $0x4  }
0xe9: {  	[tilespmem:v38+s15+$0x0] =	vst.idx.msk $0xffff, v40  }
0xea: {  	v40 =	vld [tilespmem:$0x1A7F0];
	_ =	sdelay $0x3  }
0xeb: {  	p0 =	seq.s32 s17, $0x61800  }
0xec: {  	s6 =	simm.s32 @!p0 $0x6;
	s7 =	rddreg [dreg:$0xc];
	[tilespmem:v39+s15+$0x0] =	vst.idx.msk $0xffff, v40  }
0xed: {  	[hbm4b:s2+s12] =	stream.indirect.scatter [tilespmem:s15], [sflag:$0x7], $0x80, s7, s12, $0xb8;
	[tilespmem:$0x1B280] =	vst v63  }
0xee: {  	_ =	swait.ge @!p0 [sflag:s6], $0x4000  }
0xef: {  	s8 =	simm.s32 @!p0 $0x6400;
	s19 =	simm.s32 @!p0 $0x80;
	[sflag:s6] =	ssyncset.done @!p0 $0x0  }
0xf0: {  	s7 =	sadd.s32 @!p0 $0xFFFFFF00, s14;
	[sflag:s6] =	ssyncadd.s32 @!p0 $0xFFFFC000;
	s6 =	rddreg [dreg:$0x6]  }
0xf1: {  	[tilespmem:s8], [sflag:$0x1] =	stream.indirect.gather @!p0 [hbm4b:s4+s19], $0x80, s7, s19, $0xb8;
	[tilespmem:$0x1B280] =	vst v63  }
0xf2: {  	s7 =	sadd.s32 @!p0 s17, s6;
	s6 =	simm.s32 @!p0 $0x0;
	s8 =	simm.s32 @!p0 $0x1A400  }
0xf3: {  	[tilespmem:s8], [sflag:$0x1] =	stream.linear.gather @!p0 [hbm4b:s7+s6], $0x200, $0x38;
	[tilespmem:$0x1B280] =	vst v63  }
0xf4: {  	v54 =	vld [tilespmem:$0x1B200]  }
0xf5: {  	v55 =	vld [tilespmem:$0x1B210]  }
0xf6: {  	v56 =	vld [tilespmem:$0x1B220]  }
0xf7: {  	v57 =	vld [tilespmem:$0x1B230]  }
0xf8: {  	v58 =	vld [tilespmem:$0x1B240]  }
0xf9: {  	v59 =	vld [tilespmem:$0x1B250];
	v40 =	vadd.s32 s10, v54  }
0xfa: {  	v61 =	vld [tilespmem:$0x1B260];
	v60 =	vadd.s32 s10, v55;
	[tilespmem:$0x1AF00] =	vst v40  }
0xfb: {  	v63 =	vld [tilespmem:$0x1B270];
	v62 =	vadd.s32 s10, v56;
	[tilespmem:$0x1AF10] =	vst v60  }
0xfc: {  	v46 =	vadd.s32 s10, v57;
	[tilespmem:$0x1AF20] =	vst v62  }
0xfd: {  	v47 =	vadd.s32 s10, v58;
	[tilespmem:$0x1AF30] =	vst v46  }
0xfe: {  	v48 =	vadd.s32 s10, v59;
	[tilespmem:$0x1AF40] =	vst v47  }
0xff: {  	v49 =	vadd.s32 s10, v61;
	[tilespmem:$0x1AF50] =	vst v48  }
0x100: {  	v50 =	vadd.s32 s10, v63;
	[tilespmem:$0x1AF60] =	vst v49  }
0x101: {  	[tilespmem:$0x1AF70] =	vst v50  }
0x102: {  	_ =	swait.ge [sflag:s24], $0x4000  }
0x103: {  	[sflag:s24] =	ssyncset.done $0x0  }
0x104: {  	[sflag:s24] =	ssyncadd.s32 $0xFFFFC000  }
0x105: {  	_ =	swait.ge [sflag:s24], $0x200  }
0x106: {  	[sflag:s24] =	ssyncset.done $0x0  }
0x107: {  	[sflag:s24] =	ssyncadd.s32 $0xFFFFFE00  }
0x108: {  	v51 =	vld [tilespmem:$0x1A800];
	_ =	sdelay $0x4  }
0x109: {  	[tilespmem:v8+s18+$0x0] =	vst.idx.msk $0xffff, v51  }
0x10a: {  	v40 =	vld [tilespmem:$0x1A810];
	_ =	sdelay $0x4  }
0x10b: {  	[tilespmem:v9+s18+$0x0] =	vst.idx.msk $0xffff, v40  }
0x10c: {  	v40 =	vld [tilespmem:$0x1A820];
	_ =	sdelay $0x4  }
0x10d: {  	[tilespmem:v10+s18+$0x0] =	vst.idx.msk $0xffff, v40  }
0x10e: {  	v40 =	vld [tilespmem:$0x1A830];
	_ =	sdelay $0x4  }
0x10f: {  	[tilespmem:v11+s18+$0x0] =	vst.idx.msk $0xffff, v40  }
0x110: {  	v40 =	vld [tilespmem:$0x1A840];
	_ =	sdelay $0x4  }
0x111: {  	[tilespmem:v12+s18+$0x0] =	vst.idx.msk $0xffff, v40  }
0x112: {  	v40 =	vld [tilespmem:$0x1A850];
	_ =	sdelay $0x4  }
0x113: {  	[tilespmem:v13+s18+$0x0] =	vst.idx.msk $0xffff, v40  }
0x114: {  	v40 =	vld [tilespmem:$0x1A860];
	_ =	sdelay $0x4  }
0x115: {  	[tilespmem:v14+s18+$0x0] =	vst.idx.msk $0xffff, v40  }
0x116: {  	v40 =	vld [tilespmem:$0x1A870];
	_ =	sdelay $0x4  }
0x117: {  	[tilespmem:v15+s18+$0x0] =	vst.idx.msk $0xffff, v40  }
0x118: {  	v40 =	vld [tilespmem:$0x1A880];
	_ =	sdelay $0x4  }
0x119: {  	[tilespmem:v16+s18+$0x0] =	vst.idx.msk $0xffff, v40  }
0x11a: {  	v40 =	vld [tilespmem:$0x1A890];
	_ =	sdelay $0x4  }
0x11b: {  	[tilespmem:v17+s18+$0x0] =	vst.idx.msk $0xffff, v40  }
0x11c: {  	v40 =	vld [tilespmem:$0x1A8A0];
	_ =	sdelay $0x4  }
0x11d: {  	[tilespmem:v18+s18+$0x0] =	vst.idx.msk $0xffff, v40  }
0x11e: {  	v40 =	vld [tilespmem:$0x1A8B0];
	_ =	sdelay $0x4  }
0x11f: {  	[tilespmem:v19+s18+$0x0] =	vst.idx.msk $0xffff, v40  }
0x120: {  	v40 =	vld [tilespmem:$0x1A8C0];
	_ =	sdelay $0x4  }
0x121: {  	[tilespmem:v20+s18+$0x0] =	vst.idx.msk $0xffff, v40  }
0x122: {  	v40 =	vld [tilespmem:$0x1A8D0];
	_ =	sdelay $0x4  }
0x123: {  	[tilespmem:v21+s18+$0x0] =	vst.idx.msk $0xffff, v40  }
0x124: {  	v40 =	vld [tilespmem:$0x1A8E0];
	_ =	sdelay $0x4  }
0x125: {  	[tilespmem:v22+s18+$0x0] =	vst.idx.msk $0xffff, v40  }
0x126: {  	v40 =	vld [tilespmem:$0x1A8F0];
	_ =	sdelay $0x4  }
0x127: {  	[tilespmem:v23+s18+$0x0] =	vst.idx.msk $0xffff, v40  }
0x128: {  	v40 =	vld [tilespmem:$0x1A900];
	_ =	sdelay $0x4  }
0x129: {  	[tilespmem:v24+s18+$0x0] =	vst.idx.msk $0xffff, v40  }
0x12a: {  	v40 =	vld [tilespmem:$0x1A910];
	_ =	sdelay $0x4  }
0x12b: {  	[tilespmem:v25+s18+$0x0] =	vst.idx.msk $0xffff, v40  }
0x12c: {  	v40 =	vld [tilespmem:$0x1A920];
	_ =	sdelay $0x4  }
0x12d: {  	[tilespmem:v26+s18+$0x0] =	vst.idx.msk $0xffff, v40  }
0x12e: {  	v40 =	vld [tilespmem:$0x1A930];
	_ =	sdelay $0x4  }
0x12f: {  	[tilespmem:v27+s18+$0x0] =	vst.idx.msk $0xffff, v40  }
0x130: {  	v40 =	vld [tilespmem:$0x1A940];
	_ =	sdelay $0x4  }
0x131: {  	[tilespmem:v28+s18+$0x0] =	vst.idx.msk $0xffff, v40  }
0x132: {  	v40 =	vld [tilespmem:$0x1A950];
	_ =	sdelay $0x4  }
0x133: {  	[tilespmem:v29+s18+$0x0] =	vst.idx.msk $0xffff, v40  }
0x134: {  	v40 =	vld [tilespmem:$0x1A960];
	_ =	sdelay $0x4  }
0x135: {  	[tilespmem:v30+s18+$0x0] =	vst.idx.msk $0xffff, v40  }
0x136: {  	v40 =	vld [tilespmem:$0x1A970];
	_ =	sdelay $0x4  }
0x137: {  	[tilespmem:v31+s18+$0x0] =	vst.idx.msk $0xffff, v40  }
0x138: {  	v40 =	vld [tilespmem:$0x1A980];
	_ =	sdelay $0x4  }
0x139: {  	[tilespmem:v32+s18+$0x0] =	vst.idx.msk $0xffff, v40  }
0x13a: {  	v40 =	vld [tilespmem:$0x1A990];
	_ =	sdelay $0x4  }
0x13b: {  	[tilespmem:v33+s18+$0x0] =	vst.idx.msk $0xffff, v40  }
0x13c: {  	v40 =	vld [tilespmem:$0x1A9A0];
	_ =	sdelay $0x4  }
0x13d: {  	[tilespmem:v34+s18+$0x0] =	vst.idx.msk $0xffff, v40  }
0x13e: {  	v40 =	vld [tilespmem:$0x1A9B0];
	_ =	sdelay $0x4  }
0x13f: {  	[tilespmem:v35+s18+$0x0] =	vst.idx.msk $0xffff, v40  }
0x140: {  	v40 =	vld [tilespmem:$0x1A9C0];
	_ =	sdelay $0x4  }
0x141: {  	[tilespmem:v36+s18+$0x0] =	vst.idx.msk $0xffff, v40  }
0x142: {  	v40 =	vld [tilespmem:$0x1A9D0];
	_ =	sdelay $0x4  }
0x143: {  	[tilespmem:v37+s18+$0x0] =	vst.idx.msk $0xffff, v40  }
0x144: {  	v40 =	vld [tilespmem:$0x1A9E0];
	_ =	sdelay $0x4  }
0x145: {  	[tilespmem:v38+s18+$0x0] =	vst.idx.msk $0xffff, v40  }
0x146: {  	v40 =	vld [tilespmem:$0x1A9F0];
	_ =	sdelay $0x4  }
0x147: {  	s7 =	simm.s32 @!p0 $0x7;
	s8 =	rddreg [dreg:$0xd];
	[tilespmem:v39+s18+$0x0] =	vst.idx.msk $0xffff, v40  }
0x148: {  	[hbm4b:s2+s12] =	stream.indirect.scatter [tilespmem:s18], [sflag:$0x8], $0x80, s8, s12, $0xb8;
	[tilespmem:$0x1B280] =	vst v63  }
0x149: {  	_ =	swait.ge @!p0 [sflag:s7], $0x4000  }
0x14a: {  	s9 =	simm.s32 @!p0 $0xA400;
	[sflag:s7] =	ssyncset.done @!p0 $0x0  }
0x14b: {  	s8 =	rddreg [dreg:$0x5];
	[sflag:s7] =	ssyncadd.s32 @!p0 $0xFFFFC000;
	s7 =	sadd.s32 @!p0 $0xFFFFFF80, s14  }
0x14c: {  	[tilespmem:s9], [sflag:$0x2] =	stream.indirect.gather @!p0 [hbm4b:s4+s19], $0x80, s7, s19, $0xb8;
	[tilespmem:$0x1B280] =	vst v63  }
0x14d: {  	s7 =	sadd.s32 @!p0 s17, s8;
	s8 =	simm.s32 @!p0 $0x1A600  }
0x14e: {  	[tilespmem:s8], [sflag:$0x2] =	stream.linear.gather @!p0 [hbm4b:s7+s6], $0x200, $0x38;
	[tilespmem:$0x1B280] =	vst v63  }
0x14f: {  	v52 =	vld [tilespmem:$0x1B200]  }
0x150: {  	v53 =	vld [tilespmem:$0x1B210]  }
0x151: {  	v54 =	vld [tilespmem:$0x1B220]  }
0x152: {  	v55 =	vld [tilespmem:$0x1B230]  }
0x153: {  	s9 =	sadd.s32 $0x1, s10;
	v56 =	vld [tilespmem:$0x1B240]  }
0x154: {  	v57 =	vld [tilespmem:$0x1B250];
	v40 =	vadd.s32 s9, v52  }
0x155: {  	v59 =	vld [tilespmem:$0x1B260];
	v58 =	vadd.s32 s9, v53;
	[tilespmem:$0x1AF80] =	vst v40  }
0x156: {  	v61 =	vld [tilespmem:$0x1B270];
	v60 =	vadd.s32 s9, v54;
	[tilespmem:$0x1AF90] =	vst v58  }
0x157: {  	v62 =	vadd.s32 s9, v55;
	[tilespmem:$0x1AFA0] =	vst v60  }
0x158: {  	v63 =	vadd.s32 s9, v56;
	[tilespmem:$0x1AFB0] =	vst v62  }
0x159: {  	v44 =	vadd.s32 s9, v57;
	[tilespmem:$0x1AFC0] =	vst v63  }
0x15a: {  	v45 =	vadd.s32 s9, v59;
	[tilespmem:$0x1AFD0] =	vst v44  }
0x15b: {  	v46 =	vadd.s32 s9, v61;
	[tilespmem:$0x1AFE0] =	vst v45  }
0x15c: {  	[tilespmem:$0x1AFF0] =	vst v46  }
0x15d: {  	_ =	swait.ge [sflag:s25], $0x4000  }
0x15e: {  	[sflag:s25] =	ssyncset.done $0x0  }
0x15f: {  	[sflag:s25] =	ssyncadd.s32 $0xFFFFC000  }
0x160: {  	_ =	swait.ge [sflag:s25], $0x200  }
0x161: {  	[sflag:s25] =	ssyncset.done $0x0  }
0x162: {  	[sflag:s25] =	ssyncadd.s32 $0xFFFFFE00  }
0x163: {  	v47 =	vld [tilespmem:$0x1AA00];
	_ =	sdelay $0x4  }
0x164: {  	[tilespmem:v8+s20+$0x0] =	vst.idx.msk $0xffff, v47  }
0x165: {  	v40 =	vld [tilespmem:$0x1AA10];
	_ =	sdelay $0x4  }
0x166: {  	[tilespmem:v9+s20+$0x0] =	vst.idx.msk $0xffff, v40  }
0x167: {  	v40 =	vld [tilespmem:$0x1AA20];
	_ =	sdelay $0x4  }
0x168: {  	[tilespmem:v10+s20+$0x0] =	vst.idx.msk $0xffff, v40  }
0x169: {  	v40 =	vld [tilespmem:$0x1AA30];
	_ =	sdelay $0x4  }
0x16a: {  	[tilespmem:v11+s20+$0x0] =	vst.idx.msk $0xffff, v40  }
0x16b: {  	v40 =	vld [tilespmem:$0x1AA40];
	_ =	sdelay $0x4  }
0x16c: {  	[tilespmem:v12+s20+$0x0] =	vst.idx.msk $0xffff, v40  }
0x16d: {  	v40 =	vld [tilespmem:$0x1AA50];
	_ =	sdelay $0x4  }
0x16e: {  	[tilespmem:v13+s20+$0x0] =	vst.idx.msk $0xffff, v40  }
0x16f: {  	v40 =	vld [tilespmem:$0x1AA60];
	_ =	sdelay $0x4  }
0x170: {  	[tilespmem:v14+s20+$0x0] =	vst.idx.msk $0xffff, v40  }
0x171: {  	v40 =	vld [tilespmem:$0x1AA70];
	_ =	sdelay $0x4  }
0x172: {  	[tilespmem:v15+s20+$0x0] =	vst.idx.msk $0xffff, v40  }
0x173: {  	v40 =	vld [tilespmem:$0x1AA80];
	_ =	sdelay $0x4  }
0x174: {  	[tilespmem:v16+s20+$0x0] =	vst.idx.msk $0xffff, v40  }
0x175: {  	v40 =	vld [tilespmem:$0x1AA90];
	_ =	sdelay $0x4  }
0x176: {  	[tilespmem:v17+s20+$0x0] =	vst.idx.msk $0xffff, v40  }
0x177: {  	v40 =	vld [tilespmem:$0x1AAA0];
	_ =	sdelay $0x4  }
0x178: {  	[tilespmem:v18+s20+$0x0] =	vst.idx.msk $0xffff, v40  }
0x179: {  	v40 =	vld [tilespmem:$0x1AAB0];
	_ =	sdelay $0x4  }
0x17a: {  	[tilespmem:v19+s20+$0x0] =	vst.idx.msk $0xffff, v40  }
0x17b: {  	v40 =	vld [tilespmem:$0x1AAC0];
	_ =	sdelay $0x4  }
0x17c: {  	[tilespmem:v20+s20+$0x0] =	vst.idx.msk $0xffff, v40  }
0x17d: {  	v40 =	vld [tilespmem:$0x1AAD0];
	_ =	sdelay $0x4  }
0x17e: {  	[tilespmem:v21+s20+$0x0] =	vst.idx.msk $0xffff, v40  }
0x17f: {  	v40 =	vld [tilespmem:$0x1AAE0];
	_ =	sdelay $0x4  }
0x180: {  	[tilespmem:v22+s20+$0x0] =	vst.idx.msk $0xffff, v40  }
0x181: {  	v40 =	vld [tilespmem:$0x1AAF0];
	_ =	sdelay $0x4  }
0x182: {  	[tilespmem:v23+s20+$0x0] =	vst.idx.msk $0xffff, v40  }
0x183: {  	v40 =	vld [tilespmem:$0x1AB00];
	_ =	sdelay $0x4  }
0x184: {  	[tilespmem:v24+s20+$0x0] =	vst.idx.msk $0xffff, v40  }
0x185: {  	v40 =	vld [tilespmem:$0x1AB10];
	_ =	sdelay $0x4  }
0x186: {  	[tilespmem:v25+s20+$0x0] =	vst.idx.msk $0xffff, v40  }
0x187: {  	v40 =	vld [tilespmem:$0x1AB20];
	_ =	sdelay $0x4  }
0x188: {  	[tilespmem:v26+s20+$0x0] =	vst.idx.msk $0xffff, v40  }
0x189: {  	v40 =	vld [tilespmem:$0x1AB30];
	_ =	sdelay $0x4  }
0x18a: {  	[tilespmem:v27+s20+$0x0] =	vst.idx.msk $0xffff, v40  }
0x18b: {  	v40 =	vld [tilespmem:$0x1AB40];
	_ =	sdelay $0x4  }
0x18c: {  	[tilespmem:v28+s20+$0x0] =	vst.idx.msk $0xffff, v40  }
0x18d: {  	v40 =	vld [tilespmem:$0x1AB50];
	_ =	sdelay $0x4  }
0x18e: {  	[tilespmem:v29+s20+$0x0] =	vst.idx.msk $0xffff, v40  }
0x18f: {  	v40 =	vld [tilespmem:$0x1AB60];
	_ =	sdelay $0x4  }
0x190: {  	[tilespmem:v30+s20+$0x0] =	vst.idx.msk $0xffff, v40  }
0x191: {  	v40 =	vld [tilespmem:$0x1AB70];
	_ =	sdelay $0x4  }
0x192: {  	[tilespmem:v31+s20+$0x0] =	vst.idx.msk $0xffff, v40  }
0x193: {  	v40 =	vld [tilespmem:$0x1AB80];
	_ =	sdelay $0x4  }
0x194: {  	[tilespmem:v32+s20+$0x0] =	vst.idx.msk $0xffff, v40  }
0x195: {  	v40 =	vld [tilespmem:$0x1AB90];
	_ =	sdelay $0x4  }
0x196: {  	[tilespmem:v33+s20+$0x0] =	vst.idx.msk $0xffff, v40  }
0x197: {  	v40 =	vld [tilespmem:$0x1ABA0];
	_ =	sdelay $0x4  }
0x198: {  	[tilespmem:v34+s20+$0x0] =	vst.idx.msk $0xffff, v40  }
0x199: {  	v40 =	vld [tilespmem:$0x1ABB0];
	_ =	sdelay $0x4  }
0x19a: {  	[tilespmem:v35+s20+$0x0] =	vst.idx.msk $0xffff, v40  }
0x19b: {  	v40 =	vld [tilespmem:$0x1ABC0];
	_ =	sdelay $0x4  }
0x19c: {  	[tilespmem:v36+s20+$0x0] =	vst.idx.msk $0xffff, v40  }
0x19d: {  	v40 =	vld [tilespmem:$0x1ABD0];
	_ =	sdelay $0x4  }
0x19e: {  	[tilespmem:v37+s20+$0x0] =	vst.idx.msk $0xffff, v40  }
0x19f: {  	v40 =	vld [tilespmem:$0x1ABE0];
	_ =	sdelay $0x4  }
0x1a0: {  	[tilespmem:v38+s20+$0x0] =	vst.idx.msk $0xffff, v40  }
0x1a1: {  	v40 =	vld [tilespmem:$0x1ABF0];
	_ =	sdelay $0x4  }
0x1a2: {  	s7 =	simm.s32 @!p0 $0x8;
	s8 =	rddreg [dreg:$0xe];
	[tilespmem:v39+s20+$0x0] =	vst.idx.msk $0xffff, v40  }
0x1a3: {  	[hbm4b:s2+s12] =	stream.indirect.scatter [tilespmem:s20], [sflag:$0x9], $0x80, s8, s12, $0xb8;
	[tilespmem:$0x1B280] =	vst v63  }
0x1a4: {  	_ =	swait.ge @!p0 [sflag:s7], $0x4000  }
0x1a5: {  	[sflag:s7] =	ssyncset.done @!p0 $0x0  }
0x1a6: {  	s8 =	rddreg [dreg:$0x4];
	[sflag:s7] =	ssyncadd.s32 @!p0 $0xFFFFC000;
	s7 =	simm.s32 @!p0 $0xE400  }
0x1a7: {  	[tilespmem:s7], [sflag:$0x3] =	stream.indirect.gather @!p0 [hbm4b:s4+s19], $0x80, s14, s19, $0xb8;
	[tilespmem:$0x1B280] =	vst v63  }
0x1a8: {  	s7 =	sadd.s32 @!p0 s17, s8;
	s8 =	simm.s32 @!p0 $0x1A800  }
0x1a9: {  	[tilespmem:s8], [sflag:$0x3] =	stream.linear.gather @!p0 [hbm4b:s7+s6], $0x200, $0x38;
	[tilespmem:$0x1B280] =	vst v63  }
0x1aa: {  	v48 =	vld [tilespmem:$0x1B200]  }
0x1ab: {  	v49 =	vld [tilespmem:$0x1B210]  }
0x1ac: {  	v50 =	vld [tilespmem:$0x1B220]  }
0x1ad: {  	v51 =	vld [tilespmem:$0x1B230]  }
0x1ae: {  	s9 =	sadd.s32 $0x2, s10;
	v52 =	vld [tilespmem:$0x1B240]  }
0x1af: {  	v53 =	vld [tilespmem:$0x1B250];
	v40 =	vadd.s32 s9, v48  }
0x1b0: {  	v55 =	vld [tilespmem:$0x1B260];
	v54 =	vadd.s32 s9, v49;
	[tilespmem:$0x1B000] =	vst v40  }
0x1b1: {  	v57 =	vld [tilespmem:$0x1B270];
	v56 =	vadd.s32 s9, v50;
	[tilespmem:$0x1B010] =	vst v54  }
0x1b2: {  	v58 =	vadd.s32 s9, v51;
	[tilespmem:$0x1B020] =	vst v56  }
0x1b3: {  	v59 =	vadd.s32 s9, v52;
	[tilespmem:$0x1B030] =	vst v58  }
0x1b4: {  	v60 =	vadd.s32 s9, v53;
	[tilespmem:$0x1B040] =	vst v59  }
0x1b5: {  	v61 =	vadd.s32 s9, v55;
	[tilespmem:$0x1B050] =	vst v60  }
0x1b6: {  	v62 =	vadd.s32 s9, v57;
	[tilespmem:$0x1B060] =	vst v61  }
0x1b7: {  	[tilespmem:$0x1B070] =	vst v62  }
0x1b8: {  	_ =	swait.ge [sflag:s26], $0x4000  }
0x1b9: {  	[sflag:s26] =	ssyncset.done $0x0  }
0x1ba: {  	[sflag:s26] =	ssyncadd.s32 $0xFFFFC000  }
0x1bb: {  	_ =	swait.ge [sflag:s26], $0x200  }
0x1bc: {  	[sflag:s26] =	ssyncset.done $0x0  }
0x1bd: {  	[sflag:s26] =	ssyncadd.s32 $0xFFFFFE00  }
0x1be: {  	v63 =	vld [tilespmem:$0x1AC00];
	_ =	sdelay $0x4  }
0x1bf: {  	[tilespmem:v8+s22+$0x0] =	vst.idx.msk $0xffff, v63  }
0x1c0: {  	v40 =	vld [tilespmem:$0x1AC10];
	_ =	sdelay $0x4  }
0x1c1: {  	[tilespmem:v9+s22+$0x0] =	vst.idx.msk $0xffff, v40  }
0x1c2: {  	v40 =	vld [tilespmem:$0x1AC20];
	_ =	sdelay $0x4  }
0x1c3: {  	[tilespmem:v10+s22+$0x0] =	vst.idx.msk $0xffff, v40  }
0x1c4: {  	v40 =	vld [tilespmem:$0x1AC30];
	_ =	sdelay $0x4  }
0x1c5: {  	[tilespmem:v11+s22+$0x0] =	vst.idx.msk $0xffff, v40  }
0x1c6: {  	v40 =	vld [tilespmem:$0x1AC40];
	_ =	sdelay $0x4  }
0x1c7: {  	[tilespmem:v12+s22+$0x0] =	vst.idx.msk $0xffff, v40  }
0x1c8: {  	v40 =	vld [tilespmem:$0x1AC50];
	_ =	sdelay $0x4  }
0x1c9: {  	[tilespmem:v13+s22+$0x0] =	vst.idx.msk $0xffff, v40  }
0x1ca: {  	v40 =	vld [tilespmem:$0x1AC60];
	_ =	sdelay $0x4  }
0x1cb: {  	[tilespmem:v14+s22+$0x0] =	vst.idx.msk $0xffff, v40  }
0x1cc: {  	v40 =	vld [tilespmem:$0x1AC70];
	_ =	sdelay $0x4  }
0x1cd: {  	[tilespmem:v15+s22+$0x0] =	vst.idx.msk $0xffff, v40  }
0x1ce: {  	v40 =	vld [tilespmem:$0x1AC80];
	_ =	sdelay $0x4  }
0x1cf: {  	[tilespmem:v16+s22+$0x0] =	vst.idx.msk $0xffff, v40  }
0x1d0: {  	v40 =	vld [tilespmem:$0x1AC90];
	_ =	sdelay $0x4  }
0x1d1: {  	[tilespmem:v17+s22+$0x0] =	vst.idx.msk $0xffff, v40  }
0x1d2: {  	v40 =	vld [tilespmem:$0x1ACA0];
	_ =	sdelay $0x4  }
0x1d3: {  	[tilespmem:v18+s22+$0x0] =	vst.idx.msk $0xffff, v40  }
0x1d4: {  	v40 =	vld [tilespmem:$0x1ACB0];
	_ =	sdelay $0x4  }
0x1d5: {  	[tilespmem:v19+s22+$0x0] =	vst.idx.msk $0xffff, v40  }
0x1d6: {  	v40 =	vld [tilespmem:$0x1ACC0];
	_ =	sdelay $0x4  }
0x1d7: {  	[tilespmem:v20+s22+$0x0] =	vst.idx.msk $0xffff, v40  }
0x1d8: {  	v40 =	vld [tilespmem:$0x1ACD0];
	_ =	sdelay $0x4  }
0x1d9: {  	[tilespmem:v21+s22+$0x0] =	vst.idx.msk $0xffff, v40  }
0x1da: {  	v40 =	vld [tilespmem:$0x1ACE0];
	_ =	sdelay $0x4  }
0x1db: {  	[tilespmem:v22+s22+$0x0] =	vst.idx.msk $0xffff, v40  }
0x1dc: {  	v40 =	vld [tilespmem:$0x1ACF0];
	_ =	sdelay $0x4  }
0x1dd: {  	[tilespmem:v23+s22+$0x0] =	vst.idx.msk $0xffff, v40  }
0x1de: {  	v40 =	vld [tilespmem:$0x1AD00];
	_ =	sdelay $0x4  }
0x1df: {  	[tilespmem:v24+s22+$0x0] =	vst.idx.msk $0xffff, v40  }
0x1e0: {  	v40 =	vld [tilespmem:$0x1AD10];
	_ =	sdelay $0x4  }
0x1e1: {  	[tilespmem:v25+s22+$0x0] =	vst.idx.msk $0xffff, v40  }
0x1e2: {  	v40 =	vld [tilespmem:$0x1AD20];
	_ =	sdelay $0x4  }
0x1e3: {  	[tilespmem:v26+s22+$0x0] =	vst.idx.msk $0xffff, v40  }
0x1e4: {  	v40 =	vld [tilespmem:$0x1AD30];
	_ =	sdelay $0x4  }
0x1e5: {  	[tilespmem:v27+s22+$0x0] =	vst.idx.msk $0xffff, v40  }
0x1e6: {  	v40 =	vld [tilespmem:$0x1AD40];
	_ =	sdelay $0x4  }
0x1e7: {  	[tilespmem:v28+s22+$0x0] =	vst.idx.msk $0xffff, v40  }
0x1e8: {  	v40 =	vld [tilespmem:$0x1AD50];
	_ =	sdelay $0x4  }
0x1e9: {  	[tilespmem:v29+s22+$0x0] =	vst.idx.msk $0xffff, v40  }
0x1ea: {  	v40 =	vld [tilespmem:$0x1AD60];
	_ =	sdelay $0x4  }
0x1eb: {  	[tilespmem:v30+s22+$0x0] =	vst.idx.msk $0xffff, v40  }
0x1ec: {  	v40 =	vld [tilespmem:$0x1AD70];
	_ =	sdelay $0x4  }
0x1ed: {  	[tilespmem:v31+s22+$0x0] =	vst.idx.msk $0xffff, v40  }
0x1ee: {  	v40 =	vld [tilespmem:$0x1AD80];
	_ =	sdelay $0x4  }
0x1ef: {  	[tilespmem:v32+s22+$0x0] =	vst.idx.msk $0xffff, v40  }
0x1f0: {  	v40 =	vld [tilespmem:$0x1AD90];
	_ =	sdelay $0x4  }
0x1f1: {  	[tilespmem:v33+s22+$0x0] =	vst.idx.msk $0xffff, v40  }
0x1f2: {  	v40 =	vld [tilespmem:$0x1ADA0];
	_ =	sdelay $0x4  }
0x1f3: {  	[tilespmem:v34+s22+$0x0] =	vst.idx.msk $0xffff, v40  }
0x1f4: {  	v40 =	vld [tilespmem:$0x1ADB0];
	_ =	sdelay $0x4  }
0x1f5: {  	[tilespmem:v35+s22+$0x0] =	vst.idx.msk $0xffff, v40  }
0x1f6: {  	v40 =	vld [tilespmem:$0x1ADC0];
	_ =	sdelay $0x4  }
0x1f7: {  	[tilespmem:v36+s22+$0x0] =	vst.idx.msk $0xffff, v40  }
0x1f8: {  	v40 =	vld [tilespmem:$0x1ADD0];
	_ =	sdelay $0x4  }
0x1f9: {  	[tilespmem:v37+s22+$0x0] =	vst.idx.msk $0xffff, v40  }
0x1fa: {  	v40 =	vld [tilespmem:$0x1ADE0];
	_ =	sdelay $0x4  }
0x1fb: {  	[tilespmem:v38+s22+$0x0] =	vst.idx.msk $0xffff, v40  }
0x1fc: {  	s17 =	sadd.s32 $0x2800, s17;
	v40 =	vld [tilespmem:$0x1ADF0]  }
0x1fd: {  	p0 =	sne.s32 s17, $0x64000  }
.Ltmp0:
0x1fe: {  	_ = 	snop;
	(pc) =	sbr.rel @p0 .LBB2_2-.Ltmp0, $3  }
0x1ff: {  	_ =	sdelay $0x1  }
0x200: {  	s10 =	sadd.s32 $0x5, s10;
	s14 =	sadd.s32 $0x280, s14;
	s19 =	rddreg [dreg:$0xf];
	[tilespmem:v39+s22+$0x0] =	vst.idx.msk $0xffff, v40  }
0x201: {  	[hbm4b:s2+s12] =	stream.indirect.scatter [tilespmem:s22], [sflag:$0xA], $0x80, s19, s12, $0xb8;
	[tilespmem:$0x1B280] =	vst v63  }
0x202: {  	_ =	swait.ge [sflag:s28], $0x4000  }
0x203: {  	[sflag:s28] =	ssyncset.done $0x0  }
0x204: {  	[sflag:s28] =	ssyncadd.s32 $0xFFFFC000  }
0x205: {  	_ =	swait.ge [sflag:s29], $0x4000  }
0x206: {  	[sflag:s29] =	ssyncset.done $0x0  }
0x207: {  	[sflag:s29] =	ssyncadd.s32 $0xFFFFC000  }
0x208: {  	_ =	swait.ge [sflag:s30], $0x4000  }
0x209: {  	[sflag:s30] =	ssyncset.done $0x0  }
0x20a: {  	[sflag:s30] =	ssyncadd.s32 $0xFFFFC000  }
0x20b: {  	_ =	swait.ge [sflag:s31], $0x4000  }
0x20c: {  	[sflag:s31] =	ssyncset.done $0x0  }
0x20d: {  	[sflag:s31] =	ssyncadd.s32 $0xFFFFC000  }
0x20e: {  	_ =	swait.ge [sflag:s1], $0x4000  }
0x20f: {  	s0 =	sadd.s32 $0x1, s0;
	s6 =	rddreg [dreg:$0x13]  }
0x210: {  	p0 =	sne.s32 s0, s6  }
.Ltmp1:
0x211: {  	_ = 	snop;
	(pc) =	sbr.rel @p0 .LBB2_1-.Ltmp1, $3  }
0x212: {  	_ =	sdelay $0x1  }
0x213: {  	[sflag:s1] =	ssyncset.done $0x0  }
0x214: {  	[sflag:s1] =	ssyncadd.s32 $0xFFFFC000  }
0x215: {  	_ =	sfence.sel $0x180000  }
0x216: {  	[bflag:$0x0] =	sbarrier.arrive $0xFFFF  }
0x217: {  	_ =	strace $0x90000047  }
0x218: {  	s0 =	stileid.u32;
	[bflag:$0x2] =	sbarrier.arrive $0xFFFF  }
0x219: {  	p0 =	sne.s32 s0, $0x0;
	s0 =	rddreg [dreg:$0x3]  }
0x21a: {  	s0 =	sadd.s32 @!p0 $0x100000, s0  }
0x21b: {  	[sflag:s0] =	ssyncadd.tile.s32 @!p0 $0x1;
	_ =	shalt  }
.Lfunc_end2:
_tile_overlayer_lowered:
.L_overlay_start_2:
0x21c: {  	(tag) =	ssettag $0x2  }
0x21d: {  	s0 =	rddreg [dreg:$0x0];
	s2 =	stileid.u32  }
0x21e: {  	s1 =	rddreg [dreg:$0x1];
	p0 =	sne.s32 s2, $0x0  }
0x21f: {  	s3 =	rddreg [dreg:$0x2];
	[bflag:$0x3] =	sbarrier.arrive $0xFFFF;
	s2 =	simm.s32 @!p0 $0x1C0B  }
0x220: {  	[timem:s3], [sflag:s2] =	dma.local @!p0 [hbm:s0], s1  }
0x221: {  	s0 =	simm.s32 @!p0 $0xB  }
0x222: {  	_ =	swait.ge @!p0 [sflag:s0], s1  }
0x223: {  	s1 =	ssub.s32 @!p0 $0x0, s1;
	[sflag:s0] =	ssyncset.done @!p0 $0x0  }
0x224: {  	[sflag:s0] =	ssyncadd.s32 @!p0 s1  }
0x225: {  	[bflag:$0x3] =	sbarrier.arrive $0xFFFF  }
0x226: {  	_ =	shalt  }

</sc_bundles>
